<compile_context>
chip_gen: v7x
topology: tpu7x:2x2x1
jax: 0.10.2.dev20260603
libtpu: 0.0.44.dev20260713+nightly
codegen_flags: <defaults>
</compile_context>

<pallas_src>
import functools

import jax
import jax.numpy as jnp
from jax import lax
from jax.experimental import pallas as pl
from jax.experimental.pallas import tpu as pltpu
from jax.experimental.pallas import tpu_sc as plsc

_N = 10000
_E = 320000
_H = 128
_G = 8
_NPAD = 10112
_RPT = 632
_NW = 32
_CH = 128
_K = 1
_NHALF = 2
_HALF = 40
_NCHUNK = _NHALF * _HALF
_EPT = _K * _CH * _NCHUNK
_EPAD = _NW * _EPT
_PAD_ROWS = _NPAD - _N
_DW = _H

@functools.cache
def _sc_kernels():
    mesh = plsc.VectorSubcoreMesh(
        core_axis_name="c", subcore_axis_name="s", num_cores=2, num_subcores=16
    )
    sc_deg = pl.kernel(
        _sc_deg_body,
        out_type=jax.ShapeDtypeStruct((2, _NPAD, _DW), jnp.float32),
        mesh=mesh,
        scratch_types=[
            pltpu.VMEM((_HALF, _K * _CH), jnp.int32),
            pltpu.VMEM((_K * _CH, _DW), jnp.float32),
            pltpu.SemaphoreType.DMA,
            pltpu.VMEM_SHARED((_NPAD, _DW), jnp.float32),
        ],
    )
    sc_prop = pl.kernel(
        _sc_prop_body,
        out_type=jax.ShapeDtypeStruct((2, _NPAD, _H), jnp.float32),
        mesh=mesh,
        scratch_types=[
            pltpu.VMEM((_HALF, _K * _CH), jnp.int32),
            pltpu.VMEM((_HALF, _K * _CH), jnp.int32),
            pltpu.VMEM((_K * _CH, _H), jnp.float32),
            pltpu.VMEM((_K * _CH, _H), jnp.float32),
            pltpu.SemaphoreType.DMA,
            pltpu.SemaphoreType.DMA,
            pltpu.VMEM_SHARED((_NPAD, _H), jnp.float32),
        ],
    )
    return sc_deg, sc_prop


def _sc_deg_body(dst_hbm, ones_hbm, z_hbm, out_hbm, dst_v, ones_v, sem, acc_sh):
    c = lax.axis_index("c")
    s = lax.axis_index("s")
    wid = c * 16 + s
    base = s * _RPT
    pltpu.sync_copy(z_hbm, acc_sh.at[pl.ds(base, _RPT)])
    pltpu.sync_copy(ones_hbm, ones_v)
    plsc.subcore_barrier()

    _FD = 8

    def group(g, carry):
        for i in range(_FD):
            pltpu.async_copy(ones_v, acc_sh.at[dst_v.at[g * _FD + i]], sem,
                             add=True)
        for i in range(_FD):
            pltpu.make_async_copy(
                ones_v, acc_sh.at[dst_v.at[g * _FD + i]], sem
            ).wait()
        return carry

    for h in range(_NHALF):
        pltpu.sync_copy(dst_hbm.at[wid, h], dst_v)
        lax.fori_loop(0, _HALF // _FD, group, 0)
    plsc.subcore_barrier()
    pltpu.sync_copy(
        acc_sh.at[pl.ds(base, _RPT)], out_hbm.at[c, pl.ds(base, _RPT)]
    )


def _sc_prop_body(src_hbm, dst_hbm, hp_hbm, out_hbm,
                  src_v, dst_v, rows_a, rows_b, sem_a, sem_b, acc_sh):
    c = lax.axis_index("c")
    s = lax.axis_index("s")
    wid = c * 16 + s
    base = s * _RPT
    pltpu.sync_copy(hp_hbm.at[pl.ds(base, _RPT)], acc_sh.at[pl.ds(base, _RPT)])
    plsc.subcore_barrier()

    def pair(j, carry):
        pltpu.async_copy(hp_hbm.at[src_v.at[2 * j + 1]], rows_b, sem_b)
        pltpu.make_async_copy(hp_hbm.at[src_v.at[0]], rows_a, sem_a).wait()
        pltpu.sync_copy(rows_a, acc_sh.at[dst_v.at[2 * j]], add=True)

        @pl.when(j < _HALF // 2 - 1)
        def _():
            pltpu.async_copy(hp_hbm.at[src_v.at[2 * j + 2]], rows_a, sem_a)

        pltpu.make_async_copy(hp_hbm.at[src_v.at[0]], rows_b, sem_b).wait()
        pltpu.sync_copy(rows_b, acc_sh.at[dst_v.at[2 * j + 1]], add=True)
        return carry

    for h in range(_NHALF):
        pltpu.sync_copy(src_hbm.at[wid, h], src_v)
        pltpu.sync_copy(dst_hbm.at[wid, h], dst_v)
        pltpu.async_copy(hp_hbm.at[src_v.at[0]], rows_a, sem_a)
        lax.fori_loop(0, _HALF // 2, pair, 0)
    plsc.subcore_barrier()
    pltpu.sync_copy(
        acc_sh.at[pl.ds(base, _RPT)], out_hbm.at[c, pl.ds(base, _RPT)]
    )


def _bn_in(x, g, b):
    m = jnp.mean(x, axis=0, keepdims=True)
    v = jnp.mean((x - m) ** 2, axis=0, keepdims=True)
    return (x - m) / jnp.sqrt(v + 1e-5) * g + b


def _tc_pre_body(h0_ref, degp_ref, g0_ref, b0_ref, w1_ref, disp_ref, hp_ref):
    deg = degp_ref[0, : _N, :] + degp_ref[1, : _N, :] + 1.0
    dis = 1.0 / jnp.sqrt(deg)
    h = _bn_in(h0_ref[...], g0_ref[...], b0_ref[...])
    hp = dis * jnp.dot(h, w1_ref[...], preferred_element_type=jnp.float32,
                       precision=lax.Precision.HIGHEST)
    disp_ref[: _N, :] = dis
    disp_ref[_N :, :] = jnp.zeros((_PAD_ROWS, _H), jnp.float32)
    hp_ref[: _N, :] = hp
    hp_ref[_N :, :] = jnp.zeros((_PAD_ROWS, _H), jnp.float32)


_tc_pre = pl.pallas_call(
    _tc_pre_body,
    out_shape=(
        jax.ShapeDtypeStruct((_NPAD, _H), jnp.float32),
        jax.ShapeDtypeStruct((_NPAD, _H), jnp.float32),
    ),
)


def _tc_mid_body(parts_ref, hp_ref, disp_ref, b_ref, g_ref, be_ref, w_ref,
                 out_ref):
    dis = disp_ref[: _N, :]
    agg = (parts_ref[0, : _N, :] + parts_ref[1, : _N, :] - hp_ref[: _N, :]) * dis
    t = jax.nn.relu(agg + b_ref[...])
    t = _bn_in(t, g_ref[...], be_ref[...])
    nxt = dis * jnp.dot(t, w_ref[...], preferred_element_type=jnp.float32,
                        precision=lax.Precision.HIGHEST)
    out_ref[: _N, :] = nxt
    out_ref[_N :, :] = jnp.zeros((_PAD_ROWS, _H), jnp.float32)


_tc_mid = pl.pallas_call(
    _tc_mid_body,
    out_shape=jax.ShapeDtypeStruct((_NPAD, _H), jnp.float32),
)


def _tc_fin_body(parts_ref, hp_ref, disp_ref, b_ref, g_ref, be_ref, bmt_ref,
                 out_ref):
    dis = disp_ref[: _N, :]
    agg = (parts_ref[0, : _N, :] + parts_ref[1, : _N, :] - hp_ref[: _N, :]) * dis
    t = jax.nn.relu(agg + b_ref[...])
    t = _bn_in(t, g_ref[...], be_ref[...])
    bt = jnp.broadcast_to(bmt_ref[...], (_G, _N))
    gids = lax.broadcasted_iota(jnp.int32, (_G, _N), 0)
    bmt = (bt == gids).astype(jnp.float32)
    sums = jnp.dot(bmt, t, preferred_element_type=jnp.float32,
                   precision=lax.Precision.HIGHEST)
    cnt = jnp.sum(bmt, axis=1, keepdims=True)
    out_ref[...] = sums / jnp.maximum(cnt, 1.0)


_tc_fin = pl.pallas_call(
    _tc_fin_body,
    out_shape=jax.ShapeDtypeStruct((_G, _H), jnp.float32),
)


def kernel(pos, norm, x, edge_index, batch, bn0_g, bn0_b,
           W1, b1, g1, be1, W2, b2, g2, be2,
           W3, b3, g3, be3, W4, b4, g4, be4):
    src = edge_index[0]
    dst = edge_index[1]
    pad = _N + (jnp.arange(_EPAD - _E, dtype=jnp.int32) % _PAD_ROWS)
    srcp = jnp.concatenate([src, pad]).reshape(_NW, _NHALF, _HALF, _K * _CH)
    dstp = jnp.concatenate([dst, pad]).reshape(_NW, _NHALF, _HALF, _K * _CH)
    h0 = jnp.concatenate([pos, norm, x], axis=1)
    ones_rows = jnp.ones((_K * _CH, _DW), jnp.float32)
    z_rows = jnp.zeros((_RPT, _DW), jnp.float32)
    bt2d = batch.reshape(1, _N).astype(jnp.int32)

    sc_deg, sc_prop = _sc_kernels()
    degp = sc_deg(dstp, ones_rows, z_rows)
    disp, hp = _tc_pre(
        h0, degp, bn0_g.reshape(1, _H), bn0_b.reshape(1, _H), W1
    )
    for b_i, g_i, be_i, w_next in ((b1, g1, be1, W2),
                                   (b2, g2, be2, W3),
                                   (b3, g3, be3, W4)):
        parts = sc_prop(srcp, dstp, hp)
        hp = _tc_mid(
            parts, hp, disp,
            b_i.reshape(1, _H), g_i.reshape(1, _H), be_i.reshape(1, _H),
            w_next,
        )
    parts = sc_prop(srcp, dstp, hp)
    return _tc_fin(
        parts, hp, disp,
        b4.reshape(1, _H), g4.reshape(1, _H), be4.reshape(1, _H),
        bt2d,
    )

# --- scband reference (transcript-rebuilt; emitter-appended) ---
"""Pipeline reference for scband-mesh-gnn-85487029060318 (READ-ONLY COPY).

The authoritative reference and input builder live on the scoring server;
editing this copy changes nothing except your own understanding.
"""

import jax, jax.numpy as jnp
import numpy as np

N = 10000
E = 320000
DIN = 128
H = 128
G = 8


def _bn(x, g, b):
    m = jnp.mean(x, axis=0)
    v = jnp.mean((x - m) ** 2, axis=0)
    return (x - m) / jnp.sqrt(v + 1e-5) * g + b


def _gcn(x, W, b, src, dst, n):
    h = x @ W
    loop = jnp.arange(n, dtype=src.dtype)
    s = jnp.concatenate([src, loop])
    d = jnp.concatenate([dst, loop])
    deg = jax.ops.segment_sum(jnp.ones(s.shape[0], x.dtype), d, num_segments=n)
    dis = jnp.where(deg > 0, 1.0 / jnp.sqrt(deg), 0.0)
    coef = dis[s] * dis[d]
    out = jax.ops.segment_sum(h[s] * coef[:, None], d, num_segments=n)
    return out + b


def setup_inputs(seed: int = 0):
    key = jax.random.key(seed)
    ks = jax.random.split(key, 16)
    inp = {}
    inp["pos"] = jax.random.normal(ks[0], (N, 3), jnp.float32)
    inp["norm"] = jax.random.normal(ks[1], (N, 3), jnp.float32)
    inp["x"] = jax.random.normal(ks[2], (N, DIN - 6), jnp.float32)
    inp["edge_index"] = jax.random.randint(ks[3], (2, E), 0, N, jnp.int32)
    inp["batch"] = jnp.sort(jax.random.randint(ks[4], (N,), 0, G, jnp.int32))
    inp["bn0_g"] = jnp.ones((DIN,), jnp.float32)
    inp["bn0_b"] = jnp.zeros((DIN,), jnp.float32)
    dims = [(DIN, H), (H, H), (H, H), (H, H)]
    for i, (di, do) in enumerate(dims, start=1):
        inp[f"W{i}"] = jax.random.normal(ks[4 + i], (di, do), jnp.float32) / np.sqrt(di)
        inp[f"b{i}"] = jnp.zeros((do,), jnp.float32)
        inp[f"g{i}"] = jnp.ones((do,), jnp.float32)
        inp[f"be{i}"] = jnp.zeros((do,), jnp.float32)
    return inp


def reference(pos, norm, x, edge_index, batch, bn0_g, bn0_b, W1, b1, g1, be1, W2, b2, g2, be2, W3, b3, g3, be3, W4, b4, g4, be4):
    src, dst = edge_index[0], edge_index[1]
    h = jnp.concatenate([pos, norm, x], axis=1)
    h = _bn(h, bn0_g, bn0_b)
    h = _bn(jax.nn.relu(_gcn(h, W1, b1, src, dst, N)), g1, be1)
    h = _bn(jax.nn.relu(_gcn(h, W2, b2, src, dst, N)), g2, be2)
    h = _bn(jax.nn.relu(_gcn(h, W3, b3, src, dst, N)), g3, be3)
    h = _bn(jax.nn.relu(_gcn(h, W4, b4, src, dst, N)), g4, be4)
    sums = jax.ops.segment_sum(h, batch, num_segments=G)
    cnt = jax.ops.segment_sum(jnp.ones((N,), h.dtype), batch, num_segments=G)
    return sums / jnp.maximum(cnt, 1.0)[:, None]

if __name__ == "__main__":
    import jax
    _d = setup_inputs()
    print(jax.jit(kernel)(*tuple(_d.values())))

</pallas_src>

<mosaic_0001>
#map = affine_map<(d0, d1) -> (0, 0, 0, 0)>
#map1 = affine_map<(d0, d1) -> (0, 0)>
#map2 = affine_map<(d0, d1) -> (0, 0, 0)>
module attributes {stable_mosaic.version = 14 : i64} {
  func.func @_sc_deg_body(%arg0: i32, %arg1: i32, %arg2: memref<32x2x40x128xi32, #tpu.memory_space<hbm>>, %arg3: memref<128x128xf32, #tpu.memory_space<hbm>>, %arg4: memref<632x128xf32, #tpu.memory_space<hbm>>, %arg5: memref<2x10112x128xf32, #tpu.memory_space<hbm>>, %arg6: memref<40x128xi32, #tpu.memory_space<vmem>>, %arg7: memref<128x128xf32, #tpu.memory_space<vmem>>, %arg8: memref<!tpu.dma_semaphore, #tpu.memory_space<semaphore_mem>>, %arg9: memref<10112x128xf32, #tpu.memory_space<vmem_shared>>) attributes {dimension_semantics = [#tpu.dimension_semantics<core_parallel>, #tpu.dimension_semantics<subcore_parallel>], iteration_bounds = array<i64: 2, 16>, scalar_prefetch = 0 : i64, scratch_operands = 4 : i64, tpu.core_type = #tpu.core_type<sc_vector_subcore>, window_params = [{transform_indices = #map}, {transform_indices = #map1}, {transform_indices = #map1}, {transform_indices = #map2}]} {
    %mul3A = arith.constant 16 : i32
    %mul3A_0 = arith.muli %arg0, %mul3A : i32
    %add3A = arith.addi %mul3A_0, %arg1 : i32
    %mul3A_1 = arith.constant 632 : i32
    %mul3A_2 = arith.muli %arg1, %mul3A_1 : i32
    "tpu.region"() ({
      %run_scoped3A_16 = tpu.sem_alloc : memref<!tpu.dma_semaphore, #tpu.memory_space<semaphore_mem>>
      %dma_start3A = arith.constant 0 : i32
      %dma_start3A_17 = tpu.memref_slice %arg9[%mul3A_2, %dma_start3A] : memref<10112x128xf32, #tpu.memory_space<vmem_shared>> -> memref<632x128xf32, #tpu.memory_space<vmem_shared>>
      tpu.enqueue_dma source(%arg4 : memref<632x128xf32, #tpu.memory_space<hbm>>) target(%dma_start3A_17 : memref<632x128xf32, #tpu.memory_space<vmem_shared>>) target_semaphore(%run_scoped3A_16 : memref<!tpu.dma_semaphore, #tpu.memory_space<semaphore_mem>>)
      %dma_wait3A = arith.constant 0 : i32
      %dma_wait3A_18 = tpu.memref_slice %arg9[%mul3A_2, %dma_wait3A] : memref<10112x128xf32, #tpu.memory_space<vmem_shared>> -> memref<632x128xf32, #tpu.memory_space<vmem_shared>>
      tpu.wait_dma2 semaphore(%run_scoped3A_16 : memref<!tpu.dma_semaphore, #tpu.memory_space<semaphore_mem>>) src(%arg4 : memref<632x128xf32, #tpu.memory_space<hbm>>) dst(%dma_wait3A_18 : memref<632x128xf32, #tpu.memory_space<vmem_shared>>)
      tpu.yield
    }) : () -> ()
    "tpu.region"() ({
      %run_scoped3A_16 = tpu.sem_alloc : memref<!tpu.dma_semaphore, #tpu.memory_space<semaphore_mem>>
      tpu.enqueue_dma source(%arg3 : memref<128x128xf32, #tpu.memory_space<hbm>>) target(%arg7 : memref<128x128xf32, #tpu.memory_space<vmem>>) target_semaphore(%run_scoped3A_16 : memref<!tpu.dma_semaphore, #tpu.memory_space<semaphore_mem>>)
      tpu.wait_dma2 semaphore(%run_scoped3A_16 : memref<!tpu.dma_semaphore, #tpu.memory_space<semaphore_mem>>) src(%arg3 : memref<128x128xf32, #tpu.memory_space<hbm>>) dst(%arg7 : memref<128x128xf32, #tpu.memory_space<vmem>>)
      tpu.yield
    }) : () -> ()
    %barrier3A = arith.constant 0 : index
    tpu.barrier barrier_id(%barrier3A)
    %run_scoped3A = arith.constant 0 : i32
    "tpu.region"() ({
      %run_scoped3A_16 = tpu.sem_alloc : memref<!tpu.dma_semaphore, #tpu.memory_space<semaphore_mem>>
      %dma_start3A = arith.constant 0 : i32
      %dma_start3A_17 = arith.constant 0 : i32
      %dma_start3A_18 = tpu.memref_slice %arg2[%add3A, %run_scoped3A, %dma_start3A, %dma_start3A_17] : memref<32x2x40x128xi32, #tpu.memory_space<hbm>> -> memref<1x1x40x128xi32, #tpu.memory_space<hbm>>
      %dma_start3A_19 = tpu.memref_squeeze %dma_start3A_18 : memref<1x1x40x128xi32, #tpu.memory_space<hbm>> -> memref<40x128xi32, #tpu.memory_space<hbm>>
      %dma_start3A_20 = arith.constant 0 : i32
      %dma_start3A_21 = arith.constant 0 : i32
      %dma_start3A_22 = tpu.memref_slice %arg2[%add3A, %run_scoped3A, %dma_start3A_20, %dma_start3A_21] : memref<32x2x40x128xi32, #tpu.memory_space<hbm>> -> memref<1x1x40x128xi32, #tpu.memory_space<hbm>>
      %dma_start3A_23 = tpu.memref_squeeze %dma_start3A_22 : memref<1x1x40x128xi32, #tpu.memory_space<hbm>> -> memref<40x128xi32, #tpu.memory_space<hbm>>
      tpu.enqueue_dma source(%dma_start3A_23 : memref<40x128xi32, #tpu.memory_space<hbm>>) target(%arg6 : memref<40x128xi32, #tpu.memory_space<vmem>>) target_semaphore(%run_scoped3A_16 : memref<!tpu.dma_semaphore, #tpu.memory_space<semaphore_mem>>)
      %dma_wait3A = arith.constant 0 : i32
      %dma_wait3A_24 = arith.constant 0 : i32
      %dma_wait3A_25 = tpu.memref_slice %arg2[%add3A, %run_scoped3A, %dma_wait3A, %dma_wait3A_24] : memref<32x2x40x128xi32, #tpu.memory_space<hbm>> -> memref<1x1x40x128xi32, #tpu.memory_space<hbm>>
      %dma_wait3A_26 = tpu.memref_squeeze %dma_wait3A_25 : memref<1x1x40x128xi32, #tpu.memory_space<hbm>> -> memref<40x128xi32, #tpu.memory_space<hbm>>
      %dma_wait3A_27 = arith.constant 0 : i32
      %dma_wait3A_28 = arith.constant 0 : i32
      %dma_wait3A_29 = tpu.memref_slice %arg2[%add3A, %run_scoped3A, %dma_wait3A_27, %dma_wait3A_28] : memref<32x2x40x128xi32, #tpu.memory_space<hbm>> -> memref<1x1x40x128xi32, #tpu.memory_space<hbm>>
      %dma_wait3A_30 = tpu.memref_squeeze %dma_wait3A_29 : memref<1x1x40x128xi32, #tpu.memory_space<hbm>> -> memref<40x128xi32, #tpu.memory_space<hbm>>
      tpu.wait_dma2 semaphore(%run_scoped3A_16 : memref<!tpu.dma_semaphore, #tpu.memory_space<semaphore_mem>>) src(%dma_wait3A_30 : memref<40x128xi32, #tpu.memory_space<hbm>>) dst(%arg6 : memref<40x128xi32, #tpu.memory_space<vmem>>)
      tpu.yield
    }) : () -> ()
    %scan3A = arith.constant 0 : i32
    %scan3A_3 = arith.constant 0 : i32
    %scan3A_4 = arith.constant 5 : i32
    %scan3A_5 = arith.addi %scan3A_3, %scan3A_4 : i32
    %scan3A_6 = arith.constant 1 : i32
    scf.for %scan3A_16 = %scan3A_3 to %scan3A_5 step %scan3A_6  : i32 {
      %mul3A_17 = arith.constant 8 : i32
      %mul3A_18 = arith.muli %scan3A_16, %mul3A_17 : i32
      %add3A_19 = arith.constant 0 : i32
      %add3A_20 = arith.addi %mul3A_18, %add3A_19 : i32
      %dma_start3A = arith.constant 0 : i32
      %dma_start3A_21 = tpu.memref_slice %arg6[%add3A_20, %dma_start3A] : memref<40x128xi32, #tpu.memory_space<vmem>> -> memref<1x128xi32, #tpu.memory_space<vmem>>
      %dma_start3A_22 = tpu.memref_squeeze %dma_start3A_21 : memref<1x128xi32, #tpu.memory_space<vmem>> -> memref<128xi32, #tpu.memory_space<vmem>>
      %dma_start3A_23 = arith.constant 0 : i32
      %dma_start3A_24 = arith.constant 0 : i32
      %dma_start3A_25 = tpu.memref_slice %arg9[%dma_start3A_23, %dma_start3A_24] : memref<10112x128xf32, #tpu.memory_space<vmem_shared>> -> memref<10112x128xf32, #tpu.memory_space<vmem_shared>>
      tpu.enqueue_indirect_dma source(%arg7 : memref<128x128xf32, #tpu.memory_space<vmem>>) target(%dma_start3A_25 : memref<10112x128xf32, #tpu.memory_space<vmem_shared>>) offsets(%dma_start3A_22 : memref<128xi32, #tpu.memory_space<vmem>>) semaphore(%arg8 : memref<!tpu.dma_semaphore, #tpu.memory_space<semaphore_mem>>) {add = true}
      %mul3A_26 = arith.constant 8 : i32
      %mul3A_27 = arith.muli %scan3A_16, %mul3A_26 : i32
      %add3A_28 = arith.constant 1 : i32
      %add3A_29 = arith.addi %mul3A_27, %add3A_28 : i32
      %dma_start3A_30 = arith.constant 0 : i32
      %dma_start3A_31 = tpu.memref_slice %arg6[%add3A_29, %dma_start3A_30] : memref<40x128xi32, #tpu.memory_space<vmem>> -> memref<1x128xi32, #tpu.memory_space<vmem>>
      %dma_start3A_32 = tpu.memref_squeeze %dma_start3A_31 : memref<1x128xi32, #tpu.memory_space<vmem>> -> memref<128xi32, #tpu.memory_space<vmem>>
      %dma_start3A_33 = arith.constant 0 : i32
      %dma_start3A_34 = arith.constant 0 : i32
      %dma_start3A_35 = tpu.memref_slice %arg9[%dma_start3A_33, %dma_start3A_34] : memref<10112x128xf32, #tpu.memory_space<vmem_shared>> -> memref<10112x128xf32, #tpu.memory_space<vmem_shared>>
      tpu.enqueue_indirect_dma source(%arg7 : memref<128x128xf32, #tpu.memory_space<vmem>>) target(%dma_start3A_35 : memref<10112x128xf32, #tpu.memory_space<vmem_shared>>) offsets(%dma_start3A_32 : memref<128xi32, #tpu.memory_space<vmem>>) semaphore(%arg8 : memref<!tpu.dma_semaphore, #tpu.memory_space<semaphore_mem>>) {add = true}
      %mul3A_36 = arith.constant 8 : i32
      %mul3A_37 = arith.muli %scan3A_16, %mul3A_36 : i32
      %add3A_38 = arith.constant 2 : i32
      %add3A_39 = arith.addi %mul3A_37, %add3A_38 : i32
      %dma_start3A_40 = arith.constant 0 : i32
      %dma_start3A_41 = tpu.memref_slice %arg6[%add3A_39, %dma_start3A_40] : memref<40x128xi32, #tpu.memory_space<vmem>> -> memref<1x128xi32, #tpu.memory_space<vmem>>
      %dma_start3A_42 = tpu.memref_squeeze %dma_start3A_41 : memref<1x128xi32, #tpu.memory_space<vmem>> -> memref<128xi32, #tpu.memory_space<vmem>>
      %dma_start3A_43 = arith.constant 0 : i32
      %dma_start3A_44 = arith.constant 0 : i32
      %dma_start3A_45 = tpu.memref_slice %arg9[%dma_start3A_43, %dma_start3A_44] : memref<10112x128xf32, #tpu.memory_space<vmem_shared>> -> memref<10112x128xf32, #tpu.memory_space<vmem_shared>>
      tpu.enqueue_indirect_dma source(%arg7 : memref<128x128xf32, #tpu.memory_space<vmem>>) target(%dma_start3A_45 : memref<10112x128xf32, #tpu.memory_space<vmem_shared>>) offsets(%dma_start3A_42 : memref<128xi32, #tpu.memory_space<vmem>>) semaphore(%arg8 : memref<!tpu.dma_semaphore, #tpu.memory_space<semaphore_mem>>) {add = true}
      %mul3A_46 = arith.constant 8 : i32
      %mul3A_47 = arith.muli %scan3A_16, %mul3A_46 : i32
      %add3A_48 = arith.constant 3 : i32
      %add3A_49 = arith.addi %mul3A_47, %add3A_48 : i32
      %dma_start3A_50 = arith.constant 0 : i32
      %dma_start3A_51 = tpu.memref_slice %arg6[%add3A_49, %dma_start3A_50] : memref<40x128xi32, #tpu.memory_space<vmem>> -> memref<1x128xi32, #tpu.memory_space<vmem>>
      %dma_start3A_52 = tpu.memref_squeeze %dma_start3A_51 : memref<1x128xi32, #tpu.memory_space<vmem>> -> memref<128xi32, #tpu.memory_space<vmem>>
      %dma_start3A_53 = arith.constant 0 : i32
      %dma_start3A_54 = arith.constant 0 : i32
      %dma_start3A_55 = tpu.memref_slice %arg9[%dma_start3A_53, %dma_start3A_54] : memref<10112x128xf32, #tpu.memory_space<vmem_shared>> -> memref<10112x128xf32, #tpu.memory_space<vmem_shared>>
      tpu.enqueue_indirect_dma source(%arg7 : memref<128x128xf32, #tpu.memory_space<vmem>>) target(%dma_start3A_55 : memref<10112x128xf32, #tpu.memory_space<vmem_shared>>) offsets(%dma_start3A_52 : memref<128xi32, #tpu.memory_space<vmem>>) semaphore(%arg8 : memref<!tpu.dma_semaphore, #tpu.memory_space<semaphore_mem>>) {add = true}
      %mul3A_56 = arith.constant 8 : i32
      %mul3A_57 = arith.muli %scan3A_16, %mul3A_56 : i32
      %add3A_58 = arith.constant 4 : i32
      %add3A_59 = arith.addi %mul3A_57, %add3A_58 : i32
      %dma_start3A_60 = arith.constant 0 : i32
      %dma_start3A_61 = tpu.memref_slice %arg6[%add3A_59, %dma_start3A_60] : memref<40x128xi32, #tpu.memory_space<vmem>> -> memref<1x128xi32, #tpu.memory_space<vmem>>
      %dma_start3A_62 = tpu.memref_squeeze %dma_start3A_61 : memref<1x128xi32, #tpu.memory_space<vmem>> -> memref<128xi32, #tpu.memory_space<vmem>>
      %dma_start3A_63 = arith.constant 0 : i32
      %dma_start3A_64 = arith.constant 0 : i32
      %dma_start3A_65 = tpu.memref_slice %arg9[%dma_start3A_63, %dma_start3A_64] : memref<10112x128xf32, #tpu.memory_space<vmem_shared>> -> memref<10112x128xf32, #tpu.memory_space<vmem_shared>>
      tpu.enqueue_indirect_dma source(%arg7 : memref<128x128xf32, #tpu.memory_space<vmem>>) target(%dma_start3A_65 : memref<10112x128xf32, #tpu.memory_space<vmem_shared>>) offsets(%dma_start3A_62 : memref<128xi32, #tpu.memory_space<vmem>>) semaphore(%arg8 : memref<!tpu.dma_semaphore, #tpu.memory_space<semaphore_mem>>) {add = true}
      %mul3A_66 = arith.constant 8 : i32
      %mul3A_67 = arith.muli %scan3A_16, %mul3A_66 : i32
      %add3A_68 = arith.constant 5 : i32
      %add3A_69 = arith.addi %mul3A_67, %add3A_68 : i32
      %dma_start3A_70 = arith.constant 0 : i32
      %dma_start3A_71 = tpu.memref_slice %arg6[%add3A_69, %dma_start3A_70] : memref<40x128xi32, #tpu.memory_space<vmem>> -> memref<1x128xi32, #tpu.memory_space<vmem>>
      %dma_start3A_72 = tpu.memref_squeeze %dma_start3A_71 : memref<1x128xi32, #tpu.memory_space<vmem>> -> memref<128xi32, #tpu.memory_space<vmem>>
      %dma_start3A_73 = arith.constant 0 : i32
      %dma_start3A_74 = arith.constant 0 : i32
      %dma_start3A_75 = tpu.memref_slice %arg9[%dma_start3A_73, %dma_start3A_74] : memref<10112x128xf32, #tpu.memory_space<vmem_shared>> -> memref<10112x128xf32, #tpu.memory_space<vmem_shared>>
      tpu.enqueue_indirect_dma source(%arg7 : memref<128x128xf32, #tpu.memory_space<vmem>>) target(%dma_start3A_75 : memref<10112x128xf32, #tpu.memory_space<vmem_shared>>) offsets(%dma_start3A_72 : memref<128xi32, #tpu.memory_space<vmem>>) semaphore(%arg8 : memref<!tpu.dma_semaphore, #tpu.memory_space<semaphore_mem>>) {add = true}
      %mul3A_76 = arith.constant 8 : i32
      %mul3A_77 = arith.muli %scan3A_16, %mul3A_76 : i32
      %add3A_78 = arith.constant 6 : i32
      %add3A_79 = arith.addi %mul3A_77, %add3A_78 : i32
      %dma_start3A_80 = arith.constant 0 : i32
      %dma_start3A_81 = tpu.memref_slice %arg6[%add3A_79, %dma_start3A_80] : memref<40x128xi32, #tpu.memory_space<vmem>> -> memref<1x128xi32, #tpu.memory_space<vmem>>
      %dma_start3A_82 = tpu.memref_squeeze %dma_start3A_81 : memref<1x128xi32, #tpu.memory_space<vmem>> -> memref<128xi32, #tpu.memory_space<vmem>>
      %dma_start3A_83 = arith.constant 0 : i32
      %dma_start3A_84 = arith.constant 0 : i32
      %dma_start3A_85 = tpu.memref_slice %arg9[%dma_start3A_83, %dma_start3A_84] : memref<10112x128xf32, #tpu.memory_space<vmem_shared>> -> memref<10112x128xf32, #tpu.memory_space<vmem_shared>>
      tpu.enqueue_indirect_dma source(%arg7 : memref<128x128xf32, #tpu.memory_space<vmem>>) target(%dma_start3A_85 : memref<10112x128xf32, #tpu.memory_space<vmem_shared>>) offsets(%dma_start3A_82 : memref<128xi32, #tpu.memory_space<vmem>>) semaphore(%arg8 : memref<!tpu.dma_semaphore, #tpu.memory_space<semaphore_mem>>) {add = true}
      %mul3A_86 = arith.constant 8 : i32
      %mul3A_87 = arith.muli %scan3A_16, %mul3A_86 : i32
      %add3A_88 = arith.constant 7 : i32
      %add3A_89 = arith.addi %mul3A_87, %add3A_88 : i32
      %dma_start3A_90 = arith.constant 0 : i32
      %dma_start3A_91 = tpu.memref_slice %arg6[%add3A_89, %dma_start3A_90] : memref<40x128xi32, #tpu.memory_space<vmem>> -> memref<1x128xi32, #tpu.memory_space<vmem>>
      %dma_start3A_92 = tpu.memref_squeeze %dma_start3A_91 : memref<1x128xi32, #tpu.memory_space<vmem>> -> memref<128xi32, #tpu.memory_space<vmem>>
      %dma_start3A_93 = arith.constant 0 : i32
      %dma_start3A_94 = arith.constant 0 : i32
      %dma_start3A_95 = tpu.memref_slice %arg9[%dma_start3A_93, %dma_start3A_94] : memref<10112x128xf32, #tpu.memory_space<vmem_shared>> -> memref<10112x128xf32, #tpu.memory_space<vmem_shared>>
      tpu.enqueue_indirect_dma source(%arg7 : memref<128x128xf32, #tpu.memory_space<vmem>>) target(%dma_start3A_95 : memref<10112x128xf32, #tpu.memory_space<vmem_shared>>) offsets(%dma_start3A_92 : memref<128xi32, #tpu.memory_space<vmem>>) semaphore(%arg8 : memref<!tpu.dma_semaphore, #tpu.memory_space<semaphore_mem>>) {add = true}
      %mul3A_96 = arith.constant 8 : i32
      %mul3A_97 = arith.muli %scan3A_16, %mul3A_96 : i32
      %add3A_98 = arith.constant 0 : i32
      %add3A_99 = arith.addi %mul3A_97, %add3A_98 : i32
      %dma_wait3A = arith.constant 0 : i32
      %dma_wait3A_100 = tpu.memref_slice %arg6[%add3A_99, %dma_wait3A] : memref<40x128xi32, #tpu.memory_space<vmem>> -> memref<1x128xi32, #tpu.memory_space<vmem>>
      %dma_wait3A_101 = tpu.memref_squeeze %dma_wait3A_100 : memref<1x128xi32, #tpu.memory_space<vmem>> -> memref<128xi32, #tpu.memory_space<vmem>>
      %dma_wait3A_102 = arith.constant 0 : i32
      %dma_wait3A_103 = arith.constant 0 : i32
      %dma_wait3A_104 = tpu.memref_slice %arg9[%dma_wait3A_102, %dma_wait3A_103] : memref<10112x128xf32, #tpu.memory_space<vmem_shared>> -> memref<10112x128xf32, #tpu.memory_space<vmem_shared>>
      tpu.wait_indirect_dma semaphore(%arg8 : memref<!tpu.dma_semaphore, #tpu.memory_space<semaphore_mem>>) src(%arg7 : memref<128x128xf32, #tpu.memory_space<vmem>>) dst(%dma_wait3A_104 : memref<10112x128xf32, #tpu.memory_space<vmem_shared>>)
      %mul3A_105 = arith.constant 8 : i32
      %mul3A_106 = arith.muli %scan3A_16, %mul3A_105 : i32
      %add3A_107 = arith.constant 1 : i32
      %add3A_108 = arith.addi %mul3A_106, %add3A_107 : i32
      %dma_wait3A_109 = arith.constant 0 : i32
      %dma_wait3A_110 = tpu.memref_slice %arg6[%add3A_108, %dma_wait3A_109] : memref<40x128xi32, #tpu.memory_space<vmem>> -> memref<1x128xi32, #tpu.memory_space<vmem>>
      %dma_wait3A_111 = tpu.memref_squeeze %dma_wait3A_110 : memref<1x128xi32, #tpu.memory_space<vmem>> -> memref<128xi32, #tpu.memory_space<vmem>>
      %dma_wait3A_112 = arith.constant 0 : i32
      %dma_wait3A_113 = arith.constant 0 : i32
      %dma_wait3A_114 = tpu.memref_slice %arg9[%dma_wait3A_112, %dma_wait3A_113] : memref<10112x128xf32, #tpu.memory_space<vmem_shared>> -> memref<10112x128xf32, #tpu.memory_space<vmem_shared>>
      tpu.wait_indirect_dma semaphore(%arg8 : memref<!tpu.dma_semaphore, #tpu.memory_space<semaphore_mem>>) src(%arg7 : memref<128x128xf32, #tpu.memory_space<vmem>>) dst(%dma_wait3A_114 : memref<10112x128xf32, #tpu.memory_space<vmem_shared>>)
      %mul3A_115 = arith.constant 8 : i32
      %mul3A_116 = arith.muli %scan3A_16, %mul3A_115 : i32
      %add3A_117 = arith.constant 2 : i32
      %add3A_118 = arith.addi %mul3A_116, %add3A_117 : i32
      %dma_wait3A_119 = arith.constant 0 : i32
      %dma_wait3A_120 = tpu.memref_slice %arg6[%add3A_118, %dma_wait3A_119] : memref<40x128xi32, #tpu.memory_space<vmem>> -> memref<1x128xi32, #tpu.memory_space<vmem>>
      %dma_wait3A_121 = tpu.memref_squeeze %dma_wait3A_120 : memref<1x128xi32, #tpu.memory_space<vmem>> -> memref<128xi32, #tpu.memory_space<vmem>>
      %dma_wait3A_122 = arith.constant 0 : i32
      %dma_wait3A_123 = arith.constant 0 : i32
      %dma_wait3A_124 = tpu.memref_slice %arg9[%dma_wait3A_122, %dma_wait3A_123] : memref<10112x128xf32, #tpu.memory_space<vmem_shared>> -> memref<10112x128xf32, #tpu.memory_space<vmem_shared>>
      tpu.wait_indirect_dma semaphore(%arg8 : memref<!tpu.dma_semaphore, #tpu.memory_space<semaphore_mem>>) src(%arg7 : memref<128x128xf32, #tpu.memory_space<vmem>>) dst(%dma_wait3A_124 : memref<10112x128xf32, #tpu.memory_space<vmem_shared>>)
      %mul3A_125 = arith.constant 8 : i32
      %mul3A_126 = arith.muli %scan3A_16, %mul3A_125 : i32
      %add3A_127 = arith.constant 3 : i32
      %add3A_128 = arith.addi %mul3A_126, %add3A_127 : i32
      %dma_wait3A_129 = arith.constant 0 : i32
      %dma_wait3A_130 = tpu.memref_slice %arg6[%add3A_128, %dma_wait3A_129] : memref<40x128xi32, #tpu.memory_space<vmem>> -> memref<1x128xi32, #tpu.memory_space<vmem>>
      %dma_wait3A_131 = tpu.memref_squeeze %dma_wait3A_130 : memref<1x128xi32, #tpu.memory_space<vmem>> -> memref<128xi32, #tpu.memory_space<vmem>>
      %dma_wait3A_132 = arith.constant 0 : i32
      %dma_wait3A_133 = arith.constant 0 : i32
      %dma_wait3A_134 = tpu.memref_slice %arg9[%dma_wait3A_132, %dma_wait3A_133] : memref<10112x128xf32, #tpu.memory_space<vmem_shared>> -> memref<10112x128xf32, #tpu.memory_space<vmem_shared>>
      tpu.wait_indirect_dma semaphore(%arg8 : memref<!tpu.dma_semaphore, #tpu.memory_space<semaphore_mem>>) src(%arg7 : memref<128x128xf32, #tpu.memory_space<vmem>>) dst(%dma_wait3A_134 : memref<10112x128xf32, #tpu.memory_space<vmem_shared>>)
      %mul3A_135 = arith.constant 8 : i32
      %mul3A_136 = arith.muli %scan3A_16, %mul3A_135 : i32
      %add3A_137 = arith.constant 4 : i32
      %add3A_138 = arith.addi %mul3A_136, %add3A_137 : i32
      %dma_wait3A_139 = arith.constant 0 : i32
      %dma_wait3A_140 = tpu.memref_slice %arg6[%add3A_138, %dma_wait3A_139] : memref<40x128xi32, #tpu.memory_space<vmem>> -> memref<1x128xi32, #tpu.memory_space<vmem>>
      %dma_wait3A_141 = tpu.memref_squeeze %dma_wait3A_140 : memref<1x128xi32, #tpu.memory_space<vmem>> -> memref<128xi32, #tpu.memory_space<vmem>>
      %dma_wait3A_142 = arith.constant 0 : i32
      %dma_wait3A_143 = arith.constant 0 : i32
      %dma_wait3A_144 = tpu.memref_slice %arg9[%dma_wait3A_142, %dma_wait3A_143] : memref<10112x128xf32, #tpu.memory_space<vmem_shared>> -> memref<10112x128xf32, #tpu.memory_space<vmem_shared>>
      tpu.wait_indirect_dma semaphore(%arg8 : memref<!tpu.dma_semaphore, #tpu.memory_space<semaphore_mem>>) src(%arg7 : memref<128x128xf32, #tpu.memory_space<vmem>>) dst(%dma_wait3A_144 : memref<10112x128xf32, #tpu.memory_space<vmem_shared>>)
      %mul3A_145 = arith.constant 8 : i32
      %mul3A_146 = arith.muli %scan3A_16, %mul3A_145 : i32
      %add3A_147 = arith.constant 5 : i32
      %add3A_148 = arith.addi %mul3A_146, %add3A_147 : i32
      %dma_wait3A_149 = arith.constant 0 : i32
      %dma_wait3A_150 = tpu.memref_slice %arg6[%add3A_148, %dma_wait3A_149] : memref<40x128xi32, #tpu.memory_space<vmem>> -> memref<1x128xi32, #tpu.memory_space<vmem>>
      %dma_wait3A_151 = tpu.memref_squeeze %dma_wait3A_150 : memref<1x128xi32, #tpu.memory_space<vmem>> -> memref<128xi32, #tpu.memory_space<vmem>>
      %dma_wait3A_152 = arith.constant 0 : i32
      %dma_wait3A_153 = arith.constant 0 : i32
      %dma_wait3A_154 = tpu.memref_slice %arg9[%dma_wait3A_152, %dma_wait3A_153] : memref<10112x128xf32, #tpu.memory_space<vmem_shared>> -> memref<10112x128xf32, #tpu.memory_space<vmem_shared>>
      tpu.wait_indirect_dma semaphore(%arg8 : memref<!tpu.dma_semaphore, #tpu.memory_space<semaphore_mem>>) src(%arg7 : memref<128x128xf32, #tpu.memory_space<vmem>>) dst(%dma_wait3A_154 : memref<10112x128xf32, #tpu.memory_space<vmem_shared>>)
      %mul3A_155 = arith.constant 8 : i32
      %mul3A_156 = arith.muli %scan3A_16, %mul3A_155 : i32
      %add3A_157 = arith.constant 6 : i32
      %add3A_158 = arith.addi %mul3A_156, %add3A_157 : i32
      %dma_wait3A_159 = arith.constant 0 : i32
      %dma_wait3A_160 = tpu.memref_slice %arg6[%add3A_158, %dma_wait3A_159] : memref<40x128xi32, #tpu.memory_space<vmem>> -> memref<1x128xi32, #tpu.memory_space<vmem>>
      %dma_wait3A_161 = tpu.memref_squeeze %dma_wait3A_160 : memref<1x128xi32, #tpu.memory_space<vmem>> -> memref<128xi32, #tpu.memory_space<vmem>>
      %dma_wait3A_162 = arith.constant 0 : i32
      %dma_wait3A_163 = arith.constant 0 : i32
      %dma_wait3A_164 = tpu.memref_slice %arg9[%dma_wait3A_162, %dma_wait3A_163] : memref<10112x128xf32, #tpu.memory_space<vmem_shared>> -> memref<10112x128xf32, #tpu.memory_space<vmem_shared>>
      tpu.wait_indirect_dma semaphore(%arg8 : memref<!tpu.dma_semaphore, #tpu.memory_space<semaphore_mem>>) src(%arg7 : memref<128x128xf32, #tpu.memory_space<vmem>>) dst(%dma_wait3A_164 : memref<10112x128xf32, #tpu.memory_space<vmem_shared>>)
      %mul3A_165 = arith.constant 8 : i32
      %mul3A_166 = arith.muli %scan3A_16, %mul3A_165 : i32
      %add3A_167 = arith.constant 7 : i32
      %add3A_168 = arith.addi %mul3A_166, %add3A_167 : i32
      %dma_wait3A_169 = arith.constant 0 : i32
      %dma_wait3A_170 = tpu.memref_slice %arg6[%add3A_168, %dma_wait3A_169] : memref<40x128xi32, #tpu.memory_space<vmem>> -> memref<1x128xi32, #tpu.memory_space<vmem>>
      %dma_wait3A_171 = tpu.memref_squeeze %dma_wait3A_170 : memref<1x128xi32, #tpu.memory_space<vmem>> -> memref<128xi32, #tpu.memory_space<vmem>>
      %dma_wait3A_172 = arith.constant 0 : i32
      %dma_wait3A_173 = arith.constant 0 : i32
      %dma_wait3A_174 = tpu.memref_slice %arg9[%dma_wait3A_172, %dma_wait3A_173] : memref<10112x128xf32, #tpu.memory_space<vmem_shared>> -> memref<10112x128xf32, #tpu.memory_space<vmem_shared>>
      tpu.wait_indirect_dma semaphore(%arg8 : memref<!tpu.dma_semaphore, #tpu.memory_space<semaphore_mem>>) src(%arg7 : memref<128x128xf32, #tpu.memory_space<vmem>>) dst(%dma_wait3A_174 : memref<10112x128xf32, #tpu.memory_space<vmem_shared>>)
    }
    %scan3A_7 = arith.constant 5 : i32
    %run_scoped3A_8 = arith.constant 1 : i32
    "tpu.region"() ({
      %run_scoped3A_16 = tpu.sem_alloc : memref<!tpu.dma_semaphore, #tpu.memory_space<semaphore_mem>>
      %dma_start3A = arith.constant 0 : i32
      %dma_start3A_17 = arith.constant 0 : i32
      %dma_start3A_18 = tpu.memref_slice %arg2[%add3A, %run_scoped3A_8, %dma_start3A, %dma_start3A_17] : memref<32x2x40x128xi32, #tpu.memory_space<hbm>> -> memref<1x1x40x128xi32, #tpu.memory_space<hbm>>
      %dma_start3A_19 = tpu.memref_squeeze %dma_start3A_18 : memref<1x1x40x128xi32, #tpu.memory_space<hbm>> -> memref<40x128xi32, #tpu.memory_space<hbm>>
      %dma_start3A_20 = arith.constant 0 : i32
      %dma_start3A_21 = arith.constant 0 : i32
      %dma_start3A_22 = tpu.memref_slice %arg2[%add3A, %run_scoped3A_8, %dma_start3A_20, %dma_start3A_21] : memref<32x2x40x128xi32, #tpu.memory_space<hbm>> -> memref<1x1x40x128xi32, #tpu.memory_space<hbm>>
      %dma_start3A_23 = tpu.memref_squeeze %dma_start3A_22 : memref<1x1x40x128xi32, #tpu.memory_space<hbm>> -> memref<40x128xi32, #tpu.memory_space<hbm>>
      tpu.enqueue_dma source(%dma_start3A_23 : memref<40x128xi32, #tpu.memory_space<hbm>>) target(%arg6 : memref<40x128xi32, #tpu.memory_space<vmem>>) target_semaphore(%run_scoped3A_16 : memref<!tpu.dma_semaphore, #tpu.memory_space<semaphore_mem>>)
      %dma_wait3A = arith.constant 0 : i32
      %dma_wait3A_24 = arith.constant 0 : i32
      %dma_wait3A_25 = tpu.memref_slice %arg2[%add3A, %run_scoped3A_8, %dma_wait3A, %dma_wait3A_24] : memref<32x2x40x128xi32, #tpu.memory_space<hbm>> -> memref<1x1x40x128xi32, #tpu.memory_space<hbm>>
      %dma_wait3A_26 = tpu.memref_squeeze %dma_wait3A_25 : memref<1x1x40x128xi32, #tpu.memory_space<hbm>> -> memref<40x128xi32, #tpu.memory_space<hbm>>
      %dma_wait3A_27 = arith.constant 0 : i32
      %dma_wait3A_28 = arith.constant 0 : i32
      %dma_wait3A_29 = tpu.memref_slice %arg2[%add3A, %run_scoped3A_8, %dma_wait3A_27, %dma_wait3A_28] : memref<32x2x40x128xi32, #tpu.memory_space<hbm>> -> memref<1x1x40x128xi32, #tpu.memory_space<hbm>>
      %dma_wait3A_30 = tpu.memref_squeeze %dma_wait3A_29 : memref<1x1x40x128xi32, #tpu.memory_space<hbm>> -> memref<40x128xi32, #tpu.memory_space<hbm>>
      tpu.wait_dma2 semaphore(%run_scoped3A_16 : memref<!tpu.dma_semaphore, #tpu.memory_space<semaphore_mem>>) src(%dma_wait3A_30 : memref<40x128xi32, #tpu.memory_space<hbm>>) dst(%arg6 : memref<40x128xi32, #tpu.memory_space<vmem>>)
      tpu.yield
    }) : () -> ()
    %scan3A_9 = arith.constant 0 : i32
    %scan3A_10 = arith.constant 0 : i32
    %scan3A_11 = arith.constant 5 : i32
    %scan3A_12 = arith.addi %scan3A_10, %scan3A_11 : i32
    %scan3A_13 = arith.constant 1 : i32
    scf.for %scan3A_16 = %scan3A_10 to %scan3A_12 step %scan3A_13  : i32 {
      %mul3A_17 = arith.constant 8 : i32
      %mul3A_18 = arith.muli %scan3A_16, %mul3A_17 : i32
      %add3A_19 = arith.constant 0 : i32
      %add3A_20 = arith.addi %mul3A_18, %add3A_19 : i32
      %dma_start3A = arith.constant 0 : i32
      %dma_start3A_21 = tpu.memref_slice %arg6[%add3A_20, %dma_start3A] : memref<40x128xi32, #tpu.memory_space<vmem>> -> memref<1x128xi32, #tpu.memory_space<vmem>>
      %dma_start3A_22 = tpu.memref_squeeze %dma_start3A_21 : memref<1x128xi32, #tpu.memory_space<vmem>> -> memref<128xi32, #tpu.memory_space<vmem>>
      %dma_start3A_23 = arith.constant 0 : i32
      %dma_start3A_24 = arith.constant 0 : i32
      %dma_start3A_25 = tpu.memref_slice %arg9[%dma_start3A_23, %dma_start3A_24] : memref<10112x128xf32, #tpu.memory_space<vmem_shared>> -> memref<10112x128xf32, #tpu.memory_space<vmem_shared>>
      tpu.enqueue_indirect_dma source(%arg7 : memref<128x128xf32, #tpu.memory_space<vmem>>) target(%dma_start3A_25 : memref<10112x128xf32, #tpu.memory_space<vmem_shared>>) offsets(%dma_start3A_22 : memref<128xi32, #tpu.memory_space<vmem>>) semaphore(%arg8 : memref<!tpu.dma_semaphore, #tpu.memory_space<semaphore_mem>>) {add = true}
      %mul3A_26 = arith.constant 8 : i32
      %mul3A_27 = arith.muli %scan3A_16, %mul3A_26 : i32
      %add3A_28 = arith.constant 1 : i32
      %add3A_29 = arith.addi %mul3A_27, %add3A_28 : i32
      %dma_start3A_30 = arith.constant 0 : i32
      %dma_start3A_31 = tpu.memref_slice %arg6[%add3A_29, %dma_start3A_30] : memref<40x128xi32, #tpu.memory_space<vmem>> -> memref<1x128xi32, #tpu.memory_space<vmem>>
      %dma_start3A_32 = tpu.memref_squeeze %dma_start3A_31 : memref<1x128xi32, #tpu.memory_space<vmem>> -> memref<128xi32, #tpu.memory_space<vmem>>
      %dma_start3A_33 = arith.constant 0 : i32
      %dma_start3A_34 = arith.constant 0 : i32
      %dma_start3A_35 = tpu.memref_slice %arg9[%dma_start3A_33, %dma_start3A_34] : memref<10112x128xf32, #tpu.memory_space<vmem_shared>> -> memref<10112x128xf32, #tpu.memory_space<vmem_shared>>
      tpu.enqueue_indirect_dma source(%arg7 : memref<128x128xf32, #tpu.memory_space<vmem>>) target(%dma_start3A_35 : memref<10112x128xf32, #tpu.memory_space<vmem_shared>>) offsets(%dma_start3A_32 : memref<128xi32, #tpu.memory_space<vmem>>) semaphore(%arg8 : memref<!tpu.dma_semaphore, #tpu.memory_space<semaphore_mem>>) {add = true}
      %mul3A_36 = arith.constant 8 : i32
      %mul3A_37 = arith.muli %scan3A_16, %mul3A_36 : i32
      %add3A_38 = arith.constant 2 : i32
      %add3A_39 = arith.addi %mul3A_37, %add3A_38 : i32
      %dma_start3A_40 = arith.constant 0 : i32
      %dma_start3A_41 = tpu.memref_slice %arg6[%add3A_39, %dma_start3A_40] : memref<40x128xi32, #tpu.memory_space<vmem>> -> memref<1x128xi32, #tpu.memory_space<vmem>>
      %dma_start3A_42 = tpu.memref_squeeze %dma_start3A_41 : memref<1x128xi32, #tpu.memory_space<vmem>> -> memref<128xi32, #tpu.memory_space<vmem>>
      %dma_start3A_43 = arith.constant 0 : i32
      %dma_start3A_44 = arith.constant 0 : i32
      %dma_start3A_45 = tpu.memref_slice %arg9[%dma_start3A_43, %dma_start3A_44] : memref<10112x128xf32, #tpu.memory_space<vmem_shared>> -> memref<10112x128xf32, #tpu.memory_space<vmem_shared>>
      tpu.enqueue_indirect_dma source(%arg7 : memref<128x128xf32, #tpu.memory_space<vmem>>) target(%dma_start3A_45 : memref<10112x128xf32, #tpu.memory_space<vmem_shared>>) offsets(%dma_start3A_42 : memref<128xi32, #tpu.memory_space<vmem>>) semaphore(%arg8 : memref<!tpu.dma_semaphore, #tpu.memory_space<semaphore_mem>>) {add = true}
      %mul3A_46 = arith.constant 8 : i32
      %mul3A_47 = arith.muli %scan3A_16, %mul3A_46 : i32
      %add3A_48 = arith.constant 3 : i32
      %add3A_49 = arith.addi %mul3A_47, %add3A_48 : i32
      %dma_start3A_50 = arith.constant 0 : i32
      %dma_start3A_51 = tpu.memref_slice %arg6[%add3A_49, %dma_start3A_50] : memref<40x128xi32, #tpu.memory_space<vmem>> -> memref<1x128xi32, #tpu.memory_space<vmem>>
      %dma_start3A_52 = tpu.memref_squeeze %dma_start3A_51 : memref<1x128xi32, #tpu.memory_space<vmem>> -> memref<128xi32, #tpu.memory_space<vmem>>
      %dma_start3A_53 = arith.constant 0 : i32
      %dma_start3A_54 = arith.constant 0 : i32
      %dma_start3A_55 = tpu.memref_slice %arg9[%dma_start3A_53, %dma_start3A_54] : memref<10112x128xf32, #tpu.memory_space<vmem_shared>> -> memref<10112x128xf32, #tpu.memory_space<vmem_shared>>
      tpu.enqueue_indirect_dma source(%arg7 : memref<128x128xf32, #tpu.memory_space<vmem>>) target(%dma_start3A_55 : memref<10112x128xf32, #tpu.memory_space<vmem_shared>>) offsets(%dma_start3A_52 : memref<128xi32, #tpu.memory_space<vmem>>) semaphore(%arg8 : memref<!tpu.dma_semaphore, #tpu.memory_space<semaphore_mem>>) {add = true}
      %mul3A_56 = arith.constant 8 : i32
      %mul3A_57 = arith.muli %scan3A_16, %mul3A_56 : i32
      %add3A_58 = arith.constant 4 : i32
      %add3A_59 = arith.addi %mul3A_57, %add3A_58 : i32
      %dma_start3A_60 = arith.constant 0 : i32
      %dma_start3A_61 = tpu.memref_slice %arg6[%add3A_59, %dma_start3A_60] : memref<40x128xi32, #tpu.memory_space<vmem>> -> memref<1x128xi32, #tpu.memory_space<vmem>>
      %dma_start3A_62 = tpu.memref_squeeze %dma_start3A_61 : memref<1x128xi32, #tpu.memory_space<vmem>> -> memref<128xi32, #tpu.memory_space<vmem>>
      %dma_start3A_63 = arith.constant 0 : i32
      %dma_start3A_64 = arith.constant 0 : i32
      %dma_start3A_65 = tpu.memref_slice %arg9[%dma_start3A_63, %dma_start3A_64] : memref<10112x128xf32, #tpu.memory_space<vmem_shared>> -> memref<10112x128xf32, #tpu.memory_space<vmem_shared>>
      tpu.enqueue_indirect_dma source(%arg7 : memref<128x128xf32, #tpu.memory_space<vmem>>) target(%dma_start3A_65 : memref<10112x128xf32, #tpu.memory_space<vmem_shared>>) offsets(%dma_start3A_62 : memref<128xi32, #tpu.memory_space<vmem>>) semaphore(%arg8 : memref<!tpu.dma_semaphore, #tpu.memory_space<semaphore_mem>>) {add = true}
      %mul3A_66 = arith.constant 8 : i32
      %mul3A_67 = arith.muli %scan3A_16, %mul3A_66 : i32
      %add3A_68 = arith.constant 5 : i32
      %add3A_69 = arith.addi %mul3A_67, %add3A_68 : i32
      %dma_start3A_70 = arith.constant 0 : i32
      %dma_start3A_71 = tpu.memref_slice %arg6[%add3A_69, %dma_start3A_70] : memref<40x128xi32, #tpu.memory_space<vmem>> -> memref<1x128xi32, #tpu.memory_space<vmem>>
      %dma_start3A_72 = tpu.memref_squeeze %dma_start3A_71 : memref<1x128xi32, #tpu.memory_space<vmem>> -> memref<128xi32, #tpu.memory_space<vmem>>
      %dma_start3A_73 = arith.constant 0 : i32
      %dma_start3A_74 = arith.constant 0 : i32
      %dma_start3A_75 = tpu.memref_slice %arg9[%dma_start3A_73, %dma_start3A_74] : memref<10112x128xf32, #tpu.memory_space<vmem_shared>> -> memref<10112x128xf32, #tpu.memory_space<vmem_shared>>
      tpu.enqueue_indirect_dma source(%arg7 : memref<128x128xf32, #tpu.memory_space<vmem>>) target(%dma_start3A_75 : memref<10112x128xf32, #tpu.memory_space<vmem_shared>>) offsets(%dma_start3A_72 : memref<128xi32, #tpu.memory_space<vmem>>) semaphore(%arg8 : memref<!tpu.dma_semaphore, #tpu.memory_space<semaphore_mem>>) {add = true}
      %mul3A_76 = arith.constant 8 : i32
      %mul3A_77 = arith.muli %scan3A_16, %mul3A_76 : i32
      %add3A_78 = arith.constant 6 : i32
      %add3A_79 = arith.addi %mul3A_77, %add3A_78 : i32
      %dma_start3A_80 = arith.constant 0 : i32
      %dma_start3A_81 = tpu.memref_slice %arg6[%add3A_79, %dma_start3A_80] : memref<40x128xi32, #tpu.memory_space<vmem>> -> memref<1x128xi32, #tpu.memory_space<vmem>>
      %dma_start3A_82 = tpu.memref_squeeze %dma_start3A_81 : memref<1x128xi32, #tpu.memory_space<vmem>> -> memref<128xi32, #tpu.memory_space<vmem>>
      %dma_start3A_83 = arith.constant 0 : i32
      %dma_start3A_84 = arith.constant 0 : i32
      %dma_start3A_85 = tpu.memref_slice %arg9[%dma_start3A_83, %dma_start3A_84] : memref<10112x128xf32, #tpu.memory_space<vmem_shared>> -> memref<10112x128xf32, #tpu.memory_space<vmem_shared>>
      tpu.enqueue_indirect_dma source(%arg7 : memref<128x128xf32, #tpu.memory_space<vmem>>) target(%dma_start3A_85 : memref<10112x128xf32, #tpu.memory_space<vmem_shared>>) offsets(%dma_start3A_82 : memref<128xi32, #tpu.memory_space<vmem>>) semaphore(%arg8 : memref<!tpu.dma_semaphore, #tpu.memory_space<semaphore_mem>>) {add = true}
      %mul3A_86 = arith.constant 8 : i32
      %mul3A_87 = arith.muli %scan3A_16, %mul3A_86 : i32
      %add3A_88 = arith.constant 7 : i32
      %add3A_89 = arith.addi %mul3A_87, %add3A_88 : i32
      %dma_start3A_90 = arith.constant 0 : i32
      %dma_start3A_91 = tpu.memref_slice %arg6[%add3A_89, %dma_start3A_90] : memref<40x128xi32, #tpu.memory_space<vmem>> -> memref<1x128xi32, #tpu.memory_space<vmem>>
      %dma_start3A_92 = tpu.memref_squeeze %dma_start3A_91 : memref<1x128xi32, #tpu.memory_space<vmem>> -> memref<128xi32, #tpu.memory_space<vmem>>
      %dma_start3A_93 = arith.constant 0 : i32
      %dma_start3A_94 = arith.constant 0 : i32
      %dma_start3A_95 = tpu.memref_slice %arg9[%dma_start3A_93, %dma_start3A_94] : memref<10112x128xf32, #tpu.memory_space<vmem_shared>> -> memref<10112x128xf32, #tpu.memory_space<vmem_shared>>
      tpu.enqueue_indirect_dma source(%arg7 : memref<128x128xf32, #tpu.memory_space<vmem>>) target(%dma_start3A_95 : memref<10112x128xf32, #tpu.memory_space<vmem_shared>>) offsets(%dma_start3A_92 : memref<128xi32, #tpu.memory_space<vmem>>) semaphore(%arg8 : memref<!tpu.dma_semaphore, #tpu.memory_space<semaphore_mem>>) {add = true}
      %mul3A_96 = arith.constant 8 : i32
      %mul3A_97 = arith.muli %scan3A_16, %mul3A_96 : i32
      %add3A_98 = arith.constant 0 : i32
      %add3A_99 = arith.addi %mul3A_97, %add3A_98 : i32
      %dma_wait3A = arith.constant 0 : i32
      %dma_wait3A_100 = tpu.memref_slice %arg6[%add3A_99, %dma_wait3A] : memref<40x128xi32, #tpu.memory_space<vmem>> -> memref<1x128xi32, #tpu.memory_space<vmem>>
      %dma_wait3A_101 = tpu.memref_squeeze %dma_wait3A_100 : memref<1x128xi32, #tpu.memory_space<vmem>> -> memref<128xi32, #tpu.memory_space<vmem>>
      %dma_wait3A_102 = arith.constant 0 : i32
      %dma_wait3A_103 = arith.constant 0 : i32
      %dma_wait3A_104 = tpu.memref_slice %arg9[%dma_wait3A_102, %dma_wait3A_103] : memref<10112x128xf32, #tpu.memory_space<vmem_shared>> -> memref<10112x128xf32, #tpu.memory_space<vmem_shared>>
      tpu.wait_indirect_dma semaphore(%arg8 : memref<!tpu.dma_semaphore, #tpu.memory_space<semaphore_mem>>) src(%arg7 : memref<128x128xf32, #tpu.memory_space<vmem>>) dst(%dma_wait3A_104 : memref<10112x128xf32, #tpu.memory_space<vmem_shared>>)
      %mul3A_105 = arith.constant 8 : i32
      %mul3A_106 = arith.muli %scan3A_16, %mul3A_105 : i32
      %add3A_107 = arith.constant 1 : i32
      %add3A_108 = arith.addi %mul3A_106, %add3A_107 : i32
      %dma_wait3A_109 = arith.constant 0 : i32
      %dma_wait3A_110 = tpu.memref_slice %arg6[%add3A_108, %dma_wait3A_109] : memref<40x128xi32, #tpu.memory_space<vmem>> -> memref<1x128xi32, #tpu.memory_space<vmem>>
      %dma_wait3A_111 = tpu.memref_squeeze %dma_wait3A_110 : memref<1x128xi32, #tpu.memory_space<vmem>> -> memref<128xi32, #tpu.memory_space<vmem>>
      %dma_wait3A_112 = arith.constant 0 : i32
      %dma_wait3A_113 = arith.constant 0 : i32
      %dma_wait3A_114 = tpu.memref_slice %arg9[%dma_wait3A_112, %dma_wait3A_113] : memref<10112x128xf32, #tpu.memory_space<vmem_shared>> -> memref<10112x128xf32, #tpu.memory_space<vmem_shared>>
      tpu.wait_indirect_dma semaphore(%arg8 : memref<!tpu.dma_semaphore, #tpu.memory_space<semaphore_mem>>) src(%arg7 : memref<128x128xf32, #tpu.memory_space<vmem>>) dst(%dma_wait3A_114 : memref<10112x128xf32, #tpu.memory_space<vmem_shared>>)
      %mul3A_115 = arith.constant 8 : i32
      %mul3A_116 = arith.muli %scan3A_16, %mul3A_115 : i32
      %add3A_117 = arith.constant 2 : i32
      %add3A_118 = arith.addi %mul3A_116, %add3A_117 : i32
      %dma_wait3A_119 = arith.constant 0 : i32
      %dma_wait3A_120 = tpu.memref_slice %arg6[%add3A_118, %dma_wait3A_119] : memref<40x128xi32, #tpu.memory_space<vmem>> -> memref<1x128xi32, #tpu.memory_space<vmem>>
      %dma_wait3A_121 = tpu.memref_squeeze %dma_wait3A_120 : memref<1x128xi32, #tpu.memory_space<vmem>> -> memref<128xi32, #tpu.memory_space<vmem>>
      %dma_wait3A_122 = arith.constant 0 : i32
      %dma_wait3A_123 = arith.constant 0 : i32
      %dma_wait3A_124 = tpu.memref_slice %arg9[%dma_wait3A_122, %dma_wait3A_123] : memref<10112x128xf32, #tpu.memory_space<vmem_shared>> -> memref<10112x128xf32, #tpu.memory_space<vmem_shared>>
      tpu.wait_indirect_dma semaphore(%arg8 : memref<!tpu.dma_semaphore, #tpu.memory_space<semaphore_mem>>) src(%arg7 : memref<128x128xf32, #tpu.memory_space<vmem>>) dst(%dma_wait3A_124 : memref<10112x128xf32, #tpu.memory_space<vmem_shared>>)
      %mul3A_125 = arith.constant 8 : i32
      %mul3A_126 = arith.muli %scan3A_16, %mul3A_125 : i32
      %add3A_127 = arith.constant 3 : i32
      %add3A_128 = arith.addi %mul3A_126, %add3A_127 : i32
      %dma_wait3A_129 = arith.constant 0 : i32
      %dma_wait3A_130 = tpu.memref_slice %arg6[%add3A_128, %dma_wait3A_129] : memref<40x128xi32, #tpu.memory_space<vmem>> -> memref<1x128xi32, #tpu.memory_space<vmem>>
      %dma_wait3A_131 = tpu.memref_squeeze %dma_wait3A_130 : memref<1x128xi32, #tpu.memory_space<vmem>> -> memref<128xi32, #tpu.memory_space<vmem>>
      %dma_wait3A_132 = arith.constant 0 : i32
      %dma_wait3A_133 = arith.constant 0 : i32
      %dma_wait3A_134 = tpu.memref_slice %arg9[%dma_wait3A_132, %dma_wait3A_133] : memref<10112x128xf32, #tpu.memory_space<vmem_shared>> -> memref<10112x128xf32, #tpu.memory_space<vmem_shared>>
      tpu.wait_indirect_dma semaphore(%arg8 : memref<!tpu.dma_semaphore, #tpu.memory_space<semaphore_mem>>) src(%arg7 : memref<128x128xf32, #tpu.memory_space<vmem>>) dst(%dma_wait3A_134 : memref<10112x128xf32, #tpu.memory_space<vmem_shared>>)
      %mul3A_135 = arith.constant 8 : i32
      %mul3A_136 = arith.muli %scan3A_16, %mul3A_135 : i32
      %add3A_137 = arith.constant 4 : i32
      %add3A_138 = arith.addi %mul3A_136, %add3A_137 : i32
      %dma_wait3A_139 = arith.constant 0 : i32
      %dma_wait3A_140 = tpu.memref_slice %arg6[%add3A_138, %dma_wait3A_139] : memref<40x128xi32, #tpu.memory_space<vmem>> -> memref<1x128xi32, #tpu.memory_space<vmem>>
      %dma_wait3A_141 = tpu.memref_squeeze %dma_wait3A_140 : memref<1x128xi32, #tpu.memory_space<vmem>> -> memref<128xi32, #tpu.memory_space<vmem>>
      %dma_wait3A_142 = arith.constant 0 : i32
      %dma_wait3A_143 = arith.constant 0 : i32
      %dma_wait3A_144 = tpu.memref_slice %arg9[%dma_wait3A_142, %dma_wait3A_143] : memref<10112x128xf32, #tpu.memory_space<vmem_shared>> -> memref<10112x128xf32, #tpu.memory_space<vmem_shared>>
      tpu.wait_indirect_dma semaphore(%arg8 : memref<!tpu.dma_semaphore, #tpu.memory_space<semaphore_mem>>) src(%arg7 : memref<128x128xf32, #tpu.memory_space<vmem>>) dst(%dma_wait3A_144 : memref<10112x128xf32, #tpu.memory_space<vmem_shared>>)
      %mul3A_145 = arith.constant 8 : i32
      %mul3A_146 = arith.muli %scan3A_16, %mul3A_145 : i32
      %add3A_147 = arith.constant 5 : i32
      %add3A_148 = arith.addi %mul3A_146, %add3A_147 : i32
      %dma_wait3A_149 = arith.constant 0 : i32
      %dma_wait3A_150 = tpu.memref_slice %arg6[%add3A_148, %dma_wait3A_149] : memref<40x128xi32, #tpu.memory_space<vmem>> -> memref<1x128xi32, #tpu.memory_space<vmem>>
      %dma_wait3A_151 = tpu.memref_squeeze %dma_wait3A_150 : memref<1x128xi32, #tpu.memory_space<vmem>> -> memref<128xi32, #tpu.memory_space<vmem>>
      %dma_wait3A_152 = arith.constant 0 : i32
      %dma_wait3A_153 = arith.constant 0 : i32
      %dma_wait3A_154 = tpu.memref_slice %arg9[%dma_wait3A_152, %dma_wait3A_153] : memref<10112x128xf32, #tpu.memory_space<vmem_shared>> -> memref<10112x128xf32, #tpu.memory_space<vmem_shared>>
      tpu.wait_indirect_dma semaphore(%arg8 : memref<!tpu.dma_semaphore, #tpu.memory_space<semaphore_mem>>) src(%arg7 : memref<128x128xf32, #tpu.memory_space<vmem>>) dst(%dma_wait3A_154 : memref<10112x128xf32, #tpu.memory_space<vmem_shared>>)
      %mul3A_155 = arith.constant 8 : i32
      %mul3A_156 = arith.muli %scan3A_16, %mul3A_155 : i32
      %add3A_157 = arith.constant 6 : i32
      %add3A_158 = arith.addi %mul3A_156, %add3A_157 : i32
      %dma_wait3A_159 = arith.constant 0 : i32
      %dma_wait3A_160 = tpu.memref_slice %arg6[%add3A_158, %dma_wait3A_159] : memref<40x128xi32, #tpu.memory_space<vmem>> -> memref<1x128xi32, #tpu.memory_space<vmem>>
      %dma_wait3A_161 = tpu.memref_squeeze %dma_wait3A_160 : memref<1x128xi32, #tpu.memory_space<vmem>> -> memref<128xi32, #tpu.memory_space<vmem>>
      %dma_wait3A_162 = arith.constant 0 : i32
      %dma_wait3A_163 = arith.constant 0 : i32
      %dma_wait3A_164 = tpu.memref_slice %arg9[%dma_wait3A_162, %dma_wait3A_163] : memref<10112x128xf32, #tpu.memory_space<vmem_shared>> -> memref<10112x128xf32, #tpu.memory_space<vmem_shared>>
      tpu.wait_indirect_dma semaphore(%arg8 : memref<!tpu.dma_semaphore, #tpu.memory_space<semaphore_mem>>) src(%arg7 : memref<128x128xf32, #tpu.memory_space<vmem>>) dst(%dma_wait3A_164 : memref<10112x128xf32, #tpu.memory_space<vmem_shared>>)
      %mul3A_165 = arith.constant 8 : i32
      %mul3A_166 = arith.muli %scan3A_16, %mul3A_165 : i32
      %add3A_167 = arith.constant 7 : i32
      %add3A_168 = arith.addi %mul3A_166, %add3A_167 : i32
      %dma_wait3A_169 = arith.constant 0 : i32
      %dma_wait3A_170 = tpu.memref_slice %arg6[%add3A_168, %dma_wait3A_169] : memref<40x128xi32, #tpu.memory_space<vmem>> -> memref<1x128xi32, #tpu.memory_space<vmem>>
      %dma_wait3A_171 = tpu.memref_squeeze %dma_wait3A_170 : memref<1x128xi32, #tpu.memory_space<vmem>> -> memref<128xi32, #tpu.memory_space<vmem>>
      %dma_wait3A_172 = arith.constant 0 : i32
      %dma_wait3A_173 = arith.constant 0 : i32
      %dma_wait3A_174 = tpu.memref_slice %arg9[%dma_wait3A_172, %dma_wait3A_173] : memref<10112x128xf32, #tpu.memory_space<vmem_shared>> -> memref<10112x128xf32, #tpu.memory_space<vmem_shared>>
      tpu.wait_indirect_dma semaphore(%arg8 : memref<!tpu.dma_semaphore, #tpu.memory_space<semaphore_mem>>) src(%arg7 : memref<128x128xf32, #tpu.memory_space<vmem>>) dst(%dma_wait3A_174 : memref<10112x128xf32, #tpu.memory_space<vmem_shared>>)
    }
    %scan3A_14 = arith.constant 5 : i32
    %barrier3A_15 = arith.constant 0 : index
    tpu.barrier barrier_id(%barrier3A_15)
    "tpu.region"() ({
      %run_scoped3A_16 = tpu.sem_alloc : memref<!tpu.dma_semaphore, #tpu.memory_space<semaphore_mem>>
      %dma_start3A = arith.constant 0 : i32
      %dma_start3A_17 = tpu.memref_slice %arg5[%arg0, %mul3A_2, %dma_start3A] : memref<2x10112x128xf32, #tpu.memory_space<hbm>> -> memref<1x632x128xf32, #tpu.memory_space<hbm>>
      %dma_start3A_18 = tpu.memref_squeeze %dma_start3A_17 : memref<1x632x128xf32, #tpu.memory_space<hbm>> -> memref<632x128xf32, #tpu.memory_space<hbm>>
      %dma_start3A_19 = arith.constant 0 : i32
      %dma_start3A_20 = tpu.memref_slice %arg9[%mul3A_2, %dma_start3A_19] : memref<10112x128xf32, #tpu.memory_space<vmem_shared>> -> memref<632x128xf32, #tpu.memory_space<vmem_shared>>
      tpu.enqueue_dma source(%dma_start3A_20 : memref<632x128xf32, #tpu.memory_space<vmem_shared>>) target(%dma_start3A_18 : memref<632x128xf32, #tpu.memory_space<hbm>>) target_semaphore(%run_scoped3A_16 : memref<!tpu.dma_semaphore, #tpu.memory_space<semaphore_mem>>)
      %dma_wait3A = arith.constant 0 : i32
      %dma_wait3A_21 = tpu.memref_slice %arg5[%arg0, %mul3A_2, %dma_wait3A] : memref<2x10112x128xf32, #tpu.memory_space<hbm>> -> memref<1x632x128xf32, #tpu.memory_space<hbm>>
      %dma_wait3A_22 = tpu.memref_squeeze %dma_wait3A_21 : memref<1x632x128xf32, #tpu.memory_space<hbm>> -> memref<632x128xf32, #tpu.memory_space<hbm>>
      %dma_wait3A_23 = arith.constant 0 : i32
      %dma_wait3A_24 = tpu.memref_slice %arg9[%mul3A_2, %dma_wait3A_23] : memref<10112x128xf32, #tpu.memory_space<vmem_shared>> -> memref<632x128xf32, #tpu.memory_space<vmem_shared>>
      tpu.wait_dma2 semaphore(%run_scoped3A_16 : memref<!tpu.dma_semaphore, #tpu.memory_space<semaphore_mem>>) src(%dma_wait3A_24 : memref<632x128xf32, #tpu.memory_space<vmem_shared>>) dst(%dma_wait3A_22 : memref<632x128xf32, #tpu.memory_space<hbm>>)
      tpu.yield
    }) : () -> ()
    return
  }
}

#map = affine_map<(d0, d1) -> (0, 0, 0, 0)>
#map1 = affine_map<(d0, d1) -> (0, 0)>
#map2 = affine_map<(d0, d1) -> (0, 0, 0)>
module attributes {stable_mosaic.version = 14 : i64} {
  func.func @_sc_prop_body(%arg0: i32, %arg1: i32, %arg2: memref<32x2x40x128xi32, #tpu.memory_space<hbm>>, %arg3: memref<32x2x40x128xi32, #tpu.memory_space<hbm>>, %arg4: memref<10112x128xf32, #tpu.memory_space<hbm>>, %arg5: memref<2x10112x128xf32, #tpu.memory_space<hbm>>, %arg6: memref<40x128xi32, #tpu.memory_space<vmem>>, %arg7: memref<40x128xi32, #tpu.memory_space<vmem>>, %arg8: memref<128x128xf32, #tpu.memory_space<vmem>>, %arg9: memref<128x128xf32, #tpu.memory_space<vmem>>, %arg10: memref<!tpu.dma_semaphore, #tpu.memory_space<semaphore_mem>>, %arg11: memref<!tpu.dma_semaphore, #tpu.memory_space<semaphore_mem>>, %arg12: memref<10112x128xf32, #tpu.memory_space<vmem_shared>>) attributes {dimension_semantics = [#tpu.dimension_semantics<core_parallel>, #tpu.dimension_semantics<subcore_parallel>], iteration_bounds = array<i64: 2, 16>, scalar_prefetch = 0 : i64, scratch_operands = 7 : i64, tpu.core_type = #tpu.core_type<sc_vector_subcore>, window_params = [{transform_indices = #map}, {transform_indices = #map}, {transform_indices = #map1}, {transform_indices = #map2}]} {
    %mul3A = arith.constant 16 : i32
    %mul3A_0 = arith.muli %arg0, %mul3A : i32
    %add3A = arith.addi %mul3A_0, %arg1 : i32
    %mul3A_1 = arith.constant 632 : i32
    %mul3A_2 = arith.muli %arg1, %mul3A_1 : i32
    "tpu.region"() ({
      %run_scoped3A_31 = tpu.sem_alloc : memref<!tpu.dma_semaphore, #tpu.memory_space<semaphore_mem>>
      %dma_start3A_32 = arith.constant 0 : i32
      %dma_start3A_33 = tpu.memref_slice %arg12[%mul3A_2, %dma_start3A_32] : memref<10112x128xf32, #tpu.memory_space<vmem_shared>> -> memref<632x128xf32, #tpu.memory_space<vmem_shared>>
      %dma_start3A_34 = arith.constant 0 : i32
      %dma_start3A_35 = tpu.memref_slice %arg4[%mul3A_2, %dma_start3A_34] : memref<10112x128xf32, #tpu.memory_space<hbm>> -> memref<632x128xf32, #tpu.memory_space<hbm>>
      tpu.enqueue_dma source(%dma_start3A_35 : memref<632x128xf32, #tpu.memory_space<hbm>>) target(%dma_start3A_33 : memref<632x128xf32, #tpu.memory_space<vmem_shared>>) target_semaphore(%run_scoped3A_31 : memref<!tpu.dma_semaphore, #tpu.memory_space<semaphore_mem>>)
      %dma_wait3A = arith.constant 0 : i32
      %dma_wait3A_36 = tpu.memref_slice %arg12[%mul3A_2, %dma_wait3A] : memref<10112x128xf32, #tpu.memory_space<vmem_shared>> -> memref<632x128xf32, #tpu.memory_space<vmem_shared>>
      %dma_wait3A_37 = arith.constant 0 : i32
      %dma_wait3A_38 = tpu.memref_slice %arg4[%mul3A_2, %dma_wait3A_37] : memref<10112x128xf32, #tpu.memory_space<hbm>> -> memref<632x128xf32, #tpu.memory_space<hbm>>
      tpu.wait_dma2 semaphore(%run_scoped3A_31 : memref<!tpu.dma_semaphore, #tpu.memory_space<semaphore_mem>>) src(%dma_wait3A_38 : memref<632x128xf32, #tpu.memory_space<hbm>>) dst(%dma_wait3A_36 : memref<632x128xf32, #tpu.memory_space<vmem_shared>>)
      tpu.yield
    }) : () -> ()
    %barrier3A = arith.constant 0 : index
    tpu.barrier barrier_id(%barrier3A)
    %run_scoped3A = arith.constant 0 : i32
    "tpu.region"() ({
      %run_scoped3A_31 = tpu.sem_alloc : memref<!tpu.dma_semaphore, #tpu.memory_space<semaphore_mem>>
      %dma_start3A_32 = arith.constant 0 : i32
      %dma_start3A_33 = arith.constant 0 : i32
      %dma_start3A_34 = tpu.memref_slice %arg2[%add3A, %run_scoped3A, %dma_start3A_32, %dma_start3A_33] : memref<32x2x40x128xi32, #tpu.memory_space<hbm>> -> memref<1x1x40x128xi32, #tpu.memory_space<hbm>>
      %dma_start3A_35 = tpu.memref_squeeze %dma_start3A_34 : memref<1x1x40x128xi32, #tpu.memory_space<hbm>> -> memref<40x128xi32, #tpu.memory_space<hbm>>
      %dma_start3A_36 = arith.constant 0 : i32
      %dma_start3A_37 = arith.constant 0 : i32
      %dma_start3A_38 = tpu.memref_slice %arg2[%add3A, %run_scoped3A, %dma_start3A_36, %dma_start3A_37] : memref<32x2x40x128xi32, #tpu.memory_space<hbm>> -> memref<1x1x40x128xi32, #tpu.memory_space<hbm>>
      %dma_start3A_39 = tpu.memref_squeeze %dma_start3A_38 : memref<1x1x40x128xi32, #tpu.memory_space<hbm>> -> memref<40x128xi32, #tpu.memory_space<hbm>>
      tpu.enqueue_dma source(%dma_start3A_39 : memref<40x128xi32, #tpu.memory_space<hbm>>) target(%arg6 : memref<40x128xi32, #tpu.memory_space<vmem>>) target_semaphore(%run_scoped3A_31 : memref<!tpu.dma_semaphore, #tpu.memory_space<semaphore_mem>>)
      %dma_wait3A = arith.constant 0 : i32
      %dma_wait3A_40 = arith.constant 0 : i32
      %dma_wait3A_41 = tpu.memref_slice %arg2[%add3A, %run_scoped3A, %dma_wait3A, %dma_wait3A_40] : memref<32x2x40x128xi32, #tpu.memory_space<hbm>> -> memref<1x1x40x128xi32, #tpu.memory_space<hbm>>
      %dma_wait3A_42 = tpu.memref_squeeze %dma_wait3A_41 : memref<1x1x40x128xi32, #tpu.memory_space<hbm>> -> memref<40x128xi32, #tpu.memory_space<hbm>>
      %dma_wait3A_43 = arith.constant 0 : i32
      %dma_wait3A_44 = arith.constant 0 : i32
      %dma_wait3A_45 = tpu.memref_slice %arg2[%add3A, %run_scoped3A, %dma_wait3A_43, %dma_wait3A_44] : memref<32x2x40x128xi32, #tpu.memory_space<hbm>> -> memref<1x1x40x128xi32, #tpu.memory_space<hbm>>
      %dma_wait3A_46 = tpu.memref_squeeze %dma_wait3A_45 : memref<1x1x40x128xi32, #tpu.memory_space<hbm>> -> memref<40x128xi32, #tpu.memory_space<hbm>>
      tpu.wait_dma2 semaphore(%run_scoped3A_31 : memref<!tpu.dma_semaphore, #tpu.memory_space<semaphore_mem>>) src(%dma_wait3A_46 : memref<40x128xi32, #tpu.memory_space<hbm>>) dst(%arg6 : memref<40x128xi32, #tpu.memory_space<vmem>>)
      tpu.yield
    }) : () -> ()
    %run_scoped3A_3 = arith.constant 0 : i32
    "tpu.region"() ({
      %run_scoped3A_31 = tpu.sem_alloc : memref<!tpu.dma_semaphore, #tpu.memory_space<semaphore_mem>>
      %dma_start3A_32 = arith.constant 0 : i32
      %dma_start3A_33 = arith.constant 0 : i32
      %dma_start3A_34 = tpu.memref_slice %arg3[%add3A, %run_scoped3A_3, %dma_start3A_32, %dma_start3A_33] : memref<32x2x40x128xi32, #tpu.memory_space<hbm>> -> memref<1x1x40x128xi32, #tpu.memory_space<hbm>>
      %dma_start3A_35 = tpu.memref_squeeze %dma_start3A_34 : memref<1x1x40x128xi32, #tpu.memory_space<hbm>> -> memref<40x128xi32, #tpu.memory_space<hbm>>
      %dma_start3A_36 = arith.constant 0 : i32
      %dma_start3A_37 = arith.constant 0 : i32
      %dma_start3A_38 = tpu.memref_slice %arg3[%add3A, %run_scoped3A_3, %dma_start3A_36, %dma_start3A_37] : memref<32x2x40x128xi32, #tpu.memory_space<hbm>> -> memref<1x1x40x128xi32, #tpu.memory_space<hbm>>
      %dma_start3A_39 = tpu.memref_squeeze %dma_start3A_38 : memref<1x1x40x128xi32, #tpu.memory_space<hbm>> -> memref<40x128xi32, #tpu.memory_space<hbm>>
      tpu.enqueue_dma source(%dma_start3A_39 : memref<40x128xi32, #tpu.memory_space<hbm>>) target(%arg7 : memref<40x128xi32, #tpu.memory_space<vmem>>) target_semaphore(%run_scoped3A_31 : memref<!tpu.dma_semaphore, #tpu.memory_space<semaphore_mem>>)
      %dma_wait3A = arith.constant 0 : i32
      %dma_wait3A_40 = arith.constant 0 : i32
      %dma_wait3A_41 = tpu.memref_slice %arg3[%add3A, %run_scoped3A_3, %dma_wait3A, %dma_wait3A_40] : memref<32x2x40x128xi32, #tpu.memory_space<hbm>> -> memref<1x1x40x128xi32, #tpu.memory_space<hbm>>
      %dma_wait3A_42 = tpu.memref_squeeze %dma_wait3A_41 : memref<1x1x40x128xi32, #tpu.memory_space<hbm>> -> memref<40x128xi32, #tpu.memory_space<hbm>>
      %dma_wait3A_43 = arith.constant 0 : i32
      %dma_wait3A_44 = arith.constant 0 : i32
      %dma_wait3A_45 = tpu.memref_slice %arg3[%add3A, %run_scoped3A_3, %dma_wait3A_43, %dma_wait3A_44] : memref<32x2x40x128xi32, #tpu.memory_space<hbm>> -> memref<1x1x40x128xi32, #tpu.memory_space<hbm>>
      %dma_wait3A_46 = tpu.memref_squeeze %dma_wait3A_45 : memref<1x1x40x128xi32, #tpu.memory_space<hbm>> -> memref<40x128xi32, #tpu.memory_space<hbm>>
      tpu.wait_dma2 semaphore(%run_scoped3A_31 : memref<!tpu.dma_semaphore, #tpu.memory_space<semaphore_mem>>) src(%dma_wait3A_46 : memref<40x128xi32, #tpu.memory_space<hbm>>) dst(%arg7 : memref<40x128xi32, #tpu.memory_space<vmem>>)
      tpu.yield
    }) : () -> ()
    %dma_start3A = arith.constant 0 : i32
    %dma_start3A_4 = arith.constant 0 : i32
    %dma_start3A_5 = tpu.memref_slice %arg6[%dma_start3A, %dma_start3A_4] : memref<40x128xi32, #tpu.memory_space<vmem>> -> memref<1x128xi32, #tpu.memory_space<vmem>>
    %dma_start3A_6 = tpu.memref_squeeze %dma_start3A_5 : memref<1x128xi32, #tpu.memory_space<vmem>> -> memref<128xi32, #tpu.memory_space<vmem>>
    %dma_start3A_7 = arith.constant 0 : i32
    %dma_start3A_8 = arith.constant 0 : i32
    %dma_start3A_9 = tpu.memref_slice %arg4[%dma_start3A_7, %dma_start3A_8] : memref<10112x128xf32, #tpu.memory_space<hbm>> -> memref<10112x128xf32, #tpu.memory_space<hbm>>
    tpu.enqueue_indirect_dma source(%dma_start3A_9 : memref<10112x128xf32, #tpu.memory_space<hbm>>) target(%arg8 : memref<128x128xf32, #tpu.memory_space<vmem>>) offsets(%dma_start3A_6 : memref<128xi32, #tpu.memory_space<vmem>>) semaphore(%arg10 : memref<!tpu.dma_semaphore, #tpu.memory_space<semaphore_mem>>)
    %scan3A = arith.constant 0 : i32
    %scan3A_10 = arith.constant 0 : i32
    %scan3A_11 = arith.constant 20 : i32
    %scan3A_12 = arith.addi %scan3A_10, %scan3A_11 : i32
    %scan3A_13 = arith.constant 1 : i32
    scf.for %scan3A_31 = %scan3A_10 to %scan3A_12 step %scan3A_13  : i32 {
      %mul3A_32 = arith.constant 2 : i32
      %mul3A_33 = arith.muli %mul3A_32, %scan3A_31 : i32
      %add3A_34 = arith.constant 1 : i32
      %add3A_35 = arith.addi %mul3A_33, %add3A_34 : i32
      %dma_start3A_36 = arith.constant 0 : i32
      %dma_start3A_37 = tpu.memref_slice %arg6[%add3A_35, %dma_start3A_36] : memref<40x128xi32, #tpu.memory_space<vmem>> -> memref<1x128xi32, #tpu.memory_space<vmem>>
      %dma_start3A_38 = tpu.memref_squeeze %dma_start3A_37 : memref<1x128xi32, #tpu.memory_space<vmem>> -> memref<128xi32, #tpu.memory_space<vmem>>
      %dma_start3A_39 = arith.constant 0 : i32
      %dma_start3A_40 = arith.constant 0 : i32
      %dma_start3A_41 = tpu.memref_slice %arg4[%dma_start3A_39, %dma_start3A_40] : memref<10112x128xf32, #tpu.memory_space<hbm>> -> memref<10112x128xf32, #tpu.memory_space<hbm>>
      tpu.enqueue_indirect_dma source(%dma_start3A_41 : memref<10112x128xf32, #tpu.memory_space<hbm>>) target(%arg9 : memref<128x128xf32, #tpu.memory_space<vmem>>) offsets(%dma_start3A_38 : memref<128xi32, #tpu.memory_space<vmem>>) semaphore(%arg11 : memref<!tpu.dma_semaphore, #tpu.memory_space<semaphore_mem>>)
      %dma_wait3A = arith.constant 0 : i32
      %dma_wait3A_42 = arith.constant 0 : i32
      %dma_wait3A_43 = tpu.memref_slice %arg6[%dma_wait3A, %dma_wait3A_42] : memref<40x128xi32, #tpu.memory_space<vmem>> -> memref<1x128xi32, #tpu.memory_space<vmem>>
      %dma_wait3A_44 = tpu.memref_squeeze %dma_wait3A_43 : memref<1x128xi32, #tpu.memory_space<vmem>> -> memref<128xi32, #tpu.memory_space<vmem>>
      %dma_wait3A_45 = arith.constant 0 : i32
      %dma_wait3A_46 = arith.constant 0 : i32
      %dma_wait3A_47 = tpu.memref_slice %arg4[%dma_wait3A_45, %dma_wait3A_46] : memref<10112x128xf32, #tpu.memory_space<hbm>> -> memref<10112x128xf32, #tpu.memory_space<hbm>>
      tpu.wait_indirect_dma semaphore(%arg10 : memref<!tpu.dma_semaphore, #tpu.memory_space<semaphore_mem>>) src(%dma_wait3A_47 : memref<10112x128xf32, #tpu.memory_space<hbm>>) dst(%arg8 : memref<128x128xf32, #tpu.memory_space<vmem>>)
      %mul3A_48 = arith.constant 2 : i32
      %mul3A_49 = arith.muli %mul3A_48, %scan3A_31 : i32
      "tpu.region"() ({
        %run_scoped3A_63 = tpu.sem_alloc : memref<!tpu.dma_semaphore, #tpu.memory_space<semaphore_mem>>
        %dma_start3A_64 = arith.constant 0 : i32
        %dma_start3A_65 = tpu.memref_slice %arg7[%mul3A_49, %dma_start3A_64] : memref<40x128xi32, #tpu.memory_space<vmem>> -> memref<1x128xi32, #tpu.memory_space<vmem>>
        %dma_start3A_66 = tpu.memref_squeeze %dma_start3A_65 : memref<1x128xi32, #tpu.memory_space<vmem>> -> memref<128xi32, #tpu.memory_space<vmem>>
        %dma_start3A_67 = arith.constant 0 : i32
        %dma_start3A_68 = arith.constant 0 : i32
        %dma_start3A_69 = tpu.memref_slice %arg12[%dma_start3A_67, %dma_start3A_68] : memref<10112x128xf32, #tpu.memory_space<vmem_shared>> -> memref<10112x128xf32, #tpu.memory_space<vmem_shared>>
        tpu.enqueue_indirect_dma source(%arg8 : memref<128x128xf32, #tpu.memory_space<vmem>>) target(%dma_start3A_69 : memref<10112x128xf32, #tpu.memory_space<vmem_shared>>) offsets(%dma_start3A_66 : memref<128xi32, #tpu.memory_space<vmem>>) semaphore(%run_scoped3A_63 : memref<!tpu.dma_semaphore, #tpu.memory_space<semaphore_mem>>) {add = true}
        %dma_wait3A_70 = arith.constant 0 : i32
        %dma_wait3A_71 = tpu.memref_slice %arg7[%mul3A_49, %dma_wait3A_70] : memref<40x128xi32, #tpu.memory_space<vmem>> -> memref<1x128xi32, #tpu.memory_space<vmem>>
        %dma_wait3A_72 = tpu.memref_squeeze %dma_wait3A_71 : memref<1x128xi32, #tpu.memory_space<vmem>> -> memref<128xi32, #tpu.memory_space<vmem>>
        %dma_wait3A_73 = arith.constant 0 : i32
        %dma_wait3A_74 = arith.constant 0 : i32
        %dma_wait3A_75 = tpu.memref_slice %arg12[%dma_wait3A_73, %dma_wait3A_74] : memref<10112x128xf32, #tpu.memory_space<vmem_shared>> -> memref<10112x128xf32, #tpu.memory_space<vmem_shared>>
        tpu.wait_indirect_dma semaphore(%run_scoped3A_63 : memref<!tpu.dma_semaphore, #tpu.memory_space<semaphore_mem>>) src(%arg8 : memref<128x128xf32, #tpu.memory_space<vmem>>) dst(%dma_wait3A_75 : memref<10112x128xf32, #tpu.memory_space<vmem_shared>>)
        tpu.yield
      }) : () -> ()
      %lt3A = arith.constant 19 : i32
      %lt3A_50 = arith.cmpi slt, %scan3A_31, %lt3A : i32
      %convert_element_type3A = arith.extui %lt3A_50 : i1 to i32
      %cond3A = arith.constant 0 : i32
      %cond3A_51 = arith.cmpi ne, %convert_element_type3A, %cond3A : i32
      scf.if %cond3A_51 {
        %mul3A_63 = arith.constant 2 : i32
        %mul3A_64 = arith.muli %mul3A_63, %scan3A_31 : i32
        %add3A_65 = arith.constant 2 : i32
        %add3A_66 = arith.addi %mul3A_64, %add3A_65 : i32
        %dma_start3A_67 = arith.constant 0 : i32
        %dma_start3A_68 = tpu.memref_slice %arg6[%add3A_66, %dma_start3A_67] : memref<40x128xi32, #tpu.memory_space<vmem>> -> memref<1x128xi32, #tpu.memory_space<vmem>>
        %dma_start3A_69 = tpu.memref_squeeze %dma_start3A_68 : memref<1x128xi32, #tpu.memory_space<vmem>> -> memref<128xi32, #tpu.memory_space<vmem>>
        %dma_start3A_70 = arith.constant 0 : i32
        %dma_start3A_71 = arith.constant 0 : i32
        %dma_start3A_72 = tpu.memref_slice %arg4[%dma_start3A_70, %dma_start3A_71] : memref<10112x128xf32, #tpu.memory_space<hbm>> -> memref<10112x128xf32, #tpu.memory_space<hbm>>
        tpu.enqueue_indirect_dma source(%dma_start3A_72 : memref<10112x128xf32, #tpu.memory_space<hbm>>) target(%arg8 : memref<128x128xf32, #tpu.memory_space<vmem>>) offsets(%dma_start3A_69 : memref<128xi32, #tpu.memory_space<vmem>>) semaphore(%arg10 : memref<!tpu.dma_semaphore, #tpu.memory_space<semaphore_mem>>)
      } else {
      }
      %dma_wait3A_52 = arith.constant 0 : i32
      %dma_wait3A_53 = arith.constant 0 : i32
      %dma_wait3A_54 = tpu.memref_slice %arg6[%dma_wait3A_52, %dma_wait3A_53] : memref<40x128xi32, #tpu.memory_space<vmem>> -> memref<1x128xi32, #tpu.memory_space<vmem>>
      %dma_wait3A_55 = tpu.memref_squeeze %dma_wait3A_54 : memref<1x128xi32, #tpu.memory_space<vmem>> -> memref<128xi32, #tpu.memory_space<vmem>>
      %dma_wait3A_56 = arith.constant 0 : i32
      %dma_wait3A_57 = arith.constant 0 : i32
      %dma_wait3A_58 = tpu.memref_slice %arg4[%dma_wait3A_56, %dma_wait3A_57] : memref<10112x128xf32, #tpu.memory_space<hbm>> -> memref<10112x128xf32, #tpu.memory_space<hbm>>
      tpu.wait_indirect_dma semaphore(%arg11 : memref<!tpu.dma_semaphore, #tpu.memory_space<semaphore_mem>>) src(%dma_wait3A_58 : memref<10112x128xf32, #tpu.memory_space<hbm>>) dst(%arg9 : memref<128x128xf32, #tpu.memory_space<vmem>>)
      %mul3A_59 = arith.constant 2 : i32
      %mul3A_60 = arith.muli %mul3A_59, %scan3A_31 : i32
      %add3A_61 = arith.constant 1 : i32
      %add3A_62 = arith.addi %mul3A_60, %add3A_61 : i32
      "tpu.region"() ({
        %run_scoped3A_63 = tpu.sem_alloc : memref<!tpu.dma_semaphore, #tpu.memory_space<semaphore_mem>>
        %dma_start3A_64 = arith.constant 0 : i32
        %dma_start3A_65 = tpu.memref_slice %arg7[%add3A_62, %dma_start3A_64] : memref<40x128xi32, #tpu.memory_space<vmem>> -> memref<1x128xi32, #tpu.memory_space<vmem>>
        %dma_start3A_66 = tpu.memref_squeeze %dma_start3A_65 : memref<1x128xi32, #tpu.memory_space<vmem>> -> memref<128xi32, #tpu.memory_space<vmem>>
        %dma_start3A_67 = arith.constant 0 : i32
        %dma_start3A_68 = arith.constant 0 : i32
        %dma_start3A_69 = tpu.memref_slice %arg12[%dma_start3A_67, %dma_start3A_68] : memref<10112x128xf32, #tpu.memory_space<vmem_shared>> -> memref<10112x128xf32, #tpu.memory_space<vmem_shared>>
        tpu.enqueue_indirect_dma source(%arg9 : memref<128x128xf32, #tpu.memory_space<vmem>>) target(%dma_start3A_69 : memref<10112x128xf32, #tpu.memory_space<vmem_shared>>) offsets(%dma_start3A_66 : memref<128xi32, #tpu.memory_space<vmem>>) semaphore(%run_scoped3A_63 : memref<!tpu.dma_semaphore, #tpu.memory_space<semaphore_mem>>) {add = true}
        %dma_wait3A_70 = arith.constant 0 : i32
        %dma_wait3A_71 = tpu.memref_slice %arg7[%add3A_62, %dma_wait3A_70] : memref<40x128xi32, #tpu.memory_space<vmem>> -> memref<1x128xi32, #tpu.memory_space<vmem>>
        %dma_wait3A_72 = tpu.memref_squeeze %dma_wait3A_71 : memref<1x128xi32, #tpu.memory_space<vmem>> -> memref<128xi32, #tpu.memory_space<vmem>>
        %dma_wait3A_73 = arith.constant 0 : i32
        %dma_wait3A_74 = arith.constant 0 : i32
        %dma_wait3A_75 = tpu.memref_slice %arg12[%dma_wait3A_73, %dma_wait3A_74] : memref<10112x128xf32, #tpu.memory_space<vmem_shared>> -> memref<10112x128xf32, #tpu.memory_space<vmem_shared>>
        tpu.wait_indirect_dma semaphore(%run_scoped3A_63 : memref<!tpu.dma_semaphore, #tpu.memory_space<semaphore_mem>>) src(%arg9 : memref<128x128xf32, #tpu.memory_space<vmem>>) dst(%dma_wait3A_75 : memref<10112x128xf32, #tpu.memory_space<vmem_shared>>)
        tpu.yield
      }) : () -> ()
    }
    %scan3A_14 = arith.constant 20 : i32
    %run_scoped3A_15 = arith.constant 1 : i32
    "tpu.region"() ({
      %run_scoped3A_31 = tpu.sem_alloc : memref<!tpu.dma_semaphore, #tpu.memory_space<semaphore_mem>>
      %dma_start3A_32 = arith.constant 0 : i32
      %dma_start3A_33 = arith.constant 0 : i32
      %dma_start3A_34 = tpu.memref_slice %arg2[%add3A, %run_scoped3A_15, %dma_start3A_32, %dma_start3A_33] : memref<32x2x40x128xi32, #tpu.memory_space<hbm>> -> memref<1x1x40x128xi32, #tpu.memory_space<hbm>>
      %dma_start3A_35 = tpu.memref_squeeze %dma_start3A_34 : memref<1x1x40x128xi32, #tpu.memory_space<hbm>> -> memref<40x128xi32, #tpu.memory_space<hbm>>
      %dma_start3A_36 = arith.constant 0 : i32
      %dma_start3A_37 = arith.constant 0 : i32
      %dma_start3A_38 = tpu.memref_slice %arg2[%add3A, %run_scoped3A_15, %dma_start3A_36, %dma_start3A_37] : memref<32x2x40x128xi32, #tpu.memory_space<hbm>> -> memref<1x1x40x128xi32, #tpu.memory_space<hbm>>
      %dma_start3A_39 = tpu.memref_squeeze %dma_start3A_38 : memref<1x1x40x128xi32, #tpu.memory_space<hbm>> -> memref<40x128xi32, #tpu.memory_space<hbm>>
      tpu.enqueue_dma source(%dma_start3A_39 : memref<40x128xi32, #tpu.memory_space<hbm>>) target(%arg6 : memref<40x128xi32, #tpu.memory_space<vmem>>) target_semaphore(%run_scoped3A_31 : memref<!tpu.dma_semaphore, #tpu.memory_space<semaphore_mem>>)
      %dma_wait3A = arith.constant 0 : i32
      %dma_wait3A_40 = arith.constant 0 : i32
      %dma_wait3A_41 = tpu.memref_slice %arg2[%add3A, %run_scoped3A_15, %dma_wait3A, %dma_wait3A_40] : memref<32x2x40x128xi32, #tpu.memory_space<hbm>> -> memref<1x1x40x128xi32, #tpu.memory_space<hbm>>
      %dma_wait3A_42 = tpu.memref_squeeze %dma_wait3A_41 : memref<1x1x40x128xi32, #tpu.memory_space<hbm>> -> memref<40x128xi32, #tpu.memory_space<hbm>>
      %dma_wait3A_43 = arith.constant 0 : i32
      %dma_wait3A_44 = arith.constant 0 : i32
      %dma_wait3A_45 = tpu.memref_slice %arg2[%add3A, %run_scoped3A_15, %dma_wait3A_43, %dma_wait3A_44] : memref<32x2x40x128xi32, #tpu.memory_space<hbm>> -> memref<1x1x40x128xi32, #tpu.memory_space<hbm>>
      %dma_wait3A_46 = tpu.memref_squeeze %dma_wait3A_45 : memref<1x1x40x128xi32, #tpu.memory_space<hbm>> -> memref<40x128xi32, #tpu.memory_space<hbm>>
      tpu.wait_dma2 semaphore(%run_scoped3A_31 : memref<!tpu.dma_semaphore, #tpu.memory_space<semaphore_mem>>) src(%dma_wait3A_46 : memref<40x128xi32, #tpu.memory_space<hbm>>) dst(%arg6 : memref<40x128xi32, #tpu.memory_space<vmem>>)
      tpu.yield
    }) : () -> ()
    %run_scoped3A_16 = arith.constant 1 : i32
    "tpu.region"() ({
      %run_scoped3A_31 = tpu.sem_alloc : memref<!tpu.dma_semaphore, #tpu.memory_space<semaphore_mem>>
      %dma_start3A_32 = arith.constant 0 : i32
      %dma_start3A_33 = arith.constant 0 : i32
      %dma_start3A_34 = tpu.memref_slice %arg3[%add3A, %run_scoped3A_16, %dma_start3A_32, %dma_start3A_33] : memref<32x2x40x128xi32, #tpu.memory_space<hbm>> -> memref<1x1x40x128xi32, #tpu.memory_space<hbm>>
      %dma_start3A_35 = tpu.memref_squeeze %dma_start3A_34 : memref<1x1x40x128xi32, #tpu.memory_space<hbm>> -> memref<40x128xi32, #tpu.memory_space<hbm>>
      %dma_start3A_36 = arith.constant 0 : i32
      %dma_start3A_37 = arith.constant 0 : i32
      %dma_start3A_38 = tpu.memref_slice %arg3[%add3A, %run_scoped3A_16, %dma_start3A_36, %dma_start3A_37] : memref<32x2x40x128xi32, #tpu.memory_space<hbm>> -> memref<1x1x40x128xi32, #tpu.memory_space<hbm>>
      %dma_start3A_39 = tpu.memref_squeeze %dma_start3A_38 : memref<1x1x40x128xi32, #tpu.memory_space<hbm>> -> memref<40x128xi32, #tpu.memory_space<hbm>>
      tpu.enqueue_dma source(%dma_start3A_39 : memref<40x128xi32, #tpu.memory_space<hbm>>) target(%arg7 : memref<40x128xi32, #tpu.memory_space<vmem>>) target_semaphore(%run_scoped3A_31 : memref<!tpu.dma_semaphore, #tpu.memory_space<semaphore_mem>>)
      %dma_wait3A = arith.constant 0 : i32
      %dma_wait3A_40 = arith.constant 0 : i32
      %dma_wait3A_41 = tpu.memref_slice %arg3[%add3A, %run_scoped3A_16, %dma_wait3A, %dma_wait3A_40] : memref<32x2x40x128xi32, #tpu.memory_space<hbm>> -> memref<1x1x40x128xi32, #tpu.memory_space<hbm>>
      %dma_wait3A_42 = tpu.memref_squeeze %dma_wait3A_41 : memref<1x1x40x128xi32, #tpu.memory_space<hbm>> -> memref<40x128xi32, #tpu.memory_space<hbm>>
      %dma_wait3A_43 = arith.constant 0 : i32
      %dma_wait3A_44 = arith.constant 0 : i32
      %dma_wait3A_45 = tpu.memref_slice %arg3[%add3A, %run_scoped3A_16, %dma_wait3A_43, %dma_wait3A_44] : memref<32x2x40x128xi32, #tpu.memory_space<hbm>> -> memref<1x1x40x128xi32, #tpu.memory_space<hbm>>
      %dma_wait3A_46 = tpu.memref_squeeze %dma_wait3A_45 : memref<1x1x40x128xi32, #tpu.memory_space<hbm>> -> memref<40x128xi32, #tpu.memory_space<hbm>>
      tpu.wait_dma2 semaphore(%run_scoped3A_31 : memref<!tpu.dma_semaphore, #tpu.memory_space<semaphore_mem>>) src(%dma_wait3A_46 : memref<40x128xi32, #tpu.memory_space<hbm>>) dst(%arg7 : memref<40x128xi32, #tpu.memory_space<vmem>>)
      tpu.yield
    }) : () -> ()
    %dma_start3A_17 = arith.constant 0 : i32
    %dma_start3A_18 = arith.constant 0 : i32
    %dma_start3A_19 = tpu.memref_slice %arg6[%dma_start3A_17, %dma_start3A_18] : memref<40x128xi32, #tpu.memory_space<vmem>> -> memref<1x128xi32, #tpu.memory_space<vmem>>
    %dma_start3A_20 = tpu.memref_squeeze %dma_start3A_19 : memref<1x128xi32, #tpu.memory_space<vmem>> -> memref<128xi32, #tpu.memory_space<vmem>>
    %dma_start3A_21 = arith.constant 0 : i32
    %dma_start3A_22 = arith.constant 0 : i32
    %dma_start3A_23 = tpu.memref_slice %arg4[%dma_start3A_21, %dma_start3A_22] : memref<10112x128xf32, #tpu.memory_space<hbm>> -> memref<10112x128xf32, #tpu.memory_space<hbm>>
    tpu.enqueue_indirect_dma source(%dma_start3A_23 : memref<10112x128xf32, #tpu.memory_space<hbm>>) target(%arg8 : memref<128x128xf32, #tpu.memory_space<vmem>>) offsets(%dma_start3A_20 : memref<128xi32, #tpu.memory_space<vmem>>) semaphore(%arg10 : memref<!tpu.dma_semaphore, #tpu.memory_space<semaphore_mem>>)
    %scan3A_24 = arith.constant 0 : i32
    %scan3A_25 = arith.constant 0 : i32
    %scan3A_26 = arith.constant 20 : i32
    %scan3A_27 = arith.addi %scan3A_25, %scan3A_26 : i32
    %scan3A_28 = arith.constant 1 : i32
    scf.for %scan3A_31 = %scan3A_25 to %scan3A_27 step %scan3A_28  : i32 {
      %mul3A_32 = arith.constant 2 : i32
      %mul3A_33 = arith.muli %mul3A_32, %scan3A_31 : i32
      %add3A_34 = arith.constant 1 : i32
      %add3A_35 = arith.addi %mul3A_33, %add3A_34 : i32
      %dma_start3A_36 = arith.constant 0 : i32
      %dma_start3A_37 = tpu.memref_slice %arg6[%add3A_35, %dma_start3A_36] : memref<40x128xi32, #tpu.memory_space<vmem>> -> memref<1x128xi32, #tpu.memory_space<vmem>>
      %dma_start3A_38 = tpu.memref_squeeze %dma_start3A_37 : memref<1x128xi32, #tpu.memory_space<vmem>> -> memref<128xi32, #tpu.memory_space<vmem>>
      %dma_start3A_39 = arith.constant 0 : i32
      %dma_start3A_40 = arith.constant 0 : i32
      %dma_start3A_41 = tpu.memref_slice %arg4[%dma_start3A_39, %dma_start3A_40] : memref<10112x128xf32, #tpu.memory_space<hbm>> -> memref<10112x128xf32, #tpu.memory_space<hbm>>
      tpu.enqueue_indirect_dma source(%dma_start3A_41 : memref<10112x128xf32, #tpu.memory_space<hbm>>) target(%arg9 : memref<128x128xf32, #tpu.memory_space<vmem>>) offsets(%dma_start3A_38 : memref<128xi32, #tpu.memory_space<vmem>>) semaphore(%arg11 : memref<!tpu.dma_semaphore, #tpu.memory_space<semaphore_mem>>)
      %dma_wait3A = arith.constant 0 : i32
      %dma_wait3A_42 = arith.constant 0 : i32
      %dma_wait3A_43 = tpu.memref_slice %arg6[%dma_wait3A, %dma_wait3A_42] : memref<40x128xi32, #tpu.memory_space<vmem>> -> memref<1x128xi32, #tpu.memory_space<vmem>>
      %dma_wait3A_44 = tpu.memref_squeeze %dma_wait3A_43 : memref<1x128xi32, #tpu.memory_space<vmem>> -> memref<128xi32, #tpu.memory_space<vmem>>
      %dma_wait3A_45 = arith.constant 0 : i32
      %dma_wait3A_46 = arith.constant 0 : i32
      %dma_wait3A_47 = tpu.memref_slice %arg4[%dma_wait3A_45, %dma_wait3A_46] : memref<10112x128xf32, #tpu.memory_space<hbm>> -> memref<10112x128xf32, #tpu.memory_space<hbm>>
      tpu.wait_indirect_dma semaphore(%arg10 : memref<!tpu.dma_semaphore, #tpu.memory_space<semaphore_mem>>) src(%dma_wait3A_47 : memref<10112x128xf32, #tpu.memory_space<hbm>>) dst(%arg8 : memref<128x128xf32, #tpu.memory_space<vmem>>)
      %mul3A_48 = arith.constant 2 : i32
      %mul3A_49 = arith.muli %mul3A_48, %scan3A_31 : i32
      "tpu.region"() ({
        %run_scoped3A_63 = tpu.sem_alloc : memref<!tpu.dma_semaphore, #tpu.memory_space<semaphore_mem>>
        %dma_start3A_64 = arith.constant 0 : i32
        %dma_start3A_65 = tpu.memref_slice %arg7[%mul3A_49, %dma_start3A_64] : memref<40x128xi32, #tpu.memory_space<vmem>> -> memref<1x128xi32, #tpu.memory_space<vmem>>
        %dma_start3A_66 = tpu.memref_squeeze %dma_start3A_65 : memref<1x128xi32, #tpu.memory_space<vmem>> -> memref<128xi32, #tpu.memory_space<vmem>>
        %dma_start3A_67 = arith.constant 0 : i32
        %dma_start3A_68 = arith.constant 0 : i32
        %dma_start3A_69 = tpu.memref_slice %arg12[%dma_start3A_67, %dma_start3A_68] : memref<10112x128xf32, #tpu.memory_space<vmem_shared>> -> memref<10112x128xf32, #tpu.memory_space<vmem_shared>>
        tpu.enqueue_indirect_dma source(%arg8 : memref<128x128xf32, #tpu.memory_space<vmem>>) target(%dma_start3A_69 : memref<10112x128xf32, #tpu.memory_space<vmem_shared>>) offsets(%dma_start3A_66 : memref<128xi32, #tpu.memory_space<vmem>>) semaphore(%run_scoped3A_63 : memref<!tpu.dma_semaphore, #tpu.memory_space<semaphore_mem>>) {add = true}
        %dma_wait3A_70 = arith.constant 0 : i32
        %dma_wait3A_71 = tpu.memref_slice %arg7[%mul3A_49, %dma_wait3A_70] : memref<40x128xi32, #tpu.memory_space<vmem>> -> memref<1x128xi32, #tpu.memory_space<vmem>>
        %dma_wait3A_72 = tpu.memref_squeeze %dma_wait3A_71 : memref<1x128xi32, #tpu.memory_space<vmem>> -> memref<128xi32, #tpu.memory_space<vmem>>
        %dma_wait3A_73 = arith.constant 0 : i32
        %dma_wait3A_74 = arith.constant 0 : i32
        %dma_wait3A_75 = tpu.memref_slice %arg12[%dma_wait3A_73, %dma_wait3A_74] : memref<10112x128xf32, #tpu.memory_space<vmem_shared>> -> memref<10112x128xf32, #tpu.memory_space<vmem_shared>>
        tpu.wait_indirect_dma semaphore(%run_scoped3A_63 : memref<!tpu.dma_semaphore, #tpu.memory_space<semaphore_mem>>) src(%arg8 : memref<128x128xf32, #tpu.memory_space<vmem>>) dst(%dma_wait3A_75 : memref<10112x128xf32, #tpu.memory_space<vmem_shared>>)
        tpu.yield
      }) : () -> ()
      %lt3A = arith.constant 19 : i32
      %lt3A_50 = arith.cmpi slt, %scan3A_31, %lt3A : i32
      %convert_element_type3A = arith.extui %lt3A_50 : i1 to i32
      %cond3A = arith.constant 0 : i32
      %cond3A_51 = arith.cmpi ne, %convert_element_type3A, %cond3A : i32
      scf.if %cond3A_51 {
        %mul3A_63 = arith.constant 2 : i32
        %mul3A_64 = arith.muli %mul3A_63, %scan3A_31 : i32
        %add3A_65 = arith.constant 2 : i32
        %add3A_66 = arith.addi %mul3A_64, %add3A_65 : i32
        %dma_start3A_67 = arith.constant 0 : i32
        %dma_start3A_68 = tpu.memref_slice %arg6[%add3A_66, %dma_start3A_67] : memref<40x128xi32, #tpu.memory_space<vmem>> -> memref<1x128xi32, #tpu.memory_space<vmem>>
        %dma_start3A_69 = tpu.memref_squeeze %dma_start3A_68 : memref<1x128xi32, #tpu.memory_space<vmem>> -> memref<128xi32, #tpu.memory_space<vmem>>
        %dma_start3A_70 = arith.constant 0 : i32
        %dma_start3A_71 = arith.constant 0 : i32
        %dma_start3A_72 = tpu.memref_slice %arg4[%dma_start3A_70, %dma_start3A_71] : memref<10112x128xf32, #tpu.memory_space<hbm>> -> memref<10112x128xf32, #tpu.memory_space<hbm>>
        tpu.enqueue_indirect_dma source(%dma_start3A_72 : memref<10112x128xf32, #tpu.memory_space<hbm>>) target(%arg8 : memref<128x128xf32, #tpu.memory_space<vmem>>) offsets(%dma_start3A_69 : memref<128xi32, #tpu.memory_space<vmem>>) semaphore(%arg10 : memref<!tpu.dma_semaphore, #tpu.memory_space<semaphore_mem>>)
      } else {
      }
      %dma_wait3A_52 = arith.constant 0 : i32
      %dma_wait3A_53 = arith.constant 0 : i32
      %dma_wait3A_54 = tpu.memref_slice %arg6[%dma_wait3A_52, %dma_wait3A_53] : memref<40x128xi32, #tpu.memory_space<vmem>> -> memref<1x128xi32, #tpu.memory_space<vmem>>
      %dma_wait3A_55 = tpu.memref_squeeze %dma_wait3A_54 : memref<1x128xi32, #tpu.memory_space<vmem>> -> memref<128xi32, #tpu.memory_space<vmem>>
      %dma_wait3A_56 = arith.constant 0 : i32
      %dma_wait3A_57 = arith.constant 0 : i32
      %dma_wait3A_58 = tpu.memref_slice %arg4[%dma_wait3A_56, %dma_wait3A_57] : memref<10112x128xf32, #tpu.memory_space<hbm>> -> memref<10112x128xf32, #tpu.memory_space<hbm>>
      tpu.wait_indirect_dma semaphore(%arg11 : memref<!tpu.dma_semaphore, #tpu.memory_space<semaphore_mem>>) src(%dma_wait3A_58 : memref<10112x128xf32, #tpu.memory_space<hbm>>) dst(%arg9 : memref<128x128xf32, #tpu.memory_space<vmem>>)
      %mul3A_59 = arith.constant 2 : i32
      %mul3A_60 = arith.muli %mul3A_59, %scan3A_31 : i32
      %add3A_61 = arith.constant 1 : i32
      %add3A_62 = arith.addi %mul3A_60, %add3A_61 : i32
      "tpu.region"() ({
        %run_scoped3A_63 = tpu.sem_alloc : memref<!tpu.dma_semaphore, #tpu.memory_space<semaphore_mem>>
        %dma_start3A_64 = arith.constant 0 : i32
        %dma_start3A_65 = tpu.memref_slice %arg7[%add3A_62, %dma_start3A_64] : memref<40x128xi32, #tpu.memory_space<vmem>> -> memref<1x128xi32, #tpu.memory_space<vmem>>
        %dma_start3A_66 = tpu.memref_squeeze %dma_start3A_65 : memref<1x128xi32, #tpu.memory_space<vmem>> -> memref<128xi32, #tpu.memory_space<vmem>>
        %dma_start3A_67 = arith.constant 0 : i32
        %dma_start3A_68 = arith.constant 0 : i32
        %dma_start3A_69 = tpu.memref_slice %arg12[%dma_start3A_67, %dma_start3A_68] : memref<10112x128xf32, #tpu.memory_space<vmem_shared>> -> memref<10112x128xf32, #tpu.memory_space<vmem_shared>>
        tpu.enqueue_indirect_dma source(%arg9 : memref<128x128xf32, #tpu.memory_space<vmem>>) target(%dma_start3A_69 : memref<10112x128xf32, #tpu.memory_space<vmem_shared>>) offsets(%dma_start3A_66 : memref<128xi32, #tpu.memory_space<vmem>>) semaphore(%run_scoped3A_63 : memref<!tpu.dma_semaphore, #tpu.memory_space<semaphore_mem>>) {add = true}
        %dma_wait3A_70 = arith.constant 0 : i32
        %dma_wait3A_71 = tpu.memref_slice %arg7[%add3A_62, %dma_wait3A_70] : memref<40x128xi32, #tpu.memory_space<vmem>> -> memref<1x128xi32, #tpu.memory_space<vmem>>
        %dma_wait3A_72 = tpu.memref_squeeze %dma_wait3A_71 : memref<1x128xi32, #tpu.memory_space<vmem>> -> memref<128xi32, #tpu.memory_space<vmem>>
        %dma_wait3A_73 = arith.constant 0 : i32
        %dma_wait3A_74 = arith.constant 0 : i32
        %dma_wait3A_75 = tpu.memref_slice %arg12[%dma_wait3A_73, %dma_wait3A_74] : memref<10112x128xf32, #tpu.memory_space<vmem_shared>> -> memref<10112x128xf32, #tpu.memory_space<vmem_shared>>
        tpu.wait_indirect_dma semaphore(%run_scoped3A_63 : memref<!tpu.dma_semaphore, #tpu.memory_space<semaphore_mem>>) src(%arg9 : memref<128x128xf32, #tpu.memory_space<vmem>>) dst(%dma_wait3A_75 : memref<10112x128xf32, #tpu.memory_space<vmem_shared>>)
        tpu.yield
      }) : () -> ()
    }
    %scan3A_29 = arith.constant 20 : i32
    %barrier3A_30 = arith.constant 0 : index
    tpu.barrier barrier_id(%barrier3A_30)
    "tpu.region"() ({
      %run_scoped3A_31 = tpu.sem_alloc : memref<!tpu.dma_semaphore, #tpu.memory_space<semaphore_mem>>
      %dma_start3A_32 = arith.constant 0 : i32
      %dma_start3A_33 = tpu.memref_slice %arg5[%arg0, %mul3A_2, %dma_start3A_32] : memref<2x10112x128xf32, #tpu.memory_space<hbm>> -> memref<1x632x128xf32, #tpu.memory_space<hbm>>
      %dma_start3A_34 = tpu.memref_squeeze %dma_start3A_33 : memref<1x632x128xf32, #tpu.memory_space<hbm>> -> memref<632x128xf32, #tpu.memory_space<hbm>>
      %dma_start3A_35 = arith.constant 0 : i32
      %dma_start3A_36 = tpu.memref_slice %arg12[%mul3A_2, %dma_start3A_35] : memref<10112x128xf32, #tpu.memory_space<vmem_shared>> -> memref<632x128xf32, #tpu.memory_space<vmem_shared>>
      tpu.enqueue_dma source(%dma_start3A_36 : memref<632x128xf32, #tpu.memory_space<vmem_shared>>) target(%dma_start3A_34 : memref<632x128xf32, #tpu.memory_space<hbm>>) target_semaphore(%run_scoped3A_31 : memref<!tpu.dma_semaphore, #tpu.memory_space<semaphore_mem>>)
      %dma_wait3A = arith.constant 0 : i32
      %dma_wait3A_37 = tpu.memref_slice %arg5[%arg0, %mul3A_2, %dma_wait3A] : memref<2x10112x128xf32, #tpu.memory_space<hbm>> -> memref<1x632x128xf32, #tpu.memory_space<hbm>>
      %dma_wait3A_38 = tpu.memref_squeeze %dma_wait3A_37 : memref<1x632x128xf32, #tpu.memory_space<hbm>> -> memref<632x128xf32, #tpu.memory_space<hbm>>
      %dma_wait3A_39 = arith.constant 0 : i32
      %dma_wait3A_40 = tpu.memref_slice %arg12[%mul3A_2, %dma_wait3A_39] : memref<10112x128xf32, #tpu.memory_space<vmem_shared>> -> memref<632x128xf32, #tpu.memory_space<vmem_shared>>
      tpu.wait_dma2 semaphore(%run_scoped3A_31 : memref<!tpu.dma_semaphore, #tpu.memory_space<semaphore_mem>>) src(%dma_wait3A_40 : memref<632x128xf32, #tpu.memory_space<vmem_shared>>) dst(%dma_wait3A_38 : memref<632x128xf32, #tpu.memory_space<hbm>>)
      tpu.yield
    }) : () -> ()
    return
  }
}

#map = affine_map<(d0, d1) -> (0, 0, 0, 0)>
#map1 = affine_map<(d0, d1) -> (0, 0)>
#map2 = affine_map<(d0, d1) -> (0, 0, 0)>
module attributes {stable_mosaic.version = 14 : i64} {
  func.func @_sc_prop_body(%arg0: i32, %arg1: i32, %arg2: memref<32x2x40x128xi32, #tpu.memory_space<hbm>>, %arg3: memref<32x2x40x128xi32, #tpu.memory_space<hbm>>, %arg4: memref<10112x128xf32, #tpu.memory_space<hbm>>, %arg5: memref<2x10112x128xf32, #tpu.memory_space<hbm>>, %arg6: memref<40x128xi32, #tpu.memory_space<vmem>>, %arg7: memref<40x128xi32, #tpu.memory_space<vmem>>, %arg8: memref<128x128xf32, #tpu.memory_space<vmem>>, %arg9: memref<128x128xf32, #tpu.memory_space<vmem>>, %arg10: memref<!tpu.dma_semaphore, #tpu.memory_space<semaphore_mem>>, %arg11: memref<!tpu.dma_semaphore, #tpu.memory_space<semaphore_mem>>, %arg12: memref<10112x128xf32, #tpu.memory_space<vmem_shared>>) attributes {dimension_semantics = [#tpu.dimension_semantics<core_parallel>, #tpu.dimension_semantics<subcore_parallel>], iteration_bounds = array<i64: 2, 16>, scalar_prefetch = 0 : i64, scratch_operands = 7 : i64, tpu.core_type = #tpu.core_type<sc_vector_subcore>, window_params = [{transform_indices = #map}, {transform_indices = #map}, {transform_indices = #map1}, {transform_indices = #map2}]} {
    %mul3A = arith.constant 16 : i32
    %mul3A_0 = arith.muli %arg0, %mul3A : i32
    %add3A = arith.addi %mul3A_0, %arg1 : i32
    %mul3A_1 = arith.constant 632 : i32
    %mul3A_2 = arith.muli %arg1, %mul3A_1 : i32
    "tpu.region"() ({
      %run_scoped3A_31 = tpu.sem_alloc : memref<!tpu.dma_semaphore, #tpu.memory_space<semaphore_mem>>
      %dma_start3A_32 = arith.constant 0 : i32
      %dma_start3A_33 = tpu.memref_slice %arg12[%mul3A_2, %dma_start3A_32] : memref<10112x128xf32, #tpu.memory_space<vmem_shared>> -> memref<632x128xf32, #tpu.memory_space<vmem_shared>>
      %dma_start3A_34 = arith.constant 0 : i32
      %dma_start3A_35 = tpu.memref_slice %arg4[%mul3A_2, %dma_start3A_34] : memref<10112x128xf32, #tpu.memory_space<hbm>> -> memref<632x128xf32, #tpu.memory_space<hbm>>
      tpu.enqueue_dma source(%dma_start3A_35 : memref<632x128xf32, #tpu.memory_space<hbm>>) target(%dma_start3A_33 : memref<632x128xf32, #tpu.memory_space<vmem_shared>>) target_semaphore(%run_scoped3A_31 : memref<!tpu.dma_semaphore, #tpu.memory_space<semaphore_mem>>)
      %dma_wait3A = arith.constant 0 : i32
      %dma_wait3A_36 = tpu.memref_slice %arg12[%mul3A_2, %dma_wait3A] : memref<10112x128xf32, #tpu.memory_space<vmem_shared>> -> memref<632x128xf32, #tpu.memory_space<vmem_shared>>
      %dma_wait3A_37 = arith.constant 0 : i32
      %dma_wait3A_38 = tpu.memref_slice %arg4[%mul3A_2, %dma_wait3A_37] : memref<10112x128xf32, #tpu.memory_space<hbm>> -> memref<632x128xf32, #tpu.memory_space<hbm>>
      tpu.wait_dma2 semaphore(%run_scoped3A_31 : memref<!tpu.dma_semaphore, #tpu.memory_space<semaphore_mem>>) src(%dma_wait3A_38 : memref<632x128xf32, #tpu.memory_space<hbm>>) dst(%dma_wait3A_36 : memref<632x128xf32, #tpu.memory_space<vmem_shared>>)
      tpu.yield
    }) : () -> ()
    %barrier3A = arith.constant 0 : index
    tpu.barrier barrier_id(%barrier3A)
    %run_scoped3A = arith.constant 0 : i32
    "tpu.region"() ({
      %run_scoped3A_31 = tpu.sem_alloc : memref<!tpu.dma_semaphore, #tpu.memory_space<semaphore_mem>>
      %dma_start3A_32 = arith.constant 0 : i32
      %dma_start3A_33 = arith.constant 0 : i32
      %dma_start3A_34 = tpu.memref_slice %arg2[%add3A, %run_scoped3A, %dma_start3A_32, %dma_start3A_33] : memref<32x2x40x128xi32, #tpu.memory_space<hbm>> -> memref<1x1x40x128xi32, #tpu.memory_space<hbm>>
      %dma_start3A_35 = tpu.memref_squeeze %dma_start3A_34 : memref<1x1x40x128xi32, #tpu.memory_space<hbm>> -> memref<40x128xi32, #tpu.memory_space<hbm>>
      %dma_start3A_36 = arith.constant 0 : i32
      %dma_start3A_37 = arith.constant 0 : i32
      %dma_start3A_38 = tpu.memref_slice %arg2[%add3A, %run_scoped3A, %dma_start3A_36, %dma_start3A_37] : memref<32x2x40x128xi32, #tpu.memory_space<hbm>> -> memref<1x1x40x128xi32, #tpu.memory_space<hbm>>
      %dma_start3A_39 = tpu.memref_squeeze %dma_start3A_38 : memref<1x1x40x128xi32, #tpu.memory_space<hbm>> -> memref<40x128xi32, #tpu.memory_space<hbm>>
      tpu.enqueue_dma source(%dma_start3A_39 : memref<40x128xi32, #tpu.memory_space<hbm>>) target(%arg6 : memref<40x128xi32, #tpu.memory_space<vmem>>) target_semaphore(%run_scoped3A_31 : memref<!tpu.dma_semaphore, #tpu.memory_space<semaphore_mem>>)
      %dma_wait3A = arith.constant 0 : i32
      %dma_wait3A_40 = arith.constant 0 : i32
      %dma_wait3A_41 = tpu.memref_slice %arg2[%add3A, %run_scoped3A, %dma_wait3A, %dma_wait3A_40] : memref<32x2x40x128xi32, #tpu.memory_space<hbm>> -> memref<1x1x40x128xi32, #tpu.memory_space<hbm>>
      %dma_wait3A_42 = tpu.memref_squeeze %dma_wait3A_41 : memref<1x1x40x128xi32, #tpu.memory_space<hbm>> -> memref<40x128xi32, #tpu.memory_space<hbm>>
      %dma_wait3A_43 = arith.constant 0 : i32
      %dma_wait3A_44 = arith.constant 0 : i32
      %dma_wait3A_45 = tpu.memref_slice %arg2[%add3A, %run_scoped3A, %dma_wait3A_43, %dma_wait3A_44] : memref<32x2x40x128xi32, #tpu.memory_space<hbm>> -> memref<1x1x40x128xi32, #tpu.memory_space<hbm>>
      %dma_wait3A_46 = tpu.memref_squeeze %dma_wait3A_45 : memref<1x1x40x128xi32, #tpu.memory_space<hbm>> -> memref<40x128xi32, #tpu.memory_space<hbm>>
      tpu.wait_dma2 semaphore(%run_scoped3A_31 : memref<!tpu.dma_semaphore, #tpu.memory_space<semaphore_mem>>) src(%dma_wait3A_46 : memref<40x128xi32, #tpu.memory_space<hbm>>) dst(%arg6 : memref<40x128xi32, #tpu.memory_space<vmem>>)
      tpu.yield
    }) : () -> ()
    %run_scoped3A_3 = arith.constant 0 : i32
    "tpu.region"() ({
      %run_scoped3A_31 = tpu.sem_alloc : memref<!tpu.dma_semaphore, #tpu.memory_space<semaphore_mem>>
      %dma_start3A_32 = arith.constant 0 : i32
      %dma_start3A_33 = arith.constant 0 : i32
      %dma_start3A_34 = tpu.memref_slice %arg3[%add3A, %run_scoped3A_3, %dma_start3A_32, %dma_start3A_33] : memref<32x2x40x128xi32, #tpu.memory_space<hbm>> -> memref<1x1x40x128xi32, #tpu.memory_space<hbm>>
      %dma_start3A_35 = tpu.memref_squeeze %dma_start3A_34 : memref<1x1x40x128xi32, #tpu.memory_space<hbm>> -> memref<40x128xi32, #tpu.memory_space<hbm>>
      %dma_start3A_36 = arith.constant 0 : i32
      %dma_start3A_37 = arith.constant 0 : i32
      %dma_start3A_38 = tpu.memref_slice %arg3[%add3A, %run_scoped3A_3, %dma_start3A_36, %dma_start3A_37] : memref<32x2x40x128xi32, #tpu.memory_space<hbm>> -> memref<1x1x40x128xi32, #tpu.memory_space<hbm>>
      %dma_start3A_39 = tpu.memref_squeeze %dma_start3A_38 : memref<1x1x40x128xi32, #tpu.memory_space<hbm>> -> memref<40x128xi32, #tpu.memory_space<hbm>>
      tpu.enqueue_dma source(%dma_start3A_39 : memref<40x128xi32, #tpu.memory_space<hbm>>) target(%arg7 : memref<40x128xi32, #tpu.memory_space<vmem>>) target_semaphore(%run_scoped3A_31 : memref<!tpu.dma_semaphore, #tpu.memory_space<semaphore_mem>>)
      %dma_wait3A = arith.constant 0 : i32
      %dma_wait3A_40 = arith.constant 0 : i32
      %dma_wait3A_41 = tpu.memref_slice %arg3[%add3A, %run_scoped3A_3, %dma_wait3A, %dma_wait3A_40] : memref<32x2x40x128xi32, #tpu.memory_space<hbm>> -> memref<1x1x40x128xi32, #tpu.memory_space<hbm>>
      %dma_wait3A_42 = tpu.memref_squeeze %dma_wait3A_41 : memref<1x1x40x128xi32, #tpu.memory_space<hbm>> -> memref<40x128xi32, #tpu.memory_space<hbm>>
      %dma_wait3A_43 = arith.constant 0 : i32
      %dma_wait3A_44 = arith.constant 0 : i32
      %dma_wait3A_45 = tpu.memref_slice %arg3[%add3A, %run_scoped3A_3, %dma_wait3A_43, %dma_wait3A_44] : memref<32x2x40x128xi32, #tpu.memory_space<hbm>> -> memref<1x1x40x128xi32, #tpu.memory_space<hbm>>
      %dma_wait3A_46 = tpu.memref_squeeze %dma_wait3A_45 : memref<1x1x40x128xi32, #tpu.memory_space<hbm>> -> memref<40x128xi32, #tpu.memory_space<hbm>>
      tpu.wait_dma2 semaphore(%run_scoped3A_31 : memref<!tpu.dma_semaphore, #tpu.memory_space<semaphore_mem>>) src(%dma_wait3A_46 : memref<40x128xi32, #tpu.memory_space<hbm>>) dst(%arg7 : memref<40x128xi32, #tpu.memory_space<vmem>>)
      tpu.yield
    }) : () -> ()
    %dma_start3A = arith.constant 0 : i32
    %dma_start3A_4 = arith.constant 0 : i32
    %dma_start3A_5 = tpu.memref_slice %arg6[%dma_start3A, %dma_start3A_4] : memref<40x128xi32, #tpu.memory_space<vmem>> -> memref<1x128xi32, #tpu.memory_space<vmem>>
    %dma_start3A_6 = tpu.memref_squeeze %dma_start3A_5 : memref<1x128xi32, #tpu.memory_space<vmem>> -> memref<128xi32, #tpu.memory_space<vmem>>
    %dma_start3A_7 = arith.constant 0 : i32
    %dma_start3A_8 = arith.constant 0 : i32
    %dma_start3A_9 = tpu.memref_slice %arg4[%dma_start3A_7, %dma_start3A_8] : memref<10112x128xf32, #tpu.memory_space<hbm>> -> memref<10112x128xf32, #tpu.memory_space<hbm>>
    tpu.enqueue_indirect_dma source(%dma_start3A_9 : memref<10112x128xf32, #tpu.memory_space<hbm>>) target(%arg8 : memref<128x128xf32, #tpu.memory_space<vmem>>) offsets(%dma_start3A_6 : memref<128xi32, #tpu.memory_space<vmem>>) semaphore(%arg10 : memref<!tpu.dma_semaphore, #tpu.memory_space<semaphore_mem>>)
    %scan3A = arith.constant 0 : i32
    %scan3A_10 = arith.constant 0 : i32
    %scan3A_11 = arith.constant 20 : i32
    %scan3A_12 = arith.addi %scan3A_10, %scan3A_11 : i32
    %scan3A_13 = arith.constant 1 : i32
    scf.for %scan3A_31 = %scan3A_10 to %scan3A_12 step %scan3A_13  : i32 {
      %mul3A_32 = arith.constant 2 : i32
      %mul3A_33 = arith.muli %mul3A_32, %scan3A_31 : i32
      %add3A_34 = arith.constant 1 : i32
      %add3A_35 = arith.addi %mul3A_33, %add3A_34 : i32
      %dma_start3A_36 = arith.constant 0 : i32
      %dma_start3A_37 = tpu.memref_slice %arg6[%add3A_35, %dma_start3A_36] : memref<40x128xi32, #tpu.memory_space<vmem>> -> memref<1x128xi32, #tpu.memory_space<vmem>>
      %dma_start3A_38 = tpu.memref_squeeze %dma_start3A_37 : memref<1x128xi32, #tpu.memory_space<vmem>> -> memref<128xi32, #tpu.memory_space<vmem>>
      %dma_start3A_39 = arith.constant 0 : i32
      %dma_start3A_40 = arith.constant 0 : i32
      %dma_start3A_41 = tpu.memref_slice %arg4[%dma_start3A_39, %dma_start3A_40] : memref<10112x128xf32, #tpu.memory_space<hbm>> -> memref<10112x128xf32, #tpu.memory_space<hbm>>
      tpu.enqueue_indirect_dma source(%dma_start3A_41 : memref<10112x128xf32, #tpu.memory_space<hbm>>) target(%arg9 : memref<128x128xf32, #tpu.memory_space<vmem>>) offsets(%dma_start3A_38 : memref<128xi32, #tpu.memory_space<vmem>>) semaphore(%arg11 : memref<!tpu.dma_semaphore, #tpu.memory_space<semaphore_mem>>)
      %dma_wait3A = arith.constant 0 : i32
      %dma_wait3A_42 = arith.constant 0 : i32
      %dma_wait3A_43 = tpu.memref_slice %arg6[%dma_wait3A, %dma_wait3A_42] : memref<40x128xi32, #tpu.memory_space<vmem>> -> memref<1x128xi32, #tpu.memory_space<vmem>>
      %dma_wait3A_44 = tpu.memref_squeeze %dma_wait3A_43 : memref<1x128xi32, #tpu.memory_space<vmem>> -> memref<128xi32, #tpu.memory_space<vmem>>
      %dma_wait3A_45 = arith.constant 0 : i32
      %dma_wait3A_46 = arith.constant 0 : i32
      %dma_wait3A_47 = tpu.memref_slice %arg4[%dma_wait3A_45, %dma_wait3A_46] : memref<10112x128xf32, #tpu.memory_space<hbm>> -> memref<10112x128xf32, #tpu.memory_space<hbm>>
      tpu.wait_indirect_dma semaphore(%arg10 : memref<!tpu.dma_semaphore, #tpu.memory_space<semaphore_mem>>) src(%dma_wait3A_47 : memref<10112x128xf32, #tpu.memory_space<hbm>>) dst(%arg8 : memref<128x128xf32, #tpu.memory_space<vmem>>)
      %mul3A_48 = arith.constant 2 : i32
      %mul3A_49 = arith.muli %mul3A_48, %scan3A_31 : i32
      "tpu.region"() ({
        %run_scoped3A_63 = tpu.sem_alloc : memref<!tpu.dma_semaphore, #tpu.memory_space<semaphore_mem>>
        %dma_start3A_64 = arith.constant 0 : i32
        %dma_start3A_65 = tpu.memref_slice %arg7[%mul3A_49, %dma_start3A_64] : memref<40x128xi32, #tpu.memory_space<vmem>> -> memref<1x128xi32, #tpu.memory_space<vmem>>
        %dma_start3A_66 = tpu.memref_squeeze %dma_start3A_65 : memref<1x128xi32, #tpu.memory_space<vmem>> -> memref<128xi32, #tpu.memory_space<vmem>>
        %dma_start3A_67 = arith.constant 0 : i32
        %dma_start3A_68 = arith.constant 0 : i32
        %dma_start3A_69 = tpu.memref_slice %arg12[%dma_start3A_67, %dma_start3A_68] : memref<10112x128xf32, #tpu.memory_space<vmem_shared>> -> memref<10112x128xf32, #tpu.memory_space<vmem_shared>>
        tpu.enqueue_indirect_dma source(%arg8 : memref<128x128xf32, #tpu.memory_space<vmem>>) target(%dma_start3A_69 : memref<10112x128xf32, #tpu.memory_space<vmem_shared>>) offsets(%dma_start3A_66 : memref<128xi32, #tpu.memory_space<vmem>>) semaphore(%run_scoped3A_63 : memref<!tpu.dma_semaphore, #tpu.memory_space<semaphore_mem>>) {add = true}
        %dma_wait3A_70 = arith.constant 0 : i32
        %dma_wait3A_71 = tpu.memref_slice %arg7[%mul3A_49, %dma_wait3A_70] : memref<40x128xi32, #tpu.memory_space<vmem>> -> memref<1x128xi32, #tpu.memory_space<vmem>>
        %dma_wait3A_72 = tpu.memref_squeeze %dma_wait3A_71 : memref<1x128xi32, #tpu.memory_space<vmem>> -> memref<128xi32, #tpu.memory_space<vmem>>
        %dma_wait3A_73 = arith.constant 0 : i32
        %dma_wait3A_74 = arith.constant 0 : i32
        %dma_wait3A_75 = tpu.memref_slice %arg12[%dma_wait3A_73, %dma_wait3A_74] : memref<10112x128xf32, #tpu.memory_space<vmem_shared>> -> memref<10112x128xf32, #tpu.memory_space<vmem_shared>>
        tpu.wait_indirect_dma semaphore(%run_scoped3A_63 : memref<!tpu.dma_semaphore, #tpu.memory_space<semaphore_mem>>) src(%arg8 : memref<128x128xf32, #tpu.memory_space<vmem>>) dst(%dma_wait3A_75 : memref<10112x128xf32, #tpu.memory_space<vmem_shared>>)
        tpu.yield
      }) : () -> ()
      %lt3A = arith.constant 19 : i32
      %lt3A_50 = arith.cmpi slt, %scan3A_31, %lt3A : i32
      %convert_element_type3A = arith.extui %lt3A_50 : i1 to i32
      %cond3A = arith.constant 0 : i32
      %cond3A_51 = arith.cmpi ne, %convert_element_type3A, %cond3A : i32
      scf.if %cond3A_51 {
        %mul3A_63 = arith.constant 2 : i32
        %mul3A_64 = arith.muli %mul3A_63, %scan3A_31 : i32
        %add3A_65 = arith.constant 2 : i32
        %add3A_66 = arith.addi %mul3A_64, %add3A_65 : i32
        %dma_start3A_67 = arith.constant 0 : i32
        %dma_start3A_68 = tpu.memref_slice %arg6[%add3A_66, %dma_start3A_67] : memref<40x128xi32, #tpu.memory_space<vmem>> -> memref<1x128xi32, #tpu.memory_space<vmem>>
        %dma_start3A_69 = tpu.memref_squeeze %dma_start3A_68 : memref<1x128xi32, #tpu.memory_space<vmem>> -> memref<128xi32, #tpu.memory_space<vmem>>
        %dma_start3A_70 = arith.constant 0 : i32
        %dma_start3A_71 = arith.constant 0 : i32
        %dma_start3A_72 = tpu.memref_slice %arg4[%dma_start3A_70, %dma_start3A_71] : memref<10112x128xf32, #tpu.memory_space<hbm>> -> memref<10112x128xf32, #tpu.memory_space<hbm>>
        tpu.enqueue_indirect_dma source(%dma_start3A_72 : memref<10112x128xf32, #tpu.memory_space<hbm>>) target(%arg8 : memref<128x128xf32, #tpu.memory_space<vmem>>) offsets(%dma_start3A_69 : memref<128xi32, #tpu.memory_space<vmem>>) semaphore(%arg10 : memref<!tpu.dma_semaphore, #tpu.memory_space<semaphore_mem>>)
      } else {
      }
      %dma_wait3A_52 = arith.constant 0 : i32
      %dma_wait3A_53 = arith.constant 0 : i32
      %dma_wait3A_54 = tpu.memref_slice %arg6[%dma_wait3A_52, %dma_wait3A_53] : memref<40x128xi32, #tpu.memory_space<vmem>> -> memref<1x128xi32, #tpu.memory_space<vmem>>
      %dma_wait3A_55 = tpu.memref_squeeze %dma_wait3A_54 : memref<1x128xi32, #tpu.memory_space<vmem>> -> memref<128xi32, #tpu.memory_space<vmem>>
      %dma_wait3A_56 = arith.constant 0 : i32
      %dma_wait3A_57 = arith.constant 0 : i32
      %dma_wait3A_58 = tpu.memref_slice %arg4[%dma_wait3A_56, %dma_wait3A_57] : memref<10112x128xf32, #tpu.memory_space<hbm>> -> memref<10112x128xf32, #tpu.memory_space<hbm>>
      tpu.wait_indirect_dma semaphore(%arg11 : memref<!tpu.dma_semaphore, #tpu.memory_space<semaphore_mem>>) src(%dma_wait3A_58 : memref<10112x128xf32, #tpu.memory_space<hbm>>) dst(%arg9 : memref<128x128xf32, #tpu.memory_space<vmem>>)
      %mul3A_59 = arith.constant 2 : i32
      %mul3A_60 = arith.muli %mul3A_59, %scan3A_31 : i32
      %add3A_61 = arith.constant 1 : i32
      %add3A_62 = arith.addi %mul3A_60, %add3A_61 : i32
      "tpu.region"() ({
        %run_scoped3A_63 = tpu.sem_alloc : memref<!tpu.dma_semaphore, #tpu.memory_space<semaphore_mem>>
        %dma_start3A_64 = arith.constant 0 : i32
        %dma_start3A_65 = tpu.memref_slice %arg7[%add3A_62, %dma_start3A_64] : memref<40x128xi32, #tpu.memory_space<vmem>> -> memref<1x128xi32, #tpu.memory_space<vmem>>
        %dma_start3A_66 = tpu.memref_squeeze %dma_start3A_65 : memref<1x128xi32, #tpu.memory_space<vmem>> -> memref<128xi32, #tpu.memory_space<vmem>>
        %dma_start3A_67 = arith.constant 0 : i32
        %dma_start3A_68 = arith.constant 0 : i32
        %dma_start3A_69 = tpu.memref_slice %arg12[%dma_start3A_67, %dma_start3A_68] : memref<10112x128xf32, #tpu.memory_space<vmem_shared>> -> memref<10112x128xf32, #tpu.memory_space<vmem_shared>>
        tpu.enqueue_indirect_dma source(%arg9 : memref<128x128xf32, #tpu.memory_space<vmem>>) target(%dma_start3A_69 : memref<10112x128xf32, #tpu.memory_space<vmem_shared>>) offsets(%dma_start3A_66 : memref<128xi32, #tpu.memory_space<vmem>>) semaphore(%run_scoped3A_63 : memref<!tpu.dma_semaphore, #tpu.memory_space<semaphore_mem>>) {add = true}
        %dma_wait3A_70 = arith.constant 0 : i32
        %dma_wait3A_71 = tpu.memref_slice %arg7[%add3A_62, %dma_wait3A_70] : memref<40x128xi32, #tpu.memory_space<vmem>> -> memref<1x128xi32, #tpu.memory_space<vmem>>
        %dma_wait3A_72 = tpu.memref_squeeze %dma_wait3A_71 : memref<1x128xi32, #tpu.memory_space<vmem>> -> memref<128xi32, #tpu.memory_space<vmem>>
        %dma_wait3A_73 = arith.constant 0 : i32
        %dma_wait3A_74 = arith.constant 0 : i32
        %dma_wait3A_75 = tpu.memref_slice %arg12[%dma_wait3A_73, %dma_wait3A_74] : memref<10112x128xf32, #tpu.memory_space<vmem_shared>> -> memref<10112x128xf32, #tpu.memory_space<vmem_shared>>
        tpu.wait_indirect_dma semaphore(%run_scoped3A_63 : memref<!tpu.dma_semaphore, #tpu.memory_space<semaphore_mem>>) src(%arg9 : memref<128x128xf32, #tpu.memory_space<vmem>>) dst(%dma_wait3A_75 : memref<10112x128xf32, #tpu.memory_space<vmem_shared>>)
        tpu.yield
      }) : () -> ()
    }
    %scan3A_14 = arith.constant 20 : i32
    %run_scoped3A_15 = arith.constant 1 : i32
    "tpu.region"() ({
      %run_scoped3A_31 = tpu.sem_alloc : memref<!tpu.dma_semaphore, #tpu.memory_space<semaphore_mem>>
      %dma_start3A_32 = arith.constant 0 : i32
      %dma_start3A_33 = arith.constant 0 : i32
      %dma_start3A_34 = tpu.memref_slice %arg2[%add3A, %run_scoped3A_15, %dma_start3A_32, %dma_start3A_33] : memref<32x2x40x128xi32, #tpu.memory_space<hbm>> -> memref<1x1x40x128xi32, #tpu.memory_space<hbm>>
      %dma_start3A_35 = tpu.memref_squeeze %dma_start3A_34 : memref<1x1x40x128xi32, #tpu.memory_space<hbm>> -> memref<40x128xi32, #tpu.memory_space<hbm>>
      %dma_start3A_36 = arith.constant 0 : i32
      %dma_start3A_37 = arith.constant 0 : i32
      %dma_start3A_38 = tpu.memref_slice %arg2[%add3A, %run_scoped3A_15, %dma_start3A_36, %dma_start3A_37] : memref<32x2x40x128xi32, #tpu.memory_space<hbm>> -> memref<1x1x40x128xi32, #tpu.memory_space<hbm>>
      %dma_start3A_39 = tpu.memref_squeeze %dma_start3A_38 : memref<1x1x40x128xi32, #tpu.memory_space<hbm>> -> memref<40x128xi32, #tpu.memory_space<hbm>>
      tpu.enqueue_dma source(%dma_start3A_39 : memref<40x128xi32, #tpu.memory_space<hbm>>) target(%arg6 : memref<40x128xi32, #tpu.memory_space<vmem>>) target_semaphore(%run_scoped3A_31 : memref<!tpu.dma_semaphore, #tpu.memory_space<semaphore_mem>>)
      %dma_wait3A = arith.constant 0 : i32
      %dma_wait3A_40 = arith.constant 0 : i32
      %dma_wait3A_41 = tpu.memref_slice %arg2[%add3A, %run_scoped3A_15, %dma_wait3A, %dma_wait3A_40] : memref<32x2x40x128xi32, #tpu.memory_space<hbm>> -> memref<1x1x40x128xi32, #tpu.memory_space<hbm>>
      %dma_wait3A_42 = tpu.memref_squeeze %dma_wait3A_41 : memref<1x1x40x128xi32, #tpu.memory_space<hbm>> -> memref<40x128xi32, #tpu.memory_space<hbm>>
      %dma_wait3A_43 = arith.constant 0 : i32
      %dma_wait3A_44 = arith.constant 0 : i32
      %dma_wait3A_45 = tpu.memref_slice %arg2[%add3A, %run_scoped3A_15, %dma_wait3A_43, %dma_wait3A_44] : memref<32x2x40x128xi32, #tpu.memory_space<hbm>> -> memref<1x1x40x128xi32, #tpu.memory_space<hbm>>
      %dma_wait3A_46 = tpu.memref_squeeze %dma_wait3A_45 : memref<1x1x40x128xi32, #tpu.memory_space<hbm>> -> memref<40x128xi32, #tpu.memory_space<hbm>>
      tpu.wait_dma2 semaphore(%run_scoped3A_31 : memref<!tpu.dma_semaphore, #tpu.memory_space<semaphore_mem>>) src(%dma_wait3A_46 : memref<40x128xi32, #tpu.memory_space<hbm>>) dst(%arg6 : memref<40x128xi32, #tpu.memory_space<vmem>>)
      tpu.yield
    }) : () -> ()
    %run_scoped3A_16 = arith.constant 1 : i32
    "tpu.region"() ({
      %run_scoped3A_31 = tpu.sem_alloc : memref<!tpu.dma_semaphore, #tpu.memory_space<semaphore_mem>>
      %dma_start3A_32 = arith.constant 0 : i32
      %dma_start3A_33 = arith.constant 0 : i32
      %dma_start3A_34 = tpu.memref_slice %arg3[%add3A, %run_scoped3A_16, %dma_start3A_32, %dma_start3A_33] : memref<32x2x40x128xi32, #tpu.memory_space<hbm>> -> memref<1x1x40x128xi32, #tpu.memory_space<hbm>>
      %dma_start3A_35 = tpu.memref_squeeze %dma_start3A_34 : memref<1x1x40x128xi32, #tpu.memory_space<hbm>> -> memref<40x128xi32, #tpu.memory_space<hbm>>
      %dma_start3A_36 = arith.constant 0 : i32
      %dma_start3A_37 = arith.constant 0 : i32
      %dma_start3A_38 = tpu.memref_slice %arg3[%add3A, %run_scoped3A_16, %dma_start3A_36, %dma_start3A_37] : memref<32x2x40x128xi32, #tpu.memory_space<hbm>> -> memref<1x1x40x128xi32, #tpu.memory_space<hbm>>
      %dma_start3A_39 = tpu.memref_squeeze %dma_start3A_38 : memref<1x1x40x128xi32, #tpu.memory_space<hbm>> -> memref<40x128xi32, #tpu.memory_space<hbm>>
      tpu.enqueue_dma source(%dma_start3A_39 : memref<40x128xi32, #tpu.memory_space<hbm>>) target(%arg7 : memref<40x128xi32, #tpu.memory_space<vmem>>) target_semaphore(%run_scoped3A_31 : memref<!tpu.dma_semaphore, #tpu.memory_space<semaphore_mem>>)
      %dma_wait3A = arith.constant 0 : i32
      %dma_wait3A_40 = arith.constant 0 : i32
      %dma_wait3A_41 = tpu.memref_slice %arg3[%add3A, %run_scoped3A_16, %dma_wait3A, %dma_wait3A_40] : memref<32x2x40x128xi32, #tpu.memory_space<hbm>> -> memref<1x1x40x128xi32, #tpu.memory_space<hbm>>
      %dma_wait3A_42 = tpu.memref_squeeze %dma_wait3A_41 : memref<1x1x40x128xi32, #tpu.memory_space<hbm>> -> memref<40x128xi32, #tpu.memory_space<hbm>>
      %dma_wait3A_43 = arith.constant 0 : i32
      %dma_wait3A_44 = arith.constant 0 : i32
      %dma_wait3A_45 = tpu.memref_slice %arg3[%add3A, %run_scoped3A_16, %dma_wait3A_43, %dma_wait3A_44] : memref<32x2x40x128xi32, #tpu.memory_space<hbm>> -> memref<1x1x40x128xi32, #tpu.memory_space<hbm>>
      %dma_wait3A_46 = tpu.memref_squeeze %dma_wait3A_45 : memref<1x1x40x128xi32, #tpu.memory_space<hbm>> -> memref<40x128xi32, #tpu.memory_space<hbm>>
      tpu.wait_dma2 semaphore(%run_scoped3A_31 : memref<!tpu.dma_semaphore, #tpu.memory_space<semaphore_mem>>) src(%dma_wait3A_46 : memref<40x128xi32, #tpu.memory_space<hbm>>) dst(%arg7 : memref<40x128xi32, #tpu.memory_space<vmem>>)
      tpu.yield
    }) : () -> ()
    %dma_start3A_17 = arith.constant 0 : i32
    %dma_start3A_18 = arith.constant 0 : i32
    %dma_start3A_19 = tpu.memref_slice %arg6[%dma_start3A_17, %dma_start3A_18] : memref<40x128xi32, #tpu.memory_space<vmem>> -> memref<1x128xi32, #tpu.memory_space<vmem>>
    %dma_start3A_20 = tpu.memref_squeeze %dma_start3A_19 : memref<1x128xi32, #tpu.memory_space<vmem>> -> memref<128xi32, #tpu.memory_space<vmem>>
    %dma_start3A_21 = arith.constant 0 : i32
    %dma_start3A_22 = arith.constant 0 : i32
    %dma_start3A_23 = tpu.memref_slice %arg4[%dma_start3A_21, %dma_start3A_22] : memref<10112x128xf32, #tpu.memory_space<hbm>> -> memref<10112x128xf32, #tpu.memory_space<hbm>>
    tpu.enqueue_indirect_dma source(%dma_start3A_23 : memref<10112x128xf32, #tpu.memory_space<hbm>>) target(%arg8 : memref<128x128xf32, #tpu.memory_space<vmem>>) offsets(%dma_start3A_20 : memref<128xi32, #tpu.memory_space<vmem>>) semaphore(%arg10 : memref<!tpu.dma_semaphore, #tpu.memory_space<semaphore_mem>>)
    %scan3A_24 = arith.constant 0 : i32
    %scan3A_25 = arith.constant 0 : i32
    %scan3A_26 = arith.constant 20 : i32
    %scan3A_27 = arith.addi %scan3A_25, %scan3A_26 : i32
    %scan3A_28 = arith.constant 1 : i32
    scf.for %scan3A_31 = %scan3A_25 to %scan3A_27 step %scan3A_28  : i32 {
      %mul3A_32 = arith.constant 2 : i32
      %mul3A_33 = arith.muli %mul3A_32, %scan3A_31 : i32
      %add3A_34 = arith.constant 1 : i32
      %add3A_35 = arith.addi %mul3A_33, %add3A_34 : i32
      %dma_start3A_36 = arith.constant 0 : i32
      %dma_start3A_37 = tpu.memref_slice %arg6[%add3A_35, %dma_start3A_36] : memref<40x128xi32, #tpu.memory_space<vmem>> -> memref<1x128xi32, #tpu.memory_space<vmem>>
      %dma_start3A_38 = tpu.memref_squeeze %dma_start3A_37 : memref<1x128xi32, #tpu.memory_space<vmem>> -> memref<128xi32, #tpu.memory_space<vmem>>
      %dma_start3A_39 = arith.constant 0 : i32
      %dma_start3A_40 = arith.constant 0 : i32
      %dma_start3A_41 = tpu.memref_slice %arg4[%dma_start3A_39, %dma_start3A_40] : memref<10112x128xf32, #tpu.memory_space<hbm>> -> memref<10112x128xf32, #tpu.memory_space<hbm>>
      tpu.enqueue_indirect_dma source(%dma_start3A_41 : memref<10112x128xf32, #tpu.memory_space<hbm>>) target(%arg9 : memref<128x128xf32, #tpu.memory_space<vmem>>) offsets(%dma_start3A_38 : memref<128xi32, #tpu.memory_space<vmem>>) semaphore(%arg11 : memref<!tpu.dma_semaphore, #tpu.memory_space<semaphore_mem>>)
      %dma_wait3A = arith.constant 0 : i32
      %dma_wait3A_42 = arith.constant 0 : i32
      %dma_wait3A_43 = tpu.memref_slice %arg6[%dma_wait3A, %dma_wait3A_42] : memref<40x128xi32, #tpu.memory_space<vmem>> -> memref<1x128xi32, #tpu.memory_space<vmem>>
      %dma_wait3A_44 = tpu.memref_squeeze %dma_wait3A_43 : memref<1x128xi32, #tpu.memory_space<vmem>> -> memref<128xi32, #tpu.memory_space<vmem>>
      %dma_wait3A_45 = arith.constant 0 : i32
      %dma_wait3A_46 = arith.constant 0 : i32
      %dma_wait3A_47 = tpu.memref_slice %arg4[%dma_wait3A_45, %dma_wait3A_46] : memref<10112x128xf32, #tpu.memory_space<hbm>> -> memref<10112x128xf32, #tpu.memory_space<hbm>>
      tpu.wait_indirect_dma semaphore(%arg10 : memref<!tpu.dma_semaphore, #tpu.memory_space<semaphore_mem>>) src(%dma_wait3A_47 : memref<10112x128xf32, #tpu.memory_space<hbm>>) dst(%arg8 : memref<128x128xf32, #tpu.memory_space<vmem>>)
      %mul3A_48 = arith.constant 2 : i32
      %mul3A_49 = arith.muli %mul3A_48, %scan3A_31 : i32
      "tpu.region"() ({
        %run_scoped3A_63 = tpu.sem_alloc : memref<!tpu.dma_semaphore, #tpu.memory_space<semaphore_mem>>
        %dma_start3A_64 = arith.constant 0 : i32
        %dma_start3A_65 = tpu.memref_slice %arg7[%mul3A_49, %dma_start3A_64] : memref<40x128xi32, #tpu.memory_space<vmem>> -> memref<1x128xi32, #tpu.memory_space<vmem>>
        %dma_start3A_66 = tpu.memref_squeeze %dma_start3A_65 : memref<1x128xi32, #tpu.memory_space<vmem>> -> memref<128xi32, #tpu.memory_space<vmem>>
        %dma_start3A_67 = arith.constant 0 : i32
        %dma_start3A_68 = arith.constant 0 : i32
        %dma_start3A_69 = tpu.memref_slice %arg12[%dma_start3A_67, %dma_start3A_68] : memref<10112x128xf32, #tpu.memory_space<vmem_shared>> -> memref<10112x128xf32, #tpu.memory_space<vmem_shared>>
        tpu.enqueue_indirect_dma source(%arg8 : memref<128x128xf32, #tpu.memory_space<vmem>>) target(%dma_start3A_69 : memref<10112x128xf32, #tpu.memory_space<vmem_shared>>) offsets(%dma_start3A_66 : memref<128xi32, #tpu.memory_space<vmem>>) semaphore(%run_scoped3A_63 : memref<!tpu.dma_semaphore, #tpu.memory_space<semaphore_mem>>) {add = true}
        %dma_wait3A_70 = arith.constant 0 : i32
        %dma_wait3A_71 = tpu.memref_slice %arg7[%mul3A_49, %dma_wait3A_70] : memref<40x128xi32, #tpu.memory_space<vmem>> -> memref<1x128xi32, #tpu.memory_space<vmem>>
        %dma_wait3A_72 = tpu.memref_squeeze %dma_wait3A_71 : memref<1x128xi32, #tpu.memory_space<vmem>> -> memref<128xi32, #tpu.memory_space<vmem>>
        %dma_wait3A_73 = arith.constant 0 : i32
        %dma_wait3A_74 = arith.constant 0 : i32
        %dma_wait3A_75 = tpu.memref_slice %arg12[%dma_wait3A_73, %dma_wait3A_74] : memref<10112x128xf32, #tpu.memory_space<vmem_shared>> -> memref<10112x128xf32, #tpu.memory_space<vmem_shared>>
        tpu.wait_indirect_dma semaphore(%run_scoped3A_63 : memref<!tpu.dma_semaphore, #tpu.memory_space<semaphore_mem>>) src(%arg8 : memref<128x128xf32, #tpu.memory_space<vmem>>) dst(%dma_wait3A_75 : memref<10112x128xf32, #tpu.memory_space<vmem_shared>>)
        tpu.yield
      }) : () -> ()
      %lt3A = arith.constant 19 : i32
      %lt3A_50 = arith.cmpi slt, %scan3A_31, %lt3A : i32
      %convert_element_type3A = arith.extui %lt3A_50 : i1 to i32
      %cond3A = arith.constant 0 : i32
      %cond3A_51 = arith.cmpi ne, %convert_element_type3A, %cond3A : i32
      scf.if %cond3A_51 {
        %mul3A_63 = arith.constant 2 : i32
        %mul3A_64 = arith.muli %mul3A_63, %scan3A_31 : i32
        %add3A_65 = arith.constant 2 : i32
        %add3A_66 = arith.addi %mul3A_64, %add3A_65 : i32
        %dma_start3A_67 = arith.constant 0 : i32
        %dma_start3A_68 = tpu.memref_slice %arg6[%add3A_66, %dma_start3A_67] : memref<40x128xi32, #tpu.memory_space<vmem>> -> memref<1x128xi32, #tpu.memory_space<vmem>>
        %dma_start3A_69 = tpu.memref_squeeze %dma_start3A_68 : memref<1x128xi32, #tpu.memory_space<vmem>> -> memref<128xi32, #tpu.memory_space<vmem>>
        %dma_start3A_70 = arith.constant 0 : i32
        %dma_start3A_71 = arith.constant 0 : i32
        %dma_start3A_72 = tpu.memref_slice %arg4[%dma_start3A_70, %dma_start3A_71] : memref<10112x128xf32, #tpu.memory_space<hbm>> -> memref<10112x128xf32, #tpu.memory_space<hbm>>
        tpu.enqueue_indirect_dma source(%dma_start3A_72 : memref<10112x128xf32, #tpu.memory_space<hbm>>) target(%arg8 : memref<128x128xf32, #tpu.memory_space<vmem>>) offsets(%dma_start3A_69 : memref<128xi32, #tpu.memory_space<vmem>>) semaphore(%arg10 : memref<!tpu.dma_semaphore, #tpu.memory_space<semaphore_mem>>)
      } else {
      }
      %dma_wait3A_52 = arith.constant 0 : i32
      %dma_wait3A_53 = arith.constant 0 : i32
      %dma_wait3A_54 = tpu.memref_slice %arg6[%dma_wait3A_52, %dma_wait3A_53] : memref<40x128xi32, #tpu.memory_space<vmem>> -> memref<1x128xi32, #tpu.memory_space<vmem>>
      %dma_wait3A_55 = tpu.memref_squeeze %dma_wait3A_54 : memref<1x128xi32, #tpu.memory_space<vmem>> -> memref<128xi32, #tpu.memory_space<vmem>>
      %dma_wait3A_56 = arith.constant 0 : i32
      %dma_wait3A_57 = arith.constant 0 : i32
      %dma_wait3A_58 = tpu.memref_slice %arg4[%dma_wait3A_56, %dma_wait3A_57] : memref<10112x128xf32, #tpu.memory_space<hbm>> -> memref<10112x128xf32, #tpu.memory_space<hbm>>
      tpu.wait_indirect_dma semaphore(%arg11 : memref<!tpu.dma_semaphore, #tpu.memory_space<semaphore_mem>>) src(%dma_wait3A_58 : memref<10112x128xf32, #tpu.memory_space<hbm>>) dst(%arg9 : memref<128x128xf32, #tpu.memory_space<vmem>>)
      %mul3A_59 = arith.constant 2 : i32
      %mul3A_60 = arith.muli %mul3A_59, %scan3A_31 : i32
      %add3A_61 = arith.constant 1 : i32
      %add3A_62 = arith.addi %mul3A_60, %add3A_61 : i32
      "tpu.region"() ({
        %run_scoped3A_63 = tpu.sem_alloc : memref<!tpu.dma_semaphore, #tpu.memory_space<semaphore_mem>>
        %dma_start3A_64 = arith.constant 0 : i32
        %dma_start3A_65 = tpu.memref_slice %arg7[%add3A_62, %dma_start3A_64] : memref<40x128xi32, #tpu.memory_space<vmem>> -> memref<1x128xi32, #tpu.memory_space<vmem>>
        %dma_start3A_66 = tpu.memref_squeeze %dma_start3A_65 : memref<1x128xi32, #tpu.memory_space<vmem>> -> memref<128xi32, #tpu.memory_space<vmem>>
        %dma_start3A_67 = arith.constant 0 : i32
        %dma_start3A_68 = arith.constant 0 : i32
        %dma_start3A_69 = tpu.memref_slice %arg12[%dma_start3A_67, %dma_start3A_68] : memref<10112x128xf32, #tpu.memory_space<vmem_shared>> -> memref<10112x128xf32, #tpu.memory_space<vmem_shared>>
        tpu.enqueue_indirect_dma source(%arg9 : memref<128x128xf32, #tpu.memory_space<vmem>>) target(%dma_start3A_69 : memref<10112x128xf32, #tpu.memory_space<vmem_shared>>) offsets(%dma_start3A_66 : memref<128xi32, #tpu.memory_space<vmem>>) semaphore(%run_scoped3A_63 : memref<!tpu.dma_semaphore, #tpu.memory_space<semaphore_mem>>) {add = true}
        %dma_wait3A_70 = arith.constant 0 : i32
        %dma_wait3A_71 = tpu.memref_slice %arg7[%add3A_62, %dma_wait3A_70] : memref<40x128xi32, #tpu.memory_space<vmem>> -> memref<1x128xi32, #tpu.memory_space<vmem>>
        %dma_wait3A_72 = tpu.memref_squeeze %dma_wait3A_71 : memref<1x128xi32, #tpu.memory_space<vmem>> -> memref<128xi32, #tpu.memory_space<vmem>>
        %dma_wait3A_73 = arith.constant 0 : i32
        %dma_wait3A_74 = arith.constant 0 : i32
        %dma_wait3A_75 = tpu.memref_slice %arg12[%dma_wait3A_73, %dma_wait3A_74] : memref<10112x128xf32, #tpu.memory_space<vmem_shared>> -> memref<10112x128xf32, #tpu.memory_space<vmem_shared>>
        tpu.wait_indirect_dma semaphore(%run_scoped3A_63 : memref<!tpu.dma_semaphore, #tpu.memory_space<semaphore_mem>>) src(%arg9 : memref<128x128xf32, #tpu.memory_space<vmem>>) dst(%dma_wait3A_75 : memref<10112x128xf32, #tpu.memory_space<vmem_shared>>)
        tpu.yield
      }) : () -> ()
    }
    %scan3A_29 = arith.constant 20 : i32
    %barrier3A_30 = arith.constant 0 : index
    tpu.barrier barrier_id(%barrier3A_30)
    "tpu.region"() ({
      %run_scoped3A_31 = tpu.sem_alloc : memref<!tpu.dma_semaphore, #tpu.memory_space<semaphore_mem>>
      %dma_start3A_32 = arith.constant 0 : i32
      %dma_start3A_33 = tpu.memref_slice %arg5[%arg0, %mul3A_2, %dma_start3A_32] : memref<2x10112x128xf32, #tpu.memory_space<hbm>> -> memref<1x632x128xf32, #tpu.memory_space<hbm>>
      %dma_start3A_34 = tpu.memref_squeeze %dma_start3A_33 : memref<1x632x128xf32, #tpu.memory_space<hbm>> -> memref<632x128xf32, #tpu.memory_space<hbm>>
      %dma_start3A_35 = arith.constant 0 : i32
      %dma_start3A_36 = tpu.memref_slice %arg12[%mul3A_2, %dma_start3A_35] : memref<10112x128xf32, #tpu.memory_space<vmem_shared>> -> memref<632x128xf32, #tpu.memory_space<vmem_shared>>
      tpu.enqueue_dma source(%dma_start3A_36 : memref<632x128xf32, #tpu.memory_space<vmem_shared>>) target(%dma_start3A_34 : memref<632x128xf32, #tpu.memory_space<hbm>>) target_semaphore(%run_scoped3A_31 : memref<!tpu.dma_semaphore, #tpu.memory_space<semaphore_mem>>)
      %dma_wait3A = arith.constant 0 : i32
      %dma_wait3A_37 = tpu.memref_slice %arg5[%arg0, %mul3A_2, %dma_wait3A] : memref<2x10112x128xf32, #tpu.memory_space<hbm>> -> memref<1x632x128xf32, #tpu.memory_space<hbm>>
      %dma_wait3A_38 = tpu.memref_squeeze %dma_wait3A_37 : memref<1x632x128xf32, #tpu.memory_space<hbm>> -> memref<632x128xf32, #tpu.memory_space<hbm>>
      %dma_wait3A_39 = arith.constant 0 : i32
      %dma_wait3A_40 = tpu.memref_slice %arg12[%mul3A_2, %dma_wait3A_39] : memref<10112x128xf32, #tpu.memory_space<vmem_shared>> -> memref<632x128xf32, #tpu.memory_space<vmem_shared>>
      tpu.wait_dma2 semaphore(%run_scoped3A_31 : memref<!tpu.dma_semaphore, #tpu.memory_space<semaphore_mem>>) src(%dma_wait3A_40 : memref<632x128xf32, #tpu.memory_space<vmem_shared>>) dst(%dma_wait3A_38 : memref<632x128xf32, #tpu.memory_space<hbm>>)
      tpu.yield
    }) : () -> ()
    return
  }
}

#map = affine_map<(d0, d1) -> (0, 0, 0, 0)>
#map1 = affine_map<(d0, d1) -> (0, 0)>
#map2 = affine_map<(d0, d1) -> (0, 0, 0)>
module attributes {stable_mosaic.version = 14 : i64} {
  func.func @_sc_prop_body(%arg0: i32, %arg1: i32, %arg2: memref<32x2x40x128xi32, #tpu.memory_space<hbm>>, %arg3: memref<32x2x40x128xi32, #tpu.memory_space<hbm>>, %arg4: memref<10112x128xf32, #tpu.memory_space<hbm>>, %arg5: memref<2x10112x128xf32, #tpu.memory_space<hbm>>, %arg6: memref<40x128xi32, #tpu.memory_space<vmem>>, %arg7: memref<40x128xi32, #tpu.memory_space<vmem>>, %arg8: memref<128x128xf32, #tpu.memory_space<vmem>>, %arg9: memref<128x128xf32, #tpu.memory_space<vmem>>, %arg10: memref<!tpu.dma_semaphore, #tpu.memory_space<semaphore_mem>>, %arg11: memref<!tpu.dma_semaphore, #tpu.memory_space<semaphore_mem>>, %arg12: memref<10112x128xf32, #tpu.memory_space<vmem_shared>>) attributes {dimension_semantics = [#tpu.dimension_semantics<core_parallel>, #tpu.dimension_semantics<subcore_parallel>], iteration_bounds = array<i64: 2, 16>, scalar_prefetch = 0 : i64, scratch_operands = 7 : i64, tpu.core_type = #tpu.core_type<sc_vector_subcore>, window_params = [{transform_indices = #map}, {transform_indices = #map}, {transform_indices = #map1}, {transform_indices = #map2}]} {
    %mul3A = arith.constant 16 : i32
    %mul3A_0 = arith.muli %arg0, %mul3A : i32
    %add3A = arith.addi %mul3A_0, %arg1 : i32
    %mul3A_1 = arith.constant 632 : i32
    %mul3A_2 = arith.muli %arg1, %mul3A_1 : i32
    "tpu.region"() ({
      %run_scoped3A_31 = tpu.sem_alloc : memref<!tpu.dma_semaphore, #tpu.memory_space<semaphore_mem>>
      %dma_start3A_32 = arith.constant 0 : i32
      %dma_start3A_33 = tpu.memref_slice %arg12[%mul3A_2, %dma_start3A_32] : memref<10112x128xf32, #tpu.memory_space<vmem_shared>> -> memref<632x128xf32, #tpu.memory_space<vmem_shared>>
      %dma_start3A_34 = arith.constant 0 : i32
      %dma_start3A_35 = tpu.memref_slice %arg4[%mul3A_2, %dma_start3A_34] : memref<10112x128xf32, #tpu.memory_space<hbm>> -> memref<632x128xf32, #tpu.memory_space<hbm>>
      tpu.enqueue_dma source(%dma_start3A_35 : memref<632x128xf32, #tpu.memory_space<hbm>>) target(%dma_start3A_33 : memref<632x128xf32, #tpu.memory_space<vmem_shared>>) target_semaphore(%run_scoped3A_31 : memref<!tpu.dma_semaphore, #tpu.memory_space<semaphore_mem>>)
      %dma_wait3A = arith.constant 0 : i32
      %dma_wait3A_36 = tpu.memref_slice %arg12[%mul3A_2, %dma_wait3A] : memref<10112x128xf32, #tpu.memory_space<vmem_shared>> -> memref<632x128xf32, #tpu.memory_space<vmem_shared>>
      %dma_wait3A_37 = arith.constant 0 : i32
      %dma_wait3A_38 = tpu.memref_slice %arg4[%mul3A_2, %dma_wait3A_37] : memref<10112x128xf32, #tpu.memory_space<hbm>> -> memref<632x128xf32, #tpu.memory_space<hbm>>
      tpu.wait_dma2 semaphore(%run_scoped3A_31 : memref<!tpu.dma_semaphore, #tpu.memory_space<semaphore_mem>>) src(%dma_wait3A_38 : memref<632x128xf32, #tpu.memory_space<hbm>>) dst(%dma_wait3A_36 : memref<632x128xf32, #tpu.memory_space<vmem_shared>>)
      tpu.yield
    }) : () -> ()
    %barrier3A = arith.constant 0 : index
    tpu.barrier barrier_id(%barrier3A)
    %run_scoped3A = arith.constant 0 : i32
    "tpu.region"() ({
      %run_scoped3A_31 = tpu.sem_alloc : memref<!tpu.dma_semaphore, #tpu.memory_space<semaphore_mem>>
      %dma_start3A_32 = arith.constant 0 : i32
      %dma_start3A_33 = arith.constant 0 : i32
      %dma_start3A_34 = tpu.memref_slice %arg2[%add3A, %run_scoped3A, %dma_start3A_32, %dma_start3A_33] : memref<32x2x40x128xi32, #tpu.memory_space<hbm>> -> memref<1x1x40x128xi32, #tpu.memory_space<hbm>>
      %dma_start3A_35 = tpu.memref_squeeze %dma_start3A_34 : memref<1x1x40x128xi32, #tpu.memory_space<hbm>> -> memref<40x128xi32, #tpu.memory_space<hbm>>
      %dma_start3A_36 = arith.constant 0 : i32
      %dma_start3A_37 = arith.constant 0 : i32
      %dma_start3A_38 = tpu.memref_slice %arg2[%add3A, %run_scoped3A, %dma_start3A_36, %dma_start3A_37] : memref<32x2x40x128xi32, #tpu.memory_space<hbm>> -> memref<1x1x40x128xi32, #tpu.memory_space<hbm>>
      %dma_start3A_39 = tpu.memref_squeeze %dma_start3A_38 : memref<1x1x40x128xi32, #tpu.memory_space<hbm>> -> memref<40x128xi32, #tpu.memory_space<hbm>>
      tpu.enqueue_dma source(%dma_start3A_39 : memref<40x128xi32, #tpu.memory_space<hbm>>) target(%arg6 : memref<40x128xi32, #tpu.memory_space<vmem>>) target_semaphore(%run_scoped3A_31 : memref<!tpu.dma_semaphore, #tpu.memory_space<semaphore_mem>>)
      %dma_wait3A = arith.constant 0 : i32
      %dma_wait3A_40 = arith.constant 0 : i32
      %dma_wait3A_41 = tpu.memref_slice %arg2[%add3A, %run_scoped3A, %dma_wait3A, %dma_wait3A_40] : memref<32x2x40x128xi32, #tpu.memory_space<hbm>> -> memref<1x1x40x128xi32, #tpu.memory_space<hbm>>
      %dma_wait3A_42 = tpu.memref_squeeze %dma_wait3A_41 : memref<1x1x40x128xi32, #tpu.memory_space<hbm>> -> memref<40x128xi32, #tpu.memory_space<hbm>>
      %dma_wait3A_43 = arith.constant 0 : i32
      %dma_wait3A_44 = arith.constant 0 : i32
      %dma_wait3A_45 = tpu.memref_slice %arg2[%add3A, %run_scoped3A, %dma_wait3A_43, %dma_wait3A_44] : memref<32x2x40x128xi32, #tpu.memory_space<hbm>> -> memref<1x1x40x128xi32, #tpu.memory_space<hbm>>
      %dma_wait3A_46 = tpu.memref_squeeze %dma_wait3A_45 : memref<1x1x40x128xi32, #tpu.memory_space<hbm>> -> memref<40x128xi32, #tpu.memory_space<hbm>>
      tpu.wait_dma2 semaphore(%run_scoped3A_31 : memref<!tpu.dma_semaphore, #tpu.memory_space<semaphore_mem>>) src(%dma_wait3A_46 : memref<40x128xi32, #tpu.memory_space<hbm>>) dst(%arg6 : memref<40x128xi32, #tpu.memory_space<vmem>>)
      tpu.yield
    }) : () -> ()
    %run_scoped3A_3 = arith.constant 0 : i32
    "tpu.region"() ({
      %run_scoped3A_31 = tpu.sem_alloc : memref<!tpu.dma_semaphore, #tpu.memory_space<semaphore_mem>>
      %dma_start3A_32 = arith.constant 0 : i32
      %dma_start3A_33 = arith.constant 0 : i32
      %dma_start3A_34 = tpu.memref_slice %arg3[%add3A, %run_scoped3A_3, %dma_start3A_32, %dma_start3A_33] : memref<32x2x40x128xi32, #tpu.memory_space<hbm>> -> memref<1x1x40x128xi32, #tpu.memory_space<hbm>>
      %dma_start3A_35 = tpu.memref_squeeze %dma_start3A_34 : memref<1x1x40x128xi32, #tpu.memory_space<hbm>> -> memref<40x128xi32, #tpu.memory_space<hbm>>
      %dma_start3A_36 = arith.constant 0 : i32
      %dma_start3A_37 = arith.constant 0 : i32
      %dma_start3A_38 = tpu.memref_slice %arg3[%add3A, %run_scoped3A_3, %dma_start3A_36, %dma_start3A_37] : memref<32x2x40x128xi32, #tpu.memory_space<hbm>> -> memref<1x1x40x128xi32, #tpu.memory_space<hbm>>
      %dma_start3A_39 = tpu.memref_squeeze %dma_start3A_38 : memref<1x1x40x128xi32, #tpu.memory_space<hbm>> -> memref<40x128xi32, #tpu.memory_space<hbm>>
      tpu.enqueue_dma source(%dma_start3A_39 : memref<40x128xi32, #tpu.memory_space<hbm>>) target(%arg7 : memref<40x128xi32, #tpu.memory_space<vmem>>) target_semaphore(%run_scoped3A_31 : memref<!tpu.dma_semaphore, #tpu.memory_space<semaphore_mem>>)
      %dma_wait3A = arith.constant 0 : i32
      %dma_wait3A_40 = arith.constant 0 : i32
      %dma_wait3A_41 = tpu.memref_slice %arg3[%add3A, %run_scoped3A_3, %dma_wait3A, %dma_wait3A_40] : memref<32x2x40x128xi32, #tpu.memory_space<hbm>> -> memref<1x1x40x128xi32, #tpu.memory_space<hbm>>
      %dma_wait3A_42 = tpu.memref_squeeze %dma_wait3A_41 : memref<1x1x40x128xi32, #tpu.memory_space<hbm>> -> memref<40x128xi32, #tpu.memory_space<hbm>>
      %dma_wait3A_43 = arith.constant 0 : i32
      %dma_wait3A_44 = arith.constant 0 : i32
      %dma_wait3A_45 = tpu.memref_slice %arg3[%add3A, %run_scoped3A_3, %dma_wait3A_43, %dma_wait3A_44] : memref<32x2x40x128xi32, #tpu.memory_space<hbm>> -> memref<1x1x40x128xi32, #tpu.memory_space<hbm>>
      %dma_wait3A_46 = tpu.memref_squeeze %dma_wait3A_45 : memref<1x1x40x128xi32, #tpu.memory_space<hbm>> -> memref<40x128xi32, #tpu.memory_space<hbm>>
      tpu.wait_dma2 semaphore(%run_scoped3A_31 : memref<!tpu.dma_semaphore, #tpu.memory_space<semaphore_mem>>) src(%dma_wait3A_46 : memref<40x128xi32, #tpu.memory_space<hbm>>) dst(%arg7 : memref<40x128xi32, #tpu.memory_space<vmem>>)
      tpu.yield
    }) : () -> ()
    %dma_start3A = arith.constant 0 : i32
    %dma_start3A_4 = arith.constant 0 : i32
    %dma_start3A_5 = tpu.memref_slice %arg6[%dma_start3A, %dma_start3A_4] : memref<40x128xi32, #tpu.memory_space<vmem>> -> memref<1x128xi32, #tpu.memory_space<vmem>>
    %dma_start3A_6 = tpu.memref_squeeze %dma_start3A_5 : memref<1x128xi32, #tpu.memory_space<vmem>> -> memref<128xi32, #tpu.memory_space<vmem>>
    %dma_start3A_7 = arith.constant 0 : i32
    %dma_start3A_8 = arith.constant 0 : i32
    %dma_start3A_9 = tpu.memref_slice %arg4[%dma_start3A_7, %dma_start3A_8] : memref<10112x128xf32, #tpu.memory_space<hbm>> -> memref<10112x128xf32, #tpu.memory_space<hbm>>
    tpu.enqueue_indirect_dma source(%dma_start3A_9 : memref<10112x128xf32, #tpu.memory_space<hbm>>) target(%arg8 : memref<128x128xf32, #tpu.memory_space<vmem>>) offsets(%dma_start3A_6 : memref<128xi32, #tpu.memory_space<vmem>>) semaphore(%arg10 : memref<!tpu.dma_semaphore, #tpu.memory_space<semaphore_mem>>)
    %scan3A = arith.constant 0 : i32
    %scan3A_10 = arith.constant 0 : i32
    %scan3A_11 = arith.constant 20 : i32
    %scan3A_12 = arith.addi %scan3A_10, %scan3A_11 : i32
    %scan3A_13 = arith.constant 1 : i32
    scf.for %scan3A_31 = %scan3A_10 to %scan3A_12 step %scan3A_13  : i32 {
      %mul3A_32 = arith.constant 2 : i32
      %mul3A_33 = arith.muli %mul3A_32, %scan3A_31 : i32
      %add3A_34 = arith.constant 1 : i32
      %add3A_35 = arith.addi %mul3A_33, %add3A_34 : i32
      %dma_start3A_36 = arith.constant 0 : i32
      %dma_start3A_37 = tpu.memref_slice %arg6[%add3A_35, %dma_start3A_36] : memref<40x128xi32, #tpu.memory_space<vmem>> -> memref<1x128xi32, #tpu.memory_space<vmem>>
      %dma_start3A_38 = tpu.memref_squeeze %dma_start3A_37 : memref<1x128xi32, #tpu.memory_space<vmem>> -> memref<128xi32, #tpu.memory_space<vmem>>
      %dma_start3A_39 = arith.constant 0 : i32
      %dma_start3A_40 = arith.constant 0 : i32
      %dma_start3A_41 = tpu.memref_slice %arg4[%dma_start3A_39, %dma_start3A_40] : memref<10112x128xf32, #tpu.memory_space<hbm>> -> memref<10112x128xf32, #tpu.memory_space<hbm>>
      tpu.enqueue_indirect_dma source(%dma_start3A_41 : memref<10112x128xf32, #tpu.memory_space<hbm>>) target(%arg9 : memref<128x128xf32, #tpu.memory_space<vmem>>) offsets(%dma_start3A_38 : memref<128xi32, #tpu.memory_space<vmem>>) semaphore(%arg11 : memref<!tpu.dma_semaphore, #tpu.memory_space<semaphore_mem>>)
      %dma_wait3A = arith.constant 0 : i32
      %dma_wait3A_42 = arith.constant 0 : i32
      %dma_wait3A_43 = tpu.memref_slice %arg6[%dma_wait3A, %dma_wait3A_42] : memref<40x128xi32, #tpu.memory_space<vmem>> -> memref<1x128xi32, #tpu.memory_space<vmem>>
      %dma_wait3A_44 = tpu.memref_squeeze %dma_wait3A_43 : memref<1x128xi32, #tpu.memory_space<vmem>> -> memref<128xi32, #tpu.memory_space<vmem>>
      %dma_wait3A_45 = arith.constant 0 : i32
      %dma_wait3A_46 = arith.constant 0 : i32
      %dma_wait3A_47 = tpu.memref_slice %arg4[%dma_wait3A_45, %dma_wait3A_46] : memref<10112x128xf32, #tpu.memory_space<hbm>> -> memref<10112x128xf32, #tpu.memory_space<hbm>>
      tpu.wait_indirect_dma semaphore(%arg10 : memref<!tpu.dma_semaphore, #tpu.memory_space<semaphore_mem>>) src(%dma_wait3A_47 : memref<10112x128xf32, #tpu.memory_space<hbm>>) dst(%arg8 : memref<128x128xf32, #tpu.memory_space<vmem>>)
      %mul3A_48 = arith.constant 2 : i32
      %mul3A_49 = arith.muli %mul3A_48, %scan3A_31 : i32
      "tpu.region"() ({
        %run_scoped3A_63 = tpu.sem_alloc : memref<!tpu.dma_semaphore, #tpu.memory_space<semaphore_mem>>
        %dma_start3A_64 = arith.constant 0 : i32
        %dma_start3A_65 = tpu.memref_slice %arg7[%mul3A_49, %dma_start3A_64] : memref<40x128xi32, #tpu.memory_space<vmem>> -> memref<1x128xi32, #tpu.memory_space<vmem>>
        %dma_start3A_66 = tpu.memref_squeeze %dma_start3A_65 : memref<1x128xi32, #tpu.memory_space<vmem>> -> memref<128xi32, #tpu.memory_space<vmem>>
        %dma_start3A_67 = arith.constant 0 : i32
        %dma_start3A_68 = arith.constant 0 : i32
        %dma_start3A_69 = tpu.memref_slice %arg12[%dma_start3A_67, %dma_start3A_68] : memref<10112x128xf32, #tpu.memory_space<vmem_shared>> -> memref<10112x128xf32, #tpu.memory_space<vmem_shared>>
        tpu.enqueue_indirect_dma source(%arg8 : memref<128x128xf32, #tpu.memory_space<vmem>>) target(%dma_start3A_69 : memref<10112x128xf32, #tpu.memory_space<vmem_shared>>) offsets(%dma_start3A_66 : memref<128xi32, #tpu.memory_space<vmem>>) semaphore(%run_scoped3A_63 : memref<!tpu.dma_semaphore, #tpu.memory_space<semaphore_mem>>) {add = true}
        %dma_wait3A_70 = arith.constant 0 : i32
        %dma_wait3A_71 = tpu.memref_slice %arg7[%mul3A_49, %dma_wait3A_70] : memref<40x128xi32, #tpu.memory_space<vmem>> -> memref<1x128xi32, #tpu.memory_space<vmem>>
        %dma_wait3A_72 = tpu.memref_squeeze %dma_wait3A_71 : memref<1x128xi32, #tpu.memory_space<vmem>> -> memref<128xi32, #tpu.memory_space<vmem>>
        %dma_wait3A_73 = arith.constant 0 : i32
        %dma_wait3A_74 = arith.constant 0 : i32
        %dma_wait3A_75 = tpu.memref_slice %arg12[%dma_wait3A_73, %dma_wait3A_74] : memref<10112x128xf32, #tpu.memory_space<vmem_shared>> -> memref<10112x128xf32, #tpu.memory_space<vmem_shared>>
        tpu.wait_indirect_dma semaphore(%run_scoped3A_63 : memref<!tpu.dma_semaphore, #tpu.memory_space<semaphore_mem>>) src(%arg8 : memref<128x128xf32, #tpu.memory_space<vmem>>) dst(%dma_wait3A_75 : memref<10112x128xf32, #tpu.memory_space<vmem_shared>>)
        tpu.yield
      }) : () -> ()
      %lt3A = arith.constant 19 : i32
      %lt3A_50 = arith.cmpi slt, %scan3A_31, %lt3A : i32
      %convert_element_type3A = arith.extui %lt3A_50 : i1 to i32
      %cond3A = arith.constant 0 : i32
      %cond3A_51 = arith.cmpi ne, %convert_element_type3A, %cond3A : i32
      scf.if %cond3A_51 {
        %mul3A_63 = arith.constant 2 : i32
        %mul3A_64 = arith.muli %mul3A_63, %scan3A_31 : i32
        %add3A_65 = arith.constant 2 : i32
        %add3A_66 = arith.addi %mul3A_64, %add3A_65 : i32
        %dma_start3A_67 = arith.constant 0 : i32
        %dma_start3A_68 = tpu.memref_slice %arg6[%add3A_66, %dma_start3A_67] : memref<40x128xi32, #tpu.memory_space<vmem>> -> memref<1x128xi32, #tpu.memory_space<vmem>>
        %dma_start3A_69 = tpu.memref_squeeze %dma_start3A_68 : memref<1x128xi32, #tpu.memory_space<vmem>> -> memref<128xi32, #tpu.memory_space<vmem>>
        %dma_start3A_70 = arith.constant 0 : i32
        %dma_start3A_71 = arith.constant 0 : i32
        %dma_start3A_72 = tpu.memref_slice %arg4[%dma_start3A_70, %dma_start3A_71] : memref<10112x128xf32, #tpu.memory_space<hbm>> -> memref<10112x128xf32, #tpu.memory_space<hbm>>
        tpu.enqueue_indirect_dma source(%dma_start3A_72 : memref<10112x128xf32, #tpu.memory_space<hbm>>) target(%arg8 : memref<128x128xf32, #tpu.memory_space<vmem>>) offsets(%dma_start3A_69 : memref<128xi32, #tpu.memory_space<vmem>>) semaphore(%arg10 : memref<!tpu.dma_semaphore, #tpu.memory_space<semaphore_mem>>)
      } else {
      }
      %dma_wait3A_52 = arith.constant 0 : i32
      %dma_wait3A_53 = arith.constant 0 : i32
      %dma_wait3A_54 = tpu.memref_slice %arg6[%dma_wait3A_52, %dma_wait3A_53] : memref<40x128xi32, #tpu.memory_space<vmem>> -> memref<1x128xi32, #tpu.memory_space<vmem>>
      %dma_wait3A_55 = tpu.memref_squeeze %dma_wait3A_54 : memref<1x128xi32, #tpu.memory_space<vmem>> -> memref<128xi32, #tpu.memory_space<vmem>>
      %dma_wait3A_56 = arith.constant 0 : i32
      %dma_wait3A_57 = arith.constant 0 : i32
      %dma_wait3A_58 = tpu.memref_slice %arg4[%dma_wait3A_56, %dma_wait3A_57] : memref<10112x128xf32, #tpu.memory_space<hbm>> -> memref<10112x128xf32, #tpu.memory_space<hbm>>
      tpu.wait_indirect_dma semaphore(%arg11 : memref<!tpu.dma_semaphore, #tpu.memory_space<semaphore_mem>>) src(%dma_wait3A_58 : memref<10112x128xf32, #tpu.memory_space<hbm>>) dst(%arg9 : memref<128x128xf32, #tpu.memory_space<vmem>>)
      %mul3A_59 = arith.constant 2 : i32
      %mul3A_60 = arith.muli %mul3A_59, %scan3A_31 : i32
      %add3A_61 = arith.constant 1 : i32
      %add3A_62 = arith.addi %mul3A_60, %add3A_61 : i32
      "tpu.region"() ({
        %run_scoped3A_63 = tpu.sem_alloc : memref<!tpu.dma_semaphore, #tpu.memory_space<semaphore_mem>>
        %dma_start3A_64 = arith.constant 0 : i32
        %dma_start3A_65 = tpu.memref_slice %arg7[%add3A_62, %dma_start3A_64] : memref<40x128xi32, #tpu.memory_space<vmem>> -> memref<1x128xi32, #tpu.memory_space<vmem>>
        %dma_start3A_66 = tpu.memref_squeeze %dma_start3A_65 : memref<1x128xi32, #tpu.memory_space<vmem>> -> memref<128xi32, #tpu.memory_space<vmem>>
        %dma_start3A_67 = arith.constant 0 : i32
        %dma_start3A_68 = arith.constant 0 : i32
        %dma_start3A_69 = tpu.memref_slice %arg12[%dma_start3A_67, %dma_start3A_68] : memref<10112x128xf32, #tpu.memory_space<vmem_shared>> -> memref<10112x128xf32, #tpu.memory_space<vmem_shared>>
        tpu.enqueue_indirect_dma source(%arg9 : memref<128x128xf32, #tpu.memory_space<vmem>>) target(%dma_start3A_69 : memref<10112x128xf32, #tpu.memory_space<vmem_shared>>) offsets(%dma_start3A_66 : memref<128xi32, #tpu.memory_space<vmem>>) semaphore(%run_scoped3A_63 : memref<!tpu.dma_semaphore, #tpu.memory_space<semaphore_mem>>) {add = true}
        %dma_wait3A_70 = arith.constant 0 : i32
        %dma_wait3A_71 = tpu.memref_slice %arg7[%add3A_62, %dma_wait3A_70] : memref<40x128xi32, #tpu.memory_space<vmem>> -> memref<1x128xi32, #tpu.memory_space<vmem>>
        %dma_wait3A_72 = tpu.memref_squeeze %dma_wait3A_71 : memref<1x128xi32, #tpu.memory_space<vmem>> -> memref<128xi32, #tpu.memory_space<vmem>>
        %dma_wait3A_73 = arith.constant 0 : i32
        %dma_wait3A_74 = arith.constant 0 : i32
        %dma_wait3A_75 = tpu.memref_slice %arg12[%dma_wait3A_73, %dma_wait3A_74] : memref<10112x128xf32, #tpu.memory_space<vmem_shared>> -> memref<10112x128xf32, #tpu.memory_space<vmem_shared>>
        tpu.wait_indirect_dma semaphore(%run_scoped3A_63 : memref<!tpu.dma_semaphore, #tpu.memory_space<semaphore_mem>>) src(%arg9 : memref<128x128xf32, #tpu.memory_space<vmem>>) dst(%dma_wait3A_75 : memref<10112x128xf32, #tpu.memory_space<vmem_shared>>)
        tpu.yield
      }) : () -> ()
    }
    %scan3A_14 = arith.constant 20 : i32
    %run_scoped3A_15 = arith.constant 1 : i32
    "tpu.region"() ({
      %run_scoped3A_31 = tpu.sem_alloc : memref<!tpu.dma_semaphore, #tpu.memory_space<semaphore_mem>>
      %dma_start3A_32 = arith.constant 0 : i32
      %dma_start3A_33 = arith.constant 0 : i32
      %dma_start3A_34 = tpu.memref_slice %arg2[%add3A, %run_scoped3A_15, %dma_start3A_32, %dma_start3A_33] : memref<32x2x40x128xi32, #tpu.memory_space<hbm>> -> memref<1x1x40x128xi32, #tpu.memory_space<hbm>>
      %dma_start3A_35 = tpu.memref_squeeze %dma_start3A_34 : memref<1x1x40x128xi32, #tpu.memory_space<hbm>> -> memref<40x128xi32, #tpu.memory_space<hbm>>
      %dma_start3A_36 = arith.constant 0 : i32
      %dma_start3A_37 = arith.constant 0 : i32
      %dma_start3A_38 = tpu.memref_slice %arg2[%add3A, %run_scoped3A_15, %dma_start3A_36, %dma_start3A_37] : memref<32x2x40x128xi32, #tpu.memory_space<hbm>> -> memref<1x1x40x128xi32, #tpu.memory_space<hbm>>
      %dma_start3A_39 = tpu.memref_squeeze %dma_start3A_38 : memref<1x1x40x128xi32, #tpu.memory_space<hbm>> -> memref<40x128xi32, #tpu.memory_space<hbm>>
      tpu.enqueue_dma source(%dma_start3A_39 : memref<40x128xi32, #tpu.memory_space<hbm>>) target(%arg6 : memref<40x128xi32, #tpu.memory_space<vmem>>) target_semaphore(%run_scoped3A_31 : memref<!tpu.dma_semaphore, #tpu.memory_space<semaphore_mem>>)
      %dma_wait3A = arith.constant 0 : i32
      %dma_wait3A_40 = arith.constant 0 : i32
      %dma_wait3A_41 = tpu.memref_slice %arg2[%add3A, %run_scoped3A_15, %dma_wait3A, %dma_wait3A_40] : memref<32x2x40x128xi32, #tpu.memory_space<hbm>> -> memref<1x1x40x128xi32, #tpu.memory_space<hbm>>
      %dma_wait3A_42 = tpu.memref_squeeze %dma_wait3A_41 : memref<1x1x40x128xi32, #tpu.memory_space<hbm>> -> memref<40x128xi32, #tpu.memory_space<hbm>>
      %dma_wait3A_43 = arith.constant 0 : i32
      %dma_wait3A_44 = arith.constant 0 : i32
      %dma_wait3A_45 = tpu.memref_slice %arg2[%add3A, %run_scoped3A_15, %dma_wait3A_43, %dma_wait3A_44] : memref<32x2x40x128xi32, #tpu.memory_space<hbm>> -> memref<1x1x40x128xi32, #tpu.memory_space<hbm>>
      %dma_wait3A_46 = tpu.memref_squeeze %dma_wait3A_45 : memref<1x1x40x128xi32, #tpu.memory_space<hbm>> -> memref<40x128xi32, #tpu.memory_space<hbm>>
      tpu.wait_dma2 semaphore(%run_scoped3A_31 : memref<!tpu.dma_semaphore, #tpu.memory_space<semaphore_mem>>) src(%dma_wait3A_46 : memref<40x128xi32, #tpu.memory_space<hbm>>) dst(%arg6 : memref<40x128xi32, #tpu.memory_space<vmem>>)
      tpu.yield
    }) : () -> ()
    %run_scoped3A_16 = arith.constant 1 : i32
    "tpu.region"() ({
      %run_scoped3A_31 = tpu.sem_alloc : memref<!tpu.dma_semaphore, #tpu.memory_space<semaphore_mem>>
      %dma_start3A_32 = arith.constant 0 : i32
      %dma_start3A_33 = arith.constant 0 : i32
      %dma_start3A_34 = tpu.memref_slice %arg3[%add3A, %run_scoped3A_16, %dma_start3A_32, %dma_start3A_33] : memref<32x2x40x128xi32, #tpu.memory_space<hbm>> -> memref<1x1x40x128xi32, #tpu.memory_space<hbm>>
      %dma_start3A_35 = tpu.memref_squeeze %dma_start3A_34 : memref<1x1x40x128xi32, #tpu.memory_space<hbm>> -> memref<40x128xi32, #tpu.memory_space<hbm>>
      %dma_start3A_36 = arith.constant 0 : i32
      %dma_start3A_37 = arith.constant 0 : i32
      %dma_start3A_38 = tpu.memref_slice %arg3[%add3A, %run_scoped3A_16, %dma_start3A_36, %dma_start3A_37] : memref<32x2x40x128xi32, #tpu.memory_space<hbm>> -> memref<1x1x40x128xi32, #tpu.memory_space<hbm>>
      %dma_start3A_39 = tpu.memref_squeeze %dma_start3A_38 : memref<1x1x40x128xi32, #tpu.memory_space<hbm>> -> memref<40x128xi32, #tpu.memory_space<hbm>>
      tpu.enqueue_dma source(%dma_start3A_39 : memref<40x128xi32, #tpu.memory_space<hbm>>) target(%arg7 : memref<40x128xi32, #tpu.memory_space<vmem>>) target_semaphore(%run_scoped3A_31 : memref<!tpu.dma_semaphore, #tpu.memory_space<semaphore_mem>>)
      %dma_wait3A = arith.constant 0 : i32
      %dma_wait3A_40 = arith.constant 0 : i32
      %dma_wait3A_41 = tpu.memref_slice %arg3[%add3A, %run_scoped3A_16, %dma_wait3A, %dma_wait3A_40] : memref<32x2x40x128xi32, #tpu.memory_space<hbm>> -> memref<1x1x40x128xi32, #tpu.memory_space<hbm>>
      %dma_wait3A_42 = tpu.memref_squeeze %dma_wait3A_41 : memref<1x1x40x128xi32, #tpu.memory_space<hbm>> -> memref<40x128xi32, #tpu.memory_space<hbm>>
      %dma_wait3A_43 = arith.constant 0 : i32
      %dma_wait3A_44 = arith.constant 0 : i32
      %dma_wait3A_45 = tpu.memref_slice %arg3[%add3A, %run_scoped3A_16, %dma_wait3A_43, %dma_wait3A_44] : memref<32x2x40x128xi32, #tpu.memory_space<hbm>> -> memref<1x1x40x128xi32, #tpu.memory_space<hbm>>
      %dma_wait3A_46 = tpu.memref_squeeze %dma_wait3A_45 : memref<1x1x40x128xi32, #tpu.memory_space<hbm>> -> memref<40x128xi32, #tpu.memory_space<hbm>>
      tpu.wait_dma2 semaphore(%run_scoped3A_31 : memref<!tpu.dma_semaphore, #tpu.memory_space<semaphore_mem>>) src(%dma_wait3A_46 : memref<40x128xi32, #tpu.memory_space<hbm>>) dst(%arg7 : memref<40x128xi32, #tpu.memory_space<vmem>>)
      tpu.yield
    }) : () -> ()
    %dma_start3A_17 = arith.constant 0 : i32
    %dma_start3A_18 = arith.constant 0 : i32
    %dma_start3A_19 = tpu.memref_slice %arg6[%dma_start3A_17, %dma_start3A_18] : memref<40x128xi32, #tpu.memory_space<vmem>> -> memref<1x128xi32, #tpu.memory_space<vmem>>
    %dma_start3A_20 = tpu.memref_squeeze %dma_start3A_19 : memref<1x128xi32, #tpu.memory_space<vmem>> -> memref<128xi32, #tpu.memory_space<vmem>>
    %dma_start3A_21 = arith.constant 0 : i32
    %dma_start3A_22 = arith.constant 0 : i32
    %dma_start3A_23 = tpu.memref_slice %arg4[%dma_start3A_21, %dma_start3A_22] : memref<10112x128xf32, #tpu.memory_space<hbm>> -> memref<10112x128xf32, #tpu.memory_space<hbm>>
    tpu.enqueue_indirect_dma source(%dma_start3A_23 : memref<10112x128xf32, #tpu.memory_space<hbm>>) target(%arg8 : memref<128x128xf32, #tpu.memory_space<vmem>>) offsets(%dma_start3A_20 : memref<128xi32, #tpu.memory_space<vmem>>) semaphore(%arg10 : memref<!tpu.dma_semaphore, #tpu.memory_space<semaphore_mem>>)
    %scan3A_24 = arith.constant 0 : i32
    %scan3A_25 = arith.constant 0 : i32
    %scan3A_26 = arith.constant 20 : i32
    %scan3A_27 = arith.addi %scan3A_25, %scan3A_26 : i32
    %scan3A_28 = arith.constant 1 : i32
    scf.for %scan3A_31 = %scan3A_25 to %scan3A_27 step %scan3A_28  : i32 {
      %mul3A_32 = arith.constant 2 : i32
      %mul3A_33 = arith.muli %mul3A_32, %scan3A_31 : i32
      %add3A_34 = arith.constant 1 : i32
      %add3A_35 = arith.addi %mul3A_33, %add3A_34 : i32
      %dma_start3A_36 = arith.constant 0 : i32
      %dma_start3A_37 = tpu.memref_slice %arg6[%add3A_35, %dma_start3A_36] : memref<40x128xi32, #tpu.memory_space<vmem>> -> memref<1x128xi32, #tpu.memory_space<vmem>>
      %dma_start3A_38 = tpu.memref_squeeze %dma_start3A_37 : memref<1x128xi32, #tpu.memory_space<vmem>> -> memref<128xi32, #tpu.memory_space<vmem>>
      %dma_start3A_39 = arith.constant 0 : i32
      %dma_start3A_40 = arith.constant 0 : i32
      %dma_start3A_41 = tpu.memref_slice %arg4[%dma_start3A_39, %dma_start3A_40] : memref<10112x128xf32, #tpu.memory_space<hbm>> -> memref<10112x128xf32, #tpu.memory_space<hbm>>
      tpu.enqueue_indirect_dma source(%dma_start3A_41 : memref<10112x128xf32, #tpu.memory_space<hbm>>) target(%arg9 : memref<128x128xf32, #tpu.memory_space<vmem>>) offsets(%dma_start3A_38 : memref<128xi32, #tpu.memory_space<vmem>>) semaphore(%arg11 : memref<!tpu.dma_semaphore, #tpu.memory_space<semaphore_mem>>)
      %dma_wait3A = arith.constant 0 : i32
      %dma_wait3A_42 = arith.constant 0 : i32
      %dma_wait3A_43 = tpu.memref_slice %arg6[%dma_wait3A, %dma_wait3A_42] : memref<40x128xi32, #tpu.memory_space<vmem>> -> memref<1x128xi32, #tpu.memory_space<vmem>>
      %dma_wait3A_44 = tpu.memref_squeeze %dma_wait3A_43 : memref<1x128xi32, #tpu.memory_space<vmem>> -> memref<128xi32, #tpu.memory_space<vmem>>
      %dma_wait3A_45 = arith.constant 0 : i32
      %dma_wait3A_46 = arith.constant 0 : i32
      %dma_wait3A_47 = tpu.memref_slice %arg4[%dma_wait3A_45, %dma_wait3A_46] : memref<10112x128xf32, #tpu.memory_space<hbm>> -> memref<10112x128xf32, #tpu.memory_space<hbm>>
      tpu.wait_indirect_dma semaphore(%arg10 : memref<!tpu.dma_semaphore, #tpu.memory_space<semaphore_mem>>) src(%dma_wait3A_47 : memref<10112x128xf32, #tpu.memory_space<hbm>>) dst(%arg8 : memref<128x128xf32, #tpu.memory_space<vmem>>)
      %mul3A_48 = arith.constant 2 : i32
      %mul3A_49 = arith.muli %mul3A_48, %scan3A_31 : i32
      "tpu.region"() ({
        %run_scoped3A_63 = tpu.sem_alloc : memref<!tpu.dma_semaphore, #tpu.memory_space<semaphore_mem>>
        %dma_start3A_64 = arith.constant 0 : i32
        %dma_start3A_65 = tpu.memref_slice %arg7[%mul3A_49, %dma_start3A_64] : memref<40x128xi32, #tpu.memory_space<vmem>> -> memref<1x128xi32, #tpu.memory_space<vmem>>
        %dma_start3A_66 = tpu.memref_squeeze %dma_start3A_65 : memref<1x128xi32, #tpu.memory_space<vmem>> -> memref<128xi32, #tpu.memory_space<vmem>>
        %dma_start3A_67 = arith.constant 0 : i32
        %dma_start3A_68 = arith.constant 0 : i32
        %dma_start3A_69 = tpu.memref_slice %arg12[%dma_start3A_67, %dma_start3A_68] : memref<10112x128xf32, #tpu.memory_space<vmem_shared>> -> memref<10112x128xf32, #tpu.memory_space<vmem_shared>>
        tpu.enqueue_indirect_dma source(%arg8 : memref<128x128xf32, #tpu.memory_space<vmem>>) target(%dma_start3A_69 : memref<10112x128xf32, #tpu.memory_space<vmem_shared>>) offsets(%dma_start3A_66 : memref<128xi32, #tpu.memory_space<vmem>>) semaphore(%run_scoped3A_63 : memref<!tpu.dma_semaphore, #tpu.memory_space<semaphore_mem>>) {add = true}
        %dma_wait3A_70 = arith.constant 0 : i32
        %dma_wait3A_71 = tpu.memref_slice %arg7[%mul3A_49, %dma_wait3A_70] : memref<40x128xi32, #tpu.memory_space<vmem>> -> memref<1x128xi32, #tpu.memory_space<vmem>>
        %dma_wait3A_72 = tpu.memref_squeeze %dma_wait3A_71 : memref<1x128xi32, #tpu.memory_space<vmem>> -> memref<128xi32, #tpu.memory_space<vmem>>
        %dma_wait3A_73 = arith.constant 0 : i32
        %dma_wait3A_74 = arith.constant 0 : i32
        %dma_wait3A_75 = tpu.memref_slice %arg12[%dma_wait3A_73, %dma_wait3A_74] : memref<10112x128xf32, #tpu.memory_space<vmem_shared>> -> memref<10112x128xf32, #tpu.memory_space<vmem_shared>>
        tpu.wait_indirect_dma semaphore(%run_scoped3A_63 : memref<!tpu.dma_semaphore, #tpu.memory_space<semaphore_mem>>) src(%arg8 : memref<128x128xf32, #tpu.memory_space<vmem>>) dst(%dma_wait3A_75 : memref<10112x128xf32, #tpu.memory_space<vmem_shared>>)
        tpu.yield
      }) : () -> ()
      %lt3A = arith.constant 19 : i32
      %lt3A_50 = arith.cmpi slt, %scan3A_31, %lt3A : i32
      %convert_element_type3A = arith.extui %lt3A_50 : i1 to i32
      %cond3A = arith.constant 0 : i32
      %cond3A_51 = arith.cmpi ne, %convert_element_type3A, %cond3A : i32
      scf.if %cond3A_51 {
        %mul3A_63 = arith.constant 2 : i32
        %mul3A_64 = arith.muli %mul3A_63, %scan3A_31 : i32
        %add3A_65 = arith.constant 2 : i32
        %add3A_66 = arith.addi %mul3A_64, %add3A_65 : i32
        %dma_start3A_67 = arith.constant 0 : i32
        %dma_start3A_68 = tpu.memref_slice %arg6[%add3A_66, %dma_start3A_67] : memref<40x128xi32, #tpu.memory_space<vmem>> -> memref<1x128xi32, #tpu.memory_space<vmem>>
        %dma_start3A_69 = tpu.memref_squeeze %dma_start3A_68 : memref<1x128xi32, #tpu.memory_space<vmem>> -> memref<128xi32, #tpu.memory_space<vmem>>
        %dma_start3A_70 = arith.constant 0 : i32
        %dma_start3A_71 = arith.constant 0 : i32
        %dma_start3A_72 = tpu.memref_slice %arg4[%dma_start3A_70, %dma_start3A_71] : memref<10112x128xf32, #tpu.memory_space<hbm>> -> memref<10112x128xf32, #tpu.memory_space<hbm>>
        tpu.enqueue_indirect_dma source(%dma_start3A_72 : memref<10112x128xf32, #tpu.memory_space<hbm>>) target(%arg8 : memref<128x128xf32, #tpu.memory_space<vmem>>) offsets(%dma_start3A_69 : memref<128xi32, #tpu.memory_space<vmem>>) semaphore(%arg10 : memref<!tpu.dma_semaphore, #tpu.memory_space<semaphore_mem>>)
      } else {
      }
      %dma_wait3A_52 = arith.constant 0 : i32
      %dma_wait3A_53 = arith.constant 0 : i32
      %dma_wait3A_54 = tpu.memref_slice %arg6[%dma_wait3A_52, %dma_wait3A_53] : memref<40x128xi32, #tpu.memory_space<vmem>> -> memref<1x128xi32, #tpu.memory_space<vmem>>
      %dma_wait3A_55 = tpu.memref_squeeze %dma_wait3A_54 : memref<1x128xi32, #tpu.memory_space<vmem>> -> memref<128xi32, #tpu.memory_space<vmem>>
      %dma_wait3A_56 = arith.constant 0 : i32
      %dma_wait3A_57 = arith.constant 0 : i32
      %dma_wait3A_58 = tpu.memref_slice %arg4[%dma_wait3A_56, %dma_wait3A_57] : memref<10112x128xf32, #tpu.memory_space<hbm>> -> memref<10112x128xf32, #tpu.memory_space<hbm>>
      tpu.wait_indirect_dma semaphore(%arg11 : memref<!tpu.dma_semaphore, #tpu.memory_space<semaphore_mem>>) src(%dma_wait3A_58 : memref<10112x128xf32, #tpu.memory_space<hbm>>) dst(%arg9 : memref<128x128xf32, #tpu.memory_space<vmem>>)
      %mul3A_59 = arith.constant 2 : i32
      %mul3A_60 = arith.muli %mul3A_59, %scan3A_31 : i32
      %add3A_61 = arith.constant 1 : i32
      %add3A_62 = arith.addi %mul3A_60, %add3A_61 : i32
      "tpu.region"() ({
        %run_scoped3A_63 = tpu.sem_alloc : memref<!tpu.dma_semaphore, #tpu.memory_space<semaphore_mem>>
        %dma_start3A_64 = arith.constant 0 : i32
        %dma_start3A_65 = tpu.memref_slice %arg7[%add3A_62, %dma_start3A_64] : memref<40x128xi32, #tpu.memory_space<vmem>> -> memref<1x128xi32, #tpu.memory_space<vmem>>
        %dma_start3A_66 = tpu.memref_squeeze %dma_start3A_65 : memref<1x128xi32, #tpu.memory_space<vmem>> -> memref<128xi32, #tpu.memory_space<vmem>>
        %dma_start3A_67 = arith.constant 0 : i32
        %dma_start3A_68 = arith.constant 0 : i32
        %dma_start3A_69 = tpu.memref_slice %arg12[%dma_start3A_67, %dma_start3A_68] : memref<10112x128xf32, #tpu.memory_space<vmem_shared>> -> memref<10112x128xf32, #tpu.memory_space<vmem_shared>>
        tpu.enqueue_indirect_dma source(%arg9 : memref<128x128xf32, #tpu.memory_space<vmem>>) target(%dma_start3A_69 : memref<10112x128xf32, #tpu.memory_space<vmem_shared>>) offsets(%dma_start3A_66 : memref<128xi32, #tpu.memory_space<vmem>>) semaphore(%run_scoped3A_63 : memref<!tpu.dma_semaphore, #tpu.memory_space<semaphore_mem>>) {add = true}
        %dma_wait3A_70 = arith.constant 0 : i32
        %dma_wait3A_71 = tpu.memref_slice %arg7[%add3A_62, %dma_wait3A_70] : memref<40x128xi32, #tpu.memory_space<vmem>> -> memref<1x128xi32, #tpu.memory_space<vmem>>
        %dma_wait3A_72 = tpu.memref_squeeze %dma_wait3A_71 : memref<1x128xi32, #tpu.memory_space<vmem>> -> memref<128xi32, #tpu.memory_space<vmem>>
        %dma_wait3A_73 = arith.constant 0 : i32
        %dma_wait3A_74 = arith.constant 0 : i32
        %dma_wait3A_75 = tpu.memref_slice %arg12[%dma_wait3A_73, %dma_wait3A_74] : memref<10112x128xf32, #tpu.memory_space<vmem_shared>> -> memref<10112x128xf32, #tpu.memory_space<vmem_shared>>
        tpu.wait_indirect_dma semaphore(%run_scoped3A_63 : memref<!tpu.dma_semaphore, #tpu.memory_space<semaphore_mem>>) src(%arg9 : memref<128x128xf32, #tpu.memory_space<vmem>>) dst(%dma_wait3A_75 : memref<10112x128xf32, #tpu.memory_space<vmem_shared>>)
        tpu.yield
      }) : () -> ()
    }
    %scan3A_29 = arith.constant 20 : i32
    %barrier3A_30 = arith.constant 0 : index
    tpu.barrier barrier_id(%barrier3A_30)
    "tpu.region"() ({
      %run_scoped3A_31 = tpu.sem_alloc : memref<!tpu.dma_semaphore, #tpu.memory_space<semaphore_mem>>
      %dma_start3A_32 = arith.constant 0 : i32
      %dma_start3A_33 = tpu.memref_slice %arg5[%arg0, %mul3A_2, %dma_start3A_32] : memref<2x10112x128xf32, #tpu.memory_space<hbm>> -> memref<1x632x128xf32, #tpu.memory_space<hbm>>
      %dma_start3A_34 = tpu.memref_squeeze %dma_start3A_33 : memref<1x632x128xf32, #tpu.memory_space<hbm>> -> memref<632x128xf32, #tpu.memory_space<hbm>>
      %dma_start3A_35 = arith.constant 0 : i32
      %dma_start3A_36 = tpu.memref_slice %arg12[%mul3A_2, %dma_start3A_35] : memref<10112x128xf32, #tpu.memory_space<vmem_shared>> -> memref<632x128xf32, #tpu.memory_space<vmem_shared>>
      tpu.enqueue_dma source(%dma_start3A_36 : memref<632x128xf32, #tpu.memory_space<vmem_shared>>) target(%dma_start3A_34 : memref<632x128xf32, #tpu.memory_space<hbm>>) target_semaphore(%run_scoped3A_31 : memref<!tpu.dma_semaphore, #tpu.memory_space<semaphore_mem>>)
      %dma_wait3A = arith.constant 0 : i32
      %dma_wait3A_37 = tpu.memref_slice %arg5[%arg0, %mul3A_2, %dma_wait3A] : memref<2x10112x128xf32, #tpu.memory_space<hbm>> -> memref<1x632x128xf32, #tpu.memory_space<hbm>>
      %dma_wait3A_38 = tpu.memref_squeeze %dma_wait3A_37 : memref<1x632x128xf32, #tpu.memory_space<hbm>> -> memref<632x128xf32, #tpu.memory_space<hbm>>
      %dma_wait3A_39 = arith.constant 0 : i32
      %dma_wait3A_40 = tpu.memref_slice %arg12[%mul3A_2, %dma_wait3A_39] : memref<10112x128xf32, #tpu.memory_space<vmem_shared>> -> memref<632x128xf32, #tpu.memory_space<vmem_shared>>
      tpu.wait_dma2 semaphore(%run_scoped3A_31 : memref<!tpu.dma_semaphore, #tpu.memory_space<semaphore_mem>>) src(%dma_wait3A_40 : memref<632x128xf32, #tpu.memory_space<vmem_shared>>) dst(%dma_wait3A_38 : memref<632x128xf32, #tpu.memory_space<hbm>>)
      tpu.yield
    }) : () -> ()
    return
  }
}

#map = affine_map<(d0, d1) -> (0, 0, 0, 0)>
#map1 = affine_map<(d0, d1) -> (0, 0)>
#map2 = affine_map<(d0, d1) -> (0, 0, 0)>
module attributes {stable_mosaic.version = 14 : i64} {
  func.func @_sc_prop_body(%arg0: i32, %arg1: i32, %arg2: memref<32x2x40x128xi32, #tpu.memory_space<hbm>>, %arg3: memref<32x2x40x128xi32, #tpu.memory_space<hbm>>, %arg4: memref<10112x128xf32, #tpu.memory_space<hbm>>, %arg5: memref<2x10112x128xf32, #tpu.memory_space<hbm>>, %arg6: memref<40x128xi32, #tpu.memory_space<vmem>>, %arg7: memref<40x128xi32, #tpu.memory_space<vmem>>, %arg8: memref<128x128xf32, #tpu.memory_space<vmem>>, %arg9: memref<128x128xf32, #tpu.memory_space<vmem>>, %arg10: memref<!tpu.dma_semaphore, #tpu.memory_space<semaphore_mem>>, %arg11: memref<!tpu.dma_semaphore, #tpu.memory_space<semaphore_mem>>, %arg12: memref<10112x128xf32, #tpu.memory_space<vmem_shared>>) attributes {dimension_semantics = [#tpu.dimension_semantics<core_parallel>, #tpu.dimension_semantics<subcore_parallel>], iteration_bounds = array<i64: 2, 16>, scalar_prefetch = 0 : i64, scratch_operands = 7 : i64, tpu.core_type = #tpu.core_type<sc_vector_subcore>, window_params = [{transform_indices = #map}, {transform_indices = #map}, {transform_indices = #map1}, {transform_indices = #map2}]} {
    %mul3A = arith.constant 16 : i32
    %mul3A_0 = arith.muli %arg0, %mul3A : i32
    %add3A = arith.addi %mul3A_0, %arg1 : i32
    %mul3A_1 = arith.constant 632 : i32
    %mul3A_2 = arith.muli %arg1, %mul3A_1 : i32
    "tpu.region"() ({
      %run_scoped3A_31 = tpu.sem_alloc : memref<!tpu.dma_semaphore, #tpu.memory_space<semaphore_mem>>
      %dma_start3A_32 = arith.constant 0 : i32
      %dma_start3A_33 = tpu.memref_slice %arg12[%mul3A_2, %dma_start3A_32] : memref<10112x128xf32, #tpu.memory_space<vmem_shared>> -> memref<632x128xf32, #tpu.memory_space<vmem_shared>>
      %dma_start3A_34 = arith.constant 0 : i32
      %dma_start3A_35 = tpu.memref_slice %arg4[%mul3A_2, %dma_start3A_34] : memref<10112x128xf32, #tpu.memory_space<hbm>> -> memref<632x128xf32, #tpu.memory_space<hbm>>
      tpu.enqueue_dma source(%dma_start3A_35 : memref<632x128xf32, #tpu.memory_space<hbm>>) target(%dma_start3A_33 : memref<632x128xf32, #tpu.memory_space<vmem_shared>>) target_semaphore(%run_scoped3A_31 : memref<!tpu.dma_semaphore, #tpu.memory_space<semaphore_mem>>)
      %dma_wait3A = arith.constant 0 : i32
      %dma_wait3A_36 = tpu.memref_slice %arg12[%mul3A_2, %dma_wait3A] : memref<10112x128xf32, #tpu.memory_space<vmem_shared>> -> memref<632x128xf32, #tpu.memory_space<vmem_shared>>
      %dma_wait3A_37 = arith.constant 0 : i32
      %dma_wait3A_38 = tpu.memref_slice %arg4[%mul3A_2, %dma_wait3A_37] : memref<10112x128xf32, #tpu.memory_space<hbm>> -> memref<632x128xf32, #tpu.memory_space<hbm>>
      tpu.wait_dma2 semaphore(%run_scoped3A_31 : memref<!tpu.dma_semaphore, #tpu.memory_space<semaphore_mem>>) src(%dma_wait3A_38 : memref<632x128xf32, #tpu.memory_space<hbm>>) dst(%dma_wait3A_36 : memref<632x128xf32, #tpu.memory_space<vmem_shared>>)
      tpu.yield
    }) : () -> ()
    %barrier3A = arith.constant 0 : index
    tpu.barrier barrier_id(%barrier3A)
    %run_scoped3A = arith.constant 0 : i32
    "tpu.region"() ({
      %run_scoped3A_31 = tpu.sem_alloc : memref<!tpu.dma_semaphore, #tpu.memory_space<semaphore_mem>>
      %dma_start3A_32 = arith.constant 0 : i32
      %dma_start3A_33 = arith.constant 0 : i32
      %dma_start3A_34 = tpu.memref_slice %arg2[%add3A, %run_scoped3A, %dma_start3A_32, %dma_start3A_33] : memref<32x2x40x128xi32, #tpu.memory_space<hbm>> -> memref<1x1x40x128xi32, #tpu.memory_space<hbm>>
      %dma_start3A_35 = tpu.memref_squeeze %dma_start3A_34 : memref<1x1x40x128xi32, #tpu.memory_space<hbm>> -> memref<40x128xi32, #tpu.memory_space<hbm>>
      %dma_start3A_36 = arith.constant 0 : i32
      %dma_start3A_37 = arith.constant 0 : i32
      %dma_start3A_38 = tpu.memref_slice %arg2[%add3A, %run_scoped3A, %dma_start3A_36, %dma_start3A_37] : memref<32x2x40x128xi32, #tpu.memory_space<hbm>> -> memref<1x1x40x128xi32, #tpu.memory_space<hbm>>
      %dma_start3A_39 = tpu.memref_squeeze %dma_start3A_38 : memref<1x1x40x128xi32, #tpu.memory_space<hbm>> -> memref<40x128xi32, #tpu.memory_space<hbm>>
      tpu.enqueue_dma source(%dma_start3A_39 : memref<40x128xi32, #tpu.memory_space<hbm>>) target(%arg6 : memref<40x128xi32, #tpu.memory_space<vmem>>) target_semaphore(%run_scoped3A_31 : memref<!tpu.dma_semaphore, #tpu.memory_space<semaphore_mem>>)
      %dma_wait3A = arith.constant 0 : i32
      %dma_wait3A_40 = arith.constant 0 : i32
      %dma_wait3A_41 = tpu.memref_slice %arg2[%add3A, %run_scoped3A, %dma_wait3A, %dma_wait3A_40] : memref<32x2x40x128xi32, #tpu.memory_space<hbm>> -> memref<1x1x40x128xi32, #tpu.memory_space<hbm>>
      %dma_wait3A_42 = tpu.memref_squeeze %dma_wait3A_41 : memref<1x1x40x128xi32, #tpu.memory_space<hbm>> -> memref<40x128xi32, #tpu.memory_space<hbm>>
      %dma_wait3A_43 = arith.constant 0 : i32
      %dma_wait3A_44 = arith.constant 0 : i32
      %dma_wait3A_45 = tpu.memref_slice %arg2[%add3A, %run_scoped3A, %dma_wait3A_43, %dma_wait3A_44] : memref<32x2x40x128xi32, #tpu.memory_space<hbm>> -> memref<1x1x40x128xi32, #tpu.memory_space<hbm>>
      %dma_wait3A_46 = tpu.memref_squeeze %dma_wait3A_45 : memref<1x1x40x128xi32, #tpu.memory_space<hbm>> -> memref<40x128xi32, #tpu.memory_space<hbm>>
      tpu.wait_dma2 semaphore(%run_scoped3A_31 : memref<!tpu.dma_semaphore, #tpu.memory_space<semaphore_mem>>) src(%dma_wait3A_46 : memref<40x128xi32, #tpu.memory_space<hbm>>) dst(%arg6 : memref<40x128xi32, #tpu.memory_space<vmem>>)
      tpu.yield
    }) : () -> ()
    %run_scoped3A_3 = arith.constant 0 : i32
    "tpu.region"() ({
      %run_scoped3A_31 = tpu.sem_alloc : memref<!tpu.dma_semaphore, #tpu.memory_space<semaphore_mem>>
      %dma_start3A_32 = arith.constant 0 : i32
      %dma_start3A_33 = arith.constant 0 : i32
      %dma_start3A_34 = tpu.memref_slice %arg3[%add3A, %run_scoped3A_3, %dma_start3A_32, %dma_start3A_33] : memref<32x2x40x128xi32, #tpu.memory_space<hbm>> -> memref<1x1x40x128xi32, #tpu.memory_space<hbm>>
      %dma_start3A_35 = tpu.memref_squeeze %dma_start3A_34 : memref<1x1x40x128xi32, #tpu.memory_space<hbm>> -> memref<40x128xi32, #tpu.memory_space<hbm>>
      %dma_start3A_36 = arith.constant 0 : i32
      %dma_start3A_37 = arith.constant 0 : i32
      %dma_start3A_38 = tpu.memref_slice %arg3[%add3A, %run_scoped3A_3, %dma_start3A_36, %dma_start3A_37] : memref<32x2x40x128xi32, #tpu.memory_space<hbm>> -> memref<1x1x40x128xi32, #tpu.memory_space<hbm>>
      %dma_start3A_39 = tpu.memref_squeeze %dma_start3A_38 : memref<1x1x40x128xi32, #tpu.memory_space<hbm>> -> memref<40x128xi32, #tpu.memory_space<hbm>>
      tpu.enqueue_dma source(%dma_start3A_39 : memref<40x128xi32, #tpu.memory_space<hbm>>) target(%arg7 : memref<40x128xi32, #tpu.memory_space<vmem>>) target_semaphore(%run_scoped3A_31 : memref<!tpu.dma_semaphore, #tpu.memory_space<semaphore_mem>>)
      %dma_wait3A = arith.constant 0 : i32
      %dma_wait3A_40 = arith.constant 0 : i32
      %dma_wait3A_41 = tpu.memref_slice %arg3[%add3A, %run_scoped3A_3, %dma_wait3A, %dma_wait3A_40] : memref<32x2x40x128xi32, #tpu.memory_space<hbm>> -> memref<1x1x40x128xi32, #tpu.memory_space<hbm>>
      %dma_wait3A_42 = tpu.memref_squeeze %dma_wait3A_41 : memref<1x1x40x128xi32, #tpu.memory_space<hbm>> -> memref<40x128xi32, #tpu.memory_space<hbm>>
      %dma_wait3A_43 = arith.constant 0 : i32
      %dma_wait3A_44 = arith.constant 0 : i32
      %dma_wait3A_45 = tpu.memref_slice %arg3[%add3A, %run_scoped3A_3, %dma_wait3A_43, %dma_wait3A_44] : memref<32x2x40x128xi32, #tpu.memory_space<hbm>> -> memref<1x1x40x128xi32, #tpu.memory_space<hbm>>
      %dma_wait3A_46 = tpu.memref_squeeze %dma_wait3A_45 : memref<1x1x40x128xi32, #tpu.memory_space<hbm>> -> memref<40x128xi32, #tpu.memory_space<hbm>>
      tpu.wait_dma2 semaphore(%run_scoped3A_31 : memref<!tpu.dma_semaphore, #tpu.memory_space<semaphore_mem>>) src(%dma_wait3A_46 : memref<40x128xi32, #tpu.memory_space<hbm>>) dst(%arg7 : memref<40x128xi32, #tpu.memory_space<vmem>>)
      tpu.yield
    }) : () -> ()
    %dma_start3A = arith.constant 0 : i32
    %dma_start3A_4 = arith.constant 0 : i32
    %dma_start3A_5 = tpu.memref_slice %arg6[%dma_start3A, %dma_start3A_4] : memref<40x128xi32, #tpu.memory_space<vmem>> -> memref<1x128xi32, #tpu.memory_space<vmem>>
    %dma_start3A_6 = tpu.memref_squeeze %dma_start3A_5 : memref<1x128xi32, #tpu.memory_space<vmem>> -> memref<128xi32, #tpu.memory_space<vmem>>
    %dma_start3A_7 = arith.constant 0 : i32
    %dma_start3A_8 = arith.constant 0 : i32
    %dma_start3A_9 = tpu.memref_slice %arg4[%dma_start3A_7, %dma_start3A_8] : memref<10112x128xf32, #tpu.memory_space<hbm>> -> memref<10112x128xf32, #tpu.memory_space<hbm>>
    tpu.enqueue_indirect_dma source(%dma_start3A_9 : memref<10112x128xf32, #tpu.memory_space<hbm>>) target(%arg8 : memref<128x128xf32, #tpu.memory_space<vmem>>) offsets(%dma_start3A_6 : memref<128xi32, #tpu.memory_space<vmem>>) semaphore(%arg10 : memref<!tpu.dma_semaphore, #tpu.memory_space<semaphore_mem>>)
    %scan3A = arith.constant 0 : i32
    %scan3A_10 = arith.constant 0 : i32
    %scan3A_11 = arith.constant 20 : i32
    %scan3A_12 = arith.addi %scan3A_10, %scan3A_11 : i32
    %scan3A_13 = arith.constant 1 : i32
    scf.for %scan3A_31 = %scan3A_10 to %scan3A_12 step %scan3A_13  : i32 {
      %mul3A_32 = arith.constant 2 : i32
      %mul3A_33 = arith.muli %mul3A_32, %scan3A_31 : i32
      %add3A_34 = arith.constant 1 : i32
      %add3A_35 = arith.addi %mul3A_33, %add3A_34 : i32
      %dma_start3A_36 = arith.constant 0 : i32
      %dma_start3A_37 = tpu.memref_slice %arg6[%add3A_35, %dma_start3A_36] : memref<40x128xi32, #tpu.memory_space<vmem>> -> memref<1x128xi32, #tpu.memory_space<vmem>>
      %dma_start3A_38 = tpu.memref_squeeze %dma_start3A_37 : memref<1x128xi32, #tpu.memory_space<vmem>> -> memref<128xi32, #tpu.memory_space<vmem>>
      %dma_start3A_39 = arith.constant 0 : i32
      %dma_start3A_40 = arith.constant 0 : i32
      %dma_start3A_41 = tpu.memref_slice %arg4[%dma_start3A_39, %dma_start3A_40] : memref<10112x128xf32, #tpu.memory_space<hbm>> -> memref<10112x128xf32, #tpu.memory_space<hbm>>
      tpu.enqueue_indirect_dma source(%dma_start3A_41 : memref<10112x128xf32, #tpu.memory_space<hbm>>) target(%arg9 : memref<128x128xf32, #tpu.memory_space<vmem>>) offsets(%dma_start3A_38 : memref<128xi32, #tpu.memory_space<vmem>>) semaphore(%arg11 : memref<!tpu.dma_semaphore, #tpu.memory_space<semaphore_mem>>)
      %dma_wait3A = arith.constant 0 : i32
      %dma_wait3A_42 = arith.constant 0 : i32
      %dma_wait3A_43 = tpu.memref_slice %arg6[%dma_wait3A, %dma_wait3A_42] : memref<40x128xi32, #tpu.memory_space<vmem>> -> memref<1x128xi32, #tpu.memory_space<vmem>>
      %dma_wait3A_44 = tpu.memref_squeeze %dma_wait3A_43 : memref<1x128xi32, #tpu.memory_space<vmem>> -> memref<128xi32, #tpu.memory_space<vmem>>
      %dma_wait3A_45 = arith.constant 0 : i32
      %dma_wait3A_46 = arith.constant 0 : i32
      %dma_wait3A_47 = tpu.memref_slice %arg4[%dma_wait3A_45, %dma_wait3A_46] : memref<10112x128xf32, #tpu.memory_space<hbm>> -> memref<10112x128xf32, #tpu.memory_space<hbm>>
      tpu.wait_indirect_dma semaphore(%arg10 : memref<!tpu.dma_semaphore, #tpu.memory_space<semaphore_mem>>) src(%dma_wait3A_47 : memref<10112x128xf32, #tpu.memory_space<hbm>>) dst(%arg8 : memref<128x128xf32, #tpu.memory_space<vmem>>)
      %mul3A_48 = arith.constant 2 : i32
      %mul3A_49 = arith.muli %mul3A_48, %scan3A_31 : i32
      "tpu.region"() ({
        %run_scoped3A_63 = tpu.sem_alloc : memref<!tpu.dma_semaphore, #tpu.memory_space<semaphore_mem>>
        %dma_start3A_64 = arith.constant 0 : i32
        %dma_start3A_65 = tpu.memref_slice %arg7[%mul3A_49, %dma_start3A_64] : memref<40x128xi32, #tpu.memory_space<vmem>> -> memref<1x128xi32, #tpu.memory_space<vmem>>
        %dma_start3A_66 = tpu.memref_squeeze %dma_start3A_65 : memref<1x128xi32, #tpu.memory_space<vmem>> -> memref<128xi32, #tpu.memory_space<vmem>>
        %dma_start3A_67 = arith.constant 0 : i32
        %dma_start3A_68 = arith.constant 0 : i32
        %dma_start3A_69 = tpu.memref_slice %arg12[%dma_start3A_67, %dma_start3A_68] : memref<10112x128xf32, #tpu.memory_space<vmem_shared>> -> memref<10112x128xf32, #tpu.memory_space<vmem_shared>>
        tpu.enqueue_indirect_dma source(%arg8 : memref<128x128xf32, #tpu.memory_space<vmem>>) target(%dma_start3A_69 : memref<10112x128xf32, #tpu.memory_space<vmem_shared>>) offsets(%dma_start3A_66 : memref<128xi32, #tpu.memory_space<vmem>>) semaphore(%run_scoped3A_63 : memref<!tpu.dma_semaphore, #tpu.memory_space<semaphore_mem>>) {add = true}
        %dma_wait3A_70 = arith.constant 0 : i32
        %dma_wait3A_71 = tpu.memref_slice %arg7[%mul3A_49, %dma_wait3A_70] : memref<40x128xi32, #tpu.memory_space<vmem>> -> memref<1x128xi32, #tpu.memory_space<vmem>>
        %dma_wait3A_72 = tpu.memref_squeeze %dma_wait3A_71 : memref<1x128xi32, #tpu.memory_space<vmem>> -> memref<128xi32, #tpu.memory_space<vmem>>
        %dma_wait3A_73 = arith.constant 0 : i32
        %dma_wait3A_74 = arith.constant 0 : i32
        %dma_wait3A_75 = tpu.memref_slice %arg12[%dma_wait3A_73, %dma_wait3A_74] : memref<10112x128xf32, #tpu.memory_space<vmem_shared>> -> memref<10112x128xf32, #tpu.memory_space<vmem_shared>>
        tpu.wait_indirect_dma semaphore(%run_scoped3A_63 : memref<!tpu.dma_semaphore, #tpu.memory_space<semaphore_mem>>) src(%arg8 : memref<128x128xf32, #tpu.memory_space<vmem>>) dst(%dma_wait3A_75 : memref<10112x128xf32, #tpu.memory_space<vmem_shared>>)
        tpu.yield
      }) : () -> ()
      %lt3A = arith.constant 19 : i32
      %lt3A_50 = arith.cmpi slt, %scan3A_31, %lt3A : i32
      %convert_element_type3A = arith.extui %lt3A_50 : i1 to i32
      %cond3A = arith.constant 0 : i32
      %cond3A_51 = arith.cmpi ne, %convert_element_type3A, %cond3A : i32
      scf.if %cond3A_51 {
        %mul3A_63 = arith.constant 2 : i32
        %mul3A_64 = arith.muli %mul3A_63, %scan3A_31 : i32
        %add3A_65 = arith.constant 2 : i32
        %add3A_66 = arith.addi %mul3A_64, %add3A_65 : i32
        %dma_start3A_67 = arith.constant 0 : i32
        %dma_start3A_68 = tpu.memref_slice %arg6[%add3A_66, %dma_start3A_67] : memref<40x128xi32, #tpu.memory_space<vmem>> -> memref<1x128xi32, #tpu.memory_space<vmem>>
        %dma_start3A_69 = tpu.memref_squeeze %dma_start3A_68 : memref<1x128xi32, #tpu.memory_space<vmem>> -> memref<128xi32, #tpu.memory_space<vmem>>
        %dma_start3A_70 = arith.constant 0 : i32
        %dma_start3A_71 = arith.constant 0 : i32
        %dma_start3A_72 = tpu.memref_slice %arg4[%dma_start3A_70, %dma_start3A_71] : memref<10112x128xf32, #tpu.memory_space<hbm>> -> memref<10112x128xf32, #tpu.memory_space<hbm>>
        tpu.enqueue_indirect_dma source(%dma_start3A_72 : memref<10112x128xf32, #tpu.memory_space<hbm>>) target(%arg8 : memref<128x128xf32, #tpu.memory_space<vmem>>) offsets(%dma_start3A_69 : memref<128xi32, #tpu.memory_space<vmem>>) semaphore(%arg10 : memref<!tpu.dma_semaphore, #tpu.memory_space<semaphore_mem>>)
      } else {
      }
      %dma_wait3A_52 = arith.constant 0 : i32
      %dma_wait3A_53 = arith.constant 0 : i32
      %dma_wait3A_54 = tpu.memref_slice %arg6[%dma_wait3A_52, %dma_wait3A_53] : memref<40x128xi32, #tpu.memory_space<vmem>> -> memref<1x128xi32, #tpu.memory_space<vmem>>
      %dma_wait3A_55 = tpu.memref_squeeze %dma_wait3A_54 : memref<1x128xi32, #tpu.memory_space<vmem>> -> memref<128xi32, #tpu.memory_space<vmem>>
      %dma_wait3A_56 = arith.constant 0 : i32
      %dma_wait3A_57 = arith.constant 0 : i32
      %dma_wait3A_58 = tpu.memref_slice %arg4[%dma_wait3A_56, %dma_wait3A_57] : memref<10112x128xf32, #tpu.memory_space<hbm>> -> memref<10112x128xf32, #tpu.memory_space<hbm>>
      tpu.wait_indirect_dma semaphore(%arg11 : memref<!tpu.dma_semaphore, #tpu.memory_space<semaphore_mem>>) src(%dma_wait3A_58 : memref<10112x128xf32, #tpu.memory_space<hbm>>) dst(%arg9 : memref<128x128xf32, #tpu.memory_space<vmem>>)
      %mul3A_59 = arith.constant 2 : i32
      %mul3A_60 = arith.muli %mul3A_59, %scan3A_31 : i32
      %add3A_61 = arith.constant 1 : i32
      %add3A_62 = arith.addi %mul3A_60, %add3A_61 : i32
      "tpu.region"() ({
        %run_scoped3A_63 = tpu.sem_alloc : memref<!tpu.dma_semaphore, #tpu.memory_space<semaphore_mem>>
        %dma_start3A_64 = arith.constant 0 : i32
        %dma_start3A_65 = tpu.memref_slice %arg7[%add3A_62, %dma_start3A_64] : memref<40x128xi32, #tpu.memory_space<vmem>> -> memref<1x128xi32, #tpu.memory_space<vmem>>
        %dma_start3A_66 = tpu.memref_squeeze %dma_start3A_65 : memref<1x128xi32, #tpu.memory_space<vmem>> -> memref<128xi32, #tpu.memory_space<vmem>>
        %dma_start3A_67 = arith.constant 0 : i32
        %dma_start3A_68 = arith.constant 0 : i32
        %dma_start3A_69 = tpu.memref_slice %arg12[%dma_start3A_67, %dma_start3A_68] : memref<10112x128xf32, #tpu.memory_space<vmem_shared>> -> memref<10112x128xf32, #tpu.memory_space<vmem_shared>>
        tpu.enqueue_indirect_dma source(%arg9 : memref<128x128xf32, #tpu.memory_space<vmem>>) target(%dma_start3A_69 : memref<10112x128xf32, #tpu.memory_space<vmem_shared>>) offsets(%dma_start3A_66 : memref<128xi32, #tpu.memory_space<vmem>>) semaphore(%run_scoped3A_63 : memref<!tpu.dma_semaphore, #tpu.memory_space<semaphore_mem>>) {add = true}
        %dma_wait3A_70 = arith.constant 0 : i32
        %dma_wait3A_71 = tpu.memref_slice %arg7[%add3A_62, %dma_wait3A_70] : memref<40x128xi32, #tpu.memory_space<vmem>> -> memref<1x128xi32, #tpu.memory_space<vmem>>
        %dma_wait3A_72 = tpu.memref_squeeze %dma_wait3A_71 : memref<1x128xi32, #tpu.memory_space<vmem>> -> memref<128xi32, #tpu.memory_space<vmem>>
        %dma_wait3A_73 = arith.constant 0 : i32
        %dma_wait3A_74 = arith.constant 0 : i32
        %dma_wait3A_75 = tpu.memref_slice %arg12[%dma_wait3A_73, %dma_wait3A_74] : memref<10112x128xf32, #tpu.memory_space<vmem_shared>> -> memref<10112x128xf32, #tpu.memory_space<vmem_shared>>
        tpu.wait_indirect_dma semaphore(%run_scoped3A_63 : memref<!tpu.dma_semaphore, #tpu.memory_space<semaphore_mem>>) src(%arg9 : memref<128x128xf32, #tpu.memory_space<vmem>>) dst(%dma_wait3A_75 : memref<10112x128xf32, #tpu.memory_space<vmem_shared>>)
        tpu.yield
      }) : () -> ()
    }
    %scan3A_14 = arith.constant 20 : i32
    %run_scoped3A_15 = arith.constant 1 : i32
    "tpu.region"() ({
      %run_scoped3A_31 = tpu.sem_alloc : memref<!tpu.dma_semaphore, #tpu.memory_space<semaphore_mem>>
      %dma_start3A_32 = arith.constant 0 : i32
      %dma_start3A_33 = arith.constant 0 : i32
      %dma_start3A_34 = tpu.memref_slice %arg2[%add3A, %run_scoped3A_15, %dma_start3A_32, %dma_start3A_33] : memref<32x2x40x128xi32, #tpu.memory_space<hbm>> -> memref<1x1x40x128xi32, #tpu.memory_space<hbm>>
      %dma_start3A_35 = tpu.memref_squeeze %dma_start3A_34 : memref<1x1x40x128xi32, #tpu.memory_space<hbm>> -> memref<40x128xi32, #tpu.memory_space<hbm>>
      %dma_start3A_36 = arith.constant 0 : i32
      %dma_start3A_37 = arith.constant 0 : i32
      %dma_start3A_38 = tpu.memref_slice %arg2[%add3A, %run_scoped3A_15, %dma_start3A_36, %dma_start3A_37] : memref<32x2x40x128xi32, #tpu.memory_space<hbm>> -> memref<1x1x40x128xi32, #tpu.memory_space<hbm>>
      %dma_start3A_39 = tpu.memref_squeeze %dma_start3A_38 : memref<1x1x40x128xi32, #tpu.memory_space<hbm>> -> memref<40x128xi32, #tpu.memory_space<hbm>>
      tpu.enqueue_dma source(%dma_start3A_39 : memref<40x128xi32, #tpu.memory_space<hbm>>) target(%arg6 : memref<40x128xi32, #tpu.memory_space<vmem>>) target_semaphore(%run_scoped3A_31 : memref<!tpu.dma_semaphore, #tpu.memory_space<semaphore_mem>>)
      %dma_wait3A = arith.constant 0 : i32
      %dma_wait3A_40 = arith.constant 0 : i32
      %dma_wait3A_41 = tpu.memref_slice %arg2[%add3A, %run_scoped3A_15, %dma_wait3A, %dma_wait3A_40] : memref<32x2x40x128xi32, #tpu.memory_space<hbm>> -> memref<1x1x40x128xi32, #tpu.memory_space<hbm>>
      %dma_wait3A_42 = tpu.memref_squeeze %dma_wait3A_41 : memref<1x1x40x128xi32, #tpu.memory_space<hbm>> -> memref<40x128xi32, #tpu.memory_space<hbm>>
      %dma_wait3A_43 = arith.constant 0 : i32
      %dma_wait3A_44 = arith.constant 0 : i32
      %dma_wait3A_45 = tpu.memref_slice %arg2[%add3A, %run_scoped3A_15, %dma_wait3A_43, %dma_wait3A_44] : memref<32x2x40x128xi32, #tpu.memory_space<hbm>> -> memref<1x1x40x128xi32, #tpu.memory_space<hbm>>
      %dma_wait3A_46 = tpu.memref_squeeze %dma_wait3A_45 : memref<1x1x40x128xi32, #tpu.memory_space<hbm>> -> memref<40x128xi32, #tpu.memory_space<hbm>>
      tpu.wait_dma2 semaphore(%run_scoped3A_31 : memref<!tpu.dma_semaphore, #tpu.memory_space<semaphore_mem>>) src(%dma_wait3A_46 : memref<40x128xi32, #tpu.memory_space<hbm>>) dst(%arg6 : memref<40x128xi32, #tpu.memory_space<vmem>>)
      tpu.yield
    }) : () -> ()
    %run_scoped3A_16 = arith.constant 1 : i32
    "tpu.region"() ({
      %run_scoped3A_31 = tpu.sem_alloc : memref<!tpu.dma_semaphore, #tpu.memory_space<semaphore_mem>>
      %dma_start3A_32 = arith.constant 0 : i32
      %dma_start3A_33 = arith.constant 0 : i32
      %dma_start3A_34 = tpu.memref_slice %arg3[%add3A, %run_scoped3A_16, %dma_start3A_32, %dma_start3A_33] : memref<32x2x40x128xi32, #tpu.memory_space<hbm>> -> memref<1x1x40x128xi32, #tpu.memory_space<hbm>>
      %dma_start3A_35 = tpu.memref_squeeze %dma_start3A_34 : memref<1x1x40x128xi32, #tpu.memory_space<hbm>> -> memref<40x128xi32, #tpu.memory_space<hbm>>
      %dma_start3A_36 = arith.constant 0 : i32
      %dma_start3A_37 = arith.constant 0 : i32
      %dma_start3A_38 = tpu.memref_slice %arg3[%add3A, %run_scoped3A_16, %dma_start3A_36, %dma_start3A_37] : memref<32x2x40x128xi32, #tpu.memory_space<hbm>> -> memref<1x1x40x128xi32, #tpu.memory_space<hbm>>
      %dma_start3A_39 = tpu.memref_squeeze %dma_start3A_38 : memref<1x1x40x128xi32, #tpu.memory_space<hbm>> -> memref<40x128xi32, #tpu.memory_space<hbm>>
      tpu.enqueue_dma source(%dma_start3A_39 : memref<40x128xi32, #tpu.memory_space<hbm>>) target(%arg7 : memref<40x128xi32, #tpu.memory_space<vmem>>) target_semaphore(%run_scoped3A_31 : memref<!tpu.dma_semaphore, #tpu.memory_space<semaphore_mem>>)
      %dma_wait3A = arith.constant 0 : i32
      %dma_wait3A_40 = arith.constant 0 : i32
      %dma_wait3A_41 = tpu.memref_slice %arg3[%add3A, %run_scoped3A_16, %dma_wait3A, %dma_wait3A_40] : memref<32x2x40x128xi32, #tpu.memory_space<hbm>> -> memref<1x1x40x128xi32, #tpu.memory_space<hbm>>
      %dma_wait3A_42 = tpu.memref_squeeze %dma_wait3A_41 : memref<1x1x40x128xi32, #tpu.memory_space<hbm>> -> memref<40x128xi32, #tpu.memory_space<hbm>>
      %dma_wait3A_43 = arith.constant 0 : i32
      %dma_wait3A_44 = arith.constant 0 : i32
      %dma_wait3A_45 = tpu.memref_slice %arg3[%add3A, %run_scoped3A_16, %dma_wait3A_43, %dma_wait3A_44] : memref<32x2x40x128xi32, #tpu.memory_space<hbm>> -> memref<1x1x40x128xi32, #tpu.memory_space<hbm>>
      %dma_wait3A_46 = tpu.memref_squeeze %dma_wait3A_45 : memref<1x1x40x128xi32, #tpu.memory_space<hbm>> -> memref<40x128xi32, #tpu.memory_space<hbm>>
      tpu.wait_dma2 semaphore(%run_scoped3A_31 : memref<!tpu.dma_semaphore, #tpu.memory_space<semaphore_mem>>) src(%dma_wait3A_46 : memref<40x128xi32, #tpu.memory_space<hbm>>) dst(%arg7 : memref<40x128xi32, #tpu.memory_space<vmem>>)
      tpu.yield
    }) : () -> ()
    %dma_start3A_17 = arith.constant 0 : i32
    %dma_start3A_18 = arith.constant 0 : i32
    %dma_start3A_19 = tpu.memref_slice %arg6[%dma_start3A_17, %dma_start3A_18] : memref<40x128xi32, #tpu.memory_space<vmem>> -> memref<1x128xi32, #tpu.memory_space<vmem>>
    %dma_start3A_20 = tpu.memref_squeeze %dma_start3A_19 : memref<1x128xi32, #tpu.memory_space<vmem>> -> memref<128xi32, #tpu.memory_space<vmem>>
    %dma_start3A_21 = arith.constant 0 : i32
    %dma_start3A_22 = arith.constant 0 : i32
    %dma_start3A_23 = tpu.memref_slice %arg4[%dma_start3A_21, %dma_start3A_22] : memref<10112x128xf32, #tpu.memory_space<hbm>> -> memref<10112x128xf32, #tpu.memory_space<hbm>>
    tpu.enqueue_indirect_dma source(%dma_start3A_23 : memref<10112x128xf32, #tpu.memory_space<hbm>>) target(%arg8 : memref<128x128xf32, #tpu.memory_space<vmem>>) offsets(%dma_start3A_20 : memref<128xi32, #tpu.memory_space<vmem>>) semaphore(%arg10 : memref<!tpu.dma_semaphore, #tpu.memory_space<semaphore_mem>>)
    %scan3A_24 = arith.constant 0 : i32
    %scan3A_25 = arith.constant 0 : i32
    %scan3A_26 = arith.constant 20 : i32
    %scan3A_27 = arith.addi %scan3A_25, %scan3A_26 : i32
    %scan3A_28 = arith.constant 1 : i32
    scf.for %scan3A_31 = %scan3A_25 to %scan3A_27 step %scan3A_28  : i32 {
      %mul3A_32 = arith.constant 2 : i32
      %mul3A_33 = arith.muli %mul3A_32, %scan3A_31 : i32
      %add3A_34 = arith.constant 1 : i32
      %add3A_35 = arith.addi %mul3A_33, %add3A_34 : i32
      %dma_start3A_36 = arith.constant 0 : i32
      %dma_start3A_37 = tpu.memref_slice %arg6[%add3A_35, %dma_start3A_36] : memref<40x128xi32, #tpu.memory_space<vmem>> -> memref<1x128xi32, #tpu.memory_space<vmem>>
      %dma_start3A_38 = tpu.memref_squeeze %dma_start3A_37 : memref<1x128xi32, #tpu.memory_space<vmem>> -> memref<128xi32, #tpu.memory_space<vmem>>
      %dma_start3A_39 = arith.constant 0 : i32
      %dma_start3A_40 = arith.constant 0 : i32
      %dma_start3A_41 = tpu.memref_slice %arg4[%dma_start3A_39, %dma_start3A_40] : memref<10112x128xf32, #tpu.memory_space<hbm>> -> memref<10112x128xf32, #tpu.memory_space<hbm>>
      tpu.enqueue_indirect_dma source(%dma_start3A_41 : memref<10112x128xf32, #tpu.memory_space<hbm>>) target(%arg9 : memref<128x128xf32, #tpu.memory_space<vmem>>) offsets(%dma_start3A_38 : memref<128xi32, #tpu.memory_space<vmem>>) semaphore(%arg11 : memref<!tpu.dma_semaphore, #tpu.memory_space<semaphore_mem>>)
      %dma_wait3A = arith.constant 0 : i32
      %dma_wait3A_42 = arith.constant 0 : i32
      %dma_wait3A_43 = tpu.memref_slice %arg6[%dma_wait3A, %dma_wait3A_42] : memref<40x128xi32, #tpu.memory_space<vmem>> -> memref<1x128xi32, #tpu.memory_space<vmem>>
      %dma_wait3A_44 = tpu.memref_squeeze %dma_wait3A_43 : memref<1x128xi32, #tpu.memory_space<vmem>> -> memref<128xi32, #tpu.memory_space<vmem>>
      %dma_wait3A_45 = arith.constant 0 : i32
      %dma_wait3A_46 = arith.constant 0 : i32
      %dma_wait3A_47 = tpu.memref_slice %arg4[%dma_wait3A_45, %dma_wait3A_46] : memref<10112x128xf32, #tpu.memory_space<hbm>> -> memref<10112x128xf32, #tpu.memory_space<hbm>>
      tpu.wait_indirect_dma semaphore(%arg10 : memref<!tpu.dma_semaphore, #tpu.memory_space<semaphore_mem>>) src(%dma_wait3A_47 : memref<10112x128xf32, #tpu.memory_space<hbm>>) dst(%arg8 : memref<128x128xf32, #tpu.memory_space<vmem>>)
      %mul3A_48 = arith.constant 2 : i32
      %mul3A_49 = arith.muli %mul3A_48, %scan3A_31 : i32
      "tpu.region"() ({
        %run_scoped3A_63 = tpu.sem_alloc : memref<!tpu.dma_semaphore, #tpu.memory_space<semaphore_mem>>
        %dma_start3A_64 = arith.constant 0 : i32
        %dma_start3A_65 = tpu.memref_slice %arg7[%mul3A_49, %dma_start3A_64] : memref<40x128xi32, #tpu.memory_space<vmem>> -> memref<1x128xi32, #tpu.memory_space<vmem>>
        %dma_start3A_66 = tpu.memref_squeeze %dma_start3A_65 : memref<1x128xi32, #tpu.memory_space<vmem>> -> memref<128xi32, #tpu.memory_space<vmem>>
        %dma_start3A_67 = arith.constant 0 : i32
        %dma_start3A_68 = arith.constant 0 : i32
        %dma_start3A_69 = tpu.memref_slice %arg12[%dma_start3A_67, %dma_start3A_68] : memref<10112x128xf32, #tpu.memory_space<vmem_shared>> -> memref<10112x128xf32, #tpu.memory_space<vmem_shared>>
        tpu.enqueue_indirect_dma source(%arg8 : memref<128x128xf32, #tpu.memory_space<vmem>>) target(%dma_start3A_69 : memref<10112x128xf32, #tpu.memory_space<vmem_shared>>) offsets(%dma_start3A_66 : memref<128xi32, #tpu.memory_space<vmem>>) semaphore(%run_scoped3A_63 : memref<!tpu.dma_semaphore, #tpu.memory_space<semaphore_mem>>) {add = true}
        %dma_wait3A_70 = arith.constant 0 : i32
        %dma_wait3A_71 = tpu.memref_slice %arg7[%mul3A_49, %dma_wait3A_70] : memref<40x128xi32, #tpu.memory_space<vmem>> -> memref<1x128xi32, #tpu.memory_space<vmem>>
        %dma_wait3A_72 = tpu.memref_squeeze %dma_wait3A_71 : memref<1x128xi32, #tpu.memory_space<vmem>> -> memref<128xi32, #tpu.memory_space<vmem>>
        %dma_wait3A_73 = arith.constant 0 : i32
        %dma_wait3A_74 = arith.constant 0 : i32
        %dma_wait3A_75 = tpu.memref_slice %arg12[%dma_wait3A_73, %dma_wait3A_74] : memref<10112x128xf32, #tpu.memory_space<vmem_shared>> -> memref<10112x128xf32, #tpu.memory_space<vmem_shared>>
        tpu.wait_indirect_dma semaphore(%run_scoped3A_63 : memref<!tpu.dma_semaphore, #tpu.memory_space<semaphore_mem>>) src(%arg8 : memref<128x128xf32, #tpu.memory_space<vmem>>) dst(%dma_wait3A_75 : memref<10112x128xf32, #tpu.memory_space<vmem_shared>>)
        tpu.yield
      }) : () -> ()
      %lt3A = arith.constant 19 : i32
      %lt3A_50 = arith.cmpi slt, %scan3A_31, %lt3A : i32
      %convert_element_type3A = arith.extui %lt3A_50 : i1 to i32
      %cond3A = arith.constant 0 : i32
      %cond3A_51 = arith.cmpi ne, %convert_element_type3A, %cond3A : i32
      scf.if %cond3A_51 {
        %mul3A_63 = arith.constant 2 : i32
        %mul3A_64 = arith.muli %mul3A_63, %scan3A_31 : i32
        %add3A_65 = arith.constant 2 : i32
        %add3A_66 = arith.addi %mul3A_64, %add3A_65 : i32
        %dma_start3A_67 = arith.constant 0 : i32
        %dma_start3A_68 = tpu.memref_slice %arg6[%add3A_66, %dma_start3A_67] : memref<40x128xi32, #tpu.memory_space<vmem>> -> memref<1x128xi32, #tpu.memory_space<vmem>>
        %dma_start3A_69 = tpu.memref_squeeze %dma_start3A_68 : memref<1x128xi32, #tpu.memory_space<vmem>> -> memref<128xi32, #tpu.memory_space<vmem>>
        %dma_start3A_70 = arith.constant 0 : i32
        %dma_start3A_71 = arith.constant 0 : i32
        %dma_start3A_72 = tpu.memref_slice %arg4[%dma_start3A_70, %dma_start3A_71] : memref<10112x128xf32, #tpu.memory_space<hbm>> -> memref<10112x128xf32, #tpu.memory_space<hbm>>
        tpu.enqueue_indirect_dma source(%dma_start3A_72 : memref<10112x128xf32, #tpu.memory_space<hbm>>) target(%arg8 : memref<128x128xf32, #tpu.memory_space<vmem>>) offsets(%dma_start3A_69 : memref<128xi32, #tpu.memory_space<vmem>>) semaphore(%arg10 : memref<!tpu.dma_semaphore, #tpu.memory_space<semaphore_mem>>)
      } else {
      }
      %dma_wait3A_52 = arith.constant 0 : i32
      %dma_wait3A_53 = arith.constant 0 : i32
      %dma_wait3A_54 = tpu.memref_slice %arg6[%dma_wait3A_52, %dma_wait3A_53] : memref<40x128xi32, #tpu.memory_space<vmem>> -> memref<1x128xi32, #tpu.memory_space<vmem>>
      %dma_wait3A_55 = tpu.memref_squeeze %dma_wait3A_54 : memref<1x128xi32, #tpu.memory_space<vmem>> -> memref<128xi32, #tpu.memory_space<vmem>>
      %dma_wait3A_56 = arith.constant 0 : i32
      %dma_wait3A_57 = arith.constant 0 : i32
      %dma_wait3A_58 = tpu.memref_slice %arg4[%dma_wait3A_56, %dma_wait3A_57] : memref<10112x128xf32, #tpu.memory_space<hbm>> -> memref<10112x128xf32, #tpu.memory_space<hbm>>
      tpu.wait_indirect_dma semaphore(%arg11 : memref<!tpu.dma_semaphore, #tpu.memory_space<semaphore_mem>>) src(%dma_wait3A_58 : memref<10112x128xf32, #tpu.memory_space<hbm>>) dst(%arg9 : memref<128x128xf32, #tpu.memory_space<vmem>>)
      %mul3A_59 = arith.constant 2 : i32
      %mul3A_60 = arith.muli %mul3A_59, %scan3A_31 : i32
      %add3A_61 = arith.constant 1 : i32
      %add3A_62 = arith.addi %mul3A_60, %add3A_61 : i32
      "tpu.region"() ({
        %run_scoped3A_63 = tpu.sem_alloc : memref<!tpu.dma_semaphore, #tpu.memory_space<semaphore_mem>>
        %dma_start3A_64 = arith.constant 0 : i32
        %dma_start3A_65 = tpu.memref_slice %arg7[%add3A_62, %dma_start3A_64] : memref<40x128xi32, #tpu.memory_space<vmem>> -> memref<1x128xi32, #tpu.memory_space<vmem>>
        %dma_start3A_66 = tpu.memref_squeeze %dma_start3A_65 : memref<1x128xi32, #tpu.memory_space<vmem>> -> memref<128xi32, #tpu.memory_space<vmem>>
        %dma_start3A_67 = arith.constant 0 : i32
        %dma_start3A_68 = arith.constant 0 : i32
        %dma_start3A_69 = tpu.memref_slice %arg12[%dma_start3A_67, %dma_start3A_68] : memref<10112x128xf32, #tpu.memory_space<vmem_shared>> -> memref<10112x128xf32, #tpu.memory_space<vmem_shared>>
        tpu.enqueue_indirect_dma source(%arg9 : memref<128x128xf32, #tpu.memory_space<vmem>>) target(%dma_start3A_69 : memref<10112x128xf32, #tpu.memory_space<vmem_shared>>) offsets(%dma_start3A_66 : memref<128xi32, #tpu.memory_space<vmem>>) semaphore(%run_scoped3A_63 : memref<!tpu.dma_semaphore, #tpu.memory_space<semaphore_mem>>) {add = true}
        %dma_wait3A_70 = arith.constant 0 : i32
        %dma_wait3A_71 = tpu.memref_slice %arg7[%add3A_62, %dma_wait3A_70] : memref<40x128xi32, #tpu.memory_space<vmem>> -> memref<1x128xi32, #tpu.memory_space<vmem>>
        %dma_wait3A_72 = tpu.memref_squeeze %dma_wait3A_71 : memref<1x128xi32, #tpu.memory_space<vmem>> -> memref<128xi32, #tpu.memory_space<vmem>>
        %dma_wait3A_73 = arith.constant 0 : i32
        %dma_wait3A_74 = arith.constant 0 : i32
        %dma_wait3A_75 = tpu.memref_slice %arg12[%dma_wait3A_73, %dma_wait3A_74] : memref<10112x128xf32, #tpu.memory_space<vmem_shared>> -> memref<10112x128xf32, #tpu.memory_space<vmem_shared>>
        tpu.wait_indirect_dma semaphore(%run_scoped3A_63 : memref<!tpu.dma_semaphore, #tpu.memory_space<semaphore_mem>>) src(%arg9 : memref<128x128xf32, #tpu.memory_space<vmem>>) dst(%dma_wait3A_75 : memref<10112x128xf32, #tpu.memory_space<vmem_shared>>)
        tpu.yield
      }) : () -> ()
    }
    %scan3A_29 = arith.constant 20 : i32
    %barrier3A_30 = arith.constant 0 : index
    tpu.barrier barrier_id(%barrier3A_30)
    "tpu.region"() ({
      %run_scoped3A_31 = tpu.sem_alloc : memref<!tpu.dma_semaphore, #tpu.memory_space<semaphore_mem>>
      %dma_start3A_32 = arith.constant 0 : i32
      %dma_start3A_33 = tpu.memref_slice %arg5[%arg0, %mul3A_2, %dma_start3A_32] : memref<2x10112x128xf32, #tpu.memory_space<hbm>> -> memref<1x632x128xf32, #tpu.memory_space<hbm>>
      %dma_start3A_34 = tpu.memref_squeeze %dma_start3A_33 : memref<1x632x128xf32, #tpu.memory_space<hbm>> -> memref<632x128xf32, #tpu.memory_space<hbm>>
      %dma_start3A_35 = arith.constant 0 : i32
      %dma_start3A_36 = tpu.memref_slice %arg12[%mul3A_2, %dma_start3A_35] : memref<10112x128xf32, #tpu.memory_space<vmem_shared>> -> memref<632x128xf32, #tpu.memory_space<vmem_shared>>
      tpu.enqueue_dma source(%dma_start3A_36 : memref<632x128xf32, #tpu.memory_space<vmem_shared>>) target(%dma_start3A_34 : memref<632x128xf32, #tpu.memory_space<hbm>>) target_semaphore(%run_scoped3A_31 : memref<!tpu.dma_semaphore, #tpu.memory_space<semaphore_mem>>)
      %dma_wait3A = arith.constant 0 : i32
      %dma_wait3A_37 = tpu.memref_slice %arg5[%arg0, %mul3A_2, %dma_wait3A] : memref<2x10112x128xf32, #tpu.memory_space<hbm>> -> memref<1x632x128xf32, #tpu.memory_space<hbm>>
      %dma_wait3A_38 = tpu.memref_squeeze %dma_wait3A_37 : memref<1x632x128xf32, #tpu.memory_space<hbm>> -> memref<632x128xf32, #tpu.memory_space<hbm>>
      %dma_wait3A_39 = arith.constant 0 : i32
      %dma_wait3A_40 = tpu.memref_slice %arg12[%mul3A_2, %dma_wait3A_39] : memref<10112x128xf32, #tpu.memory_space<vmem_shared>> -> memref<632x128xf32, #tpu.memory_space<vmem_shared>>
      tpu.wait_dma2 semaphore(%run_scoped3A_31 : memref<!tpu.dma_semaphore, #tpu.memory_space<semaphore_mem>>) src(%dma_wait3A_40 : memref<632x128xf32, #tpu.memory_space<vmem_shared>>) dst(%dma_wait3A_38 : memref<632x128xf32, #tpu.memory_space<hbm>>)
      tpu.yield
    }) : () -> ()
    return
  }
}

module attributes {stable_mosaic.version = 14 : i64} {
  func.func @_tc_pre_body(%arg0: memref<10000x128xf32, #tpu.memory_space<vmem>>, %arg1: memref<2x10112x128xf32, #tpu.memory_space<vmem>>, %arg2: memref<1x128xf32, #tpu.memory_space<vmem>>, %arg3: memref<1x128xf32, #tpu.memory_space<vmem>>, %arg4: memref<128x128xf32, #tpu.memory_space<vmem>>, %arg5: memref<10112x128xf32, #tpu.memory_space<vmem>>, %arg6: memref<10112x128xf32, #tpu.memory_space<vmem>>) attributes {dimension_semantics = [], scalar_prefetch = 0 : i64, scratch_operands = 0 : i64, tpu.core_type = #tpu.core_type<tc>} {
    %get3A = arith.constant 0 : index
    %get3A_0 = arith.constant 0 : index
    %get3A_1 = arith.constant 0 : index
    %get3A_2 = vector.load %arg1[%get3A, %get3A_0, %get3A_1] : memref<2x10112x128xf32, #tpu.memory_space<vmem>>, vector<1x10000x128xf32>
    %get3A_3 = vector.shape_cast %get3A_2 : vector<1x10000x128xf32> to vector<10000x128xf32>
    %get3A_4 = arith.constant 1 : index
    %get3A_5 = arith.constant 0 : index
    %get3A_6 = arith.constant 0 : index
    %get3A_7 = vector.load %arg1[%get3A_4, %get3A_5, %get3A_6] : memref<2x10112x128xf32, #tpu.memory_space<vmem>>, vector<1x10000x128xf32>
    %get3A_8 = vector.shape_cast %get3A_7 : vector<1x10000x128xf32> to vector<10000x128xf32>
    %add3A = arith.addf %get3A_3, %get3A_8 : vector<10000x128xf32>
    %add3A_9 = arith.constant 1.000000e+00 : f32
    %add3A_10 = vector.broadcast %add3A_9 : f32 to vector<10000x128xf32>
    %add3A_11 = arith.addf %add3A, %add3A_10 : vector<10000x128xf32>
    %sqrt3A = math.sqrt %add3A_11 : vector<10000x128xf32>
    %div3A = arith.constant 1.000000e+00 : f32
    %div3A_12 = vector.broadcast %div3A : f32 to vector<10000x128xf32>
    %div3A_13 = arith.divf %div3A_12, %sqrt3A : vector<10000x128xf32>
    %get3A_14 = arith.constant 0 : index
    %get3A_15 = arith.constant 0 : index
    %get3A_16 = vector.load %arg0[%get3A_14, %get3A_15] : memref<10000x128xf32, #tpu.memory_space<vmem>>, vector<10000x128xf32>
    %get3A_17 = arith.constant 0 : index
    %get3A_18 = arith.constant 0 : index
    %get3A_19 = vector.load %arg2[%get3A_17, %get3A_18] : memref<1x128xf32, #tpu.memory_space<vmem>>, vector<1x128xf32>
    %get3A_20 = arith.constant 0 : index
    %get3A_21 = arith.constant 0 : index
    %get3A_22 = vector.load %arg3[%get3A_20, %get3A_21] : memref<1x128xf32, #tpu.memory_space<vmem>>, vector<1x128xf32>
    %reduce_sum3A = arith.constant dense<0.000000e+00> : vector<128xf32>
    %reduce_sum3A_23 = vector.multi_reduction <add>, %get3A_16, %reduce_sum3A [0] : vector<10000x128xf32> to vector<128xf32>
    %broadcast_in_dim3A = vector.shape_cast %reduce_sum3A_23 : vector<128xf32> to vector<1x128xf32>
    %div3A_24 = arith.constant 1.000000e+04 : f32
    %div3A_25 = vector.broadcast %div3A_24 : f32 to vector<1x128xf32>
    %div3A_26 = arith.divf %broadcast_in_dim3A, %div3A_25 : vector<1x128xf32>
    %sub3A = vector.broadcast %div3A_26 : vector<1x128xf32> to vector<10000x128xf32>
    %sub3A_27 = arith.subf %get3A_16, %sub3A : vector<10000x128xf32>
    %integer_pow3A = arith.mulf %sub3A_27, %sub3A_27 : vector<10000x128xf32>
    %reduce_sum3A_28 = arith.constant dense<0.000000e+00> : vector<128xf32>
    %reduce_sum3A_29 = vector.multi_reduction <add>, %integer_pow3A, %reduce_sum3A_28 [0] : vector<10000x128xf32> to vector<128xf32>
    %broadcast_in_dim3A_30 = vector.shape_cast %reduce_sum3A_29 : vector<128xf32> to vector<1x128xf32>
    %div3A_31 = arith.constant 1.000000e+04 : f32
    %div3A_32 = vector.broadcast %div3A_31 : f32 to vector<1x128xf32>
    %div3A_33 = arith.divf %broadcast_in_dim3A_30, %div3A_32 : vector<1x128xf32>
    %sub3A_34 = vector.broadcast %div3A_26 : vector<1x128xf32> to vector<10000x128xf32>
    %sub3A_35 = arith.subf %get3A_16, %sub3A_34 : vector<10000x128xf32>
    %add3A_36 = arith.constant 9.99999974E-6 : f32
    %add3A_37 = vector.broadcast %add3A_36 : f32 to vector<1x128xf32>
    %add3A_38 = arith.addf %div3A_33, %add3A_37 : vector<1x128xf32>
    %sqrt3A_39 = math.sqrt %add3A_38 : vector<1x128xf32>
    %div3A_40 = vector.broadcast %sqrt3A_39 : vector<1x128xf32> to vector<10000x128xf32>
    %div3A_41 = arith.divf %sub3A_35, %div3A_40 : vector<10000x128xf32>
    %mul3A = vector.broadcast %get3A_19 : vector<1x128xf32> to vector<10000x128xf32>
    %mul3A_42 = arith.mulf %div3A_41, %mul3A : vector<10000x128xf32>
    %add3A_43 = vector.broadcast %get3A_22 : vector<1x128xf32> to vector<10000x128xf32>
    %add3A_44 = arith.addf %mul3A_42, %add3A_43 : vector<10000x128xf32>
    %get3A_45 = arith.constant 0 : index
    %get3A_46 = arith.constant 0 : index
    %get3A_47 = vector.load %arg4[%get3A_45, %get3A_46] : memref<128x128xf32, #tpu.memory_space<vmem>>, vector<128x128xf32>
    %dot_general3A = arith.constant dense<0.000000e+00> : vector<10000x128xf32>
    %dot_general3A_48 = tpu.matmul %add3A_44, %get3A_47, %dot_general3A {dimension_numbers = #tpu.dot_dimension_numbers<[1], [0], [0], [1], [0, 0, 1, 1], [], []>, precision = #tpu.contract_precision<fp32>, transpose_lhs_hint = false} : vector<10000x128xf32>, vector<128x128xf32>, vector<10000x128xf32> -> vector<10000x128xf32>
    %mul3A_49 = arith.mulf %div3A_13, %dot_general3A_48 : vector<10000x128xf32>
    %swap3A = arith.constant 0 : index
    %swap3A_50 = arith.constant 0 : index
    %swap3A_51 = vector.load %arg5[%swap3A, %swap3A_50] : memref<10112x128xf32, #tpu.memory_space<vmem>>, vector<10000x128xf32>
    tpu.vector_store %arg5[%swap3A, %swap3A_50], %div3A_13 {strides = array<i32>} : memref<10112x128xf32, #tpu.memory_space<vmem>>, vector<10000x128xf32>,
    %broadcast_in_dim3A_52 = arith.constant 0.000000e+00 : f32
    %broadcast_in_dim3A_53 = vector.broadcast %broadcast_in_dim3A_52 : f32 to vector<112x128xf32>
    %swap3A_54 = arith.constant 10000 : index
    %swap3A_55 = arith.constant 0 : index
    %swap3A_56 = vector.load %arg5[%swap3A_54, %swap3A_55] : memref<10112x128xf32, #tpu.memory_space<vmem>>, vector<112x128xf32>
    tpu.vector_store %arg5[%swap3A_54, %swap3A_55], %broadcast_in_dim3A_53 {strides = array<i32>} : memref<10112x128xf32, #tpu.memory_space<vmem>>, vector<112x128xf32>,
    %swap3A_57 = arith.constant 0 : index
    %swap3A_58 = arith.constant 0 : index
    %swap3A_59 = vector.load %arg6[%swap3A_57, %swap3A_58] : memref<10112x128xf32, #tpu.memory_space<vmem>>, vector<10000x128xf32>
    tpu.vector_store %arg6[%swap3A_57, %swap3A_58], %mul3A_49 {strides = array<i32>} : memref<10112x128xf32, #tpu.memory_space<vmem>>, vector<10000x128xf32>,
    %broadcast_in_dim3A_60 = arith.constant 0.000000e+00 : f32
    %broadcast_in_dim3A_61 = vector.broadcast %broadcast_in_dim3A_60 : f32 to vector<112x128xf32>
    %swap3A_62 = arith.constant 10000 : index
    %swap3A_63 = arith.constant 0 : index
    %swap3A_64 = vector.load %arg6[%swap3A_62, %swap3A_63] : memref<10112x128xf32, #tpu.memory_space<vmem>>, vector<112x128xf32>
    tpu.vector_store %arg6[%swap3A_62, %swap3A_63], %broadcast_in_dim3A_61 {strides = array<i32>} : memref<10112x128xf32, #tpu.memory_space<vmem>>, vector<112x128xf32>,
    return
  }
}

module attributes {stable_mosaic.version = 14 : i64} {
  func.func @_tc_mid_body(%arg0: memref<2x10112x128xf32, #tpu.memory_space<vmem>>, %arg1: memref<10112x128xf32, #tpu.memory_space<vmem>>, %arg2: memref<10112x128xf32, #tpu.memory_space<vmem>>, %arg3: memref<1x128xf32, #tpu.memory_space<vmem>>, %arg4: memref<1x128xf32, #tpu.memory_space<vmem>>, %arg5: memref<1x128xf32, #tpu.memory_space<vmem>>, %arg6: memref<128x128xf32, #tpu.memory_space<vmem>>, %arg7: memref<10112x128xf32, #tpu.memory_space<vmem>>) attributes {dimension_semantics = [], scalar_prefetch = 0 : i64, scratch_operands = 0 : i64, tpu.core_type = #tpu.core_type<tc>} {
    %get3A = arith.constant 0 : index
    %get3A_0 = arith.constant 0 : index
    %get3A_1 = vector.load %arg2[%get3A, %get3A_0] : memref<10112x128xf32, #tpu.memory_space<vmem>>, vector<10000x128xf32>
    %get3A_2 = arith.constant 0 : index
    %get3A_3 = arith.constant 0 : index
    %get3A_4 = arith.constant 0 : index
    %get3A_5 = vector.load %arg0[%get3A_2, %get3A_3, %get3A_4] : memref<2x10112x128xf32, #tpu.memory_space<vmem>>, vector<1x10000x128xf32>
    %get3A_6 = vector.shape_cast %get3A_5 : vector<1x10000x128xf32> to vector<10000x128xf32>
    %get3A_7 = arith.constant 1 : index
    %get3A_8 = arith.constant 0 : index
    %get3A_9 = arith.constant 0 : index
    %get3A_10 = vector.load %arg0[%get3A_7, %get3A_8, %get3A_9] : memref<2x10112x128xf32, #tpu.memory_space<vmem>>, vector<1x10000x128xf32>
    %get3A_11 = vector.shape_cast %get3A_10 : vector<1x10000x128xf32> to vector<10000x128xf32>
    %add3A = arith.addf %get3A_6, %get3A_11 : vector<10000x128xf32>
    %get3A_12 = arith.constant 0 : index
    %get3A_13 = arith.constant 0 : index
    %get3A_14 = vector.load %arg1[%get3A_12, %get3A_13] : memref<10112x128xf32, #tpu.memory_space<vmem>>, vector<10000x128xf32>
    %sub3A = arith.subf %add3A, %get3A_14 : vector<10000x128xf32>
    %mul3A = arith.mulf %sub3A, %get3A_1 : vector<10000x128xf32>
    %get3A_15 = arith.constant 0 : index
    %get3A_16 = arith.constant 0 : index
    %get3A_17 = vector.load %arg3[%get3A_15, %get3A_16] : memref<1x128xf32, #tpu.memory_space<vmem>>, vector<1x128xf32>
    %add3A_18 = vector.broadcast %get3A_17 : vector<1x128xf32> to vector<10000x128xf32>
    %add3A_19 = arith.addf %mul3A, %add3A_18 : vector<10000x128xf32>
    %max3A = arith.constant 0.000000e+00 : f32
    %max3A_20 = vector.broadcast %max3A : f32 to vector<10000x128xf32>
    %max3A_21 = arith.maximumf %add3A_19, %max3A_20 : vector<10000x128xf32>
    %get3A_22 = arith.constant 0 : index
    %get3A_23 = arith.constant 0 : index
    %get3A_24 = vector.load %arg4[%get3A_22, %get3A_23] : memref<1x128xf32, #tpu.memory_space<vmem>>, vector<1x128xf32>
    %get3A_25 = arith.constant 0 : index
    %get3A_26 = arith.constant 0 : index
    %get3A_27 = vector.load %arg5[%get3A_25, %get3A_26] : memref<1x128xf32, #tpu.memory_space<vmem>>, vector<1x128xf32>
    %reduce_sum3A = arith.constant dense<0.000000e+00> : vector<128xf32>
    %reduce_sum3A_28 = vector.multi_reduction <add>, %max3A_21, %reduce_sum3A [0] : vector<10000x128xf32> to vector<128xf32>
    %broadcast_in_dim3A = vector.shape_cast %reduce_sum3A_28 : vector<128xf32> to vector<1x128xf32>
    %div3A = arith.constant 1.000000e+04 : f32
    %div3A_29 = vector.broadcast %div3A : f32 to vector<1x128xf32>
    %div3A_30 = arith.divf %broadcast_in_dim3A, %div3A_29 : vector<1x128xf32>
    %sub3A_31 = vector.broadcast %div3A_30 : vector<1x128xf32> to vector<10000x128xf32>
    %sub3A_32 = arith.subf %max3A_21, %sub3A_31 : vector<10000x128xf32>
    %integer_pow3A = arith.mulf %sub3A_32, %sub3A_32 : vector<10000x128xf32>
    %reduce_sum3A_33 = arith.constant dense<0.000000e+00> : vector<128xf32>
    %reduce_sum3A_34 = vector.multi_reduction <add>, %integer_pow3A, %reduce_sum3A_33 [0] : vector<10000x128xf32> to vector<128xf32>
    %broadcast_in_dim3A_35 = vector.shape_cast %reduce_sum3A_34 : vector<128xf32> to vector<1x128xf32>
    %div3A_36 = arith.constant 1.000000e+04 : f32
    %div3A_37 = vector.broadcast %div3A_36 : f32 to vector<1x128xf32>
    %div3A_38 = arith.divf %broadcast_in_dim3A_35, %div3A_37 : vector<1x128xf32>
    %sub3A_39 = vector.broadcast %div3A_30 : vector<1x128xf32> to vector<10000x128xf32>
    %sub3A_40 = arith.subf %max3A_21, %sub3A_39 : vector<10000x128xf32>
    %add3A_41 = arith.constant 9.99999974E-6 : f32
    %add3A_42 = vector.broadcast %add3A_41 : f32 to vector<1x128xf32>
    %add3A_43 = arith.addf %div3A_38, %add3A_42 : vector<1x128xf32>
    %sqrt3A = math.sqrt %add3A_43 : vector<1x128xf32>
    %div3A_44 = vector.broadcast %sqrt3A : vector<1x128xf32> to vector<10000x128xf32>
    %div3A_45 = arith.divf %sub3A_40, %div3A_44 : vector<10000x128xf32>
    %mul3A_46 = vector.broadcast %get3A_24 : vector<1x128xf32> to vector<10000x128xf32>
    %mul3A_47 = arith.mulf %div3A_45, %mul3A_46 : vector<10000x128xf32>
    %add3A_48 = vector.broadcast %get3A_27 : vector<1x128xf32> to vector<10000x128xf32>
    %add3A_49 = arith.addf %mul3A_47, %add3A_48 : vector<10000x128xf32>
    %get3A_50 = arith.constant 0 : index
    %get3A_51 = arith.constant 0 : index
    %get3A_52 = vector.load %arg6[%get3A_50, %get3A_51] : memref<128x128xf32, #tpu.memory_space<vmem>>, vector<128x128xf32>
    %dot_general3A = arith.constant dense<0.000000e+00> : vector<10000x128xf32>
    %dot_general3A_53 = tpu.matmul %add3A_49, %get3A_52, %dot_general3A {dimension_numbers = #tpu.dot_dimension_numbers<[1], [0], [0], [1], [0, 0, 1, 1], [], []>, precision = #tpu.contract_precision<fp32>, transpose_lhs_hint = false} : vector<10000x128xf32>, vector<128x128xf32>, vector<10000x128xf32> -> vector<10000x128xf32>
    %mul3A_54 = arith.mulf %get3A_1, %dot_general3A_53 : vector<10000x128xf32>
    %swap3A = arith.constant 0 : index
    %swap3A_55 = arith.constant 0 : index
    %swap3A_56 = vector.load %arg7[%swap3A, %swap3A_55] : memref<10112x128xf32, #tpu.memory_space<vmem>>, vector<10000x128xf32>
    tpu.vector_store %arg7[%swap3A, %swap3A_55], %mul3A_54 {strides = array<i32>} : memref<10112x128xf32, #tpu.memory_space<vmem>>, vector<10000x128xf32>,
    %broadcast_in_dim3A_57 = arith.constant 0.000000e+00 : f32
    %broadcast_in_dim3A_58 = vector.broadcast %broadcast_in_dim3A_57 : f32 to vector<112x128xf32>
    %swap3A_59 = arith.constant 10000 : index
    %swap3A_60 = arith.constant 0 : index
    %swap3A_61 = vector.load %arg7[%swap3A_59, %swap3A_60] : memref<10112x128xf32, #tpu.memory_space<vmem>>, vector<112x128xf32>
    tpu.vector_store %arg7[%swap3A_59, %swap3A_60], %broadcast_in_dim3A_58 {strides = array<i32>} : memref<10112x128xf32, #tpu.memory_space<vmem>>, vector<112x128xf32>,
    return
  }
}

module attributes {stable_mosaic.version = 14 : i64} {
  func.func @_tc_fin_body(%arg0: memref<2x10112x128xf32, #tpu.memory_space<vmem>>, %arg1: memref<10112x128xf32, #tpu.memory_space<vmem>>, %arg2: memref<10112x128xf32, #tpu.memory_space<vmem>>, %arg3: memref<1x128xf32, #tpu.memory_space<vmem>>, %arg4: memref<1x128xf32, #tpu.memory_space<vmem>>, %arg5: memref<1x128xf32, #tpu.memory_space<vmem>>, %arg6: memref<1x10000xi32, #tpu.memory_space<vmem>>, %arg7: memref<8x128xf32, #tpu.memory_space<vmem>>) attributes {dimension_semantics = [], scalar_prefetch = 0 : i64, scratch_operands = 0 : i64, tpu.core_type = #tpu.core_type<tc>} {
    %get3A = arith.constant 0 : index
    %get3A_0 = arith.constant 0 : index
    %get3A_1 = vector.load %arg2[%get3A, %get3A_0] : memref<10112x128xf32, #tpu.memory_space<vmem>>, vector<10000x128xf32>
    %get3A_2 = arith.constant 0 : index
    %get3A_3 = arith.constant 0 : index
    %get3A_4 = arith.constant 0 : index
    %get3A_5 = vector.load %arg0[%get3A_2, %get3A_3, %get3A_4] : memref<2x10112x128xf32, #tpu.memory_space<vmem>>, vector<1x10000x128xf32>
    %get3A_6 = vector.shape_cast %get3A_5 : vector<1x10000x128xf32> to vector<10000x128xf32>
    %get3A_7 = arith.constant 1 : index
    %get3A_8 = arith.constant 0 : index
    %get3A_9 = arith.constant 0 : index
    %get3A_10 = vector.load %arg0[%get3A_7, %get3A_8, %get3A_9] : memref<2x10112x128xf32, #tpu.memory_space<vmem>>, vector<1x10000x128xf32>
    %get3A_11 = vector.shape_cast %get3A_10 : vector<1x10000x128xf32> to vector<10000x128xf32>
    %add3A = arith.addf %get3A_6, %get3A_11 : vector<10000x128xf32>
    %get3A_12 = arith.constant 0 : index
    %get3A_13 = arith.constant 0 : index
    %get3A_14 = vector.load %arg1[%get3A_12, %get3A_13] : memref<10112x128xf32, #tpu.memory_space<vmem>>, vector<10000x128xf32>
    %sub3A = arith.subf %add3A, %get3A_14 : vector<10000x128xf32>
    %mul3A = arith.mulf %sub3A, %get3A_1 : vector<10000x128xf32>
    %get3A_15 = arith.constant 0 : index
    %get3A_16 = arith.constant 0 : index
    %get3A_17 = vector.load %arg3[%get3A_15, %get3A_16] : memref<1x128xf32, #tpu.memory_space<vmem>>, vector<1x128xf32>
    %add3A_18 = vector.broadcast %get3A_17 : vector<1x128xf32> to vector<10000x128xf32>
    %add3A_19 = arith.addf %mul3A, %add3A_18 : vector<10000x128xf32>
    %max3A = arith.constant 0.000000e+00 : f32
    %max3A_20 = vector.broadcast %max3A : f32 to vector<10000x128xf32>
    %max3A_21 = arith.maximumf %add3A_19, %max3A_20 : vector<10000x128xf32>
    %get3A_22 = arith.constant 0 : index
    %get3A_23 = arith.constant 0 : index
    %get3A_24 = vector.load %arg4[%get3A_22, %get3A_23] : memref<1x128xf32, #tpu.memory_space<vmem>>, vector<1x128xf32>
    %get3A_25 = arith.constant 0 : index
    %get3A_26 = arith.constant 0 : index
    %get3A_27 = vector.load %arg5[%get3A_25, %get3A_26] : memref<1x128xf32, #tpu.memory_space<vmem>>, vector<1x128xf32>
    %reduce_sum3A = arith.constant dense<0.000000e+00> : vector<128xf32>
    %reduce_sum3A_28 = vector.multi_reduction <add>, %max3A_21, %reduce_sum3A [0] : vector<10000x128xf32> to vector<128xf32>
    %broadcast_in_dim3A = vector.shape_cast %reduce_sum3A_28 : vector<128xf32> to vector<1x128xf32>
    %div3A = arith.constant 1.000000e+04 : f32
    %div3A_29 = vector.broadcast %div3A : f32 to vector<1x128xf32>
    %div3A_30 = arith.divf %broadcast_in_dim3A, %div3A_29 : vector<1x128xf32>
    %sub3A_31 = vector.broadcast %div3A_30 : vector<1x128xf32> to vector<10000x128xf32>
    %sub3A_32 = arith.subf %max3A_21, %sub3A_31 : vector<10000x128xf32>
    %integer_pow3A = arith.mulf %sub3A_32, %sub3A_32 : vector<10000x128xf32>
    %reduce_sum3A_33 = arith.constant dense<0.000000e+00> : vector<128xf32>
    %reduce_sum3A_34 = vector.multi_reduction <add>, %integer_pow3A, %reduce_sum3A_33 [0] : vector<10000x128xf32> to vector<128xf32>
    %broadcast_in_dim3A_35 = vector.shape_cast %reduce_sum3A_34 : vector<128xf32> to vector<1x128xf32>
    %div3A_36 = arith.constant 1.000000e+04 : f32
    %div3A_37 = vector.broadcast %div3A_36 : f32 to vector<1x128xf32>
    %div3A_38 = arith.divf %broadcast_in_dim3A_35, %div3A_37 : vector<1x128xf32>
    %sub3A_39 = vector.broadcast %div3A_30 : vector<1x128xf32> to vector<10000x128xf32>
    %sub3A_40 = arith.subf %max3A_21, %sub3A_39 : vector<10000x128xf32>
    %add3A_41 = arith.constant 9.99999974E-6 : f32
    %add3A_42 = vector.broadcast %add3A_41 : f32 to vector<1x128xf32>
    %add3A_43 = arith.addf %div3A_38, %add3A_42 : vector<1x128xf32>
    %sqrt3A = math.sqrt %add3A_43 : vector<1x128xf32>
    %div3A_44 = vector.broadcast %sqrt3A : vector<1x128xf32> to vector<10000x128xf32>
    %div3A_45 = arith.divf %sub3A_40, %div3A_44 : vector<10000x128xf32>
    %mul3A_46 = vector.broadcast %get3A_24 : vector<1x128xf32> to vector<10000x128xf32>
    %mul3A_47 = arith.mulf %div3A_45, %mul3A_46 : vector<10000x128xf32>
    %add3A_48 = vector.broadcast %get3A_27 : vector<1x128xf32> to vector<10000x128xf32>
    %add3A_49 = arith.addf %mul3A_47, %add3A_48 : vector<10000x128xf32>
    %get3A_50 = arith.constant 0 : index
    %get3A_51 = arith.constant 0 : index
    %get3A_52 = vector.load %arg6[%get3A_50, %get3A_51] : memref<1x10000xi32, #tpu.memory_space<vmem>>, vector<1x10000xi32>
    %broadcast_in_dim3A_53 = vector.shape_cast %get3A_52 : vector<1x10000xi32> to vector<1x10000xi32>
    %broadcast_in_dim3A_54 = vector.broadcast %broadcast_in_dim3A_53 : vector<1x10000xi32> to vector<8x10000xi32>
    %iota3A = tpu.iota {dimensions = array<i32: 0>} : vector<8x10000xi32>
    %eq3A = arith.cmpi eq, %broadcast_in_dim3A_54, %iota3A : vector<8x10000xi32>
    %convert_element_type3A = arith.extui %eq3A : vector<8x10000xi1> to vector<8x10000xi32>
    %convert_element_type3A_55 = arith.sitofp %convert_element_type3A : vector<8x10000xi32> to vector<8x10000xf32>
    %dot_general3A = arith.constant dense<0.000000e+00> : vector<8x128xf32>
    %dot_general3A_56 = tpu.matmul %convert_element_type3A_55, %add3A_49, %dot_general3A {dimension_numbers = #tpu.dot_dimension_numbers<[1], [0], [0], [1], [0, 0, 1, 1], [], []>, precision = #tpu.contract_precision<fp32>, transpose_lhs_hint = false} : vector<8x10000xf32>, vector<10000x128xf32>, vector<8x128xf32> -> vector<8x128xf32>
    %reduce_sum3A_57 = arith.constant dense<0.000000e+00> : vector<8xf32>
    %reduce_sum3A_58 = vector.multi_reduction <add>, %convert_element_type3A_55, %reduce_sum3A_57 [1] : vector<8x10000xf32> to vector<8xf32>
    %broadcast_in_dim3A_59 = vector.shape_cast %reduce_sum3A_58 : vector<8xf32> to vector<8x1xf32>
    %max3A_60 = arith.constant 1.000000e+00 : f32
    %max3A_61 = vector.broadcast %max3A_60 : f32 to vector<8x1xf32>
    %max3A_62 = arith.maximumf %broadcast_in_dim3A_59, %max3A_61 : vector<8x1xf32>
    %div3A_63 = vector.broadcast %max3A_62 : vector<8x1xf32> to vector<8x128xf32>
    %div3A_64 = arith.divf %dot_general3A_56, %div3A_63 : vector<8x128xf32>
    %swap3A = arith.constant 0 : index
    %swap3A_65 = arith.constant 0 : index
    %swap3A_66 = vector.load %arg7[%swap3A, %swap3A_65] : memref<8x128xf32, #tpu.memory_space<vmem>>, vector<8x128xf32>
    tpu.vector_store %arg7[%swap3A, %swap3A_65], %div3A_64 {strides = array<i32>} : memref<8x128xf32, #tpu.memory_space<vmem>>, vector<8x128xf32>,
    return
  }
}

</mosaic_0001>

<sc_bundles>
// kernel: kernel.12.cloned.1.call-start
scs
__scs_entry_jumppad:
0x0: {  	(pc) =	sbr.rel $0x88, $3  }
0x1: {  	(tag) =	ssettag $0x0;
	lr =	simm.s32 $0x1  }
0x2: {  	[smem:$0x3F8A] =	sst lr;
	_ =	strace $0xD0000000  }
0x3: {  	_ = 	snop  }
0x4: {  	_ = 	snop  }
0x5: {  	_ = 	snop  }
0x6: {  	_ = 	snop  }
0x7: {  	_ = 	snop  }
__scs_overlays_trampoline_lowered:
0x8: {  	[smem:$0x3F99] =	sst s0  }
0x9: {  	[smem:$0x3F9A] =	sst s1  }
0xa: {  	[smem:$0x3F9B] =	sst s2  }
0xb: {  	[smem:$0x3F9C] =	sst s3  }
0xc: {  	[smem:$0x3F9D] =	sst s4  }
0xd: {  	[smem:$0x3F9E] =	sst s5  }
0xe: {  	[smem:$0x3F9F] =	sst s6  }
0xf: {  	[smem:$0x3FA0] =	sst s7  }
0x10: {  	[smem:$0x3FA1] =	sst s8  }
0x11: {  	[smem:$0x3FA2] =	sst s9;
	s0 =	simm.s32 @!p0 $0x0  }
0x12: {  	s1 =	sld [smem:$0x3F88];
	s0 =	simm.s32 @p0 $0x1  }
0x13: {  	[smem:$0x3FA3] =	sst s0;
	s0 =	simm.s32 @!p1 $0x0  }
0x14: {  	s2 =	sld [smem:$0x3F87];
	s0 =	simm.s32 @p1 $0x1  }
0x15: {  	[smem:$0x3FA4] =	sst s0;
	s0 =	simm.s32 @!p2 $0x0  }
0x16: {  	s3 =	sld [smem:$0x3FDB];
	s0 =	simm.s32 @p2 $0x1  }
0x17: {  	s4 =	simm.s32 $0x1BF5;
	[smem:$0x3FA6] =	sst s0  }
0x18: {  	s0 =	sld [smem:$0x3F89];
	_ =	swait.ge [sflag:s4], $0x0  }
0x19: {  	s7 =	sld [smem:$0x3F8A]  }
0x1a: {  	s8 =	sadd.s32 $0xFFFFE003, lr  }
0x1b: {  	s9 =	sadd.s32 $0xFFFFFEF7, lr;
	s5 =	simm.s32 $0xFFFFFFFF;
	p2 =	slt.u32 s8, $0xFFFFF086  }
0x1c: {  	p1 =	slt.u32 s9, $0xF7A;
	s5 =	simm.s32 @!p2 $0x0  }
0x1d: {  	s5 =	simm.s32 @p1 $0x1;
	p0 =	seq.s32 s7, s2  }
0x1e: {  	s7 =	smul.u32 @!p0 $0xF7A, s2;
	p2 =	seq.s32 @!p0 s5, $0x0  }
0x1f: {  	s9 =	smul.u32 $0xF7A, s1;
	s8 =	simm.s32 @!p0 $0x1BF5;
	p2 =	por !p2, p0  }
0x20: {  	[sflag:s8] =	ssyncset.s32 @!p0 $0xFFFFF086;
	s6 =	sadd.s32 @!p0 s3, s7;
	s7 =	simm.s32 @!p0 $0x108  }
0x21: {  	s3 =	sadd.s32 s3, s9;
	s6 =	sadd.s32 @!p0 $0x88, s6;
	s7 =	simm.s32 @p2 $0x1082  }
0x22: {  	[simem:s7], [sflag:s8] =	dma.local @!p0 [hbm:s6], $0xF7A  }
0x23: {  	s9 =	sor.u32 $0xD0000000, s2;
	s6 =	simm.s32 $0x108;
	_ =	swait.ge @!p0 [sflag:s8], $0x0  }
0x24: {  	s3 =	sadd.s32 $0x88, s3;
	s6 =	simm.s32 @!p1 $0x1082;
	[sflag:s4] =	ssyncset.s32 $0xFFFFF086  }
0x25: {  	[simem:s6], [sflag:s4] =	dma.local [hbm:s3], $0xF7A  }
0x26: {  	[smem:$0x3F8A] =	sst s1;
	(tag) =	ssettag s2;
	_ =	strace s9  }
0x27: {  	s1 =	sld [smem:$0x3F9A]  }
0x28: {  	s2 =	sld [smem:$0x3F9B]  }
0x29: {  	s4 =	sld [smem:$0x3F9D]  }
0x2a: {  	p0 =	seq.s32 s5, $0x0;
	s5 =	sld [smem:$0x3F9E]  }
0x2b: {  	s6 =	sld [smem:$0x3F9F]  }
0x2c: {  	s7 =	sld [smem:$0x3FA0]  }
0x2d: {  	s3 =	simm.s32 $0x108;
	s8 =	sld [smem:$0x3FA1]  }
0x2e: {  	s3 =	simm.s32 @!p0 $0x1082;
	s9 =	sld [smem:$0x3FA2]  }
0x2f: {  	lr =	sadd.s32 s0, s3;
	s0 =	sld [smem:$0x3F99]  }
0x30: {  	s3 =	sld [smem:$0x3F9C]  }
0x31: {  	[smem:$0x3FA5] =	sst s10  }
0x32: {  	s10 =	sld [smem:$0x3FA3];
	_ =	sdelay $0x3  }
0x33: {  	p0 =	seq.s32 s10, $0x1;
	s10 =	sld [smem:$0x3FA5];
	_ =	sdelay $0x3  }
0x34: {  	[smem:$0x3FA5] =	sst s10  }
0x35: {  	s10 =	sld [smem:$0x3FA4];
	_ =	sdelay $0x3  }
0x36: {  	p1 =	seq.s32 s10, $0x1;
	s10 =	sld [smem:$0x3FA5];
	_ =	sdelay $0x3  }
0x37: {  	[smem:$0x3FA5] =	sst s10  }
0x38: {  	s10 =	sld [smem:$0x3FA6]  }
0x39: {  	_ = 	snop;
	(pc) =	sbr.ind lr, $3  }
0x3a: {  	_ = 	snop  }
0x3b: {  	_ = 	snop  }
0x3c: {  	p2 =	seq.s32 s10, $0x1;
	s10 =	sld [smem:$0x3FA5]  }
0x3d: {  	_ =	shalt  }
0x3e: {  	_ =	shalt  }
0x3f: {  	_ =	shalt  }
0x40: {  	_ =	shalt  }
0x41: {  	_ =	shalt  }
0x42: {  	_ =	shalt  }
0x43: {  	_ =	shalt  }
0x44: {  	_ =	shalt  }
0x45: {  	_ =	shalt  }
0x46: {  	_ =	shalt  }
0x47: {  	_ =	shalt  }
0x48: {  	_ =	shalt  }
0x49: {  	_ =	shalt  }
0x4a: {  	_ =	shalt  }
0x4b: {  	_ =	shalt  }
0x4c: {  	_ =	shalt  }
0x4d: {  	_ =	shalt  }
0x4e: {  	_ =	shalt  }
0x4f: {  	_ =	shalt  }
0x50: {  	_ =	shalt  }
0x51: {  	_ =	shalt  }
0x52: {  	_ =	shalt  }
0x53: {  	_ =	shalt  }
0x54: {  	_ =	shalt  }
0x55: {  	_ =	shalt  }
0x56: {  	_ =	shalt  }
0x57: {  	_ =	shalt  }
0x58: {  	_ =	shalt  }
0x59: {  	_ =	shalt  }
0x5a: {  	_ =	shalt  }
0x5b: {  	_ =	shalt  }
0x5c: {  	_ =	shalt  }
0x5d: {  	_ =	shalt  }
0x5e: {  	_ =	shalt  }
0x5f: {  	_ =	shalt  }
0x60: {  	_ =	shalt  }
0x61: {  	_ =	shalt  }
0x62: {  	_ =	shalt  }
0x63: {  	_ =	shalt  }
0x64: {  	_ =	shalt  }
0x65: {  	_ =	shalt  }
0x66: {  	_ =	shalt  }
0x67: {  	_ =	shalt  }
0x68: {  	_ =	shalt  }
0x69: {  	_ =	shalt  }
0x6a: {  	_ =	shalt  }
0x6b: {  	_ =	shalt  }
0x6c: {  	_ =	shalt  }
0x6d: {  	_ =	shalt  }
0x6e: {  	_ =	shalt  }
0x6f: {  	_ =	shalt  }
0x70: {  	_ =	shalt  }
0x71: {  	_ =	shalt  }
0x72: {  	_ =	shalt  }
0x73: {  	_ =	shalt  }
0x74: {  	_ =	shalt  }
0x75: {  	_ =	shalt  }
0x76: {  	_ =	shalt  }
0x77: {  	_ =	shalt  }
0x78: {  	_ =	shalt  }
0x79: {  	_ =	shalt  }
0x7a: {  	_ =	shalt  }
0x7b: {  	_ =	shalt  }
0x7c: {  	_ =	shalt  }
0x7d: {  	_ =	shalt  }
0x7e: {  	_ =	shalt  }
0x7f: {  	_ =	shalt  }
0x80: {  	_ =	shalt  }
0x81: {  	_ =	shalt  }
0x82: {  	_ =	shalt  }
0x83: {  	_ =	shalt  }
0x84: {  	_ =	shalt  }
0x85: {  	_ =	shalt  }
0x86: {  	_ =	shalt  }
0x87: {  	_ =	shalt  }
.Lfunc_end0:
.L_simem_size_0:
called_computation_lowered:
.L_overlay_start_0:
0x88: {  	s2 =	sld [smem:$0x3FD9]  }
0x89: {  	s3 =	sld [smem:$0x3FFE];
	_ =	sdelay $0x1  }
0x8a: {  	s1 =	srdreg.scid  }
0x8b: {  	s0 =	sand.u32 $0x1, s1  }
0x8c: {  	s16 =	sshll.u32 s0, $0xA;
	s2 =	sadd.s32 s3, s2  }
0x8d: {  	s2 =	sadd.s32 s2, s16  }
0x8e: {  	[smem:$0x3FB1] =	sst s2  }
0x8f: {  	_ = 	snop  }
0x90: {  	(tm) =	ssettm $0x1  }
0x91: {  	s17 =	sld [smem:$0x3FFB];
	_ =	sdelay $0x3  }
0x92: {  	_ =	strace s17  }
0x93: {  	s2 =	sld [smem:$0x3FFC];
	_ =	sdelay $0x3  }
0x94: {  	_ =	strace s2  }
0x95: {  	s2 =	sld [smem:$0x3FFD];
	_ =	sdelay $0x3  }
0x96: {  	_ =	strace s2  }
0x97: {  	_ =	strace $0x8FFFFFFF  }
0x98: {  	s18 =	sld [smem:$0x3FDB];
	_ =	sdelay $0x1  }
0x99: {  	s19 =	simm.s32 $_scs_section_size  }
0x9a: {  	s4 =	simm.s32 $_size__tile_overlayer_lowered;
	s5 =	simm.s32 $_tile_overlayer_lowered  }
0x9b: {  	s22 =	simm.s32 $0x1BFF;
	s21 =	sshll.u32 s5, $0x1;
	s2 =	sadd.s32 s19, s18  }
0x9c: {  	s6 =	simm.s32 $0x0;
	s20 =	sshll.u32 s4, $0x1;
	s4 =	sadd.s32 s21, s2  }
0x9d: {  	[timem:s6], [sflag:s22] =	dma.local [hbm:s4], s20  }
0x9e: {  	_ =	swait.ge [sflag:s22], s20  }
0x9f: {  	s3 =	ssub.s32 $0x0, s20;
	[sflag:s22] =	ssyncset.done $0x0  }
0xa0: {  	[sflag:s22] =	ssyncadd.s32 s3;
	_ =	sdelay $0x1  }
0xa1: {  	s23 =	simm.s32 $0x1B8B  }
0xa2: {  	_ =	swait.ge [sflag:s23], $0x1  }
0xa3: {  	[sflag:s23] =	ssyncset.done $0x0  }
0xa4: {  	s25 =	simm.s32 $0x1B8E;
	s24 =	sld [smem:$0x3FFE];
	[sflag:s23] =	ssyncadd.s32 $0xFFFFFFFF  }
0xa5: {  	s26 =	simm.s32 $execute0_lowered;
	[smem:$0x3FD2] =	sst s25  }
0xa6: {  	s4 =	sshll.u32 s26, $0x1;
	_ =	strace $0x80000046;
	[dreg:$0x1] =	wrdreg $0xFFFFFFFF  }
0xa7: {  	s28 =	simm.s32 $_size_execute0_lowered;
	s2 =	sadd.s32 s2, s4;
	[dreg:$0x0] =	wrdreg $0x0  }
0xa8: {  	s4 =	sshll.u32 s28, $0x1;
	[dreg:$0x2] =	wrdreg s2  }
0xa9: {  	[dreg:$0x3] =	wrdreg s4  }
0xaa: {  	[dreg:$0x4] =	wrdreg $0xC0  }
0xab: {  	_ =	task [dreg:s6], $0x5FFFF  }
0xac: {  	[dreg:$0x1] =	wrdreg $0xFFFFFFFF  }
0xad: {  	[dreg:$0x0] =	wrdreg $0x60  }
0xae: {  	[dreg:$0x2] =	wrdreg s24  }
0xaf: {  	[dreg:$0x3] =	wrdreg $0x54000  }
0xb0: {  	[dreg:$0x4] =	wrdreg $0x9  }
0xb1: {  	_ =	task.clear_ibuf [dreg:s6], $0x5FFFF;
	_ =	strace $0x90000046  }
0xb2: {  	s29 =	simm.s32 $0x9;
	_ =	strace $0x80000048  }
0xb3: {  	_ =	swait.ge [sflag:s29], $0x1  }
0xb4: {  	[sflag:s29] =	ssyncadd.s32 $0xFFFFFFFF  }
0xb5: {  	_ =	strace $0x90000048  }
0xb6: {  	_ =	sfence  }
0xb7: {  	s30 =	sld [smem:$0x0];
	_ =	sdelay $0x2  }
0xb8: {  	s31 =	sshll.u32 s1, $0xD;
	s1 =	sshrl.u32 s1, $0x2  }
0xb9: {  	s3 =	sand.u32 $0x4000, s31;
	s1 =	sadd.s32 s1, s30  }
0xba: {  	s0 =	sor.u32 s3, s0;
	s1 =	sshll.u32 s1, $0x11  }
0xbb: {  	s0 =	sor.u32 s1, s0  }
0xbc: {  	s0 =	sadd.s32 $0x8F2B, s0  }
0xbd: {  	[sflag:s0] =	ssyncadd.remote.s32 $0x1  }
0xbe: {  	_ =	sfence.sel $0xFFFF  }
0xbf: {  	[dreg:$0x0] =	wrdreg $0xFFFFFFFF;
	(pc) =	sbr.abs _section_cstart, $3  }
0xc0: {  	[dreg:$0x1] =	wrdreg $0xFFFFFFFF  }
0xc1: {  	_ =	task.clear_ibuf [dreg:s6], $0x2FFFF;
	_ =	strace $0x9FFFFFFF  }
0xc2: {  	(tm) =	ssettm $0x7FFFFFFF  }
0xc3: {  	_ =	shalt  }
tec
execute0_lowered:
.L_overlay_start_1:
0x0: {  	(tag) =	ssettag $0x1  }
0x1: {  	s0 =	srdreg.scid;
	s1 =	rddreg [dreg:$0x0]  }
0x2: {  	s2 =	rddreg [dreg:$0x1];
	s7 =	stileid.u32;
	s9 =	simm.s32 $0x0  }
0x3: {  	s8 =	simm.s32 $0x80;
	p0 =	por $0x0, $0x0;
	s0 =	sand.u32 $0x1, s0  }
0x4: {  	[smem:$0x7FF] =	sst s9;
	s5 =	sadd.s32 $0x1BC00, s1;
	s6 =	smul.u32 $0x13C00, s7  }
0x5: {  	s25 =	sadd.s32 $0x19400, s1;
	s28 =	smul.u32 $0x4F000, s7;
	s31 =	sshll.u32 s7, $0x6  }
0x6: {  	s3 =	sshll.u32 s0, $0x4;
	_ =	strace $0x80000047;
	[dreg:$0x3] =	wrdreg s5  }
0x7: {  	s4 =	smul.u32 $0x13C000, s0;
	[dreg:$0x4] =	wrdreg s25;
	s0 =	ssub.s32 $0x2, s0  }
0x8: {  	s3 =	sor.u32 s7, s3;
	s26 =	sshrl.u32 s0, $0x1;
	s30 =	sshrl.u32 s28, $0x2  }
0x9: {  	s7 =	simm.s32 $0x1400;
	s3 =	smul.u32 $0x2800, s3;
	s0 =	ssub.s32 s0, s26  }
0xa: {  	s25 =	rddreg [dreg:$0x4];
	s4 =	sadd.s32 s6, s4;
	s0 =	smax.u32 s0, $0x1  }
0xb: {  	s5 =	sadd.s32 s30, s2;
	s3 =	sshrl.u32 s3, $0x3;
	p1 =	sne.s32 s0, $0x1  }
.Ltmp0:
0xc: {  	s6 =	simm.s32 $0x1;
	s3 =	sadd.s32 s3, s1;
	(pc) =	sbr.rel @!p1 .LBB2_5-.Ltmp0, $4  }
0xd: {  	s4 =	sshrl.u32 s4, $0x3;
	s5 =	sshrl.u32 s5, $0x3;
	s29 =	sadd.s32 $0x5400, s3  }
0xe: {  	s1 =	sadd.s32 s4, s1;
	s3 =	sadd.s32 $0x5680, s3;
	[dreg:$0x5] =	wrdreg s29  }
0xf: {  	s4 =	simm.s32 $0x2;
	s1 =	sadd.s32 $0x1C400, s1;
	[dreg:$0x6] =	wrdreg s3  }
0x10: {  	s3 =	sor.u32 $0x1C02, s31;
	[dreg:$0x7] =	wrdreg s1;
	s1 =	sadd.s32 $0xFFFFFFFF, s0  }
0x11: {  	[spmem:s5], [sflag:s3] =	dma.local [hbm:s25], $0x2780  }
0x12: {  	_ =	swait.ge [sflag:s4], $0x2780  }
0x13: {  	[sflag:s4] =	ssyncset.done $0x0  }
0x14: {  	s29 =	rddreg [dreg:$0x3];
	[sflag:s4] =	ssyncadd.s32 $0xFFFFD880  }
0x15: {  	[tilespmem:s7], [sflag:$0x2] =	stream.linear.gather [hbm4b:s29+s9], $0x4000, $0x38;
	[tilespmem:$0x19000] =	vst v63  }
0x16: {  	_ =	swait.ge [sflag:s4], $0x4000  }
0x17: {  	[sflag:s4] =	ssyncset.done $0x0  }
0x18: {  	[sflag:s4] =	ssyncadd.s32 $0xFFFFC000  }
0x19: {  	[bflag:$0x0] =	sbarrier.arrive $0xFFFF  }
0x1a: {  	s30 =	rddreg [dreg:$0x5]  }
0x1b: {  	[tilespmem:s9], [sflag:$0x2] =	stream.linear.gather [hbm4b:s30+s9], $0x1400, $0x38;
	[tilespmem:$0x19000] =	vst v63  }
0x1c: {  	_ =	swait.ge [sflag:s4], $0x1400  }
0x1d: {  	[sflag:s4] =	ssyncset.done $0x0  }
0x1e: {  	[sflag:s4] =	ssyncadd.s32 $0xFFFFEC00  }
0x1f: {  	[spmem:s2] =	stream.indirect.scatter.add.f32 [tilespmem:s7], [sflag:$0x1], $0x80, s9, s8, $0xb8;
	[tilespmem:$0x19000] =	vst v63  }
0x20: {  	_ = 	snop  }
0x21: {  	[spmem:s2] =	stream.indirect.scatter.add.f32 [tilespmem:s7], [sflag:$0x1], $0x80, s8, s8, $0xb8;
	[tilespmem:$0x19000] =	vst v63  }
0x22: {  	s22 =	simm.s32 $0x100  }
0x23: {  	[spmem:s2] =	stream.indirect.scatter.add.f32 [tilespmem:s7], [sflag:$0x1], $0x80, s22, s8, $0xb8;
	[tilespmem:$0x19000] =	vst v63  }
0x24: {  	s28 =	simm.s32 $0x180  }
0x25: {  	[spmem:s2] =	stream.indirect.scatter.add.f32 [tilespmem:s7], [sflag:$0x1], $0x80, s28, s8, $0xb8;
	[tilespmem:$0x19000] =	vst v63  }
0x26: {  	s26 =	simm.s32 $0x200  }
0x27: {  	[spmem:s2] =	stream.indirect.scatter.add.f32 [tilespmem:s7], [sflag:$0x1], $0x80, s26, s8, $0xb8;
	[tilespmem:$0x19000] =	vst v63  }
0x28: {  	s15 =	simm.s32 $0x280  }
0x29: {  	[spmem:s2] =	stream.indirect.scatter.add.f32 [tilespmem:s7], [sflag:$0x1], $0x80, s15, s8, $0xb8;
	[tilespmem:$0x19000] =	vst v63  }
0x2a: {  	s29 =	simm.s32 $0x300  }
0x2b: {  	[spmem:s2] =	stream.indirect.scatter.add.f32 [tilespmem:s7], [sflag:$0x1], $0x80, s29, s8, $0xb8;
	[tilespmem:$0x19000] =	vst v63  }
0x2c: {  	s12 =	simm.s32 $0x380  }
0x2d: {  	[spmem:s2] =	stream.indirect.scatter.add.f32 [tilespmem:s7], [sflag:$0x1], $0x80, s12, s8, $0xb8;
	[tilespmem:$0x19000] =	vst v63  }
0x2e: {  	_ =	swait.ge [sflag:s6], $0x4000  }
0x2f: {  	[sflag:s6] =	ssyncset.done $0x0  }
0x30: {  	[sflag:s6] =	ssyncadd.s32 $0xFFFFC000  }
0x31: {  	_ =	swait.ge [sflag:s6], $0x4000  }
0x32: {  	[sflag:s6] =	ssyncset.done $0x0  }
0x33: {  	[sflag:s6] =	ssyncadd.s32 $0xFFFFC000  }
0x34: {  	_ =	swait.ge [sflag:s6], $0x4000  }
0x35: {  	[sflag:s6] =	ssyncset.done $0x0  }
0x36: {  	[sflag:s6] =	ssyncadd.s32 $0xFFFFC000  }
0x37: {  	_ =	swait.ge [sflag:s6], $0x4000  }
0x38: {  	[sflag:s6] =	ssyncset.done $0x0  }
0x39: {  	[sflag:s6] =	ssyncadd.s32 $0xFFFFC000  }
0x3a: {  	_ =	swait.ge [sflag:s6], $0x4000  }
0x3b: {  	[sflag:s6] =	ssyncset.done $0x0  }
0x3c: {  	[sflag:s6] =	ssyncadd.s32 $0xFFFFC000  }
0x3d: {  	_ =	swait.ge [sflag:s6], $0x4000  }
0x3e: {  	[sflag:s6] =	ssyncset.done $0x0  }
0x3f: {  	[sflag:s6] =	ssyncadd.s32 $0xFFFFC000  }
0x40: {  	_ =	swait.ge [sflag:s6], $0x4000  }
0x41: {  	[sflag:s6] =	ssyncset.done $0x0  }
0x42: {  	[sflag:s6] =	ssyncadd.s32 $0xFFFFC000  }
0x43: {  	_ =	swait.ge [sflag:s6], $0x4000  }
0x44: {  	[sflag:s6] =	ssyncset.done $0x0  }
0x45: {  	s14 =	simm.s32 $0x400;
	[sflag:s6] =	ssyncadd.s32 $0xFFFFC000  }
0x46: {  	[spmem:s2] =	stream.indirect.scatter.add.f32 [tilespmem:s7], [sflag:$0x1], $0x80, s14, s8, $0xb8;
	[tilespmem:$0x19000] =	vst v63  }
0x47: {  	s20 =	simm.s32 $0x480  }
0x48: {  	[spmem:s2] =	stream.indirect.scatter.add.f32 [tilespmem:s7], [sflag:$0x1], $0x80, s20, s8, $0xb8;
	[tilespmem:$0x19000] =	vst v63  }
0x49: {  	s21 =	simm.s32 $0x500  }
0x4a: {  	[spmem:s2] =	stream.indirect.scatter.add.f32 [tilespmem:s7], [sflag:$0x1], $0x80, s21, s8, $0xb8;
	[tilespmem:$0x19000] =	vst v63  }
0x4b: {  	s23 =	simm.s32 $0x580  }
0x4c: {  	[spmem:s2] =	stream.indirect.scatter.add.f32 [tilespmem:s7], [sflag:$0x1], $0x80, s23, s8, $0xb8;
	[tilespmem:$0x19000] =	vst v63  }
0x4d: {  	s19 =	simm.s32 $0x600  }
0x4e: {  	[spmem:s2] =	stream.indirect.scatter.add.f32 [tilespmem:s7], [sflag:$0x1], $0x80, s19, s8, $0xb8;
	[tilespmem:$0x19000] =	vst v63  }
0x4f: {  	s13 =	simm.s32 $0x680  }
0x50: {  	[spmem:s2] =	stream.indirect.scatter.add.f32 [tilespmem:s7], [sflag:$0x1], $0x80, s13, s8, $0xb8;
	[tilespmem:$0x19000] =	vst v63  }
0x51: {  	s11 =	simm.s32 $0x700  }
0x52: {  	[spmem:s2] =	stream.indirect.scatter.add.f32 [tilespmem:s7], [sflag:$0x1], $0x80, s11, s8, $0xb8;
	[tilespmem:$0x19000] =	vst v63  }
0x53: {  	s17 =	simm.s32 $0x780  }
0x54: {  	[spmem:s2] =	stream.indirect.scatter.add.f32 [tilespmem:s7], [sflag:$0x1], $0x80, s17, s8, $0xb8;
	[tilespmem:$0x19000] =	vst v63  }
0x55: {  	_ =	swait.ge [sflag:s6], $0x4000  }
0x56: {  	[sflag:s6] =	ssyncset.done $0x0  }
0x57: {  	[sflag:s6] =	ssyncadd.s32 $0xFFFFC000  }
0x58: {  	_ =	swait.ge [sflag:s6], $0x4000  }
0x59: {  	[sflag:s6] =	ssyncset.done $0x0  }
0x5a: {  	[sflag:s6] =	ssyncadd.s32 $0xFFFFC000  }
0x5b: {  	_ =	swait.ge [sflag:s6], $0x4000  }
0x5c: {  	[sflag:s6] =	ssyncset.done $0x0  }
0x5d: {  	[sflag:s6] =	ssyncadd.s32 $0xFFFFC000  }
0x5e: {  	_ =	swait.ge [sflag:s6], $0x4000  }
0x5f: {  	[sflag:s6] =	ssyncset.done $0x0  }
0x60: {  	[sflag:s6] =	ssyncadd.s32 $0xFFFFC000  }
0x61: {  	_ =	swait.ge [sflag:s6], $0x4000  }
0x62: {  	[sflag:s6] =	ssyncset.done $0x0  }
0x63: {  	[sflag:s6] =	ssyncadd.s32 $0xFFFFC000  }
0x64: {  	_ =	swait.ge [sflag:s6], $0x4000  }
0x65: {  	[sflag:s6] =	ssyncset.done $0x0  }
0x66: {  	[sflag:s6] =	ssyncadd.s32 $0xFFFFC000  }
0x67: {  	_ =	swait.ge [sflag:s6], $0x4000  }
0x68: {  	[sflag:s6] =	ssyncset.done $0x0  }
0x69: {  	[sflag:s6] =	ssyncadd.s32 $0xFFFFC000  }
0x6a: {  	_ =	swait.ge [sflag:s6], $0x4000  }
0x6b: {  	[sflag:s6] =	ssyncset.done $0x0  }
0x6c: {  	s0 =	simm.s32 $0x800;
	[sflag:s6] =	ssyncadd.s32 $0xFFFFC000  }
0x6d: {  	[spmem:s2] =	stream.indirect.scatter.add.f32 [tilespmem:s7], [sflag:$0x1], $0x80, s0, s8, $0xb8;
	[tilespmem:$0x19000] =	vst v63  }
0x6e: {  	s16 =	simm.s32 $0x880  }
0x6f: {  	[spmem:s2] =	stream.indirect.scatter.add.f32 [tilespmem:s7], [sflag:$0x1], $0x80, s16, s8, $0xb8;
	[tilespmem:$0x19000] =	vst v63  }
0x70: {  	s10 =	simm.s32 $0x900  }
0x71: {  	[spmem:s2] =	stream.indirect.scatter.add.f32 [tilespmem:s7], [sflag:$0x1], $0x80, s10, s8, $0xb8;
	[tilespmem:$0x19000] =	vst v63  }
0x72: {  	s18 =	simm.s32 $0x980  }
0x73: {  	[spmem:s2] =	stream.indirect.scatter.add.f32 [tilespmem:s7], [sflag:$0x1], $0x80, s18, s8, $0xb8;
	[tilespmem:$0x19000] =	vst v63  }
0x74: {  	[dreg:$0x9] =	wrdreg s5;
	s5 =	simm.s32 $0xA00  }
0x75: {  	[spmem:s2] =	stream.indirect.scatter.add.f32 [tilespmem:s7], [sflag:$0x1], $0x80, s5, s8, $0xb8;
	[tilespmem:$0x19000] =	vst v63  }
0x76: {  	s9 =	simm.s32 $0xA80  }
0x77: {  	[spmem:s2] =	stream.indirect.scatter.add.f32 [tilespmem:s7], [sflag:$0x1], $0x80, s9, s8, $0xb8;
	[tilespmem:$0x19000] =	vst v63  }
0x78: {  	s24 =	simm.s32 $0xB00  }
0x79: {  	[spmem:s2] =	stream.indirect.scatter.add.f32 [tilespmem:s7], [sflag:$0x1], $0x80, s24, s8, $0xb8;
	[tilespmem:$0x19000] =	vst v63  }
0x7a: {  	s31 =	simm.s32 $0xB80  }
0x7b: {  	[spmem:s2] =	stream.indirect.scatter.add.f32 [tilespmem:s7], [sflag:$0x1], $0x80, s31, s8, $0xb8;
	[tilespmem:$0x19000] =	vst v63  }
0x7c: {  	_ =	swait.ge [sflag:s6], $0x4000  }
0x7d: {  	[sflag:s6] =	ssyncset.done $0x0  }
0x7e: {  	[sflag:s6] =	ssyncadd.s32 $0xFFFFC000  }
0x7f: {  	_ =	swait.ge [sflag:s6], $0x4000  }
0x80: {  	[sflag:s6] =	ssyncset.done $0x0  }
0x81: {  	[sflag:s6] =	ssyncadd.s32 $0xFFFFC000  }
0x82: {  	_ =	swait.ge [sflag:s6], $0x4000  }
0x83: {  	[sflag:s6] =	ssyncset.done $0x0  }
0x84: {  	[sflag:s6] =	ssyncadd.s32 $0xFFFFC000  }
0x85: {  	_ =	swait.ge [sflag:s6], $0x4000  }
0x86: {  	[sflag:s6] =	ssyncset.done $0x0  }
0x87: {  	[sflag:s6] =	ssyncadd.s32 $0xFFFFC000  }
0x88: {  	_ =	swait.ge [sflag:s6], $0x4000  }
0x89: {  	[sflag:s6] =	ssyncset.done $0x0  }
0x8a: {  	[sflag:s6] =	ssyncadd.s32 $0xFFFFC000  }
0x8b: {  	_ =	swait.ge [sflag:s6], $0x4000  }
0x8c: {  	[sflag:s6] =	ssyncset.done $0x0  }
0x8d: {  	[sflag:s6] =	ssyncadd.s32 $0xFFFFC000  }
0x8e: {  	_ =	swait.ge [sflag:s6], $0x4000  }
0x8f: {  	[sflag:s6] =	ssyncset.done $0x0  }
0x90: {  	[sflag:s6] =	ssyncadd.s32 $0xFFFFC000  }
0x91: {  	_ =	swait.ge [sflag:s6], $0x4000  }
0x92: {  	[sflag:s6] =	ssyncset.done $0x0  }
0x93: {  	s30 =	simm.s32 $0xC00;
	[sflag:s6] =	ssyncadd.s32 $0xFFFFC000  }
0x94: {  	[spmem:s2] =	stream.indirect.scatter.add.f32 [tilespmem:s7], [sflag:$0x1], $0x80, s30, s8, $0xb8;
	[tilespmem:$0x19000] =	vst v63  }
0x95: {  	s31 =	simm.s32 $0xC80  }
0x96: {  	[spmem:s2] =	stream.indirect.scatter.add.f32 [tilespmem:s7], [sflag:$0x1], $0x80, s31, s8, $0xb8;
	[tilespmem:$0x19000] =	vst v63  }
0x97: {  	[dreg:$0x8] =	wrdreg s3;
	s3 =	simm.s32 $0xD00  }
0x98: {  	[spmem:s2] =	stream.indirect.scatter.add.f32 [tilespmem:s7], [sflag:$0x1], $0x80, s3, s8, $0xb8;
	[tilespmem:$0x19000] =	vst v63  }
0x99: {  	s25 =	simm.s32 $0xD80  }
0x9a: {  	[spmem:s2] =	stream.indirect.scatter.add.f32 [tilespmem:s7], [sflag:$0x1], $0x80, s25, s8, $0xb8;
	[tilespmem:$0x19000] =	vst v63  }
0x9b: {  	s25 =	simm.s32 $0xE00  }
0x9c: {  	[spmem:s2] =	stream.indirect.scatter.add.f32 [tilespmem:s7], [sflag:$0x1], $0x80, s25, s8, $0xb8;
	[tilespmem:$0x19000] =	vst v63  }
0x9d: {  	s25 =	simm.s32 $0xE80  }
0x9e: {  	[spmem:s2] =	stream.indirect.scatter.add.f32 [tilespmem:s7], [sflag:$0x1], $0x80, s25, s8, $0xb8;
	[tilespmem:$0x19000] =	vst v63  }
0x9f: {  	s25 =	simm.s32 $0xF00  }
0xa0: {  	[spmem:s2] =	stream.indirect.scatter.add.f32 [tilespmem:s7], [sflag:$0x1], $0x80, s25, s8, $0xb8;
	[tilespmem:$0x19000] =	vst v63  }
0xa1: {  	s25 =	simm.s32 $0xF80  }
0xa2: {  	[spmem:s2] =	stream.indirect.scatter.add.f32 [tilespmem:s7], [sflag:$0x1], $0x80, s25, s8, $0xb8;
	[tilespmem:$0x19000] =	vst v63  }
0xa3: {  	_ =	swait.ge [sflag:s6], $0x4000  }
0xa4: {  	[sflag:s6] =	ssyncset.done $0x0  }
0xa5: {  	[sflag:s6] =	ssyncadd.s32 $0xFFFFC000  }
0xa6: {  	_ =	swait.ge [sflag:s6], $0x4000  }
0xa7: {  	[sflag:s6] =	ssyncset.done $0x0  }
0xa8: {  	[sflag:s6] =	ssyncadd.s32 $0xFFFFC000  }
0xa9: {  	_ =	swait.ge [sflag:s6], $0x4000  }
0xaa: {  	[sflag:s6] =	ssyncset.done $0x0  }
0xab: {  	[sflag:s6] =	ssyncadd.s32 $0xFFFFC000  }
0xac: {  	_ =	swait.ge [sflag:s6], $0x4000  }
0xad: {  	[sflag:s6] =	ssyncset.done $0x0  }
0xae: {  	[sflag:s6] =	ssyncadd.s32 $0xFFFFC000  }
0xaf: {  	_ =	swait.ge [sflag:s6], $0x4000  }
0xb0: {  	[sflag:s6] =	ssyncset.done $0x0  }
0xb1: {  	[sflag:s6] =	ssyncadd.s32 $0xFFFFC000  }
0xb2: {  	_ =	swait.ge [sflag:s6], $0x4000  }
0xb3: {  	[sflag:s6] =	ssyncset.done $0x0  }
0xb4: {  	[sflag:s6] =	ssyncadd.s32 $0xFFFFC000  }
0xb5: {  	_ =	swait.ge [sflag:s6], $0x4000  }
0xb6: {  	[sflag:s6] =	ssyncset.done $0x0  }
0xb7: {  	[sflag:s6] =	ssyncadd.s32 $0xFFFFC000  }
0xb8: {  	_ =	swait.ge [sflag:s6], $0x4000  }
0xb9: {  	[sflag:s6] =	ssyncset.done $0x0  }
0xba: {  	s25 =	simm.s32 $0x1000;
	[sflag:s6] =	ssyncadd.s32 $0xFFFFC000  }
0xbb: {  	[spmem:s2] =	stream.indirect.scatter.add.f32 [tilespmem:s7], [sflag:$0x1], $0x80, s25, s8, $0xb8;
	[tilespmem:$0x19000] =	vst v63  }
0xbc: {  	s25 =	simm.s32 $0x1080  }
0xbd: {  	[spmem:s2] =	stream.indirect.scatter.add.f32 [tilespmem:s7], [sflag:$0x1], $0x80, s25, s8, $0xb8;
	[tilespmem:$0x19000] =	vst v63  }
0xbe: {  	s25 =	simm.s32 $0x1100  }
0xbf: {  	[spmem:s2] =	stream.indirect.scatter.add.f32 [tilespmem:s7], [sflag:$0x1], $0x80, s25, s8, $0xb8;
	[tilespmem:$0x19000] =	vst v63  }
0xc0: {  	s25 =	simm.s32 $0x1180  }
0xc1: {  	[spmem:s2] =	stream.indirect.scatter.add.f32 [tilespmem:s7], [sflag:$0x1], $0x80, s25, s8, $0xb8;
	[tilespmem:$0x19000] =	vst v63  }
0xc2: {  	s25 =	simm.s32 $0x1200  }
0xc3: {  	[spmem:s2] =	stream.indirect.scatter.add.f32 [tilespmem:s7], [sflag:$0x1], $0x80, s25, s8, $0xb8;
	[tilespmem:$0x19000] =	vst v63  }
0xc4: {  	s25 =	simm.s32 $0x1280  }
0xc5: {  	[spmem:s2] =	stream.indirect.scatter.add.f32 [tilespmem:s7], [sflag:$0x1], $0x80, s25, s8, $0xb8;
	[tilespmem:$0x19000] =	vst v63  }
0xc6: {  	s25 =	simm.s32 $0x1300  }
0xc7: {  	[spmem:s2] =	stream.indirect.scatter.add.f32 [tilespmem:s7], [sflag:$0x1], $0x80, s25, s8, $0xb8;
	[tilespmem:$0x19000] =	vst v63  }
0xc8: {  	s25 =	simm.s32 $0x1380  }
0xc9: {  	[spmem:s2] =	stream.indirect.scatter.add.f32 [tilespmem:s7], [sflag:$0x1], $0x80, s25, s8, $0xb8;
	[tilespmem:$0x19000] =	vst v63  }
0xca: {  	_ =	swait.ge [sflag:s6], $0x4000  }
0xcb: {  	[sflag:s6] =	ssyncset.done $0x0  }
0xcc: {  	[sflag:s6] =	ssyncadd.s32 $0xFFFFC000  }
0xcd: {  	_ =	swait.ge [sflag:s6], $0x4000  }
0xce: {  	[sflag:s6] =	ssyncset.done $0x0  }
0xcf: {  	[sflag:s6] =	ssyncadd.s32 $0xFFFFC000  }
0xd0: {  	_ =	swait.ge [sflag:s6], $0x4000  }
0xd1: {  	[sflag:s6] =	ssyncset.done $0x0  }
0xd2: {  	[sflag:s6] =	ssyncadd.s32 $0xFFFFC000  }
0xd3: {  	_ =	swait.ge [sflag:s6], $0x4000  }
0xd4: {  	[sflag:s6] =	ssyncset.done $0x0  }
0xd5: {  	[sflag:s6] =	ssyncadd.s32 $0xFFFFC000  }
0xd6: {  	_ =	swait.ge [sflag:s6], $0x4000  }
0xd7: {  	[sflag:s6] =	ssyncset.done $0x0  }
0xd8: {  	[sflag:s6] =	ssyncadd.s32 $0xFFFFC000  }
0xd9: {  	_ =	swait.ge [sflag:s6], $0x4000  }
0xda: {  	[sflag:s6] =	ssyncset.done $0x0  }
0xdb: {  	[sflag:s6] =	ssyncadd.s32 $0xFFFFC000  }
0xdc: {  	_ =	swait.ge [sflag:s6], $0x4000  }
0xdd: {  	[sflag:s6] =	ssyncset.done $0x0  }
0xde: {  	[sflag:s6] =	ssyncadd.s32 $0xFFFFC000  }
0xdf: {  	_ =	swait.ge [sflag:s6], $0x4000  }
0xe0: {  	[sflag:s6] =	ssyncset.done $0x0  }
0xe1: {  	s0 =	simm.s32 $0x0;
	s25 =	rddreg [dreg:$0x6];
	[sflag:s6] =	ssyncadd.s32 $0xFFFFC000  }
0xe2: {  	[tilespmem:s0], [sflag:$0x2] =	stream.linear.gather [hbm4b:s25+s0], $0x1400, $0x38;
	[tilespmem:$0x19000] =	vst v63  }
0xe3: {  	_ =	swait.ge [sflag:s4], $0x1400  }
0xe4: {  	[sflag:s4] =	ssyncset.done $0x0  }
0xe5: {  	[sflag:s4] =	ssyncadd.s32 $0xFFFFEC00  }
0xe6: {  	[spmem:s2] =	stream.indirect.scatter.add.f32 [tilespmem:s7], [sflag:$0x1], $0x80, s0, s8, $0xb8;
	[tilespmem:$0x19000] =	vst v63  }
0xe7: {  	_ = 	snop  }
0xe8: {  	[spmem:s2] =	stream.indirect.scatter.add.f32 [tilespmem:s7], [sflag:$0x1], $0x80, s8, s8, $0xb8;
	[tilespmem:$0x19000] =	vst v63  }
0xe9: {  	_ = 	snop  }
0xea: {  	[spmem:s2] =	stream.indirect.scatter.add.f32 [tilespmem:s7], [sflag:$0x1], $0x80, s22, s8, $0xb8;
	[tilespmem:$0x19000] =	vst v63  }
0xeb: {  	_ = 	snop  }
0xec: {  	[spmem:s2] =	stream.indirect.scatter.add.f32 [tilespmem:s7], [sflag:$0x1], $0x80, s28, s8, $0xb8;
	[tilespmem:$0x19000] =	vst v63  }
0xed: {  	_ = 	snop  }
0xee: {  	[spmem:s2] =	stream.indirect.scatter.add.f32 [tilespmem:s7], [sflag:$0x1], $0x80, s26, s8, $0xb8;
	[tilespmem:$0x19000] =	vst v63  }
0xef: {  	_ = 	snop  }
0xf0: {  	[spmem:s2] =	stream.indirect.scatter.add.f32 [tilespmem:s7], [sflag:$0x1], $0x80, s15, s8, $0xb8;
	[tilespmem:$0x19000] =	vst v63  }
0xf1: {  	_ = 	snop  }
0xf2: {  	[spmem:s2] =	stream.indirect.scatter.add.f32 [tilespmem:s7], [sflag:$0x1], $0x80, s29, s8, $0xb8;
	[tilespmem:$0x19000] =	vst v63  }
0xf3: {  	_ = 	snop  }
0xf4: {  	[spmem:s2] =	stream.indirect.scatter.add.f32 [tilespmem:s7], [sflag:$0x1], $0x80, s12, s8, $0xb8;
	[tilespmem:$0x19000] =	vst v63  }
0xf5: {  	_ =	swait.ge [sflag:s6], $0x4000  }
0xf6: {  	[sflag:s6] =	ssyncset.done $0x0  }
0xf7: {  	[sflag:s6] =	ssyncadd.s32 $0xFFFFC000  }
0xf8: {  	_ =	swait.ge [sflag:s6], $0x4000  }
0xf9: {  	[sflag:s6] =	ssyncset.done $0x0  }
0xfa: {  	[sflag:s6] =	ssyncadd.s32 $0xFFFFC000  }
0xfb: {  	_ =	swait.ge [sflag:s6], $0x4000  }
0xfc: {  	[sflag:s6] =	ssyncset.done $0x0  }
0xfd: {  	[sflag:s6] =	ssyncadd.s32 $0xFFFFC000  }
0xfe: {  	_ =	swait.ge [sflag:s6], $0x4000  }
0xff: {  	[sflag:s6] =	ssyncset.done $0x0  }
0x100: {  	[sflag:s6] =	ssyncadd.s32 $0xFFFFC000  }
0x101: {  	_ =	swait.ge [sflag:s6], $0x4000  }
0x102: {  	[sflag:s6] =	ssyncset.done $0x0  }
0x103: {  	[sflag:s6] =	ssyncadd.s32 $0xFFFFC000  }
0x104: {  	_ =	swait.ge [sflag:s6], $0x4000  }
0x105: {  	[sflag:s6] =	ssyncset.done $0x0  }
0x106: {  	[sflag:s6] =	ssyncadd.s32 $0xFFFFC000  }
0x107: {  	_ =	swait.ge [sflag:s6], $0x4000  }
0x108: {  	[sflag:s6] =	ssyncset.done $0x0  }
0x109: {  	[sflag:s6] =	ssyncadd.s32 $0xFFFFC000  }
0x10a: {  	_ =	swait.ge [sflag:s6], $0x4000  }
0x10b: {  	[sflag:s6] =	ssyncset.done $0x0  }
0x10c: {  	[sflag:s6] =	ssyncadd.s32 $0xFFFFC000  }
0x10d: {  	[spmem:s2] =	stream.indirect.scatter.add.f32 [tilespmem:s7], [sflag:$0x1], $0x80, s14, s8, $0xb8;
	[tilespmem:$0x19000] =	vst v63  }
0x10e: {  	_ = 	snop  }
0x10f: {  	[spmem:s2] =	stream.indirect.scatter.add.f32 [tilespmem:s7], [sflag:$0x1], $0x80, s20, s8, $0xb8;
	[tilespmem:$0x19000] =	vst v63  }
0x110: {  	_ = 	snop  }
0x111: {  	[spmem:s2] =	stream.indirect.scatter.add.f32 [tilespmem:s7], [sflag:$0x1], $0x80, s21, s8, $0xb8;
	[tilespmem:$0x19000] =	vst v63  }
0x112: {  	_ = 	snop  }
0x113: {  	[spmem:s2] =	stream.indirect.scatter.add.f32 [tilespmem:s7], [sflag:$0x1], $0x80, s23, s8, $0xb8;
	[tilespmem:$0x19000] =	vst v63  }
0x114: {  	_ = 	snop  }
0x115: {  	[spmem:s2] =	stream.indirect.scatter.add.f32 [tilespmem:s7], [sflag:$0x1], $0x80, s19, s8, $0xb8;
	[tilespmem:$0x19000] =	vst v63  }
0x116: {  	_ = 	snop  }
0x117: {  	[spmem:s2] =	stream.indirect.scatter.add.f32 [tilespmem:s7], [sflag:$0x1], $0x80, s13, s8, $0xb8;
	[tilespmem:$0x19000] =	vst v63  }
0x118: {  	_ = 	snop  }
0x119: {  	[spmem:s2] =	stream.indirect.scatter.add.f32 [tilespmem:s7], [sflag:$0x1], $0x80, s11, s8, $0xb8;
	[tilespmem:$0x19000] =	vst v63  }
0x11a: {  	_ = 	snop  }
0x11b: {  	[spmem:s2] =	stream.indirect.scatter.add.f32 [tilespmem:s7], [sflag:$0x1], $0x80, s17, s8, $0xb8;
	[tilespmem:$0x19000] =	vst v63  }
0x11c: {  	_ =	swait.ge [sflag:s6], $0x4000  }
0x11d: {  	[sflag:s6] =	ssyncset.done $0x0  }
0x11e: {  	[sflag:s6] =	ssyncadd.s32 $0xFFFFC000  }
0x11f: {  	_ =	swait.ge [sflag:s6], $0x4000  }
0x120: {  	[sflag:s6] =	ssyncset.done $0x0  }
0x121: {  	[sflag:s6] =	ssyncadd.s32 $0xFFFFC000  }
0x122: {  	_ =	swait.ge [sflag:s6], $0x4000  }
0x123: {  	[sflag:s6] =	ssyncset.done $0x0  }
0x124: {  	[sflag:s6] =	ssyncadd.s32 $0xFFFFC000  }
0x125: {  	_ =	swait.ge [sflag:s6], $0x4000  }
0x126: {  	[sflag:s6] =	ssyncset.done $0x0  }
0x127: {  	[sflag:s6] =	ssyncadd.s32 $0xFFFFC000  }
0x128: {  	_ =	swait.ge [sflag:s6], $0x4000  }
0x129: {  	[sflag:s6] =	ssyncset.done $0x0  }
0x12a: {  	[sflag:s6] =	ssyncadd.s32 $0xFFFFC000  }
0x12b: {  	_ =	swait.ge [sflag:s6], $0x4000  }
0x12c: {  	[sflag:s6] =	ssyncset.done $0x0  }
0x12d: {  	[sflag:s6] =	ssyncadd.s32 $0xFFFFC000  }
0x12e: {  	_ =	swait.ge [sflag:s6], $0x4000  }
0x12f: {  	[sflag:s6] =	ssyncset.done $0x0  }
0x130: {  	[sflag:s6] =	ssyncadd.s32 $0xFFFFC000  }
0x131: {  	_ =	swait.ge [sflag:s6], $0x4000  }
0x132: {  	[sflag:s6] =	ssyncset.done $0x0  }
0x133: {  	s15 =	simm.s32 $0x800;
	[sflag:s6] =	ssyncadd.s32 $0xFFFFC000  }
0x134: {  	[spmem:s2] =	stream.indirect.scatter.add.f32 [tilespmem:s7], [sflag:$0x1], $0x80, s15, s8, $0xb8;
	[tilespmem:$0x19000] =	vst v63  }
0x135: {  	_ = 	snop  }
0x136: {  	[spmem:s2] =	stream.indirect.scatter.add.f32 [tilespmem:s7], [sflag:$0x1], $0x80, s16, s8, $0xb8;
	[tilespmem:$0x19000] =	vst v63  }
0x137: {  	_ = 	snop  }
0x138: {  	[spmem:s2] =	stream.indirect.scatter.add.f32 [tilespmem:s7], [sflag:$0x1], $0x80, s10, s8, $0xb8;
	[tilespmem:$0x19000] =	vst v63  }
0x139: {  	_ = 	snop  }
0x13a: {  	[spmem:s2] =	stream.indirect.scatter.add.f32 [tilespmem:s7], [sflag:$0x1], $0x80, s18, s8, $0xb8;
	[tilespmem:$0x19000] =	vst v63  }
0x13b: {  	_ = 	snop  }
0x13c: {  	[spmem:s2] =	stream.indirect.scatter.add.f32 [tilespmem:s7], [sflag:$0x1], $0x80, s5, s8, $0xb8;
	[tilespmem:$0x19000] =	vst v63  }
0x13d: {  	_ = 	snop  }
0x13e: {  	[spmem:s2] =	stream.indirect.scatter.add.f32 [tilespmem:s7], [sflag:$0x1], $0x80, s9, s8, $0xb8;
	[tilespmem:$0x19000] =	vst v63  }
0x13f: {  	_ = 	snop  }
0x140: {  	[spmem:s2] =	stream.indirect.scatter.add.f32 [tilespmem:s7], [sflag:$0x1], $0x80, s24, s8, $0xb8;
	[tilespmem:$0x19000] =	vst v63  }
0x141: {  	s16 =	simm.s32 $0xB80  }
0x142: {  	[spmem:s2] =	stream.indirect.scatter.add.f32 [tilespmem:s7], [sflag:$0x1], $0x80, s16, s8, $0xb8;
	[tilespmem:$0x19000] =	vst v63  }
0x143: {  	s5 =	rddreg [dreg:$0x9];
	_ =	swait.ge [sflag:s6], $0x4000  }
0x144: {  	[sflag:s6] =	ssyncset.done $0x0  }
0x145: {  	[sflag:s6] =	ssyncadd.s32 $0xFFFFC000  }
0x146: {  	_ =	swait.ge [sflag:s6], $0x4000  }
0x147: {  	[sflag:s6] =	ssyncset.done $0x0  }
0x148: {  	[sflag:s6] =	ssyncadd.s32 $0xFFFFC000  }
0x149: {  	_ =	swait.ge [sflag:s6], $0x4000  }
0x14a: {  	[sflag:s6] =	ssyncset.done $0x0  }
0x14b: {  	[sflag:s6] =	ssyncadd.s32 $0xFFFFC000  }
0x14c: {  	_ =	swait.ge [sflag:s6], $0x4000  }
0x14d: {  	[sflag:s6] =	ssyncset.done $0x0  }
0x14e: {  	[sflag:s6] =	ssyncadd.s32 $0xFFFFC000  }
0x14f: {  	_ =	swait.ge [sflag:s6], $0x4000  }
0x150: {  	[sflag:s6] =	ssyncset.done $0x0  }
0x151: {  	[sflag:s6] =	ssyncadd.s32 $0xFFFFC000  }
0x152: {  	_ =	swait.ge [sflag:s6], $0x4000  }
0x153: {  	[sflag:s6] =	ssyncset.done $0x0  }
0x154: {  	[sflag:s6] =	ssyncadd.s32 $0xFFFFC000  }
0x155: {  	_ =	swait.ge [sflag:s6], $0x4000  }
0x156: {  	[sflag:s6] =	ssyncset.done $0x0  }
0x157: {  	[sflag:s6] =	ssyncadd.s32 $0xFFFFC000  }
0x158: {  	_ =	swait.ge [sflag:s6], $0x4000  }
0x159: {  	[sflag:s6] =	ssyncset.done $0x0  }
0x15a: {  	[sflag:s6] =	ssyncadd.s32 $0xFFFFC000  }
0x15b: {  	[spmem:s2] =	stream.indirect.scatter.add.f32 [tilespmem:s7], [sflag:$0x1], $0x80, s30, s8, $0xb8;
	[tilespmem:$0x19000] =	vst v63  }
0x15c: {  	_ = 	snop  }
0x15d: {  	[spmem:s2] =	stream.indirect.scatter.add.f32 [tilespmem:s7], [sflag:$0x1], $0x80, s31, s8, $0xb8;
	[tilespmem:$0x19000] =	vst v63  }
0x15e: {  	_ = 	snop  }
0x15f: {  	[spmem:s2] =	stream.indirect.scatter.add.f32 [tilespmem:s7], [sflag:$0x1], $0x80, s3, s8, $0xb8;
	[tilespmem:$0x19000] =	vst v63  }
0x160: {  	s17 =	simm.s32 $0xD80  }
0x161: {  	[spmem:s2] =	stream.indirect.scatter.add.f32 [tilespmem:s7], [sflag:$0x1], $0x80, s17, s8, $0xb8;
	[tilespmem:$0x19000] =	vst v63  }
0x162: {  	s18 =	simm.s32 $0xE00  }
0x163: {  	[spmem:s2] =	stream.indirect.scatter.add.f32 [tilespmem:s7], [sflag:$0x1], $0x80, s18, s8, $0xb8;
	[tilespmem:$0x19000] =	vst v63  }
0x164: {  	s19 =	simm.s32 $0xE80  }
0x165: {  	[spmem:s2] =	stream.indirect.scatter.add.f32 [tilespmem:s7], [sflag:$0x1], $0x80, s19, s8, $0xb8;
	[tilespmem:$0x19000] =	vst v63  }
0x166: {  	s20 =	simm.s32 $0xF00  }
0x167: {  	[spmem:s2] =	stream.indirect.scatter.add.f32 [tilespmem:s7], [sflag:$0x1], $0x80, s20, s8, $0xb8;
	[tilespmem:$0x19000] =	vst v63  }
0x168: {  	s21 =	simm.s32 $0xF80  }
0x169: {  	[spmem:s2] =	stream.indirect.scatter.add.f32 [tilespmem:s7], [sflag:$0x1], $0x80, s21, s8, $0xb8;
	[tilespmem:$0x19000] =	vst v63  }
0x16a: {  	s3 =	rddreg [dreg:$0x8];
	_ =	swait.ge [sflag:s6], $0x4000  }
0x16b: {  	[sflag:s6] =	ssyncset.done $0x0  }
0x16c: {  	[sflag:s6] =	ssyncadd.s32 $0xFFFFC000  }
0x16d: {  	_ =	swait.ge [sflag:s6], $0x4000  }
0x16e: {  	[sflag:s6] =	ssyncset.done $0x0  }
0x16f: {  	[sflag:s6] =	ssyncadd.s32 $0xFFFFC000  }
0x170: {  	_ =	swait.ge [sflag:s6], $0x4000  }
0x171: {  	[sflag:s6] =	ssyncset.done $0x0  }
0x172: {  	[sflag:s6] =	ssyncadd.s32 $0xFFFFC000  }
0x173: {  	_ =	swait.ge [sflag:s6], $0x4000  }
0x174: {  	[sflag:s6] =	ssyncset.done $0x0  }
0x175: {  	[sflag:s6] =	ssyncadd.s32 $0xFFFFC000  }
0x176: {  	_ =	swait.ge [sflag:s6], $0x4000  }
0x177: {  	[sflag:s6] =	ssyncset.done $0x0  }
0x178: {  	[sflag:s6] =	ssyncadd.s32 $0xFFFFC000  }
0x179: {  	_ =	swait.ge [sflag:s6], $0x4000  }
0x17a: {  	[sflag:s6] =	ssyncset.done $0x0  }
0x17b: {  	[sflag:s6] =	ssyncadd.s32 $0xFFFFC000  }
0x17c: {  	_ =	swait.ge [sflag:s6], $0x4000  }
0x17d: {  	[sflag:s6] =	ssyncset.done $0x0  }
0x17e: {  	[sflag:s6] =	ssyncadd.s32 $0xFFFFC000  }
0x17f: {  	_ =	swait.ge [sflag:s6], $0x4000  }
0x180: {  	[sflag:s6] =	ssyncset.done $0x0  }
0x181: {  	s22 =	simm.s32 $0x1000;
	[sflag:s6] =	ssyncadd.s32 $0xFFFFC000  }
0x182: {  	[spmem:s2] =	stream.indirect.scatter.add.f32 [tilespmem:s7], [sflag:$0x1], $0x80, s22, s8, $0xb8;
	[tilespmem:$0x19000] =	vst v63  }
0x183: {  	s23 =	simm.s32 $0x1080  }
0x184: {  	[spmem:s2] =	stream.indirect.scatter.add.f32 [tilespmem:s7], [sflag:$0x1], $0x80, s23, s8, $0xb8;
	[tilespmem:$0x19000] =	vst v63  }
0x185: {  	s24 =	simm.s32 $0x1100  }
0x186: {  	[spmem:s2] =	stream.indirect.scatter.add.f32 [tilespmem:s7], [sflag:$0x1], $0x80, s24, s8, $0xb8;
	[tilespmem:$0x19000] =	vst v63  }
0x187: {  	s25 =	simm.s32 $0x1180  }
0x188: {  	[spmem:s2] =	stream.indirect.scatter.add.f32 [tilespmem:s7], [sflag:$0x1], $0x80, s25, s8, $0xb8;
	[tilespmem:$0x19000] =	vst v63  }
0x189: {  	s26 =	simm.s32 $0x1200  }
0x18a: {  	[spmem:s2] =	stream.indirect.scatter.add.f32 [tilespmem:s7], [sflag:$0x1], $0x80, s26, s8, $0xb8;
	[tilespmem:$0x19000] =	vst v63  }
0x18b: {  	s28 =	simm.s32 $0x1280  }
0x18c: {  	[spmem:s2] =	stream.indirect.scatter.add.f32 [tilespmem:s7], [sflag:$0x1], $0x80, s28, s8, $0xb8;
	[tilespmem:$0x19000] =	vst v63  }
0x18d: {  	s29 =	simm.s32 $0x1300  }
0x18e: {  	[spmem:s2] =	stream.indirect.scatter.add.f32 [tilespmem:s7], [sflag:$0x1], $0x80, s29, s8, $0xb8;
	[tilespmem:$0x19000] =	vst v63  }
0x18f: {  	s30 =	simm.s32 $0x1380  }
0x190: {  	[spmem:s2] =	stream.indirect.scatter.add.f32 [tilespmem:s7], [sflag:$0x1], $0x80, s30, s8, $0xb8;
	[tilespmem:$0x19000] =	vst v63  }
0x191: {  	_ =	swait.ge [sflag:s6], $0x4000  }
0x192: {  	[sflag:s6] =	ssyncset.done $0x0  }
0x193: {  	[sflag:s6] =	ssyncadd.s32 $0xFFFFC000  }
0x194: {  	_ =	swait.ge [sflag:s6], $0x4000  }
0x195: {  	[sflag:s6] =	ssyncset.done $0x0  }
0x196: {  	[sflag:s6] =	ssyncadd.s32 $0xFFFFC000  }
0x197: {  	_ =	swait.ge [sflag:s6], $0x4000  }
0x198: {  	[sflag:s6] =	ssyncset.done $0x0  }
0x199: {  	[sflag:s6] =	ssyncadd.s32 $0xFFFFC000  }
0x19a: {  	_ =	swait.ge [sflag:s6], $0x4000  }
0x19b: {  	[sflag:s6] =	ssyncset.done $0x0  }
0x19c: {  	[sflag:s6] =	ssyncadd.s32 $0xFFFFC000  }
0x19d: {  	_ =	swait.ge [sflag:s6], $0x4000  }
0x19e: {  	[sflag:s6] =	ssyncset.done $0x0  }
0x19f: {  	[sflag:s6] =	ssyncadd.s32 $0xFFFFC000  }
0x1a0: {  	_ =	swait.ge [sflag:s6], $0x4000  }
0x1a1: {  	[sflag:s6] =	ssyncset.done $0x0  }
0x1a2: {  	[sflag:s6] =	ssyncadd.s32 $0xFFFFC000  }
0x1a3: {  	_ =	swait.ge [sflag:s6], $0x4000  }
0x1a4: {  	[sflag:s6] =	ssyncset.done $0x0  }
0x1a5: {  	[sflag:s6] =	ssyncadd.s32 $0xFFFFC000  }
0x1a6: {  	_ =	swait.ge [sflag:s6], $0x4000  }
0x1a7: {  	[sflag:s6] =	ssyncset.done $0x0  }
0x1a8: {  	p1 =	sne.s32 s1, $0x1;
	[sflag:s6] =	ssyncadd.s32 $0xFFFFC000  }
.Ltmp1:
0x1a9: {  	[bflag:$0x0] =	sbarrier.arrive $0xFFFF;
	(pc) =	sbr.rel @!p1 .LBB2_6-.Ltmp1, $4  }
0x1aa: {  	s31 =	rddreg [dreg:$0x7]  }
0x1ab: {  	[hbm:s31], [sflag:s3] =	dma.local [spmem:s5], $0x2780  }
0x1ac: {  	p0 =	por $0x1, $0x1;
	_ =	swait.ge [sflag:s4], $0x2780  }
0x1ad: {  	s24 =	sadd.s32 $0xFFFFFFFF, s1;
	s25 =	rddreg [dreg:$0x4];
	[sflag:s4] =	ssyncset.done $0x0  }
0x1ae: {  	s22 =	simm.s32 $0x100;
	s28 =	simm.s32 $0x180;
	s26 =	simm.s32 $0x200  }
0x1af: {  	s15 =	simm.s32 $0x280;
	s29 =	simm.s32 $0x300;
	s12 =	simm.s32 $0x380  }
0x1b0: {  	s14 =	simm.s32 $0x400;
	s20 =	simm.s32 $0x480;
	s21 =	simm.s32 $0x500  }
0x1b1: {  	s23 =	simm.s32 $0x580;
	s19 =	simm.s32 $0x600;
	s13 =	simm.s32 $0x680  }
0x1b2: {  	s11 =	simm.s32 $0x700;
	s17 =	simm.s32 $0x780;
	s1 =	simm.s32 $0x800  }
0x1b3: {  	s16 =	simm.s32 $0x880;
	s10 =	simm.s32 $0x900;
	s18 =	simm.s32 $0x980  }
0x1b4: {  	s9 =	simm.s32 $0xA80;
	s30 =	simm.s32 $0xC00;
	s31 =	simm.s32 $0xC80  }
.LBB2_3:
0x1b5: {  	[sflag:s4] =	ssyncadd.s32 $0xFFFFD880  }
0x1b6: {  	[spmem:s5], [sflag:s3] =	dma.local [hbm:s25], $0x2780  }
0x1b7: {  	_ =	swait.ge [sflag:s4], $0x2780  }
0x1b8: {  	[sflag:s4] =	ssyncset.done $0x0  }
0x1b9: {  	s0 =	simm.s32 $0x0;
	s3 =	rddreg [dreg:$0x3];
	[sflag:s4] =	ssyncadd.s32 $0xFFFFD880  }
0x1ba: {  	[tilespmem:s7], [sflag:$0x2] =	stream.linear.gather [hbm4b:s3+s0], $0x4000, $0x38;
	[tilespmem:$0x19000] =	vst v63  }
0x1bb: {  	_ =	swait.ge [sflag:s4], $0x4000  }
0x1bc: {  	[sflag:s4] =	ssyncset.done $0x0  }
0x1bd: {  	[sflag:s4] =	ssyncadd.s32 $0xFFFFC000  }
0x1be: {  	[bflag:$0x0] =	sbarrier.arrive $0xFFFF  }
0x1bf: {  	s5 =	rddreg [dreg:$0x5]  }
0x1c0: {  	[tilespmem:s0], [sflag:$0x2] =	stream.linear.gather [hbm4b:s5+s0], $0x1400, $0x38;
	[tilespmem:$0x19000] =	vst v63  }
0x1c1: {  	_ =	swait.ge [sflag:s4], $0x1400  }
0x1c2: {  	[sflag:s4] =	ssyncset.done $0x0  }
0x1c3: {  	[sflag:s4] =	ssyncadd.s32 $0xFFFFEC00  }
0x1c4: {  	[spmem:s2] =	stream.indirect.scatter.add.f32 [tilespmem:s7], [sflag:$0x1], $0x80, s0, s8, $0xb8;
	[tilespmem:$0x19000] =	vst v63  }
0x1c5: {  	_ = 	snop  }
0x1c6: {  	[spmem:s2] =	stream.indirect.scatter.add.f32 [tilespmem:s7], [sflag:$0x1], $0x80, s8, s8, $0xb8;
	[tilespmem:$0x19000] =	vst v63  }
0x1c7: {  	_ = 	snop  }
0x1c8: {  	[spmem:s2] =	stream.indirect.scatter.add.f32 [tilespmem:s7], [sflag:$0x1], $0x80, s22, s8, $0xb8;
	[tilespmem:$0x19000] =	vst v63  }
0x1c9: {  	_ = 	snop  }
0x1ca: {  	[spmem:s2] =	stream.indirect.scatter.add.f32 [tilespmem:s7], [sflag:$0x1], $0x80, s28, s8, $0xb8;
	[tilespmem:$0x19000] =	vst v63  }
0x1cb: {  	_ = 	snop  }
0x1cc: {  	[spmem:s2] =	stream.indirect.scatter.add.f32 [tilespmem:s7], [sflag:$0x1], $0x80, s26, s8, $0xb8;
	[tilespmem:$0x19000] =	vst v63  }
0x1cd: {  	_ = 	snop  }
0x1ce: {  	[spmem:s2] =	stream.indirect.scatter.add.f32 [tilespmem:s7], [sflag:$0x1], $0x80, s15, s8, $0xb8;
	[tilespmem:$0x19000] =	vst v63  }
0x1cf: {  	_ = 	snop  }
0x1d0: {  	[spmem:s2] =	stream.indirect.scatter.add.f32 [tilespmem:s7], [sflag:$0x1], $0x80, s29, s8, $0xb8;
	[tilespmem:$0x19000] =	vst v63  }
0x1d1: {  	_ = 	snop  }
0x1d2: {  	[spmem:s2] =	stream.indirect.scatter.add.f32 [tilespmem:s7], [sflag:$0x1], $0x80, s12, s8, $0xb8;
	[tilespmem:$0x19000] =	vst v63  }
0x1d3: {  	_ =	swait.ge [sflag:s6], $0x4000  }
0x1d4: {  	[sflag:s6] =	ssyncset.done $0x0  }
0x1d5: {  	[sflag:s6] =	ssyncadd.s32 $0xFFFFC000  }
0x1d6: {  	_ =	swait.ge [sflag:s6], $0x4000  }
0x1d7: {  	[sflag:s6] =	ssyncset.done $0x0  }
0x1d8: {  	[sflag:s6] =	ssyncadd.s32 $0xFFFFC000  }
0x1d9: {  	_ =	swait.ge [sflag:s6], $0x4000  }
0x1da: {  	[sflag:s6] =	ssyncset.done $0x0  }
0x1db: {  	[sflag:s6] =	ssyncadd.s32 $0xFFFFC000  }
0x1dc: {  	_ =	swait.ge [sflag:s6], $0x4000  }
0x1dd: {  	[sflag:s6] =	ssyncset.done $0x0  }
0x1de: {  	[sflag:s6] =	ssyncadd.s32 $0xFFFFC000  }
0x1df: {  	_ =	swait.ge [sflag:s6], $0x4000  }
0x1e0: {  	[sflag:s6] =	ssyncset.done $0x0  }
0x1e1: {  	[sflag:s6] =	ssyncadd.s32 $0xFFFFC000  }
0x1e2: {  	_ =	swait.ge [sflag:s6], $0x4000  }
0x1e3: {  	[sflag:s6] =	ssyncset.done $0x0  }
0x1e4: {  	[sflag:s6] =	ssyncadd.s32 $0xFFFFC000  }
0x1e5: {  	_ =	swait.ge [sflag:s6], $0x4000  }
0x1e6: {  	[sflag:s6] =	ssyncset.done $0x0  }
0x1e7: {  	[sflag:s6] =	ssyncadd.s32 $0xFFFFC000  }
0x1e8: {  	_ =	swait.ge [sflag:s6], $0x4000  }
0x1e9: {  	[sflag:s6] =	ssyncset.done $0x0  }
0x1ea: {  	[sflag:s6] =	ssyncadd.s32 $0xFFFFC000  }
0x1eb: {  	[spmem:s2] =	stream.indirect.scatter.add.f32 [tilespmem:s7], [sflag:$0x1], $0x80, s14, s8, $0xb8;
	[tilespmem:$0x19000] =	vst v63  }
0x1ec: {  	_ = 	snop  }
0x1ed: {  	[spmem:s2] =	stream.indirect.scatter.add.f32 [tilespmem:s7], [sflag:$0x1], $0x80, s20, s8, $0xb8;
	[tilespmem:$0x19000] =	vst v63  }
0x1ee: {  	_ = 	snop  }
0x1ef: {  	[spmem:s2] =	stream.indirect.scatter.add.f32 [tilespmem:s7], [sflag:$0x1], $0x80, s21, s8, $0xb8;
	[tilespmem:$0x19000] =	vst v63  }
0x1f0: {  	_ = 	snop  }
0x1f1: {  	[spmem:s2] =	stream.indirect.scatter.add.f32 [tilespmem:s7], [sflag:$0x1], $0x80, s23, s8, $0xb8;
	[tilespmem:$0x19000] =	vst v63  }
0x1f2: {  	_ = 	snop  }
0x1f3: {  	[spmem:s2] =	stream.indirect.scatter.add.f32 [tilespmem:s7], [sflag:$0x1], $0x80, s19, s8, $0xb8;
	[tilespmem:$0x19000] =	vst v63  }
0x1f4: {  	_ = 	snop  }
0x1f5: {  	[spmem:s2] =	stream.indirect.scatter.add.f32 [tilespmem:s7], [sflag:$0x1], $0x80, s13, s8, $0xb8;
	[tilespmem:$0x19000] =	vst v63  }
0x1f6: {  	_ = 	snop  }
0x1f7: {  	[spmem:s2] =	stream.indirect.scatter.add.f32 [tilespmem:s7], [sflag:$0x1], $0x80, s11, s8, $0xb8;
	[tilespmem:$0x19000] =	vst v63  }
0x1f8: {  	_ = 	snop  }
0x1f9: {  	[spmem:s2] =	stream.indirect.scatter.add.f32 [tilespmem:s7], [sflag:$0x1], $0x80, s17, s8, $0xb8;
	[tilespmem:$0x19000] =	vst v63  }
0x1fa: {  	_ =	swait.ge [sflag:s6], $0x4000  }
0x1fb: {  	[sflag:s6] =	ssyncset.done $0x0  }
0x1fc: {  	[sflag:s6] =	ssyncadd.s32 $0xFFFFC000  }
0x1fd: {  	_ =	swait.ge [sflag:s6], $0x4000  }
0x1fe: {  	[sflag:s6] =	ssyncset.done $0x0  }
0x1ff: {  	[sflag:s6] =	ssyncadd.s32 $0xFFFFC000  }
0x200: {  	_ =	swait.ge [sflag:s6], $0x4000  }
0x201: {  	[sflag:s6] =	ssyncset.done $0x0  }
0x202: {  	[sflag:s6] =	ssyncadd.s32 $0xFFFFC000  }
0x203: {  	_ =	swait.ge [sflag:s6], $0x4000  }
0x204: {  	[sflag:s6] =	ssyncset.done $0x0  }
0x205: {  	[sflag:s6] =	ssyncadd.s32 $0xFFFFC000  }
0x206: {  	_ =	swait.ge [sflag:s6], $0x4000  }
0x207: {  	[sflag:s6] =	ssyncset.done $0x0  }
0x208: {  	[sflag:s6] =	ssyncadd.s32 $0xFFFFC000  }
0x209: {  	_ =	swait.ge [sflag:s6], $0x4000  }
0x20a: {  	[sflag:s6] =	ssyncset.done $0x0  }
0x20b: {  	[sflag:s6] =	ssyncadd.s32 $0xFFFFC000  }
0x20c: {  	_ =	swait.ge [sflag:s6], $0x4000  }
0x20d: {  	[sflag:s6] =	ssyncset.done $0x0  }
0x20e: {  	[sflag:s6] =	ssyncadd.s32 $0xFFFFC000  }
0x20f: {  	_ =	swait.ge [sflag:s6], $0x4000  }
0x210: {  	[sflag:s6] =	ssyncset.done $0x0  }
0x211: {  	[sflag:s6] =	ssyncadd.s32 $0xFFFFC000  }
0x212: {  	[spmem:s2] =	stream.indirect.scatter.add.f32 [tilespmem:s7], [sflag:$0x1], $0x80, s1, s8, $0xb8;
	[tilespmem:$0x19000] =	vst v63  }
0x213: {  	_ = 	snop  }
0x214: {  	[spmem:s2] =	stream.indirect.scatter.add.f32 [tilespmem:s7], [sflag:$0x1], $0x80, s16, s8, $0xb8;
	[tilespmem:$0x19000] =	vst v63  }
0x215: {  	_ = 	snop  }
0x216: {  	[spmem:s2] =	stream.indirect.scatter.add.f32 [tilespmem:s7], [sflag:$0x1], $0x80, s10, s8, $0xb8;
	[tilespmem:$0x19000] =	vst v63  }
0x217: {  	_ = 	snop  }
0x218: {  	[spmem:s2] =	stream.indirect.scatter.add.f32 [tilespmem:s7], [sflag:$0x1], $0x80, s18, s8, $0xb8;
	[tilespmem:$0x19000] =	vst v63  }
0x219: {  	s5 =	simm.s32 $0xA00  }
0x21a: {  	[spmem:s2] =	stream.indirect.scatter.add.f32 [tilespmem:s7], [sflag:$0x1], $0x80, s5, s8, $0xb8;
	[tilespmem:$0x19000] =	vst v63  }
0x21b: {  	_ = 	snop  }
0x21c: {  	[spmem:s2] =	stream.indirect.scatter.add.f32 [tilespmem:s7], [sflag:$0x1], $0x80, s9, s8, $0xb8;
	[tilespmem:$0x19000] =	vst v63  }
0x21d: {  	s25 =	simm.s32 $0xB00  }
0x21e: {  	[spmem:s2] =	stream.indirect.scatter.add.f32 [tilespmem:s7], [sflag:$0x1], $0x80, s25, s8, $0xb8;
	[tilespmem:$0x19000] =	vst v63  }
0x21f: {  	s25 =	simm.s32 $0xB80  }
0x220: {  	[spmem:s2] =	stream.indirect.scatter.add.f32 [tilespmem:s7], [sflag:$0x1], $0x80, s25, s8, $0xb8;
	[tilespmem:$0x19000] =	vst v63  }
0x221: {  	_ =	swait.ge [sflag:s6], $0x4000  }
0x222: {  	[sflag:s6] =	ssyncset.done $0x0  }
0x223: {  	[sflag:s6] =	ssyncadd.s32 $0xFFFFC000  }
0x224: {  	_ =	swait.ge [sflag:s6], $0x4000  }
0x225: {  	[sflag:s6] =	ssyncset.done $0x0  }
0x226: {  	[sflag:s6] =	ssyncadd.s32 $0xFFFFC000  }
0x227: {  	_ =	swait.ge [sflag:s6], $0x4000  }
0x228: {  	[sflag:s6] =	ssyncset.done $0x0  }
0x229: {  	[sflag:s6] =	ssyncadd.s32 $0xFFFFC000  }
0x22a: {  	_ =	swait.ge [sflag:s6], $0x4000  }
0x22b: {  	[sflag:s6] =	ssyncset.done $0x0  }
0x22c: {  	[sflag:s6] =	ssyncadd.s32 $0xFFFFC000  }
0x22d: {  	_ =	swait.ge [sflag:s6], $0x4000  }
0x22e: {  	[sflag:s6] =	ssyncset.done $0x0  }
0x22f: {  	[sflag:s6] =	ssyncadd.s32 $0xFFFFC000  }
0x230: {  	_ =	swait.ge [sflag:s6], $0x4000  }
0x231: {  	[sflag:s6] =	ssyncset.done $0x0  }
0x232: {  	[sflag:s6] =	ssyncadd.s32 $0xFFFFC000  }
0x233: {  	_ =	swait.ge [sflag:s6], $0x4000  }
0x234: {  	[sflag:s6] =	ssyncset.done $0x0  }
0x235: {  	[sflag:s6] =	ssyncadd.s32 $0xFFFFC000  }
0x236: {  	_ =	swait.ge [sflag:s6], $0x4000  }
0x237: {  	[sflag:s6] =	ssyncset.done $0x0  }
0x238: {  	[sflag:s6] =	ssyncadd.s32 $0xFFFFC000  }
0x239: {  	[spmem:s2] =	stream.indirect.scatter.add.f32 [tilespmem:s7], [sflag:$0x1], $0x80, s30, s8, $0xb8;
	[tilespmem:$0x19000] =	vst v63  }
0x23a: {  	_ = 	snop  }
0x23b: {  	[spmem:s2] =	stream.indirect.scatter.add.f32 [tilespmem:s7], [sflag:$0x1], $0x80, s31, s8, $0xb8;
	[tilespmem:$0x19000] =	vst v63  }
0x23c: {  	s3 =	simm.s32 $0xD00  }
0x23d: {  	[spmem:s2] =	stream.indirect.scatter.add.f32 [tilespmem:s7], [sflag:$0x1], $0x80, s3, s8, $0xb8;
	[tilespmem:$0x19000] =	vst v63  }
0x23e: {  	s25 =	simm.s32 $0xD80  }
0x23f: {  	[spmem:s2] =	stream.indirect.scatter.add.f32 [tilespmem:s7], [sflag:$0x1], $0x80, s25, s8, $0xb8;
	[tilespmem:$0x19000] =	vst v63  }
0x240: {  	s25 =	simm.s32 $0xE00  }
0x241: {  	[spmem:s2] =	stream.indirect.scatter.add.f32 [tilespmem:s7], [sflag:$0x1], $0x80, s25, s8, $0xb8;
	[tilespmem:$0x19000] =	vst v63  }
0x242: {  	s25 =	simm.s32 $0xE80  }
0x243: {  	[spmem:s2] =	stream.indirect.scatter.add.f32 [tilespmem:s7], [sflag:$0x1], $0x80, s25, s8, $0xb8;
	[tilespmem:$0x19000] =	vst v63  }
0x244: {  	s25 =	simm.s32 $0xF00  }
0x245: {  	[spmem:s2] =	stream.indirect.scatter.add.f32 [tilespmem:s7], [sflag:$0x1], $0x80, s25, s8, $0xb8;
	[tilespmem:$0x19000] =	vst v63  }
0x246: {  	s25 =	simm.s32 $0xF80  }
0x247: {  	[spmem:s2] =	stream.indirect.scatter.add.f32 [tilespmem:s7], [sflag:$0x1], $0x80, s25, s8, $0xb8;
	[tilespmem:$0x19000] =	vst v63  }
0x248: {  	_ =	swait.ge [sflag:s6], $0x4000  }
0x249: {  	[sflag:s6] =	ssyncset.done $0x0  }
0x24a: {  	[sflag:s6] =	ssyncadd.s32 $0xFFFFC000  }
0x24b: {  	_ =	swait.ge [sflag:s6], $0x4000  }
0x24c: {  	[sflag:s6] =	ssyncset.done $0x0  }
0x24d: {  	[sflag:s6] =	ssyncadd.s32 $0xFFFFC000  }
0x24e: {  	_ =	swait.ge [sflag:s6], $0x4000  }
0x24f: {  	[sflag:s6] =	ssyncset.done $0x0  }
0x250: {  	[sflag:s6] =	ssyncadd.s32 $0xFFFFC000  }
0x251: {  	_ =	swait.ge [sflag:s6], $0x4000  }
0x252: {  	[sflag:s6] =	ssyncset.done $0x0  }
0x253: {  	[sflag:s6] =	ssyncadd.s32 $0xFFFFC000  }
0x254: {  	_ =	swait.ge [sflag:s6], $0x4000  }
0x255: {  	[sflag:s6] =	ssyncset.done $0x0  }
0x256: {  	[sflag:s6] =	ssyncadd.s32 $0xFFFFC000  }
0x257: {  	_ =	swait.ge [sflag:s6], $0x4000  }
0x258: {  	[sflag:s6] =	ssyncset.done $0x0  }
0x259: {  	[sflag:s6] =	ssyncadd.s32 $0xFFFFC000  }
0x25a: {  	_ =	swait.ge [sflag:s6], $0x4000  }
0x25b: {  	[sflag:s6] =	ssyncset.done $0x0  }
0x25c: {  	[sflag:s6] =	ssyncadd.s32 $0xFFFFC000  }
0x25d: {  	_ =	swait.ge [sflag:s6], $0x4000  }
0x25e: {  	[sflag:s6] =	ssyncset.done $0x0  }
0x25f: {  	s25 =	simm.s32 $0x1000;
	[sflag:s6] =	ssyncadd.s32 $0xFFFFC000  }
0x260: {  	[spmem:s2] =	stream.indirect.scatter.add.f32 [tilespmem:s7], [sflag:$0x1], $0x80, s25, s8, $0xb8;
	[tilespmem:$0x19000] =	vst v63  }
0x261: {  	s25 =	simm.s32 $0x1080  }
0x262: {  	[spmem:s2] =	stream.indirect.scatter.add.f32 [tilespmem:s7], [sflag:$0x1], $0x80, s25, s8, $0xb8;
	[tilespmem:$0x19000] =	vst v63  }
0x263: {  	s25 =	simm.s32 $0x1100  }
0x264: {  	[spmem:s2] =	stream.indirect.scatter.add.f32 [tilespmem:s7], [sflag:$0x1], $0x80, s25, s8, $0xb8;
	[tilespmem:$0x19000] =	vst v63  }
0x265: {  	s25 =	simm.s32 $0x1180  }
0x266: {  	[spmem:s2] =	stream.indirect.scatter.add.f32 [tilespmem:s7], [sflag:$0x1], $0x80, s25, s8, $0xb8;
	[tilespmem:$0x19000] =	vst v63  }
0x267: {  	s25 =	simm.s32 $0x1200  }
0x268: {  	[spmem:s2] =	stream.indirect.scatter.add.f32 [tilespmem:s7], [sflag:$0x1], $0x80, s25, s8, $0xb8;
	[tilespmem:$0x19000] =	vst v63  }
0x269: {  	s25 =	simm.s32 $0x1280  }
0x26a: {  	[spmem:s2] =	stream.indirect.scatter.add.f32 [tilespmem:s7], [sflag:$0x1], $0x80, s25, s8, $0xb8;
	[tilespmem:$0x19000] =	vst v63  }
0x26b: {  	s25 =	simm.s32 $0x1300  }
0x26c: {  	[spmem:s2] =	stream.indirect.scatter.add.f32 [tilespmem:s7], [sflag:$0x1], $0x80, s25, s8, $0xb8;
	[tilespmem:$0x19000] =	vst v63  }
0x26d: {  	s25 =	simm.s32 $0x1380  }
0x26e: {  	[spmem:s2] =	stream.indirect.scatter.add.f32 [tilespmem:s7], [sflag:$0x1], $0x80, s25, s8, $0xb8;
	[tilespmem:$0x19000] =	vst v63  }
0x26f: {  	_ =	swait.ge [sflag:s6], $0x4000  }
0x270: {  	[sflag:s6] =	ssyncset.done $0x0  }
0x271: {  	[sflag:s6] =	ssyncadd.s32 $0xFFFFC000  }
0x272: {  	_ =	swait.ge [sflag:s6], $0x4000  }
0x273: {  	[sflag:s6] =	ssyncset.done $0x0  }
0x274: {  	[sflag:s6] =	ssyncadd.s32 $0xFFFFC000  }
0x275: {  	_ =	swait.ge [sflag:s6], $0x4000  }
0x276: {  	[sflag:s6] =	ssyncset.done $0x0  }
0x277: {  	[sflag:s6] =	ssyncadd.s32 $0xFFFFC000  }
0x278: {  	_ =	swait.ge [sflag:s6], $0x4000  }
0x279: {  	[sflag:s6] =	ssyncset.done $0x0  }
0x27a: {  	[sflag:s6] =	ssyncadd.s32 $0xFFFFC000  }
0x27b: {  	_ =	swait.ge [sflag:s6], $0x4000  }
0x27c: {  	[sflag:s6] =	ssyncset.done $0x0  }
0x27d: {  	[sflag:s6] =	ssyncadd.s32 $0xFFFFC000  }
0x27e: {  	_ =	swait.ge [sflag:s6], $0x4000  }
0x27f: {  	[sflag:s6] =	ssyncset.done $0x0  }
0x280: {  	[sflag:s6] =	ssyncadd.s32 $0xFFFFC000  }
0x281: {  	_ =	swait.ge [sflag:s6], $0x4000  }
0x282: {  	[sflag:s6] =	ssyncset.done $0x0  }
0x283: {  	[sflag:s6] =	ssyncadd.s32 $0xFFFFC000  }
0x284: {  	_ =	swait.ge [sflag:s6], $0x4000  }
0x285: {  	[sflag:s6] =	ssyncset.done $0x0  }
0x286: {  	s25 =	rddreg [dreg:$0x6];
	[sflag:s6] =	ssyncadd.s32 $0xFFFFC000  }
0x287: {  	[tilespmem:s0], [sflag:$0x2] =	stream.linear.gather [hbm4b:s25+s0], $0x1400, $0x38;
	[tilespmem:$0x19000] =	vst v63  }
0x288: {  	_ =	swait.ge [sflag:s4], $0x1400  }
0x289: {  	[sflag:s4] =	ssyncset.done $0x0  }
0x28a: {  	[sflag:s4] =	ssyncadd.s32 $0xFFFFEC00  }
0x28b: {  	[spmem:s2] =	stream.indirect.scatter.add.f32 [tilespmem:s7], [sflag:$0x1], $0x80, s0, s8, $0xb8;
	[tilespmem:$0x19000] =	vst v63  }
0x28c: {  	_ = 	snop  }
0x28d: {  	[spmem:s2] =	stream.indirect.scatter.add.f32 [tilespmem:s7], [sflag:$0x1], $0x80, s8, s8, $0xb8;
	[tilespmem:$0x19000] =	vst v63  }
0x28e: {  	_ = 	snop  }
0x28f: {  	[spmem:s2] =	stream.indirect.scatter.add.f32 [tilespmem:s7], [sflag:$0x1], $0x80, s22, s8, $0xb8;
	[tilespmem:$0x19000] =	vst v63  }
0x290: {  	_ = 	snop  }
0x291: {  	[spmem:s2] =	stream.indirect.scatter.add.f32 [tilespmem:s7], [sflag:$0x1], $0x80, s28, s8, $0xb8;
	[tilespmem:$0x19000] =	vst v63  }
0x292: {  	_ = 	snop  }
0x293: {  	[spmem:s2] =	stream.indirect.scatter.add.f32 [tilespmem:s7], [sflag:$0x1], $0x80, s26, s8, $0xb8;
	[tilespmem:$0x19000] =	vst v63  }
0x294: {  	_ = 	snop  }
0x295: {  	[spmem:s2] =	stream.indirect.scatter.add.f32 [tilespmem:s7], [sflag:$0x1], $0x80, s15, s8, $0xb8;
	[tilespmem:$0x19000] =	vst v63  }
0x296: {  	_ = 	snop  }
0x297: {  	[spmem:s2] =	stream.indirect.scatter.add.f32 [tilespmem:s7], [sflag:$0x1], $0x80, s29, s8, $0xb8;
	[tilespmem:$0x19000] =	vst v63  }
0x298: {  	_ = 	snop  }
0x299: {  	[spmem:s2] =	stream.indirect.scatter.add.f32 [tilespmem:s7], [sflag:$0x1], $0x80, s12, s8, $0xb8;
	[tilespmem:$0x19000] =	vst v63  }
0x29a: {  	_ =	swait.ge [sflag:s6], $0x4000  }
0x29b: {  	[sflag:s6] =	ssyncset.done $0x0  }
0x29c: {  	[sflag:s6] =	ssyncadd.s32 $0xFFFFC000  }
0x29d: {  	_ =	swait.ge [sflag:s6], $0x4000  }
0x29e: {  	[sflag:s6] =	ssyncset.done $0x0  }
0x29f: {  	[sflag:s6] =	ssyncadd.s32 $0xFFFFC000  }
0x2a0: {  	_ =	swait.ge [sflag:s6], $0x4000  }
0x2a1: {  	[sflag:s6] =	ssyncset.done $0x0  }
0x2a2: {  	[sflag:s6] =	ssyncadd.s32 $0xFFFFC000  }
0x2a3: {  	_ =	swait.ge [sflag:s6], $0x4000  }
0x2a4: {  	[sflag:s6] =	ssyncset.done $0x0  }
0x2a5: {  	[sflag:s6] =	ssyncadd.s32 $0xFFFFC000  }
0x2a6: {  	_ =	swait.ge [sflag:s6], $0x4000  }
0x2a7: {  	[sflag:s6] =	ssyncset.done $0x0  }
0x2a8: {  	[sflag:s6] =	ssyncadd.s32 $0xFFFFC000  }
0x2a9: {  	_ =	swait.ge [sflag:s6], $0x4000  }
0x2aa: {  	[sflag:s6] =	ssyncset.done $0x0  }
0x2ab: {  	[sflag:s6] =	ssyncadd.s32 $0xFFFFC000  }
0x2ac: {  	_ =	swait.ge [sflag:s6], $0x4000  }
0x2ad: {  	[sflag:s6] =	ssyncset.done $0x0  }
0x2ae: {  	[sflag:s6] =	ssyncadd.s32 $0xFFFFC000  }
0x2af: {  	_ =	swait.ge [sflag:s6], $0x4000  }
0x2b0: {  	[sflag:s6] =	ssyncset.done $0x0  }
0x2b1: {  	[sflag:s6] =	ssyncadd.s32 $0xFFFFC000  }
0x2b2: {  	[spmem:s2] =	stream.indirect.scatter.add.f32 [tilespmem:s7], [sflag:$0x1], $0x80, s14, s8, $0xb8;
	[tilespmem:$0x19000] =	vst v63  }
0x2b3: {  	_ = 	snop  }
0x2b4: {  	[spmem:s2] =	stream.indirect.scatter.add.f32 [tilespmem:s7], [sflag:$0x1], $0x80, s20, s8, $0xb8;
	[tilespmem:$0x19000] =	vst v63  }
0x2b5: {  	_ = 	snop  }
0x2b6: {  	[spmem:s2] =	stream.indirect.scatter.add.f32 [tilespmem:s7], [sflag:$0x1], $0x80, s21, s8, $0xb8;
	[tilespmem:$0x19000] =	vst v63  }
0x2b7: {  	_ = 	snop  }
0x2b8: {  	[spmem:s2] =	stream.indirect.scatter.add.f32 [tilespmem:s7], [sflag:$0x1], $0x80, s23, s8, $0xb8;
	[tilespmem:$0x19000] =	vst v63  }
0x2b9: {  	_ = 	snop  }
0x2ba: {  	[spmem:s2] =	stream.indirect.scatter.add.f32 [tilespmem:s7], [sflag:$0x1], $0x80, s19, s8, $0xb8;
	[tilespmem:$0x19000] =	vst v63  }
0x2bb: {  	_ = 	snop  }
0x2bc: {  	[spmem:s2] =	stream.indirect.scatter.add.f32 [tilespmem:s7], [sflag:$0x1], $0x80, s13, s8, $0xb8;
	[tilespmem:$0x19000] =	vst v63  }
0x2bd: {  	_ = 	snop  }
0x2be: {  	[spmem:s2] =	stream.indirect.scatter.add.f32 [tilespmem:s7], [sflag:$0x1], $0x80, s11, s8, $0xb8;
	[tilespmem:$0x19000] =	vst v63  }
0x2bf: {  	_ = 	snop  }
0x2c0: {  	[spmem:s2] =	stream.indirect.scatter.add.f32 [tilespmem:s7], [sflag:$0x1], $0x80, s17, s8, $0xb8;
	[tilespmem:$0x19000] =	vst v63  }
0x2c1: {  	_ =	swait.ge [sflag:s6], $0x4000  }
0x2c2: {  	[sflag:s6] =	ssyncset.done $0x0  }
0x2c3: {  	[sflag:s6] =	ssyncadd.s32 $0xFFFFC000  }
0x2c4: {  	_ =	swait.ge [sflag:s6], $0x4000  }
0x2c5: {  	[sflag:s6] =	ssyncset.done $0x0  }
0x2c6: {  	[sflag:s6] =	ssyncadd.s32 $0xFFFFC000  }
0x2c7: {  	_ =	swait.ge [sflag:s6], $0x4000  }
0x2c8: {  	[sflag:s6] =	ssyncset.done $0x0  }
0x2c9: {  	[sflag:s6] =	ssyncadd.s32 $0xFFFFC000  }
0x2ca: {  	_ =	swait.ge [sflag:s6], $0x4000  }
0x2cb: {  	[sflag:s6] =	ssyncset.done $0x0  }
0x2cc: {  	[sflag:s6] =	ssyncadd.s32 $0xFFFFC000  }
0x2cd: {  	_ =	swait.ge [sflag:s6], $0x4000  }
0x2ce: {  	[sflag:s6] =	ssyncset.done $0x0  }
0x2cf: {  	[sflag:s6] =	ssyncadd.s32 $0xFFFFC000  }
0x2d0: {  	_ =	swait.ge [sflag:s6], $0x4000  }
0x2d1: {  	[sflag:s6] =	ssyncset.done $0x0  }
0x2d2: {  	[sflag:s6] =	ssyncadd.s32 $0xFFFFC000  }
0x2d3: {  	_ =	swait.ge [sflag:s6], $0x4000  }
0x2d4: {  	[sflag:s6] =	ssyncset.done $0x0  }
0x2d5: {  	[sflag:s6] =	ssyncadd.s32 $0xFFFFC000  }
0x2d6: {  	_ =	swait.ge [sflag:s6], $0x4000  }
0x2d7: {  	[sflag:s6] =	ssyncset.done $0x0  }
0x2d8: {  	[sflag:s6] =	ssyncadd.s32 $0xFFFFC000  }
0x2d9: {  	[spmem:s2] =	stream.indirect.scatter.add.f32 [tilespmem:s7], [sflag:$0x1], $0x80, s1, s8, $0xb8;
	[tilespmem:$0x19000] =	vst v63  }
0x2da: {  	_ = 	snop  }
0x2db: {  	[spmem:s2] =	stream.indirect.scatter.add.f32 [tilespmem:s7], [sflag:$0x1], $0x80, s16, s8, $0xb8;
	[tilespmem:$0x19000] =	vst v63  }
0x2dc: {  	_ = 	snop  }
0x2dd: {  	[spmem:s2] =	stream.indirect.scatter.add.f32 [tilespmem:s7], [sflag:$0x1], $0x80, s10, s8, $0xb8;
	[tilespmem:$0x19000] =	vst v63  }
0x2de: {  	_ = 	snop  }
0x2df: {  	[spmem:s2] =	stream.indirect.scatter.add.f32 [tilespmem:s7], [sflag:$0x1], $0x80, s18, s8, $0xb8;
	[tilespmem:$0x19000] =	vst v63  }
0x2e0: {  	_ = 	snop  }
0x2e1: {  	[spmem:s2] =	stream.indirect.scatter.add.f32 [tilespmem:s7], [sflag:$0x1], $0x80, s5, s8, $0xb8;
	[tilespmem:$0x19000] =	vst v63  }
0x2e2: {  	_ = 	snop  }
0x2e3: {  	[spmem:s2] =	stream.indirect.scatter.add.f32 [tilespmem:s7], [sflag:$0x1], $0x80, s9, s8, $0xb8;
	[tilespmem:$0x19000] =	vst v63  }
0x2e4: {  	s25 =	simm.s32 $0xB00  }
0x2e5: {  	[spmem:s2] =	stream.indirect.scatter.add.f32 [tilespmem:s7], [sflag:$0x1], $0x80, s25, s8, $0xb8;
	[tilespmem:$0x19000] =	vst v63  }
0x2e6: {  	s25 =	simm.s32 $0xB80  }
0x2e7: {  	[spmem:s2] =	stream.indirect.scatter.add.f32 [tilespmem:s7], [sflag:$0x1], $0x80, s25, s8, $0xb8;
	[tilespmem:$0x19000] =	vst v63  }
0x2e8: {  	s5 =	rddreg [dreg:$0x9];
	_ =	swait.ge [sflag:s6], $0x4000  }
0x2e9: {  	[sflag:s6] =	ssyncset.done $0x0  }
0x2ea: {  	[sflag:s6] =	ssyncadd.s32 $0xFFFFC000  }
0x2eb: {  	_ =	swait.ge [sflag:s6], $0x4000  }
0x2ec: {  	[sflag:s6] =	ssyncset.done $0x0  }
0x2ed: {  	[sflag:s6] =	ssyncadd.s32 $0xFFFFC000  }
0x2ee: {  	_ =	swait.ge [sflag:s6], $0x4000  }
0x2ef: {  	[sflag:s6] =	ssyncset.done $0x0  }
0x2f0: {  	[sflag:s6] =	ssyncadd.s32 $0xFFFFC000  }
0x2f1: {  	_ =	swait.ge [sflag:s6], $0x4000  }
0x2f2: {  	[sflag:s6] =	ssyncset.done $0x0  }
0x2f3: {  	[sflag:s6] =	ssyncadd.s32 $0xFFFFC000  }
0x2f4: {  	_ =	swait.ge [sflag:s6], $0x4000  }
0x2f5: {  	[sflag:s6] =	ssyncset.done $0x0  }
0x2f6: {  	[sflag:s6] =	ssyncadd.s32 $0xFFFFC000  }
0x2f7: {  	_ =	swait.ge [sflag:s6], $0x4000  }
0x2f8: {  	[sflag:s6] =	ssyncset.done $0x0  }
0x2f9: {  	[sflag:s6] =	ssyncadd.s32 $0xFFFFC000  }
0x2fa: {  	_ =	swait.ge [sflag:s6], $0x4000  }
0x2fb: {  	[sflag:s6] =	ssyncset.done $0x0  }
0x2fc: {  	[sflag:s6] =	ssyncadd.s32 $0xFFFFC000  }
0x2fd: {  	_ =	swait.ge [sflag:s6], $0x4000  }
0x2fe: {  	[sflag:s6] =	ssyncset.done $0x0  }
0x2ff: {  	[sflag:s6] =	ssyncadd.s32 $0xFFFFC000  }
0x300: {  	[spmem:s2] =	stream.indirect.scatter.add.f32 [tilespmem:s7], [sflag:$0x1], $0x80, s30, s8, $0xb8;
	[tilespmem:$0x19000] =	vst v63  }
0x301: {  	_ = 	snop  }
0x302: {  	[spmem:s2] =	stream.indirect.scatter.add.f32 [tilespmem:s7], [sflag:$0x1], $0x80, s31, s8, $0xb8;
	[tilespmem:$0x19000] =	vst v63  }
0x303: {  	_ = 	snop  }
0x304: {  	[spmem:s2] =	stream.indirect.scatter.add.f32 [tilespmem:s7], [sflag:$0x1], $0x80, s3, s8, $0xb8;
	[tilespmem:$0x19000] =	vst v63  }
0x305: {  	s25 =	simm.s32 $0xD80  }
0x306: {  	[spmem:s2] =	stream.indirect.scatter.add.f32 [tilespmem:s7], [sflag:$0x1], $0x80, s25, s8, $0xb8;
	[tilespmem:$0x19000] =	vst v63  }
0x307: {  	s25 =	simm.s32 $0xE00  }
0x308: {  	[spmem:s2] =	stream.indirect.scatter.add.f32 [tilespmem:s7], [sflag:$0x1], $0x80, s25, s8, $0xb8;
	[tilespmem:$0x19000] =	vst v63  }
0x309: {  	s25 =	simm.s32 $0xE80  }
0x30a: {  	[spmem:s2] =	stream.indirect.scatter.add.f32 [tilespmem:s7], [sflag:$0x1], $0x80, s25, s8, $0xb8;
	[tilespmem:$0x19000] =	vst v63  }
0x30b: {  	s25 =	simm.s32 $0xF00  }
0x30c: {  	[spmem:s2] =	stream.indirect.scatter.add.f32 [tilespmem:s7], [sflag:$0x1], $0x80, s25, s8, $0xb8;
	[tilespmem:$0x19000] =	vst v63  }
0x30d: {  	s25 =	simm.s32 $0xF80  }
0x30e: {  	[spmem:s2] =	stream.indirect.scatter.add.f32 [tilespmem:s7], [sflag:$0x1], $0x80, s25, s8, $0xb8;
	[tilespmem:$0x19000] =	vst v63  }
0x30f: {  	s3 =	rddreg [dreg:$0x8];
	_ =	swait.ge [sflag:s6], $0x4000  }
0x310: {  	[sflag:s6] =	ssyncset.done $0x0  }
0x311: {  	[sflag:s6] =	ssyncadd.s32 $0xFFFFC000  }
0x312: {  	_ =	swait.ge [sflag:s6], $0x4000  }
0x313: {  	[sflag:s6] =	ssyncset.done $0x0  }
0x314: {  	[sflag:s6] =	ssyncadd.s32 $0xFFFFC000  }
0x315: {  	_ =	swait.ge [sflag:s6], $0x4000  }
0x316: {  	[sflag:s6] =	ssyncset.done $0x0  }
0x317: {  	[sflag:s6] =	ssyncadd.s32 $0xFFFFC000  }
0x318: {  	_ =	swait.ge [sflag:s6], $0x4000  }
0x319: {  	[sflag:s6] =	ssyncset.done $0x0  }
0x31a: {  	[sflag:s6] =	ssyncadd.s32 $0xFFFFC000  }
0x31b: {  	_ =	swait.ge [sflag:s6], $0x4000  }
0x31c: {  	[sflag:s6] =	ssyncset.done $0x0  }
0x31d: {  	[sflag:s6] =	ssyncadd.s32 $0xFFFFC000  }
0x31e: {  	_ =	swait.ge [sflag:s6], $0x4000  }
0x31f: {  	[sflag:s6] =	ssyncset.done $0x0  }
0x320: {  	[sflag:s6] =	ssyncadd.s32 $0xFFFFC000  }
0x321: {  	_ =	swait.ge [sflag:s6], $0x4000  }
0x322: {  	[sflag:s6] =	ssyncset.done $0x0  }
0x323: {  	[sflag:s6] =	ssyncadd.s32 $0xFFFFC000  }
0x324: {  	_ =	swait.ge [sflag:s6], $0x4000  }
0x325: {  	[sflag:s6] =	ssyncset.done $0x0  }
0x326: {  	s25 =	simm.s32 $0x1000;
	[sflag:s6] =	ssyncadd.s32 $0xFFFFC000  }
0x327: {  	[spmem:s2] =	stream.indirect.scatter.add.f32 [tilespmem:s7], [sflag:$0x1], $0x80, s25, s8, $0xb8;
	[tilespmem:$0x19000] =	vst v63  }
0x328: {  	s25 =	simm.s32 $0x1080  }
0x329: {  	[spmem:s2] =	stream.indirect.scatter.add.f32 [tilespmem:s7], [sflag:$0x1], $0x80, s25, s8, $0xb8;
	[tilespmem:$0x19000] =	vst v63  }
0x32a: {  	s25 =	simm.s32 $0x1100  }
0x32b: {  	[spmem:s2] =	stream.indirect.scatter.add.f32 [tilespmem:s7], [sflag:$0x1], $0x80, s25, s8, $0xb8;
	[tilespmem:$0x19000] =	vst v63  }
0x32c: {  	s25 =	simm.s32 $0x1180  }
0x32d: {  	[spmem:s2] =	stream.indirect.scatter.add.f32 [tilespmem:s7], [sflag:$0x1], $0x80, s25, s8, $0xb8;
	[tilespmem:$0x19000] =	vst v63  }
0x32e: {  	s25 =	simm.s32 $0x1200  }
0x32f: {  	[spmem:s2] =	stream.indirect.scatter.add.f32 [tilespmem:s7], [sflag:$0x1], $0x80, s25, s8, $0xb8;
	[tilespmem:$0x19000] =	vst v63  }
0x330: {  	s25 =	simm.s32 $0x1280  }
0x331: {  	[spmem:s2] =	stream.indirect.scatter.add.f32 [tilespmem:s7], [sflag:$0x1], $0x80, s25, s8, $0xb8;
	[tilespmem:$0x19000] =	vst v63  }
0x332: {  	s25 =	simm.s32 $0x1300  }
0x333: {  	[spmem:s2] =	stream.indirect.scatter.add.f32 [tilespmem:s7], [sflag:$0x1], $0x80, s25, s8, $0xb8;
	[tilespmem:$0x19000] =	vst v63  }
0x334: {  	s25 =	simm.s32 $0x1380  }
0x335: {  	[spmem:s2] =	stream.indirect.scatter.add.f32 [tilespmem:s7], [sflag:$0x1], $0x80, s25, s8, $0xb8;
	[tilespmem:$0x19000] =	vst v63  }
0x336: {  	_ =	swait.ge [sflag:s6], $0x4000  }
0x337: {  	[sflag:s6] =	ssyncset.done $0x0  }
0x338: {  	[sflag:s6] =	ssyncadd.s32 $0xFFFFC000  }
0x339: {  	_ =	swait.ge [sflag:s6], $0x4000  }
0x33a: {  	[sflag:s6] =	ssyncset.done $0x0  }
0x33b: {  	[sflag:s6] =	ssyncadd.s32 $0xFFFFC000  }
0x33c: {  	_ =	swait.ge [sflag:s6], $0x4000  }
0x33d: {  	[sflag:s6] =	ssyncset.done $0x0  }
0x33e: {  	[sflag:s6] =	ssyncadd.s32 $0xFFFFC000  }
0x33f: {  	_ =	swait.ge [sflag:s6], $0x4000  }
0x340: {  	[sflag:s6] =	ssyncset.done $0x0  }
0x341: {  	[sflag:s6] =	ssyncadd.s32 $0xFFFFC000  }
0x342: {  	_ =	swait.ge [sflag:s6], $0x4000  }
0x343: {  	[sflag:s6] =	ssyncset.done $0x0  }
0x344: {  	[sflag:s6] =	ssyncadd.s32 $0xFFFFC000  }
0x345: {  	_ =	swait.ge [sflag:s6], $0x4000  }
0x346: {  	[sflag:s6] =	ssyncset.done $0x0  }
0x347: {  	[sflag:s6] =	ssyncadd.s32 $0xFFFFC000  }
0x348: {  	_ =	swait.ge [sflag:s6], $0x4000  }
0x349: {  	[sflag:s6] =	ssyncset.done $0x0  }
0x34a: {  	[sflag:s6] =	ssyncadd.s32 $0xFFFFC000  }
0x34b: {  	_ =	swait.ge [sflag:s6], $0x4000  }
0x34c: {  	[sflag:s6] =	ssyncset.done $0x0  }
0x34d: {  	p1 =	sne.s32 s24, $0x1;
	[sflag:s6] =	ssyncadd.s32 $0xFFFFC000  }
.Ltmp2:
0x34e: {  	[bflag:$0x0] =	sbarrier.arrive $0xFFFF;
	(pc) =	sbr.rel @p1 .LBB2_3-.Ltmp2, $4  }
0x34f: {  	s0 =	rddreg [dreg:$0x7]  }
0x350: {  	[hbm:s0], [sflag:s3] =	dma.local [spmem:s5], $0x2780  }
0x351: {  	_ =	swait.ge [sflag:s4], $0x2780  }
0x352: {  	s24 =	sadd.s32 $0xFFFFFFFF, s24;
	s25 =	rddreg [dreg:$0x4];
	[sflag:s4] =	ssyncset.done $0x0  }
0x353: {  	s9 =	simm.s32 $0x0  }
.LBB2_5:
0x354: {  	[sflag:s4] =	ssyncadd.s32 @p0 $0xFFFFD880  }
0x355: {  	[spmem:s5], [sflag:s3] =	dma.local [hbm:s25], $0x2780  }
0x356: {  	_ =	swait.ge [sflag:s4], $0x2780  }
0x357: {  	[sflag:s4] =	ssyncset.done $0x0  }
0x358: {  	s24 =	rddreg [dreg:$0x3];
	[sflag:s4] =	ssyncadd.s32 $0xFFFFD880  }
0x359: {  	[tilespmem:s7], [sflag:$0x2] =	stream.linear.gather [hbm4b:s24+s9], $0x4000, $0x38;
	[tilespmem:$0x19000] =	vst v63  }
0x35a: {  	_ =	swait.ge [sflag:s4], $0x4000  }
0x35b: {  	[sflag:s4] =	ssyncset.done $0x0  }
0x35c: {  	[sflag:s4] =	ssyncadd.s32 $0xFFFFC000  }
0x35d: {  	[bflag:$0x0] =	sbarrier.arrive $0xFFFF  }
0x35e: {  	s26 =	rddreg [dreg:$0x5]  }
0x35f: {  	[tilespmem:s9], [sflag:$0x2] =	stream.linear.gather [hbm4b:s26+s9], $0x1400, $0x38;
	[tilespmem:$0x19000] =	vst v63  }
0x360: {  	_ =	swait.ge [sflag:s4], $0x1400  }
0x361: {  	[sflag:s4] =	ssyncset.done $0x0  }
0x362: {  	[sflag:s4] =	ssyncadd.s32 $0xFFFFEC00  }
0x363: {  	[spmem:s2] =	stream.indirect.scatter.add.f32 [tilespmem:s7], [sflag:$0x1], $0x80, s9, s8, $0xb8;
	[tilespmem:$0x19000] =	vst v63  }
0x364: {  	_ = 	snop  }
0x365: {  	[spmem:s2] =	stream.indirect.scatter.add.f32 [tilespmem:s7], [sflag:$0x1], $0x80, s8, s8, $0xb8;
	[tilespmem:$0x19000] =	vst v63  }
0x366: {  	s12 =	simm.s32 $0x100  }
0x367: {  	[spmem:s2] =	stream.indirect.scatter.add.f32 [tilespmem:s7], [sflag:$0x1], $0x80, s12, s8, $0xb8;
	[tilespmem:$0x19000] =	vst v63  }
0x368: {  	s13 =	simm.s32 $0x180  }
0x369: {  	[spmem:s2] =	stream.indirect.scatter.add.f32 [tilespmem:s7], [sflag:$0x1], $0x80, s13, s8, $0xb8;
	[tilespmem:$0x19000] =	vst v63  }
0x36a: {  	s10 =	simm.s32 $0x200  }
0x36b: {  	[spmem:s2] =	stream.indirect.scatter.add.f32 [tilespmem:s7], [sflag:$0x1], $0x80, s10, s8, $0xb8;
	[tilespmem:$0x19000] =	vst v63  }
0x36c: {  	s11 =	simm.s32 $0x280  }
0x36d: {  	[spmem:s2] =	stream.indirect.scatter.add.f32 [tilespmem:s7], [sflag:$0x1], $0x80, s11, s8, $0xb8;
	[tilespmem:$0x19000] =	vst v63  }
0x36e: {  	s0 =	simm.s32 $0x300  }
0x36f: {  	[spmem:s2] =	stream.indirect.scatter.add.f32 [tilespmem:s7], [sflag:$0x1], $0x80, s0, s8, $0xb8;
	[tilespmem:$0x19000] =	vst v63  }
0x370: {  	s1 =	simm.s32 $0x380  }
0x371: {  	[spmem:s2] =	stream.indirect.scatter.add.f32 [tilespmem:s7], [sflag:$0x1], $0x80, s1, s8, $0xb8;
	[tilespmem:$0x19000] =	vst v63  }
0x372: {  	_ =	swait.ge [sflag:s6], $0x4000  }
0x373: {  	[sflag:s6] =	ssyncset.done $0x0  }
0x374: {  	[sflag:s6] =	ssyncadd.s32 $0xFFFFC000  }
0x375: {  	_ =	swait.ge [sflag:s6], $0x4000  }
0x376: {  	[sflag:s6] =	ssyncset.done $0x0  }
0x377: {  	[sflag:s6] =	ssyncadd.s32 $0xFFFFC000  }
0x378: {  	_ =	swait.ge [sflag:s6], $0x4000  }
0x379: {  	[sflag:s6] =	ssyncset.done $0x0  }
0x37a: {  	[sflag:s6] =	ssyncadd.s32 $0xFFFFC000  }
0x37b: {  	_ =	swait.ge [sflag:s6], $0x4000  }
0x37c: {  	[sflag:s6] =	ssyncset.done $0x0  }
0x37d: {  	[sflag:s6] =	ssyncadd.s32 $0xFFFFC000  }
0x37e: {  	_ =	swait.ge [sflag:s6], $0x4000  }
0x37f: {  	[sflag:s6] =	ssyncset.done $0x0  }
0x380: {  	[sflag:s6] =	ssyncadd.s32 $0xFFFFC000  }
0x381: {  	_ =	swait.ge [sflag:s6], $0x4000  }
0x382: {  	[sflag:s6] =	ssyncset.done $0x0  }
0x383: {  	[sflag:s6] =	ssyncadd.s32 $0xFFFFC000  }
0x384: {  	_ =	swait.ge [sflag:s6], $0x4000  }
0x385: {  	[sflag:s6] =	ssyncset.done $0x0  }
0x386: {  	[sflag:s6] =	ssyncadd.s32 $0xFFFFC000  }
0x387: {  	_ =	swait.ge [sflag:s6], $0x4000  }
0x388: {  	[sflag:s6] =	ssyncset.done $0x0  }
0x389: {  	s14 =	simm.s32 $0x400;
	[sflag:s6] =	ssyncadd.s32 $0xFFFFC000  }
0x38a: {  	[spmem:s2] =	stream.indirect.scatter.add.f32 [tilespmem:s7], [sflag:$0x1], $0x80, s14, s8, $0xb8;
	[tilespmem:$0x19000] =	vst v63  }
0x38b: {  	s28 =	simm.s32 $0x480  }
0x38c: {  	[spmem:s2] =	stream.indirect.scatter.add.f32 [tilespmem:s7], [sflag:$0x1], $0x80, s28, s8, $0xb8;
	[tilespmem:$0x19000] =	vst v63  }
0x38d: {  	s29 =	simm.s32 $0x500  }
0x38e: {  	[spmem:s2] =	stream.indirect.scatter.add.f32 [tilespmem:s7], [sflag:$0x1], $0x80, s29, s8, $0xb8;
	[tilespmem:$0x19000] =	vst v63  }
0x38f: {  	s30 =	simm.s32 $0x580  }
0x390: {  	[spmem:s2] =	stream.indirect.scatter.add.f32 [tilespmem:s7], [sflag:$0x1], $0x80, s30, s8, $0xb8;
	[tilespmem:$0x19000] =	vst v63  }
0x391: {  	s31 =	simm.s32 $0x600  }
0x392: {  	[spmem:s2] =	stream.indirect.scatter.add.f32 [tilespmem:s7], [sflag:$0x1], $0x80, s31, s8, $0xb8;
	[tilespmem:$0x19000] =	vst v63  }
0x393: {  	s15 =	simm.s32 $0x680  }
0x394: {  	[spmem:s2] =	stream.indirect.scatter.add.f32 [tilespmem:s7], [sflag:$0x1], $0x80, s15, s8, $0xb8;
	[tilespmem:$0x19000] =	vst v63  }
0x395: {  	s16 =	simm.s32 $0x700  }
0x396: {  	[spmem:s2] =	stream.indirect.scatter.add.f32 [tilespmem:s7], [sflag:$0x1], $0x80, s16, s8, $0xb8;
	[tilespmem:$0x19000] =	vst v63  }
0x397: {  	s17 =	simm.s32 $0x780  }
0x398: {  	[spmem:s2] =	stream.indirect.scatter.add.f32 [tilespmem:s7], [sflag:$0x1], $0x80, s17, s8, $0xb8;
	[tilespmem:$0x19000] =	vst v63  }
0x399: {  	_ =	swait.ge [sflag:s6], $0x4000  }
0x39a: {  	[sflag:s6] =	ssyncset.done $0x0  }
0x39b: {  	[sflag:s6] =	ssyncadd.s32 $0xFFFFC000  }
0x39c: {  	_ =	swait.ge [sflag:s6], $0x4000  }
0x39d: {  	[sflag:s6] =	ssyncset.done $0x0  }
0x39e: {  	[sflag:s6] =	ssyncadd.s32 $0xFFFFC000  }
0x39f: {  	_ =	swait.ge [sflag:s6], $0x4000  }
0x3a0: {  	[sflag:s6] =	ssyncset.done $0x0  }
0x3a1: {  	[sflag:s6] =	ssyncadd.s32 $0xFFFFC000  }
0x3a2: {  	_ =	swait.ge [sflag:s6], $0x4000  }
0x3a3: {  	[sflag:s6] =	ssyncset.done $0x0  }
0x3a4: {  	[sflag:s6] =	ssyncadd.s32 $0xFFFFC000  }
0x3a5: {  	_ =	swait.ge [sflag:s6], $0x4000  }
0x3a6: {  	[sflag:s6] =	ssyncset.done $0x0  }
0x3a7: {  	[sflag:s6] =	ssyncadd.s32 $0xFFFFC000  }
0x3a8: {  	_ =	swait.ge [sflag:s6], $0x4000  }
0x3a9: {  	[sflag:s6] =	ssyncset.done $0x0  }
0x3aa: {  	[sflag:s6] =	ssyncadd.s32 $0xFFFFC000  }
0x3ab: {  	_ =	swait.ge [sflag:s6], $0x4000  }
0x3ac: {  	[sflag:s6] =	ssyncset.done $0x0  }
0x3ad: {  	[sflag:s6] =	ssyncadd.s32 $0xFFFFC000  }
0x3ae: {  	_ =	swait.ge [sflag:s6], $0x4000  }
0x3af: {  	[sflag:s6] =	ssyncset.done $0x0  }
0x3b0: {  	s19 =	simm.s32 $0x800;
	[sflag:s6] =	ssyncadd.s32 $0xFFFFC000  }
0x3b1: {  	[spmem:s2] =	stream.indirect.scatter.add.f32 [tilespmem:s7], [sflag:$0x1], $0x80, s19, s8, $0xb8;
	[tilespmem:$0x19000] =	vst v63  }
0x3b2: {  	s20 =	simm.s32 $0x880  }
0x3b3: {  	[spmem:s2] =	stream.indirect.scatter.add.f32 [tilespmem:s7], [sflag:$0x1], $0x80, s20, s8, $0xb8;
	[tilespmem:$0x19000] =	vst v63  }
0x3b4: {  	s21 =	simm.s32 $0x900  }
0x3b5: {  	[spmem:s2] =	stream.indirect.scatter.add.f32 [tilespmem:s7], [sflag:$0x1], $0x80, s21, s8, $0xb8;
	[tilespmem:$0x19000] =	vst v63  }
0x3b6: {  	s22 =	simm.s32 $0x980  }
0x3b7: {  	[spmem:s2] =	stream.indirect.scatter.add.f32 [tilespmem:s7], [sflag:$0x1], $0x80, s22, s8, $0xb8;
	[tilespmem:$0x19000] =	vst v63  }
0x3b8: {  	s23 =	simm.s32 $0xA00  }
0x3b9: {  	[spmem:s2] =	stream.indirect.scatter.add.f32 [tilespmem:s7], [sflag:$0x1], $0x80, s23, s8, $0xb8;
	[tilespmem:$0x19000] =	vst v63  }
0x3ba: {  	s31 =	simm.s32 $0xA80  }
0x3bb: {  	[spmem:s2] =	stream.indirect.scatter.add.f32 [tilespmem:s7], [sflag:$0x1], $0x80, s31, s8, $0xb8;
	[tilespmem:$0x19000] =	vst v63  }
0x3bc: {  	s18 =	simm.s32 $0xB00  }
0x3bd: {  	[spmem:s2] =	stream.indirect.scatter.add.f32 [tilespmem:s7], [sflag:$0x1], $0x80, s18, s8, $0xb8;
	[tilespmem:$0x19000] =	vst v63  }
0x3be: {  	s24 =	simm.s32 $0xB80  }
0x3bf: {  	[spmem:s2] =	stream.indirect.scatter.add.f32 [tilespmem:s7], [sflag:$0x1], $0x80, s24, s8, $0xb8;
	[tilespmem:$0x19000] =	vst v63  }
0x3c0: {  	_ =	swait.ge [sflag:s6], $0x4000  }
0x3c1: {  	[sflag:s6] =	ssyncset.done $0x0  }
0x3c2: {  	[sflag:s6] =	ssyncadd.s32 $0xFFFFC000  }
0x3c3: {  	_ =	swait.ge [sflag:s6], $0x4000  }
0x3c4: {  	[sflag:s6] =	ssyncset.done $0x0  }
0x3c5: {  	[sflag:s6] =	ssyncadd.s32 $0xFFFFC000  }
0x3c6: {  	_ =	swait.ge [sflag:s6], $0x4000  }
0x3c7: {  	[sflag:s6] =	ssyncset.done $0x0  }
0x3c8: {  	[sflag:s6] =	ssyncadd.s32 $0xFFFFC000  }
0x3c9: {  	_ =	swait.ge [sflag:s6], $0x4000  }
0x3ca: {  	[sflag:s6] =	ssyncset.done $0x0  }
0x3cb: {  	[sflag:s6] =	ssyncadd.s32 $0xFFFFC000  }
0x3cc: {  	_ =	swait.ge [sflag:s6], $0x4000  }
0x3cd: {  	[sflag:s6] =	ssyncset.done $0x0  }
0x3ce: {  	[sflag:s6] =	ssyncadd.s32 $0xFFFFC000  }
0x3cf: {  	_ =	swait.ge [sflag:s6], $0x4000  }
0x3d0: {  	[sflag:s6] =	ssyncset.done $0x0  }
0x3d1: {  	[sflag:s6] =	ssyncadd.s32 $0xFFFFC000  }
0x3d2: {  	_ =	swait.ge [sflag:s6], $0x4000  }
0x3d3: {  	[sflag:s6] =	ssyncset.done $0x0  }
0x3d4: {  	[sflag:s6] =	ssyncadd.s32 $0xFFFFC000  }
0x3d5: {  	_ =	swait.ge [sflag:s6], $0x4000  }
0x3d6: {  	[sflag:s6] =	ssyncset.done $0x0  }
0x3d7: {  	s25 =	simm.s32 $0xC00;
	[sflag:s6] =	ssyncadd.s32 $0xFFFFC000  }
0x3d8: {  	[spmem:s2] =	stream.indirect.scatter.add.f32 [tilespmem:s7], [sflag:$0x1], $0x80, s25, s8, $0xb8;
	[tilespmem:$0x19000] =	vst v63  }
0x3d9: {  	s26 =	simm.s32 $0xC80  }
0x3da: {  	[spmem:s2] =	stream.indirect.scatter.add.f32 [tilespmem:s7], [sflag:$0x1], $0x80, s26, s8, $0xb8;
	[tilespmem:$0x19000] =	vst v63  }
0x3db: {  	s28 =	simm.s32 $0xD00  }
0x3dc: {  	[spmem:s2] =	stream.indirect.scatter.add.f32 [tilespmem:s7], [sflag:$0x1], $0x80, s28, s8, $0xb8;
	[tilespmem:$0x19000] =	vst v63  }
0x3dd: {  	s14 =	simm.s32 $0xD80  }
0x3de: {  	[spmem:s2] =	stream.indirect.scatter.add.f32 [tilespmem:s7], [sflag:$0x1], $0x80, s14, s8, $0xb8;
	[tilespmem:$0x19000] =	vst v63  }
0x3df: {  	s15 =	simm.s32 $0xE00  }
0x3e0: {  	[spmem:s2] =	stream.indirect.scatter.add.f32 [tilespmem:s7], [sflag:$0x1], $0x80, s15, s8, $0xb8;
	[tilespmem:$0x19000] =	vst v63  }
0x3e1: {  	s16 =	simm.s32 $0xE80  }
0x3e2: {  	[spmem:s2] =	stream.indirect.scatter.add.f32 [tilespmem:s7], [sflag:$0x1], $0x80, s16, s8, $0xb8;
	[tilespmem:$0x19000] =	vst v63  }
0x3e3: {  	s17 =	simm.s32 $0xF00  }
0x3e4: {  	[spmem:s2] =	stream.indirect.scatter.add.f32 [tilespmem:s7], [sflag:$0x1], $0x80, s17, s8, $0xb8;
	[tilespmem:$0x19000] =	vst v63  }
0x3e5: {  	s18 =	simm.s32 $0xF80  }
0x3e6: {  	[spmem:s2] =	stream.indirect.scatter.add.f32 [tilespmem:s7], [sflag:$0x1], $0x80, s18, s8, $0xb8;
	[tilespmem:$0x19000] =	vst v63  }
0x3e7: {  	_ =	swait.ge [sflag:s6], $0x4000  }
0x3e8: {  	[sflag:s6] =	ssyncset.done $0x0  }
0x3e9: {  	[sflag:s6] =	ssyncadd.s32 $0xFFFFC000  }
0x3ea: {  	_ =	swait.ge [sflag:s6], $0x4000  }
0x3eb: {  	[sflag:s6] =	ssyncset.done $0x0  }
0x3ec: {  	[sflag:s6] =	ssyncadd.s32 $0xFFFFC000  }
0x3ed: {  	_ =	swait.ge [sflag:s6], $0x4000  }
0x3ee: {  	[sflag:s6] =	ssyncset.done $0x0  }
0x3ef: {  	[sflag:s6] =	ssyncadd.s32 $0xFFFFC000  }
0x3f0: {  	_ =	swait.ge [sflag:s6], $0x4000  }
0x3f1: {  	[sflag:s6] =	ssyncset.done $0x0  }
0x3f2: {  	[sflag:s6] =	ssyncadd.s32 $0xFFFFC000  }
0x3f3: {  	_ =	swait.ge [sflag:s6], $0x4000  }
0x3f4: {  	[sflag:s6] =	ssyncset.done $0x0  }
0x3f5: {  	[sflag:s6] =	ssyncadd.s32 $0xFFFFC000  }
0x3f6: {  	_ =	swait.ge [sflag:s6], $0x4000  }
0x3f7: {  	[sflag:s6] =	ssyncset.done $0x0  }
0x3f8: {  	[sflag:s6] =	ssyncadd.s32 $0xFFFFC000  }
0x3f9: {  	_ =	swait.ge [sflag:s6], $0x4000  }
0x3fa: {  	[sflag:s6] =	ssyncset.done $0x0  }
0x3fb: {  	[sflag:s6] =	ssyncadd.s32 $0xFFFFC000  }
0x3fc: {  	_ =	swait.ge [sflag:s6], $0x4000  }
0x3fd: {  	[sflag:s6] =	ssyncset.done $0x0  }
0x3fe: {  	s29 =	simm.s32 $0x1000;
	[sflag:s6] =	ssyncadd.s32 $0xFFFFC000  }
0x3ff: {  	[spmem:s2] =	stream.indirect.scatter.add.f32 [tilespmem:s7], [sflag:$0x1], $0x80, s29, s8, $0xb8;
	[tilespmem:$0x19000] =	vst v63  }
0x400: {  	s30 =	simm.s32 $0x1080  }
0x401: {  	[spmem:s2] =	stream.indirect.scatter.add.f32 [tilespmem:s7], [sflag:$0x1], $0x80, s30, s8, $0xb8;
	[tilespmem:$0x19000] =	vst v63  }
0x402: {  	s25 =	simm.s32 $0x1100  }
0x403: {  	[spmem:s2] =	stream.indirect.scatter.add.f32 [tilespmem:s7], [sflag:$0x1], $0x80, s25, s8, $0xb8;
	[tilespmem:$0x19000] =	vst v63  }
0x404: {  	s26 =	simm.s32 $0x1180  }
0x405: {  	[spmem:s2] =	stream.indirect.scatter.add.f32 [tilespmem:s7], [sflag:$0x1], $0x80, s26, s8, $0xb8;
	[tilespmem:$0x19000] =	vst v63  }
0x406: {  	s28 =	simm.s32 $0x1200  }
0x407: {  	[spmem:s2] =	stream.indirect.scatter.add.f32 [tilespmem:s7], [sflag:$0x1], $0x80, s28, s8, $0xb8;
	[tilespmem:$0x19000] =	vst v63  }
0x408: {  	s29 =	simm.s32 $0x1280  }
0x409: {  	[spmem:s2] =	stream.indirect.scatter.add.f32 [tilespmem:s7], [sflag:$0x1], $0x80, s29, s8, $0xb8;
	[tilespmem:$0x19000] =	vst v63  }
0x40a: {  	s30 =	simm.s32 $0x1300  }
0x40b: {  	[spmem:s2] =	stream.indirect.scatter.add.f32 [tilespmem:s7], [sflag:$0x1], $0x80, s30, s8, $0xb8;
	[tilespmem:$0x19000] =	vst v63  }
0x40c: {  	s24 =	simm.s32 $0x1380  }
0x40d: {  	[spmem:s2] =	stream.indirect.scatter.add.f32 [tilespmem:s7], [sflag:$0x1], $0x80, s24, s8, $0xb8;
	[tilespmem:$0x19000] =	vst v63  }
0x40e: {  	_ =	swait.ge [sflag:s6], $0x4000  }
0x40f: {  	[sflag:s6] =	ssyncset.done $0x0  }
0x410: {  	[sflag:s6] =	ssyncadd.s32 $0xFFFFC000  }
0x411: {  	_ =	swait.ge [sflag:s6], $0x4000  }
0x412: {  	[sflag:s6] =	ssyncset.done $0x0  }
0x413: {  	[sflag:s6] =	ssyncadd.s32 $0xFFFFC000  }
0x414: {  	_ =	swait.ge [sflag:s6], $0x4000  }
0x415: {  	[sflag:s6] =	ssyncset.done $0x0  }
0x416: {  	[sflag:s6] =	ssyncadd.s32 $0xFFFFC000  }
0x417: {  	_ =	swait.ge [sflag:s6], $0x4000  }
0x418: {  	[sflag:s6] =	ssyncset.done $0x0  }
0x419: {  	[sflag:s6] =	ssyncadd.s32 $0xFFFFC000  }
0x41a: {  	_ =	swait.ge [sflag:s6], $0x4000  }
0x41b: {  	[sflag:s6] =	ssyncset.done $0x0  }
0x41c: {  	[sflag:s6] =	ssyncadd.s32 $0xFFFFC000  }
0x41d: {  	_ =	swait.ge [sflag:s6], $0x4000  }
0x41e: {  	[sflag:s6] =	ssyncset.done $0x0  }
0x41f: {  	[sflag:s6] =	ssyncadd.s32 $0xFFFFC000  }
0x420: {  	_ =	swait.ge [sflag:s6], $0x4000  }
0x421: {  	[sflag:s6] =	ssyncset.done $0x0  }
0x422: {  	[sflag:s6] =	ssyncadd.s32 $0xFFFFC000  }
0x423: {  	_ =	swait.ge [sflag:s6], $0x4000  }
0x424: {  	[sflag:s6] =	ssyncset.done $0x0  }
0x425: {  	s24 =	rddreg [dreg:$0x6];
	[sflag:s6] =	ssyncadd.s32 $0xFFFFC000  }
0x426: {  	[tilespmem:s9], [sflag:$0x2] =	stream.linear.gather [hbm4b:s24+s9], $0x1400, $0x38;
	[tilespmem:$0x19000] =	vst v63  }
0x427: {  	_ =	swait.ge [sflag:s4], $0x1400  }
0x428: {  	[sflag:s4] =	ssyncset.done $0x0  }
0x429: {  	[sflag:s4] =	ssyncadd.s32 $0xFFFFEC00  }
0x42a: {  	[spmem:s2] =	stream.indirect.scatter.add.f32 [tilespmem:s7], [sflag:$0x1], $0x80, s9, s8, $0xb8;
	[tilespmem:$0x19000] =	vst v63  }
0x42b: {  	_ = 	snop  }
0x42c: {  	[spmem:s2] =	stream.indirect.scatter.add.f32 [tilespmem:s7], [sflag:$0x1], $0x80, s8, s8, $0xb8;
	[tilespmem:$0x19000] =	vst v63  }
0x42d: {  	_ = 	snop  }
0x42e: {  	[spmem:s2] =	stream.indirect.scatter.add.f32 [tilespmem:s7], [sflag:$0x1], $0x80, s12, s8, $0xb8;
	[tilespmem:$0x19000] =	vst v63  }
0x42f: {  	_ = 	snop  }
0x430: {  	[spmem:s2] =	stream.indirect.scatter.add.f32 [tilespmem:s7], [sflag:$0x1], $0x80, s13, s8, $0xb8;
	[tilespmem:$0x19000] =	vst v63  }
0x431: {  	_ = 	snop  }
0x432: {  	[spmem:s2] =	stream.indirect.scatter.add.f32 [tilespmem:s7], [sflag:$0x1], $0x80, s10, s8, $0xb8;
	[tilespmem:$0x19000] =	vst v63  }
0x433: {  	_ = 	snop  }
0x434: {  	[spmem:s2] =	stream.indirect.scatter.add.f32 [tilespmem:s7], [sflag:$0x1], $0x80, s11, s8, $0xb8;
	[tilespmem:$0x19000] =	vst v63  }
0x435: {  	_ = 	snop  }
0x436: {  	[spmem:s2] =	stream.indirect.scatter.add.f32 [tilespmem:s7], [sflag:$0x1], $0x80, s0, s8, $0xb8;
	[tilespmem:$0x19000] =	vst v63  }
0x437: {  	_ = 	snop  }
0x438: {  	[spmem:s2] =	stream.indirect.scatter.add.f32 [tilespmem:s7], [sflag:$0x1], $0x80, s1, s8, $0xb8;
	[tilespmem:$0x19000] =	vst v63  }
0x439: {  	_ =	swait.ge [sflag:s6], $0x4000  }
0x43a: {  	[sflag:s6] =	ssyncset.done $0x0  }
0x43b: {  	[sflag:s6] =	ssyncadd.s32 $0xFFFFC000  }
0x43c: {  	_ =	swait.ge [sflag:s6], $0x4000  }
0x43d: {  	[sflag:s6] =	ssyncset.done $0x0  }
0x43e: {  	[sflag:s6] =	ssyncadd.s32 $0xFFFFC000  }
0x43f: {  	_ =	swait.ge [sflag:s6], $0x4000  }
0x440: {  	[sflag:s6] =	ssyncset.done $0x0  }
0x441: {  	[sflag:s6] =	ssyncadd.s32 $0xFFFFC000  }
0x442: {  	_ =	swait.ge [sflag:s6], $0x4000  }
0x443: {  	[sflag:s6] =	ssyncset.done $0x0  }
0x444: {  	[sflag:s6] =	ssyncadd.s32 $0xFFFFC000  }
0x445: {  	_ =	swait.ge [sflag:s6], $0x4000  }
0x446: {  	[sflag:s6] =	ssyncset.done $0x0  }
0x447: {  	[sflag:s6] =	ssyncadd.s32 $0xFFFFC000  }
0x448: {  	_ =	swait.ge [sflag:s6], $0x4000  }
0x449: {  	[sflag:s6] =	ssyncset.done $0x0  }
0x44a: {  	[sflag:s6] =	ssyncadd.s32 $0xFFFFC000  }
0x44b: {  	_ =	swait.ge [sflag:s6], $0x4000  }
0x44c: {  	[sflag:s6] =	ssyncset.done $0x0  }
0x44d: {  	[sflag:s6] =	ssyncadd.s32 $0xFFFFC000  }
0x44e: {  	_ =	swait.ge [sflag:s6], $0x4000  }
0x44f: {  	[sflag:s6] =	ssyncset.done $0x0  }
0x450: {  	s12 =	simm.s32 $0x400;
	[sflag:s6] =	ssyncadd.s32 $0xFFFFC000  }
0x451: {  	[spmem:s2] =	stream.indirect.scatter.add.f32 [tilespmem:s7], [sflag:$0x1], $0x80, s12, s8, $0xb8;
	[tilespmem:$0x19000] =	vst v63  }
0x452: {  	s13 =	simm.s32 $0x480  }
0x453: {  	[spmem:s2] =	stream.indirect.scatter.add.f32 [tilespmem:s7], [sflag:$0x1], $0x80, s13, s8, $0xb8;
	[tilespmem:$0x19000] =	vst v63  }
0x454: {  	s24 =	simm.s32 $0x500  }
0x455: {  	[spmem:s2] =	stream.indirect.scatter.add.f32 [tilespmem:s7], [sflag:$0x1], $0x80, s24, s8, $0xb8;
	[tilespmem:$0x19000] =	vst v63  }
0x456: {  	s1 =	simm.s32 $0x580  }
0x457: {  	[spmem:s2] =	stream.indirect.scatter.add.f32 [tilespmem:s7], [sflag:$0x1], $0x80, s1, s8, $0xb8;
	[tilespmem:$0x19000] =	vst v63  }
0x458: {  	s9 =	simm.s32 $0x600  }
0x459: {  	[spmem:s2] =	stream.indirect.scatter.add.f32 [tilespmem:s7], [sflag:$0x1], $0x80, s9, s8, $0xb8;
	[tilespmem:$0x19000] =	vst v63  }
0x45a: {  	s10 =	simm.s32 $0x680  }
0x45b: {  	[spmem:s2] =	stream.indirect.scatter.add.f32 [tilespmem:s7], [sflag:$0x1], $0x80, s10, s8, $0xb8;
	[tilespmem:$0x19000] =	vst v63  }
0x45c: {  	s11 =	simm.s32 $0x700  }
0x45d: {  	[spmem:s2] =	stream.indirect.scatter.add.f32 [tilespmem:s7], [sflag:$0x1], $0x80, s11, s8, $0xb8;
	[tilespmem:$0x19000] =	vst v63  }
0x45e: {  	s12 =	simm.s32 $0x780  }
0x45f: {  	[spmem:s2] =	stream.indirect.scatter.add.f32 [tilespmem:s7], [sflag:$0x1], $0x80, s12, s8, $0xb8;
	[tilespmem:$0x19000] =	vst v63  }
0x460: {  	_ =	swait.ge [sflag:s6], $0x4000  }
0x461: {  	[sflag:s6] =	ssyncset.done $0x0  }
0x462: {  	[sflag:s6] =	ssyncadd.s32 $0xFFFFC000  }
0x463: {  	_ =	swait.ge [sflag:s6], $0x4000  }
0x464: {  	[sflag:s6] =	ssyncset.done $0x0  }
0x465: {  	[sflag:s6] =	ssyncadd.s32 $0xFFFFC000  }
0x466: {  	_ =	swait.ge [sflag:s6], $0x4000  }
0x467: {  	[sflag:s6] =	ssyncset.done $0x0  }
0x468: {  	[sflag:s6] =	ssyncadd.s32 $0xFFFFC000  }
0x469: {  	_ =	swait.ge [sflag:s6], $0x4000  }
0x46a: {  	[sflag:s6] =	ssyncset.done $0x0  }
0x46b: {  	[sflag:s6] =	ssyncadd.s32 $0xFFFFC000  }
0x46c: {  	_ =	swait.ge [sflag:s6], $0x4000  }
0x46d: {  	[sflag:s6] =	ssyncset.done $0x0  }
0x46e: {  	[sflag:s6] =	ssyncadd.s32 $0xFFFFC000  }
0x46f: {  	_ =	swait.ge [sflag:s6], $0x4000  }
0x470: {  	[sflag:s6] =	ssyncset.done $0x0  }
0x471: {  	[sflag:s6] =	ssyncadd.s32 $0xFFFFC000  }
0x472: {  	_ =	swait.ge [sflag:s6], $0x4000  }
0x473: {  	[sflag:s6] =	ssyncset.done $0x0  }
0x474: {  	[sflag:s6] =	ssyncadd.s32 $0xFFFFC000  }
0x475: {  	_ =	swait.ge [sflag:s6], $0x4000  }
0x476: {  	[sflag:s6] =	ssyncset.done $0x0  }
0x477: {  	[sflag:s6] =	ssyncadd.s32 $0xFFFFC000  }
0x478: {  	[spmem:s2] =	stream.indirect.scatter.add.f32 [tilespmem:s7], [sflag:$0x1], $0x80, s19, s8, $0xb8;
	[tilespmem:$0x19000] =	vst v63  }
0x479: {  	_ = 	snop  }
0x47a: {  	[spmem:s2] =	stream.indirect.scatter.add.f32 [tilespmem:s7], [sflag:$0x1], $0x80, s20, s8, $0xb8;
	[tilespmem:$0x19000] =	vst v63  }
0x47b: {  	_ = 	snop  }
0x47c: {  	[spmem:s2] =	stream.indirect.scatter.add.f32 [tilespmem:s7], [sflag:$0x1], $0x80, s21, s8, $0xb8;
	[tilespmem:$0x19000] =	vst v63  }
0x47d: {  	_ = 	snop  }
0x47e: {  	[spmem:s2] =	stream.indirect.scatter.add.f32 [tilespmem:s7], [sflag:$0x1], $0x80, s22, s8, $0xb8;
	[tilespmem:$0x19000] =	vst v63  }
0x47f: {  	_ = 	snop  }
0x480: {  	[spmem:s2] =	stream.indirect.scatter.add.f32 [tilespmem:s7], [sflag:$0x1], $0x80, s23, s8, $0xb8;
	[tilespmem:$0x19000] =	vst v63  }
0x481: {  	_ = 	snop  }
0x482: {  	[spmem:s2] =	stream.indirect.scatter.add.f32 [tilespmem:s7], [sflag:$0x1], $0x80, s31, s8, $0xb8;
	[tilespmem:$0x19000] =	vst v63  }
0x483: {  	s13 =	simm.s32 $0xB00  }
0x484: {  	[spmem:s2] =	stream.indirect.scatter.add.f32 [tilespmem:s7], [sflag:$0x1], $0x80, s13, s8, $0xb8;
	[tilespmem:$0x19000] =	vst v63  }
0x485: {  	s19 =	simm.s32 $0xB80  }
0x486: {  	[spmem:s2] =	stream.indirect.scatter.add.f32 [tilespmem:s7], [sflag:$0x1], $0x80, s19, s8, $0xb8;
	[tilespmem:$0x19000] =	vst v63  }
0x487: {  	_ =	swait.ge [sflag:s6], $0x4000  }
0x488: {  	[sflag:s6] =	ssyncset.done $0x0  }
0x489: {  	[sflag:s6] =	ssyncadd.s32 $0xFFFFC000  }
0x48a: {  	_ =	swait.ge [sflag:s6], $0x4000  }
0x48b: {  	[sflag:s6] =	ssyncset.done $0x0  }
0x48c: {  	[sflag:s6] =	ssyncadd.s32 $0xFFFFC000  }
0x48d: {  	_ =	swait.ge [sflag:s6], $0x4000  }
0x48e: {  	[sflag:s6] =	ssyncset.done $0x0  }
0x48f: {  	[sflag:s6] =	ssyncadd.s32 $0xFFFFC000  }
0x490: {  	_ =	swait.ge [sflag:s6], $0x4000  }
0x491: {  	[sflag:s6] =	ssyncset.done $0x0  }
0x492: {  	[sflag:s6] =	ssyncadd.s32 $0xFFFFC000  }
0x493: {  	_ =	swait.ge [sflag:s6], $0x4000  }
0x494: {  	[sflag:s6] =	ssyncset.done $0x0  }
0x495: {  	[sflag:s6] =	ssyncadd.s32 $0xFFFFC000  }
0x496: {  	_ =	swait.ge [sflag:s6], $0x4000  }
0x497: {  	[sflag:s6] =	ssyncset.done $0x0  }
0x498: {  	[sflag:s6] =	ssyncadd.s32 $0xFFFFC000  }
0x499: {  	_ =	swait.ge [sflag:s6], $0x4000  }
0x49a: {  	[sflag:s6] =	ssyncset.done $0x0  }
0x49b: {  	[sflag:s6] =	ssyncadd.s32 $0xFFFFC000  }
0x49c: {  	_ =	swait.ge [sflag:s6], $0x4000  }
0x49d: {  	[sflag:s6] =	ssyncset.done $0x0  }
0x49e: {  	s20 =	simm.s32 $0xC00;
	[sflag:s6] =	ssyncadd.s32 $0xFFFFC000  }
0x49f: {  	[spmem:s2] =	stream.indirect.scatter.add.f32 [tilespmem:s7], [sflag:$0x1], $0x80, s20, s8, $0xb8;
	[tilespmem:$0x19000] =	vst v63  }
0x4a0: {  	s21 =	simm.s32 $0xC80  }
0x4a1: {  	[spmem:s2] =	stream.indirect.scatter.add.f32 [tilespmem:s7], [sflag:$0x1], $0x80, s21, s8, $0xb8;
	[tilespmem:$0x19000] =	vst v63  }
0x4a2: {  	s22 =	simm.s32 $0xD00  }
0x4a3: {  	[spmem:s2] =	stream.indirect.scatter.add.f32 [tilespmem:s7], [sflag:$0x1], $0x80, s22, s8, $0xb8;
	[tilespmem:$0x19000] =	vst v63  }
0x4a4: {  	_ = 	snop  }
0x4a5: {  	[spmem:s2] =	stream.indirect.scatter.add.f32 [tilespmem:s7], [sflag:$0x1], $0x80, s14, s8, $0xb8;
	[tilespmem:$0x19000] =	vst v63  }
0x4a6: {  	_ = 	snop  }
0x4a7: {  	[spmem:s2] =	stream.indirect.scatter.add.f32 [tilespmem:s7], [sflag:$0x1], $0x80, s15, s8, $0xb8;
	[tilespmem:$0x19000] =	vst v63  }
0x4a8: {  	_ = 	snop  }
0x4a9: {  	[spmem:s2] =	stream.indirect.scatter.add.f32 [tilespmem:s7], [sflag:$0x1], $0x80, s16, s8, $0xb8;
	[tilespmem:$0x19000] =	vst v63  }
0x4aa: {  	_ = 	snop  }
0x4ab: {  	[spmem:s2] =	stream.indirect.scatter.add.f32 [tilespmem:s7], [sflag:$0x1], $0x80, s17, s8, $0xb8;
	[tilespmem:$0x19000] =	vst v63  }
0x4ac: {  	_ = 	snop  }
0x4ad: {  	[spmem:s2] =	stream.indirect.scatter.add.f32 [tilespmem:s7], [sflag:$0x1], $0x80, s18, s8, $0xb8;
	[tilespmem:$0x19000] =	vst v63  }
0x4ae: {  	_ =	swait.ge [sflag:s6], $0x4000  }
0x4af: {  	[sflag:s6] =	ssyncset.done $0x0  }
0x4b0: {  	[sflag:s6] =	ssyncadd.s32 $0xFFFFC000  }
0x4b1: {  	_ =	swait.ge [sflag:s6], $0x4000  }
0x4b2: {  	[sflag:s6] =	ssyncset.done $0x0  }
0x4b3: {  	[sflag:s6] =	ssyncadd.s32 $0xFFFFC000  }
0x4b4: {  	_ =	swait.ge [sflag:s6], $0x4000  }
0x4b5: {  	[sflag:s6] =	ssyncset.done $0x0  }
0x4b6: {  	[sflag:s6] =	ssyncadd.s32 $0xFFFFC000  }
0x4b7: {  	_ =	swait.ge [sflag:s6], $0x4000  }
0x4b8: {  	[sflag:s6] =	ssyncset.done $0x0  }
0x4b9: {  	[sflag:s6] =	ssyncadd.s32 $0xFFFFC000  }
0x4ba: {  	_ =	swait.ge [sflag:s6], $0x4000  }
0x4bb: {  	[sflag:s6] =	ssyncset.done $0x0  }
0x4bc: {  	[sflag:s6] =	ssyncadd.s32 $0xFFFFC000  }
0x4bd: {  	_ =	swait.ge [sflag:s6], $0x4000  }
0x4be: {  	[sflag:s6] =	ssyncset.done $0x0  }
0x4bf: {  	[sflag:s6] =	ssyncadd.s32 $0xFFFFC000  }
0x4c0: {  	_ =	swait.ge [sflag:s6], $0x4000  }
0x4c1: {  	[sflag:s6] =	ssyncset.done $0x0  }
0x4c2: {  	[sflag:s6] =	ssyncadd.s32 $0xFFFFC000  }
0x4c3: {  	_ =	swait.ge [sflag:s6], $0x4000  }
0x4c4: {  	[sflag:s6] =	ssyncset.done $0x0  }
0x4c5: {  	s23 =	simm.s32 $0x1000;
	[sflag:s6] =	ssyncadd.s32 $0xFFFFC000  }
0x4c6: {  	[spmem:s2] =	stream.indirect.scatter.add.f32 [tilespmem:s7], [sflag:$0x1], $0x80, s23, s8, $0xb8;
	[tilespmem:$0x19000] =	vst v63  }
0x4c7: {  	s24 =	simm.s32 $0x1080  }
0x4c8: {  	[spmem:s2] =	stream.indirect.scatter.add.f32 [tilespmem:s7], [sflag:$0x1], $0x80, s24, s8, $0xb8;
	[tilespmem:$0x19000] =	vst v63  }
0x4c9: {  	_ = 	snop  }
0x4ca: {  	[spmem:s2] =	stream.indirect.scatter.add.f32 [tilespmem:s7], [sflag:$0x1], $0x80, s25, s8, $0xb8;
	[tilespmem:$0x19000] =	vst v63  }
0x4cb: {  	_ = 	snop  }
0x4cc: {  	[spmem:s2] =	stream.indirect.scatter.add.f32 [tilespmem:s7], [sflag:$0x1], $0x80, s26, s8, $0xb8;
	[tilespmem:$0x19000] =	vst v63  }
0x4cd: {  	_ = 	snop  }
0x4ce: {  	[spmem:s2] =	stream.indirect.scatter.add.f32 [tilespmem:s7], [sflag:$0x1], $0x80, s28, s8, $0xb8;
	[tilespmem:$0x19000] =	vst v63  }
0x4cf: {  	_ = 	snop  }
0x4d0: {  	[spmem:s2] =	stream.indirect.scatter.add.f32 [tilespmem:s7], [sflag:$0x1], $0x80, s29, s8, $0xb8;
	[tilespmem:$0x19000] =	vst v63  }
0x4d1: {  	_ = 	snop  }
0x4d2: {  	[spmem:s2] =	stream.indirect.scatter.add.f32 [tilespmem:s7], [sflag:$0x1], $0x80, s30, s8, $0xb8;
	[tilespmem:$0x19000] =	vst v63  }
0x4d3: {  	s29 =	simm.s32 $0x1380  }
0x4d4: {  	[spmem:s2] =	stream.indirect.scatter.add.f32 [tilespmem:s7], [sflag:$0x1], $0x80, s29, s8, $0xb8;
	[tilespmem:$0x19000] =	vst v63  }
0x4d5: {  	_ =	swait.ge [sflag:s6], $0x4000  }
0x4d6: {  	[sflag:s6] =	ssyncset.done $0x0  }
0x4d7: {  	[sflag:s6] =	ssyncadd.s32 $0xFFFFC000  }
0x4d8: {  	_ =	swait.ge [sflag:s6], $0x4000  }
0x4d9: {  	[sflag:s6] =	ssyncset.done $0x0  }
0x4da: {  	[sflag:s6] =	ssyncadd.s32 $0xFFFFC000  }
0x4db: {  	_ =	swait.ge [sflag:s6], $0x4000  }
0x4dc: {  	[sflag:s6] =	ssyncset.done $0x0  }
0x4dd: {  	[sflag:s6] =	ssyncadd.s32 $0xFFFFC000  }
0x4de: {  	_ =	swait.ge [sflag:s6], $0x4000  }
0x4df: {  	[sflag:s6] =	ssyncset.done $0x0  }
0x4e0: {  	[sflag:s6] =	ssyncadd.s32 $0xFFFFC000  }
0x4e1: {  	_ =	swait.ge [sflag:s6], $0x4000  }
0x4e2: {  	[sflag:s6] =	ssyncset.done $0x0  }
0x4e3: {  	[sflag:s6] =	ssyncadd.s32 $0xFFFFC000  }
0x4e4: {  	_ =	swait.ge [sflag:s6], $0x4000  }
0x4e5: {  	[sflag:s6] =	ssyncset.done $0x0  }
0x4e6: {  	[sflag:s6] =	ssyncadd.s32 $0xFFFFC000  }
0x4e7: {  	_ =	swait.ge [sflag:s6], $0x4000  }
0x4e8: {  	[sflag:s6] =	ssyncset.done $0x0  }
0x4e9: {  	[sflag:s6] =	ssyncadd.s32 $0xFFFFC000  }
0x4ea: {  	_ =	swait.ge [sflag:s6], $0x4000  }
0x4eb: {  	[sflag:s6] =	ssyncset.done $0x0  }
0x4ec: {  	[sflag:s6] =	ssyncadd.s32 $0xFFFFC000  }
0x4ed: {  	[bflag:$0x0] =	sbarrier.arrive $0xFFFF  }
0x4ee: {  	s30 =	rddreg [dreg:$0x7]  }
0x4ef: {  	[hbm:s30], [sflag:s3] =	dma.local [spmem:s5], $0x2780  }
0x4f0: {  	_ =	swait.ge [sflag:s4], $0x2780  }
0x4f1: {  	[sflag:s4] =	ssyncset.done $0x0  }
0x4f2: {  	[sflag:s4] =	ssyncadd.s32 $0xFFFFD880  }
0x4f3: {  	_ =	sfence.sel $0x180000  }
0x4f4: {  	[bflag:$0x0] =	sbarrier.arrive $0xFFFF  }
0x4f5: {  	_ =	strace $0x90000047  }
0x4f6: {  	s31 =	stileid.u32;
	[bflag:$0x2] =	sbarrier.arrive $0xFFFF  }
0x4f7: {  	p0 =	sne.s32 s31, $0x0;
	s0 =	rddreg [dreg:$0x2]  }
0x4f8: {  	s0 =	sadd.s32 @!p0 $0x100000, s0  }
0x4f9: {  	[sflag:s0] =	ssyncadd.tile.s32 @!p0 $0x1;
	_ =	shalt  }
.LBB2_6:
.Ltmp3:
0x4fa: {  	(pc) =	sbr.rel .LBB2_5-.Ltmp3, $2  }
0x4fb: {  	_ =	sdelay $0x2  }
0x4fc: {  	s9 =	simm.s32 $0x0  }
.Lfunc_end2:
_tile_overlayer_lowered:
.L_overlay_start_2:
0x4fd: {  	(tag) =	ssettag $0x2  }
0x4fe: {  	s0 =	rddreg [dreg:$0x0];
	s2 =	stileid.u32  }
0x4ff: {  	s1 =	rddreg [dreg:$0x1];
	p0 =	sne.s32 s2, $0x0  }
0x500: {  	s3 =	rddreg [dreg:$0x2];
	[bflag:$0x3] =	sbarrier.arrive $0xFFFF;
	s2 =	simm.s32 @!p0 $0x1C02  }
0x501: {  	[timem:s3], [sflag:s2] =	dma.local @!p0 [hbm:s0], s1  }
0x502: {  	s0 =	simm.s32 @!p0 $0x2  }
0x503: {  	_ =	swait.ge @!p0 [sflag:s0], s1  }
0x504: {  	s1 =	ssub.s32 @!p0 $0x0, s1;
	[sflag:s0] =	ssyncset.done @!p0 $0x0  }
0x505: {  	[sflag:s0] =	ssyncadd.s32 @!p0 s1  }
0x506: {  	[bflag:$0x3] =	sbarrier.arrive $0xFFFF  }
0x507: {  	_ =	shalt  }

// kernel: kernel.15.cloned.1.call-start
scs
__scs_entry_jumppad:
0x0: {  	(pc) =	sbr.rel $0x88, $3  }
0x1: {  	(tag) =	ssettag $0x0;
	lr =	simm.s32 $0x1  }
0x2: {  	[smem:$0x3F8A] =	sst lr;
	_ =	strace $0xD0000000  }
0x3: {  	_ = 	snop  }
0x4: {  	_ = 	snop  }
0x5: {  	_ = 	snop  }
0x6: {  	_ = 	snop  }
0x7: {  	_ = 	snop  }
__scs_overlays_trampoline_lowered:
0x8: {  	[smem:$0x3F99] =	sst s0  }
0x9: {  	[smem:$0x3F9A] =	sst s1  }
0xa: {  	[smem:$0x3F9B] =	sst s2  }
0xb: {  	[smem:$0x3F9C] =	sst s3  }
0xc: {  	[smem:$0x3F9D] =	sst s4  }
0xd: {  	[smem:$0x3F9E] =	sst s5  }
0xe: {  	[smem:$0x3F9F] =	sst s6  }
0xf: {  	[smem:$0x3FA0] =	sst s7  }
0x10: {  	[smem:$0x3FA1] =	sst s8  }
0x11: {  	[smem:$0x3FA2] =	sst s9;
	s0 =	simm.s32 @!p0 $0x0  }
0x12: {  	s1 =	sld [smem:$0x3F88];
	s0 =	simm.s32 @p0 $0x1  }
0x13: {  	[smem:$0x3FA3] =	sst s0;
	s0 =	simm.s32 @!p1 $0x0  }
0x14: {  	s2 =	sld [smem:$0x3F87];
	s0 =	simm.s32 @p1 $0x1  }
0x15: {  	[smem:$0x3FA4] =	sst s0;
	s0 =	simm.s32 @!p2 $0x0  }
0x16: {  	s3 =	sld [smem:$0x3FDB];
	s0 =	simm.s32 @p2 $0x1  }
0x17: {  	s4 =	simm.s32 $0x1BF5;
	[smem:$0x3FA6] =	sst s0  }
0x18: {  	s0 =	sld [smem:$0x3F89];
	_ =	swait.ge [sflag:s4], $0x0  }
0x19: {  	s7 =	sld [smem:$0x3F8A]  }
0x1a: {  	s8 =	sadd.s32 $0xFFFFE003, lr  }
0x1b: {  	s9 =	sadd.s32 $0xFFFFFEF7, lr;
	s5 =	simm.s32 $0xFFFFFFFF;
	p2 =	slt.u32 s8, $0xFFFFF086  }
0x1c: {  	p1 =	slt.u32 s9, $0xF7A;
	s5 =	simm.s32 @!p2 $0x0  }
0x1d: {  	s5 =	simm.s32 @p1 $0x1;
	p0 =	seq.s32 s7, s2  }
0x1e: {  	s7 =	smul.u32 @!p0 $0xF7A, s2;
	p2 =	seq.s32 @!p0 s5, $0x0  }
0x1f: {  	s9 =	smul.u32 $0xF7A, s1;
	s8 =	simm.s32 @!p0 $0x1BF5;
	p2 =	por !p2, p0  }
0x20: {  	[sflag:s8] =	ssyncset.s32 @!p0 $0xFFFFF086;
	s6 =	sadd.s32 @!p0 s3, s7;
	s7 =	simm.s32 @!p0 $0x108  }
0x21: {  	s3 =	sadd.s32 s3, s9;
	s6 =	sadd.s32 @!p0 $0x88, s6;
	s7 =	simm.s32 @p2 $0x1082  }
0x22: {  	[simem:s7], [sflag:s8] =	dma.local @!p0 [hbm:s6], $0xF7A  }
0x23: {  	s9 =	sor.u32 $0xD0000000, s2;
	s6 =	simm.s32 $0x108;
	_ =	swait.ge @!p0 [sflag:s8], $0x0  }
0x24: {  	s3 =	sadd.s32 $0x88, s3;
	s6 =	simm.s32 @!p1 $0x1082;
	[sflag:s4] =	ssyncset.s32 $0xFFFFF086  }
0x25: {  	[simem:s6], [sflag:s4] =	dma.local [hbm:s3], $0xF7A  }
0x26: {  	[smem:$0x3F8A] =	sst s1;
	(tag) =	ssettag s2;
	_ =	strace s9  }
0x27: {  	s1 =	sld [smem:$0x3F9A]  }
0x28: {  	s2 =	sld [smem:$0x3F9B]  }
0x29: {  	s4 =	sld [smem:$0x3F9D]  }
0x2a: {  	p0 =	seq.s32 s5, $0x0;
	s5 =	sld [smem:$0x3F9E]  }
0x2b: {  	s6 =	sld [smem:$0x3F9F]  }
0x2c: {  	s7 =	sld [smem:$0x3FA0]  }
0x2d: {  	s3 =	simm.s32 $0x108;
	s8 =	sld [smem:$0x3FA1]  }
0x2e: {  	s3 =	simm.s32 @!p0 $0x1082;
	s9 =	sld [smem:$0x3FA2]  }
0x2f: {  	lr =	sadd.s32 s0, s3;
	s0 =	sld [smem:$0x3F99]  }
0x30: {  	s3 =	sld [smem:$0x3F9C]  }
0x31: {  	[smem:$0x3FA5] =	sst s10  }
0x32: {  	s10 =	sld [smem:$0x3FA3];
	_ =	sdelay $0x3  }
0x33: {  	p0 =	seq.s32 s10, $0x1;
	s10 =	sld [smem:$0x3FA5];
	_ =	sdelay $0x3  }
0x34: {  	[smem:$0x3FA5] =	sst s10  }
0x35: {  	s10 =	sld [smem:$0x3FA4];
	_ =	sdelay $0x3  }
0x36: {  	p1 =	seq.s32 s10, $0x1;
	s10 =	sld [smem:$0x3FA5];
	_ =	sdelay $0x3  }
0x37: {  	[smem:$0x3FA5] =	sst s10  }
0x38: {  	s10 =	sld [smem:$0x3FA6]  }
0x39: {  	_ = 	snop;
	(pc) =	sbr.ind lr, $3  }
0x3a: {  	_ = 	snop  }
0x3b: {  	_ = 	snop  }
0x3c: {  	p2 =	seq.s32 s10, $0x1;
	s10 =	sld [smem:$0x3FA5]  }
0x3d: {  	_ =	shalt  }
0x3e: {  	_ =	shalt  }
0x3f: {  	_ =	shalt  }
0x40: {  	_ =	shalt  }
0x41: {  	_ =	shalt  }
0x42: {  	_ =	shalt  }
0x43: {  	_ =	shalt  }
0x44: {  	_ =	shalt  }
0x45: {  	_ =	shalt  }
0x46: {  	_ =	shalt  }
0x47: {  	_ =	shalt  }
0x48: {  	_ =	shalt  }
0x49: {  	_ =	shalt  }
0x4a: {  	_ =	shalt  }
0x4b: {  	_ =	shalt  }
0x4c: {  	_ =	shalt  }
0x4d: {  	_ =	shalt  }
0x4e: {  	_ =	shalt  }
0x4f: {  	_ =	shalt  }
0x50: {  	_ =	shalt  }
0x51: {  	_ =	shalt  }
0x52: {  	_ =	shalt  }
0x53: {  	_ =	shalt  }
0x54: {  	_ =	shalt  }
0x55: {  	_ =	shalt  }
0x56: {  	_ =	shalt  }
0x57: {  	_ =	shalt  }
0x58: {  	_ =	shalt  }
0x59: {  	_ =	shalt  }
0x5a: {  	_ =	shalt  }
0x5b: {  	_ =	shalt  }
0x5c: {  	_ =	shalt  }
0x5d: {  	_ =	shalt  }
0x5e: {  	_ =	shalt  }
0x5f: {  	_ =	shalt  }
0x60: {  	_ =	shalt  }
0x61: {  	_ =	shalt  }
0x62: {  	_ =	shalt  }
0x63: {  	_ =	shalt  }
0x64: {  	_ =	shalt  }
0x65: {  	_ =	shalt  }
0x66: {  	_ =	shalt  }
0x67: {  	_ =	shalt  }
0x68: {  	_ =	shalt  }
0x69: {  	_ =	shalt  }
0x6a: {  	_ =	shalt  }
0x6b: {  	_ =	shalt  }
0x6c: {  	_ =	shalt  }
0x6d: {  	_ =	shalt  }
0x6e: {  	_ =	shalt  }
0x6f: {  	_ =	shalt  }
0x70: {  	_ =	shalt  }
0x71: {  	_ =	shalt  }
0x72: {  	_ =	shalt  }
0x73: {  	_ =	shalt  }
0x74: {  	_ =	shalt  }
0x75: {  	_ =	shalt  }
0x76: {  	_ =	shalt  }
0x77: {  	_ =	shalt  }
0x78: {  	_ =	shalt  }
0x79: {  	_ =	shalt  }
0x7a: {  	_ =	shalt  }
0x7b: {  	_ =	shalt  }
0x7c: {  	_ =	shalt  }
0x7d: {  	_ =	shalt  }
0x7e: {  	_ =	shalt  }
0x7f: {  	_ =	shalt  }
0x80: {  	_ =	shalt  }
0x81: {  	_ =	shalt  }
0x82: {  	_ =	shalt  }
0x83: {  	_ =	shalt  }
0x84: {  	_ =	shalt  }
0x85: {  	_ =	shalt  }
0x86: {  	_ =	shalt  }
0x87: {  	_ =	shalt  }
.Lfunc_end0:
.L_simem_size_0:
called_computation.1_lowered:
.L_overlay_start_0:
0x88: {  	s2 =	sld [smem:$0x3FD9]  }
0x89: {  	s3 =	sld [smem:$0x3FFE];
	_ =	sdelay $0x1  }
0x8a: {  	s1 =	srdreg.scid  }
0x8b: {  	s0 =	sand.u32 $0x1, s1  }
0x8c: {  	s16 =	sshll.u32 s0, $0xA;
	s2 =	sadd.s32 s3, s2  }
0x8d: {  	s2 =	sadd.s32 s2, s16  }
0x8e: {  	[smem:$0x3FB1] =	sst s2  }
0x8f: {  	_ = 	snop  }
0x90: {  	(tm) =	ssettm $0x1  }
0x91: {  	s17 =	sld [smem:$0x3FFB];
	_ =	sdelay $0x3  }
0x92: {  	_ =	strace s17  }
0x93: {  	s2 =	sld [smem:$0x3FFC];
	_ =	sdelay $0x3  }
0x94: {  	_ =	strace s2  }
0x95: {  	s2 =	sld [smem:$0x3FFD];
	_ =	sdelay $0x3  }
0x96: {  	_ =	strace s2  }
0x97: {  	_ =	strace $0x8FFFFFFF  }
0x98: {  	s18 =	sld [smem:$0x3FDB];
	_ =	sdelay $0x1  }
0x99: {  	s19 =	simm.s32 $_scs_section_size  }
0x9a: {  	s4 =	simm.s32 $_size__tile_overlayer_lowered;
	s5 =	simm.s32 $_tile_overlayer_lowered  }
0x9b: {  	s22 =	simm.s32 $0x1BFF;
	s21 =	sshll.u32 s5, $0x1;
	s2 =	sadd.s32 s19, s18  }
0x9c: {  	s6 =	simm.s32 $0x0;
	s20 =	sshll.u32 s4, $0x1;
	s4 =	sadd.s32 s21, s2  }
0x9d: {  	[timem:s6], [sflag:s22] =	dma.local [hbm:s4], s20  }
0x9e: {  	_ =	swait.ge [sflag:s22], s20  }
0x9f: {  	s3 =	ssub.s32 $0x0, s20;
	[sflag:s22] =	ssyncset.done $0x0  }
0xa0: {  	[sflag:s22] =	ssyncadd.s32 s3;
	_ =	sdelay $0x1  }
0xa1: {  	s23 =	simm.s32 $0x1B8B  }
0xa2: {  	_ =	swait.ge [sflag:s23], $0x1  }
0xa3: {  	[sflag:s23] =	ssyncset.done $0x0  }
0xa4: {  	s25 =	simm.s32 $0x1B8E;
	s24 =	sld [smem:$0x3FFE];
	[sflag:s23] =	ssyncadd.s32 $0xFFFFFFFF  }
0xa5: {  	s26 =	simm.s32 $execute0_lowered;
	[smem:$0x3FD2] =	sst s25  }
0xa6: {  	s4 =	sshll.u32 s26, $0x1;
	_ =	strace $0x80000049;
	[dreg:$0x1] =	wrdreg $0xFFFFFFFF  }
0xa7: {  	s28 =	simm.s32 $_size_execute0_lowered;
	s2 =	sadd.s32 s2, s4;
	[dreg:$0x0] =	wrdreg $0x0  }
0xa8: {  	s4 =	sshll.u32 s28, $0x1;
	[dreg:$0x2] =	wrdreg s2  }
0xa9: {  	[dreg:$0x3] =	wrdreg s4  }
0xaa: {  	[dreg:$0x4] =	wrdreg $0xC0  }
0xab: {  	_ =	task [dreg:s6], $0x5FFFF  }
0xac: {  	[dreg:$0x1] =	wrdreg $0xFFFFFFFF  }
0xad: {  	[dreg:$0x0] =	wrdreg $0x60  }
0xae: {  	[dreg:$0x2] =	wrdreg s24  }
0xaf: {  	[dreg:$0x3] =	wrdreg $0xA8000  }
0xb0: {  	[dreg:$0x4] =	wrdreg $0x9  }
0xb1: {  	_ =	task.clear_ibuf [dreg:s6], $0x5FFFF;
	_ =	strace $0x90000049  }
0xb2: {  	s29 =	simm.s32 $0x9;
	_ =	strace $0x8000004B  }
0xb3: {  	_ =	swait.ge [sflag:s29], $0x1  }
0xb4: {  	[sflag:s29] =	ssyncadd.s32 $0xFFFFFFFF  }
0xb5: {  	_ =	strace $0x9000004B  }
0xb6: {  	_ =	sfence  }
0xb7: {  	s30 =	sld [smem:$0x0];
	_ =	sdelay $0x2  }
0xb8: {  	s31 =	sshll.u32 s1, $0xD;
	s1 =	sshrl.u32 s1, $0x2  }
0xb9: {  	s3 =	sand.u32 $0x4000, s31;
	s1 =	sadd.s32 s1, s30  }
0xba: {  	s0 =	sor.u32 s3, s0;
	s1 =	sshll.u32 s1, $0x11  }
0xbb: {  	s0 =	sor.u32 s1, s0  }
0xbc: {  	s0 =	sadd.s32 $0x8F2B, s0  }
0xbd: {  	[sflag:s0] =	ssyncadd.remote.s32 $0x1  }
0xbe: {  	_ =	sfence.sel $0xFFFF  }
0xbf: {  	[dreg:$0x0] =	wrdreg $0xFFFFFFFF;
	(pc) =	sbr.abs _section_cstart, $3  }
0xc0: {  	[dreg:$0x1] =	wrdreg $0xFFFFFFFF  }
0xc1: {  	_ =	task.clear_ibuf [dreg:s6], $0x2FFFF;
	_ =	strace $0x9FFFFFFF  }
0xc2: {  	(tm) =	ssettm $0x7FFFFFFF  }
0xc3: {  	_ =	shalt  }
tec
execute0_lowered:
.L_overlay_start_1:
0x0: {  	(tag) =	ssettag $0x1  }
0x1: {  	s5 =	rddreg [dreg:$0x0]  }
0x2: {  	s2 =	rddreg [dreg:$0x1]  }
0x3: {  	s0 =	rddreg [dreg:$0x2];
	s3 =	simm.s32 $0x0;
	s4 =	srdreg.scid  }
0x4: {  	s1 =	stileid.u32;
	s16 =	simm.s32 $0x80;
	s17 =	simm.s32 $0x2800  }
0x5: {  	s18 =	simm.s32 $0x6800;
	s19 =	simm.s32 $0x1;
	s20 =	simm.s32 $0x2  }
0x6: {  	s21 =	simm.s32 $0x1380;
	s22 =	simm.s32 $0x2700;
	s23 =	simm.s32 $0x2780  }
0x7: {  	s24 =	simm.s32 $0x0;
	[smem:$0x7FF] =	sst s3;
	s6 =	sand.u32 $0x1, s4  }
0x8: {  	s7 =	smul.u32 $0x13C00, s1;
	s9 =	sadd.s32 $0xF400, s5;
	s10 =	sadd.s32 $0x5400, s5  }
0x9: {  	s4 =	sadd.s32 $0x19400, s5;
	s11 =	smul.u32 $0x4F000, s1;
	s29 =	sshll.u32 s1, $0x6  }
0xa: {  	s8 =	smul.u32 $0x13C000, s6;
	s12 =	sshll.u32 s6, $0x4;
	s6 =	ssub.s32 $0x2, s6  }
0xb: {  	_ =	strace $0x8000004A;
	s12 =	sor.u32 s1, s12;
	s13 =	sshrl.u32 s6, $0x1  }
0xc: {  	s11 =	sshrl.u32 s11, $0x2;
	s28 =	sshrl.u32 s7, $0x3;
	s8 =	sadd.s32 s7, s8  }
0xd: {  	s12 =	smul.u32 $0x2800, s12;
	s13 =	ssub.s32 s6, s13;
	s8 =	sshrl.u32 s8, $0x3  }
0xe: {  	s15 =	sadd.s32 s11, s2;
	s6 =	sor.u32 $0x1C03, s29;
	s14 =	sadd.s32 s8, s5  }
0xf: {  	s30 =	sshrl.u32 s12, $0x3;
	s5 =	sadd.s32 s4, s28;
	s12 =	smax.u32 s13, $0x1  }
0x10: {  	s13 =	sshrl.u32 s15, $0x3;
	s15 =	simm.s32 $0x1400;
	s31 =	sadd.s32 $0x280, s30  }
0x11: {  	s7 =	sadd.s32 s9, s30;
	s8 =	sadd.s32 s10, s30;
	s11 =	sadd.s32 $0x40C00, s14  }
0x12: {  	s14 =	simm.s32 $0x3;
	s9 =	sadd.s32 s9, s31;
	s10 =	sadd.s32 s10, s31  }
.LBB2_1:
0x13: {  	[spmem:s13], [sflag:s6] =	dma.local [hbm:s5], $0x2780  }
0x14: {  	_ =	swait.ge [sflag:s14], $0x2780  }
0x15: {  	[sflag:s14] =	ssyncset.done $0x0  }
0x16: {  	[sflag:s14] =	ssyncadd.s32 $0xFFFFD880  }
0x17: {  	[bflag:$0x0] =	sbarrier.arrive $0xFFFF  }
0x18: {  	[tilespmem:s3], [sflag:$0x3] =	stream.linear.gather [hbm4b:s7+s3], $0x1400, $0x38;
	[tilespmem:$0x1E400] =	vst v63  }
0x19: {  	_ =	swait.ge [sflag:s14], $0x1400  }
0x1a: {  	[sflag:s14] =	ssyncset.done $0x0  }
0x1b: {  	[sflag:s14] =	ssyncadd.s32 $0xFFFFEC00  }
0x1c: {  	[tilespmem:s15], [sflag:$0x3] =	stream.linear.gather [hbm4b:s8+s3], $0x1400, $0x38;
	[tilespmem:$0x1E400] =	vst v63  }
0x1d: {  	_ =	swait.ge [sflag:s14], $0x1400  }
0x1e: {  	[sflag:s14] =	ssyncset.done $0x0  }
0x1f: {  	[sflag:s14] =	ssyncadd.s32 $0xFFFFEC00  }
0x20: {  	[tilespmem:s17], [sflag:$0x1] =	stream.indirect.gather [hbm4b:s4+s16], $0x80, s3, s16, $0xb8;
	[tilespmem:$0x1E400] =	vst v63  }
0x21: {  	s25 =	simm.s32 $0x80  }
0x22: {  	[tilespmem:s18], [sflag:$0x2] =	stream.indirect.gather [hbm4b:s4+s16], $0x80, s25, s16, $0xb8;
	[tilespmem:$0x1E400] =	vst v63  }
0x23: {  	_ =	swait.ge [sflag:s19], $0x4000  }
0x24: {  	[sflag:s19] =	ssyncset.done $0x0  }
0x25: {  	s29 =	simm.s32 $0x1400;
	[sflag:s19] =	ssyncadd.s32 $0xFFFFC000  }
0x26: {  	[spmem:s2] =	stream.indirect.scatter.add.f32 [tilespmem:s17], [sflag:$0x3], $0x80, s29, s16, $0xb8;
	[tilespmem:$0x1E400] =	vst v63  }
0x27: {  	_ =	swait.ge [sflag:s14], $0x4000  }
0x28: {  	[sflag:s14] =	ssyncset.done $0x0  }
0x29: {  	s30 =	simm.s32 $0x100;
	[sflag:s14] =	ssyncadd.s32 $0xFFFFC000  }
0x2a: {  	[tilespmem:s17], [sflag:$0x1] =	stream.indirect.gather [hbm4b:s4+s16], $0x80, s30, s16, $0xb8;
	[tilespmem:$0x1E400] =	vst v63  }
0x2b: {  	_ =	swait.ge [sflag:s20], $0x4000  }
0x2c: {  	[sflag:s20] =	ssyncset.done $0x0  }
0x2d: {  	s31 =	simm.s32 $0x1480;
	[sflag:s20] =	ssyncadd.s32 $0xFFFFC000  }
0x2e: {  	[spmem:s2] =	stream.indirect.scatter.add.f32 [tilespmem:s18], [sflag:$0x3], $0x80, s31, s16, $0xb8;
	[tilespmem:$0x1E400] =	vst v63  }
0x2f: {  	_ =	swait.ge [sflag:s14], $0x4000  }
0x30: {  	s26 =	simm.s32 $0x800;
	s25 =	simm.s32 $0x100;
	[sflag:s14] =	ssyncset.done $0x0  }
.LBB2_2:
0x31: {  	s28 =	sadd.s32 $0x80, s25  }
0x32: {  	[sflag:s14] =	ssyncadd.s32 $0xFFFFC000;
	s29 =	smov.u32 s26;
	s30 =	sadd.s32 $0x400, s26  }
0x33: {  	[tilespmem:s18], [sflag:$0x2] =	stream.indirect.gather [hbm4b:s4+s16], $0x80, s28, s16, $0xb8;
	[tilespmem:$0x1E400] =	vst v63  }
0x34: {  	p0 =	sne.s32 s26, $0x4800;
	_ =	swait.ge [sflag:s19], $0x4000  }
0x35: {  	[sflag:s19] =	ssyncset.done $0x0  }
0x36: {  	s26 =	sadd.s32 $0x1400, s25;
	[sflag:s19] =	ssyncadd.s32 $0xFFFFC000  }
0x37: {  	[spmem:s2] =	stream.indirect.scatter.add.f32 [tilespmem:s17], [sflag:$0x3], $0x80, s26, s16, $0xb8;
	[tilespmem:$0x1E400] =	vst v63  }
0x38: {  	_ =	swait.ge [sflag:s14], $0x4000  }
0x39: {  	[sflag:s14] =	ssyncset.done $0x0  }
0x3a: {  	s26 =	sadd.s32 $0x100, s25;
	[sflag:s14] =	ssyncadd.s32 $0xFFFFC000  }
0x3b: {  	[tilespmem:s17], [sflag:$0x1] =	stream.indirect.gather [hbm4b:s4+s16], $0x80, s26, s16, $0xb8;
	[tilespmem:$0x1E400] =	vst v63  }
0x3c: {  	_ =	swait.ge [sflag:s20], $0x4000  }
.Ltmp0:
0x3d: {  	[sflag:s20] =	ssyncset.done $0x0;
	(pc) =	sbr.rel @p0 .LBB2_2-.Ltmp0, $4  }
0x3e: {  	s25 =	sadd.s32 $0x1480, s25;
	[sflag:s20] =	ssyncadd.s32 $0xFFFFC000  }
0x3f: {  	[spmem:s2] =	stream.indirect.scatter.add.f32 [tilespmem:s18], [sflag:$0x3], $0x80, s25, s16, $0xb8;
	[tilespmem:$0x1E400] =	vst v63  }
0x40: {  	_ =	swait.ge [sflag:s14], $0x4000  }
0x41: {  	s26 =	smov.u32 s30;
	s25 =	sshra.s32 s29, $0x2;
	[sflag:s14] =	ssyncset.done $0x0  }
0x42: {  	s26 =	sadd.s32 $0x80, s25;
	[sflag:s14] =	ssyncadd.s32 $0xFFFFC000  }
0x43: {  	[tilespmem:s18], [sflag:$0x2] =	stream.indirect.gather [hbm4b:s4+s16], $0x80, s26, s16, $0xb8;
	[tilespmem:$0x1E400] =	vst v63  }
0x44: {  	_ =	swait.ge [sflag:s19], $0x4000  }
0x45: {  	[sflag:s19] =	ssyncset.done $0x0  }
0x46: {  	s29 =	sadd.s32 $0x1400, s25;
	[sflag:s19] =	ssyncadd.s32 $0xFFFFC000  }
0x47: {  	[spmem:s2] =	stream.indirect.scatter.add.f32 [tilespmem:s17], [sflag:$0x3], $0x80, s29, s16, $0xb8;
	[tilespmem:$0x1E400] =	vst v63  }
0x48: {  	_ =	swait.ge [sflag:s14], $0x4000  }
0x49: {  	[sflag:s14] =	ssyncset.done $0x0  }
0x4a: {  	s30 =	sadd.s32 $0x100, s25;
	[sflag:s14] =	ssyncadd.s32 $0xFFFFC000  }
0x4b: {  	[tilespmem:s17], [sflag:$0x1] =	stream.indirect.gather [hbm4b:s4+s16], $0x80, s30, s16, $0xb8;
	[tilespmem:$0x1E400] =	vst v63  }
0x4c: {  	_ =	swait.ge [sflag:s20], $0x4000  }
0x4d: {  	[sflag:s20] =	ssyncset.done $0x0  }
0x4e: {  	s31 =	sadd.s32 $0x1480, s25;
	[sflag:s20] =	ssyncadd.s32 $0xFFFFC000  }
0x4f: {  	[spmem:s2] =	stream.indirect.scatter.add.f32 [tilespmem:s18], [sflag:$0x3], $0x80, s31, s16, $0xb8;
	[tilespmem:$0x1E400] =	vst v63  }
0x50: {  	_ =	swait.ge [sflag:s14], $0x4000  }
0x51: {  	[sflag:s14] =	ssyncset.done $0x0  }
0x52: {  	[sflag:s14] =	ssyncadd.s32 $0xFFFFC000  }
0x53: {  	[tilespmem:s18], [sflag:$0x2] =	stream.indirect.gather [hbm4b:s4+s16], $0x80, s21, s16, $0xb8;
	[tilespmem:$0x1E400] =	vst v63  }
0x54: {  	_ =	swait.ge [sflag:s19], $0x4000  }
0x55: {  	[sflag:s19] =	ssyncset.done $0x0  }
0x56: {  	[sflag:s19] =	ssyncadd.s32 $0xFFFFC000  }
0x57: {  	[spmem:s2] =	stream.indirect.scatter.add.f32 [tilespmem:s17], [sflag:$0x3], $0x80, s22, s16, $0xb8;
	[tilespmem:$0x1E400] =	vst v63  }
0x58: {  	_ =	swait.ge [sflag:s14], $0x4000  }
0x59: {  	[sflag:s14] =	ssyncset.done $0x0  }
0x5a: {  	[sflag:s14] =	ssyncadd.s32 $0xFFFFC000  }
0x5b: {  	_ =	swait.ge [sflag:s20], $0x4000  }
0x5c: {  	[sflag:s20] =	ssyncset.done $0x0  }
0x5d: {  	[sflag:s20] =	ssyncadd.s32 $0xFFFFC000  }
0x5e: {  	[spmem:s2] =	stream.indirect.scatter.add.f32 [tilespmem:s18], [sflag:$0x3], $0x80, s23, s16, $0xb8;
	[tilespmem:$0x1E400] =	vst v63  }
0x5f: {  	_ =	swait.ge [sflag:s14], $0x4000  }
0x60: {  	[sflag:s14] =	ssyncset.done $0x0  }
0x61: {  	s26 =	simm.s32 $0x0;
	[sflag:s14] =	ssyncadd.s32 $0xFFFFC000  }
0x62: {  	[tilespmem:s26], [sflag:$0x3] =	stream.linear.gather [hbm4b:s9+s26], $0x1400, $0x38;
	[tilespmem:$0x1E400] =	vst v63  }
0x63: {  	_ =	swait.ge [sflag:s14], $0x1400  }
0x64: {  	[sflag:s14] =	ssyncset.done $0x0  }
0x65: {  	[sflag:s14] =	ssyncadd.s32 $0xFFFFEC00  }
0x66: {  	[tilespmem:s15], [sflag:$0x3] =	stream.linear.gather [hbm4b:s10+s26], $0x1400, $0x38;
	[tilespmem:$0x1E400] =	vst v63  }
0x67: {  	_ =	swait.ge [sflag:s14], $0x1400  }
0x68: {  	[sflag:s14] =	ssyncset.done $0x0  }
0x69: {  	[sflag:s14] =	ssyncadd.s32 $0xFFFFEC00  }
0x6a: {  	[tilespmem:s17], [sflag:$0x1] =	stream.indirect.gather [hbm4b:s4+s16], $0x80, s26, s16, $0xb8;
	[tilespmem:$0x1E400] =	vst v63  }
0x6b: {  	s28 =	simm.s32 $0x80  }
0x6c: {  	[tilespmem:s18], [sflag:$0x2] =	stream.indirect.gather [hbm4b:s4+s16], $0x80, s28, s16, $0xb8;
	[tilespmem:$0x1E400] =	vst v63  }
0x6d: {  	_ =	swait.ge [sflag:s19], $0x4000  }
0x6e: {  	[sflag:s19] =	ssyncset.done $0x0  }
0x6f: {  	s29 =	simm.s32 $0x1400;
	[sflag:s19] =	ssyncadd.s32 $0xFFFFC000  }
0x70: {  	[spmem:s2] =	stream.indirect.scatter.add.f32 [tilespmem:s17], [sflag:$0x3], $0x80, s29, s16, $0xb8;
	[tilespmem:$0x1E400] =	vst v63  }
0x71: {  	_ =	swait.ge [sflag:s14], $0x4000  }
0x72: {  	[sflag:s14] =	ssyncset.done $0x0  }
0x73: {  	s30 =	simm.s32 $0x100;
	[sflag:s14] =	ssyncadd.s32 $0xFFFFC000  }
0x74: {  	[tilespmem:s17], [sflag:$0x1] =	stream.indirect.gather [hbm4b:s4+s16], $0x80, s30, s16, $0xb8;
	[tilespmem:$0x1E400] =	vst v63  }
0x75: {  	_ =	swait.ge [sflag:s20], $0x4000  }
0x76: {  	[sflag:s20] =	ssyncset.done $0x0  }
0x77: {  	s31 =	simm.s32 $0x1480;
	[sflag:s20] =	ssyncadd.s32 $0xFFFFC000  }
0x78: {  	[spmem:s2] =	stream.indirect.scatter.add.f32 [tilespmem:s18], [sflag:$0x3], $0x80, s31, s16, $0xb8;
	[tilespmem:$0x1E400] =	vst v63  }
0x79: {  	_ =	swait.ge [sflag:s14], $0x4000  }
0x7a: {  	s25 =	simm.s32 $0x100;
	s26 =	simm.s32 $0x800;
	[sflag:s14] =	ssyncset.done $0x0  }
.LBB2_4:
0x7b: {  	s28 =	sadd.s32 $0x80, s25  }
0x7c: {  	[sflag:s14] =	ssyncadd.s32 $0xFFFFC000;
	s29 =	smov.u32 s26;
	s30 =	sadd.s32 $0x400, s26  }
0x7d: {  	[tilespmem:s18], [sflag:$0x2] =	stream.indirect.gather [hbm4b:s4+s16], $0x80, s28, s16, $0xb8;
	[tilespmem:$0x1E400] =	vst v63  }
0x7e: {  	p0 =	sne.s32 s26, $0x4800;
	_ =	swait.ge [sflag:s19], $0x4000  }
0x7f: {  	[sflag:s19] =	ssyncset.done $0x0  }
0x80: {  	s26 =	sadd.s32 $0x1400, s25;
	[sflag:s19] =	ssyncadd.s32 $0xFFFFC000  }
0x81: {  	[spmem:s2] =	stream.indirect.scatter.add.f32 [tilespmem:s17], [sflag:$0x3], $0x80, s26, s16, $0xb8;
	[tilespmem:$0x1E400] =	vst v63  }
0x82: {  	_ =	swait.ge [sflag:s14], $0x4000  }
0x83: {  	[sflag:s14] =	ssyncset.done $0x0  }
0x84: {  	s26 =	sadd.s32 $0x100, s25;
	[sflag:s14] =	ssyncadd.s32 $0xFFFFC000  }
0x85: {  	[tilespmem:s17], [sflag:$0x1] =	stream.indirect.gather [hbm4b:s4+s16], $0x80, s26, s16, $0xb8;
	[tilespmem:$0x1E400] =	vst v63  }
0x86: {  	_ =	swait.ge [sflag:s20], $0x4000  }
.Ltmp1:
0x87: {  	[sflag:s20] =	ssyncset.done $0x0;
	(pc) =	sbr.rel @p0 .LBB2_4-.Ltmp1, $4  }
0x88: {  	s25 =	sadd.s32 $0x1480, s25;
	[sflag:s20] =	ssyncadd.s32 $0xFFFFC000  }
0x89: {  	[spmem:s2] =	stream.indirect.scatter.add.f32 [tilespmem:s18], [sflag:$0x3], $0x80, s25, s16, $0xb8;
	[tilespmem:$0x1E400] =	vst v63  }
0x8a: {  	_ =	swait.ge [sflag:s14], $0x4000  }
0x8b: {  	s26 =	smov.u32 s30;
	s25 =	sshra.s32 s29, $0x2;
	[sflag:s14] =	ssyncset.done $0x0  }
0x8c: {  	s26 =	sadd.s32 $0x80, s25;
	[sflag:s14] =	ssyncadd.s32 $0xFFFFC000  }
0x8d: {  	[tilespmem:s18], [sflag:$0x2] =	stream.indirect.gather [hbm4b:s4+s16], $0x80, s26, s16, $0xb8;
	[tilespmem:$0x1E400] =	vst v63  }
0x8e: {  	_ =	swait.ge [sflag:s19], $0x4000  }
0x8f: {  	[sflag:s19] =	ssyncset.done $0x0  }
0x90: {  	s29 =	sadd.s32 $0x1400, s25;
	[sflag:s19] =	ssyncadd.s32 $0xFFFFC000  }
0x91: {  	[spmem:s2] =	stream.indirect.scatter.add.f32 [tilespmem:s17], [sflag:$0x3], $0x80, s29, s16, $0xb8;
	[tilespmem:$0x1E400] =	vst v63  }
0x92: {  	_ =	swait.ge [sflag:s14], $0x4000  }
0x93: {  	[sflag:s14] =	ssyncset.done $0x0  }
0x94: {  	s30 =	sadd.s32 $0x100, s25;
	[sflag:s14] =	ssyncadd.s32 $0xFFFFC000  }
0x95: {  	[tilespmem:s17], [sflag:$0x1] =	stream.indirect.gather [hbm4b:s4+s16], $0x80, s30, s16, $0xb8;
	[tilespmem:$0x1E400] =	vst v63  }
0x96: {  	_ =	swait.ge [sflag:s20], $0x4000  }
0x97: {  	[sflag:s20] =	ssyncset.done $0x0  }
0x98: {  	s31 =	sadd.s32 $0x1480, s25;
	[sflag:s20] =	ssyncadd.s32 $0xFFFFC000  }
0x99: {  	[spmem:s2] =	stream.indirect.scatter.add.f32 [tilespmem:s18], [sflag:$0x3], $0x80, s31, s16, $0xb8;
	[tilespmem:$0x1E400] =	vst v63  }
0x9a: {  	_ =	swait.ge [sflag:s14], $0x4000  }
0x9b: {  	[sflag:s14] =	ssyncset.done $0x0  }
0x9c: {  	[sflag:s14] =	ssyncadd.s32 $0xFFFFC000  }
0x9d: {  	[tilespmem:s18], [sflag:$0x2] =	stream.indirect.gather [hbm4b:s4+s16], $0x80, s21, s16, $0xb8;
	[tilespmem:$0x1E400] =	vst v63  }
0x9e: {  	_ =	swait.ge [sflag:s19], $0x4000  }
0x9f: {  	[sflag:s19] =	ssyncset.done $0x0  }
0xa0: {  	[sflag:s19] =	ssyncadd.s32 $0xFFFFC000  }
0xa1: {  	[spmem:s2] =	stream.indirect.scatter.add.f32 [tilespmem:s17], [sflag:$0x3], $0x80, s22, s16, $0xb8;
	[tilespmem:$0x1E400] =	vst v63  }
0xa2: {  	_ =	swait.ge [sflag:s14], $0x4000  }
0xa3: {  	[sflag:s14] =	ssyncset.done $0x0  }
0xa4: {  	[sflag:s14] =	ssyncadd.s32 $0xFFFFC000  }
0xa5: {  	_ =	swait.ge [sflag:s20], $0x4000  }
0xa6: {  	[sflag:s20] =	ssyncset.done $0x0  }
0xa7: {  	[sflag:s20] =	ssyncadd.s32 $0xFFFFC000  }
0xa8: {  	[spmem:s2] =	stream.indirect.scatter.add.f32 [tilespmem:s18], [sflag:$0x3], $0x80, s23, s16, $0xb8;
	[tilespmem:$0x1E400] =	vst v63  }
0xa9: {  	_ =	swait.ge [sflag:s14], $0x4000  }
0xaa: {  	s24 =	sadd.s32 $0x1, s24;
	[sflag:s14] =	ssyncset.done $0x0  }
0xab: {  	p0 =	sne.s32 s24, s12;
	[sflag:s14] =	ssyncadd.s32 $0xFFFFC000  }
.Ltmp2:
0xac: {  	[bflag:$0x0] =	sbarrier.arrive $0xFFFF;
	(pc) =	sbr.rel @p0 .LBB2_1-.Ltmp2, $4  }
0xad: {  	[hbm:s11], [sflag:s6] =	dma.local [spmem:s13], $0x2780  }
0xae: {  	_ =	swait.ge [sflag:s14], $0x2780  }
0xaf: {  	[sflag:s14] =	ssyncset.done $0x0  }
0xb0: {  	[sflag:s14] =	ssyncadd.s32 $0xFFFFD880  }
0xb1: {  	_ =	sfence.sel $0x180000  }
0xb2: {  	[bflag:$0x0] =	sbarrier.arrive $0xFFFF  }
0xb3: {  	p0 =	sne.s32 s1, $0x0;
	_ =	strace $0x9000004A  }
0xb4: {  	s0 =	sadd.s32 @!p0 $0x100000, s0;
	[bflag:$0x2] =	sbarrier.arrive $0xFFFF  }
0xb5: {  	[sflag:s0] =	ssyncadd.tile.s32 @!p0 $0x1;
	_ =	shalt  }
.Lfunc_end2:
_tile_overlayer_lowered:
.L_overlay_start_2:
0xb6: {  	(tag) =	ssettag $0x2  }
0xb7: {  	s0 =	rddreg [dreg:$0x0];
	s2 =	stileid.u32  }
0xb8: {  	s1 =	rddreg [dreg:$0x1];
	p0 =	sne.s32 s2, $0x0  }
0xb9: {  	s3 =	rddreg [dreg:$0x2];
	[bflag:$0x3] =	sbarrier.arrive $0xFFFF;
	s2 =	simm.s32 @!p0 $0x1C03  }
0xba: {  	[timem:s3], [sflag:s2] =	dma.local @!p0 [hbm:s0], s1  }
0xbb: {  	s0 =	simm.s32 @!p0 $0x3  }
0xbc: {  	_ =	swait.ge @!p0 [sflag:s0], s1  }
0xbd: {  	s1 =	ssub.s32 @!p0 $0x0, s1;
	[sflag:s0] =	ssyncset.done @!p0 $0x0  }
0xbe: {  	[sflag:s0] =	ssyncadd.s32 @!p0 s1  }
0xbf: {  	[bflag:$0x3] =	sbarrier.arrive $0xFFFF  }
0xc0: {  	_ =	shalt  }

// kernel: kernel.18.cloned.1.call-start
scs
__scs_entry_jumppad:
0x0: {  	(pc) =	sbr.rel $0x88, $3  }
0x1: {  	(tag) =	ssettag $0x0;
	lr =	simm.s32 $0x1  }
0x2: {  	[smem:$0x3F8A] =	sst lr;
	_ =	strace $0xD0000000  }
0x3: {  	_ = 	snop  }
0x4: {  	_ = 	snop  }
0x5: {  	_ = 	snop  }
0x6: {  	_ = 	snop  }
0x7: {  	_ = 	snop  }
__scs_overlays_trampoline_lowered:
0x8: {  	[smem:$0x3F99] =	sst s0  }
0x9: {  	[smem:$0x3F9A] =	sst s1  }
0xa: {  	[smem:$0x3F9B] =	sst s2  }
0xb: {  	[smem:$0x3F9C] =	sst s3  }
0xc: {  	[smem:$0x3F9D] =	sst s4  }
0xd: {  	[smem:$0x3F9E] =	sst s5  }
0xe: {  	[smem:$0x3F9F] =	sst s6  }
0xf: {  	[smem:$0x3FA0] =	sst s7  }
0x10: {  	[smem:$0x3FA1] =	sst s8  }
0x11: {  	[smem:$0x3FA2] =	sst s9;
	s0 =	simm.s32 @!p0 $0x0  }
0x12: {  	s1 =	sld [smem:$0x3F88];
	s0 =	simm.s32 @p0 $0x1  }
0x13: {  	[smem:$0x3FA3] =	sst s0;
	s0 =	simm.s32 @!p1 $0x0  }
0x14: {  	s2 =	sld [smem:$0x3F87];
	s0 =	simm.s32 @p1 $0x1  }
0x15: {  	[smem:$0x3FA4] =	sst s0;
	s0 =	simm.s32 @!p2 $0x0  }
0x16: {  	s3 =	sld [smem:$0x3FDB];
	s0 =	simm.s32 @p2 $0x1  }
0x17: {  	s4 =	simm.s32 $0x1BF5;
	[smem:$0x3FA6] =	sst s0  }
0x18: {  	s0 =	sld [smem:$0x3F89];
	_ =	swait.ge [sflag:s4], $0x0  }
0x19: {  	s7 =	sld [smem:$0x3F8A]  }
0x1a: {  	s8 =	sadd.s32 $0xFFFFE003, lr  }
0x1b: {  	s9 =	sadd.s32 $0xFFFFFEF7, lr;
	s5 =	simm.s32 $0xFFFFFFFF;
	p2 =	slt.u32 s8, $0xFFFFF086  }
0x1c: {  	p1 =	slt.u32 s9, $0xF7A;
	s5 =	simm.s32 @!p2 $0x0  }
0x1d: {  	s5 =	simm.s32 @p1 $0x1;
	p0 =	seq.s32 s7, s2  }
0x1e: {  	s7 =	smul.u32 @!p0 $0xF7A, s2;
	p2 =	seq.s32 @!p0 s5, $0x0  }
0x1f: {  	s9 =	smul.u32 $0xF7A, s1;
	s8 =	simm.s32 @!p0 $0x1BF5;
	p2 =	por !p2, p0  }
0x20: {  	[sflag:s8] =	ssyncset.s32 @!p0 $0xFFFFF086;
	s6 =	sadd.s32 @!p0 s3, s7;
	s7 =	simm.s32 @!p0 $0x108  }
0x21: {  	s3 =	sadd.s32 s3, s9;
	s6 =	sadd.s32 @!p0 $0x88, s6;
	s7 =	simm.s32 @p2 $0x1082  }
0x22: {  	[simem:s7], [sflag:s8] =	dma.local @!p0 [hbm:s6], $0xF7A  }
0x23: {  	s9 =	sor.u32 $0xD0000000, s2;
	s6 =	simm.s32 $0x108;
	_ =	swait.ge @!p0 [sflag:s8], $0x0  }
0x24: {  	s3 =	sadd.s32 $0x88, s3;
	s6 =	simm.s32 @!p1 $0x1082;
	[sflag:s4] =	ssyncset.s32 $0xFFFFF086  }
0x25: {  	[simem:s6], [sflag:s4] =	dma.local [hbm:s3], $0xF7A  }
0x26: {  	[smem:$0x3F8A] =	sst s1;
	(tag) =	ssettag s2;
	_ =	strace s9  }
0x27: {  	s1 =	sld [smem:$0x3F9A]  }
0x28: {  	s2 =	sld [smem:$0x3F9B]  }
0x29: {  	s4 =	sld [smem:$0x3F9D]  }
0x2a: {  	p0 =	seq.s32 s5, $0x0;
	s5 =	sld [smem:$0x3F9E]  }
0x2b: {  	s6 =	sld [smem:$0x3F9F]  }
0x2c: {  	s7 =	sld [smem:$0x3FA0]  }
0x2d: {  	s3 =	simm.s32 $0x108;
	s8 =	sld [smem:$0x3FA1]  }
0x2e: {  	s3 =	simm.s32 @!p0 $0x1082;
	s9 =	sld [smem:$0x3FA2]  }
0x2f: {  	lr =	sadd.s32 s0, s3;
	s0 =	sld [smem:$0x3F99]  }
0x30: {  	s3 =	sld [smem:$0x3F9C]  }
0x31: {  	[smem:$0x3FA5] =	sst s10  }
0x32: {  	s10 =	sld [smem:$0x3FA3];
	_ =	sdelay $0x3  }
0x33: {  	p0 =	seq.s32 s10, $0x1;
	s10 =	sld [smem:$0x3FA5];
	_ =	sdelay $0x3  }
0x34: {  	[smem:$0x3FA5] =	sst s10  }
0x35: {  	s10 =	sld [smem:$0x3FA4];
	_ =	sdelay $0x3  }
0x36: {  	p1 =	seq.s32 s10, $0x1;
	s10 =	sld [smem:$0x3FA5];
	_ =	sdelay $0x3  }
0x37: {  	[smem:$0x3FA5] =	sst s10  }
0x38: {  	s10 =	sld [smem:$0x3FA6]  }
0x39: {  	_ = 	snop;
	(pc) =	sbr.ind lr, $3  }
0x3a: {  	_ = 	snop  }
0x3b: {  	_ = 	snop  }
0x3c: {  	p2 =	seq.s32 s10, $0x1;
	s10 =	sld [smem:$0x3FA5]  }
0x3d: {  	_ =	shalt  }
0x3e: {  	_ =	shalt  }
0x3f: {  	_ =	shalt  }
0x40: {  	_ =	shalt  }
0x41: {  	_ =	shalt  }
0x42: {  	_ =	shalt  }
0x43: {  	_ =	shalt  }
0x44: {  	_ =	shalt  }
0x45: {  	_ =	shalt  }
0x46: {  	_ =	shalt  }
0x47: {  	_ =	shalt  }
0x48: {  	_ =	shalt  }
0x49: {  	_ =	shalt  }
0x4a: {  	_ =	shalt  }
0x4b: {  	_ =	shalt  }
0x4c: {  	_ =	shalt  }
0x4d: {  	_ =	shalt  }
0x4e: {  	_ =	shalt  }
0x4f: {  	_ =	shalt  }
0x50: {  	_ =	shalt  }
0x51: {  	_ =	shalt  }
0x52: {  	_ =	shalt  }
0x53: {  	_ =	shalt  }
0x54: {  	_ =	shalt  }
0x55: {  	_ =	shalt  }
0x56: {  	_ =	shalt  }
0x57: {  	_ =	shalt  }
0x58: {  	_ =	shalt  }
0x59: {  	_ =	shalt  }
0x5a: {  	_ =	shalt  }
0x5b: {  	_ =	shalt  }
0x5c: {  	_ =	shalt  }
0x5d: {  	_ =	shalt  }
0x5e: {  	_ =	shalt  }
0x5f: {  	_ =	shalt  }
0x60: {  	_ =	shalt  }
0x61: {  	_ =	shalt  }
0x62: {  	_ =	shalt  }
0x63: {  	_ =	shalt  }
0x64: {  	_ =	shalt  }
0x65: {  	_ =	shalt  }
0x66: {  	_ =	shalt  }
0x67: {  	_ =	shalt  }
0x68: {  	_ =	shalt  }
0x69: {  	_ =	shalt  }
0x6a: {  	_ =	shalt  }
0x6b: {  	_ =	shalt  }
0x6c: {  	_ =	shalt  }
0x6d: {  	_ =	shalt  }
0x6e: {  	_ =	shalt  }
0x6f: {  	_ =	shalt  }
0x70: {  	_ =	shalt  }
0x71: {  	_ =	shalt  }
0x72: {  	_ =	shalt  }
0x73: {  	_ =	shalt  }
0x74: {  	_ =	shalt  }
0x75: {  	_ =	shalt  }
0x76: {  	_ =	shalt  }
0x77: {  	_ =	shalt  }
0x78: {  	_ =	shalt  }
0x79: {  	_ =	shalt  }
0x7a: {  	_ =	shalt  }
0x7b: {  	_ =	shalt  }
0x7c: {  	_ =	shalt  }
0x7d: {  	_ =	shalt  }
0x7e: {  	_ =	shalt  }
0x7f: {  	_ =	shalt  }
0x80: {  	_ =	shalt  }
0x81: {  	_ =	shalt  }
0x82: {  	_ =	shalt  }
0x83: {  	_ =	shalt  }
0x84: {  	_ =	shalt  }
0x85: {  	_ =	shalt  }
0x86: {  	_ =	shalt  }
0x87: {  	_ =	shalt  }
.Lfunc_end0:
.L_simem_size_0:
called_computation.2_lowered:
.L_overlay_start_0:
0x88: {  	s2 =	sld [smem:$0x3FD9]  }
0x89: {  	s3 =	sld [smem:$0x3FFE];
	_ =	sdelay $0x1  }
0x8a: {  	s1 =	srdreg.scid  }
0x8b: {  	s0 =	sand.u32 $0x1, s1  }
0x8c: {  	s16 =	sshll.u32 s0, $0xA;
	s2 =	sadd.s32 s3, s2  }
0x8d: {  	s2 =	sadd.s32 s2, s16  }
0x8e: {  	[smem:$0x3FB1] =	sst s2  }
0x8f: {  	_ = 	snop  }
0x90: {  	(tm) =	ssettm $0x1  }
0x91: {  	s17 =	sld [smem:$0x3FFB];
	_ =	sdelay $0x3  }
0x92: {  	_ =	strace s17  }
0x93: {  	s2 =	sld [smem:$0x3FFC];
	_ =	sdelay $0x3  }
0x94: {  	_ =	strace s2  }
0x95: {  	s2 =	sld [smem:$0x3FFD];
	_ =	sdelay $0x3  }
0x96: {  	_ =	strace s2  }
0x97: {  	_ =	strace $0x8FFFFFFF  }
0x98: {  	s18 =	sld [smem:$0x3FDB];
	_ =	sdelay $0x1  }
0x99: {  	s19 =	simm.s32 $_scs_section_size  }
0x9a: {  	s4 =	simm.s32 $_size__tile_overlayer_lowered;
	s5 =	simm.s32 $_tile_overlayer_lowered  }
0x9b: {  	s22 =	simm.s32 $0x1BFF;
	s21 =	sshll.u32 s5, $0x1;
	s2 =	sadd.s32 s19, s18  }
0x9c: {  	s6 =	simm.s32 $0x0;
	s20 =	sshll.u32 s4, $0x1;
	s4 =	sadd.s32 s21, s2  }
0x9d: {  	[timem:s6], [sflag:s22] =	dma.local [hbm:s4], s20  }
0x9e: {  	_ =	swait.ge [sflag:s22], s20  }
0x9f: {  	s3 =	ssub.s32 $0x0, s20;
	[sflag:s22] =	ssyncset.done $0x0  }
0xa0: {  	[sflag:s22] =	ssyncadd.s32 s3;
	_ =	sdelay $0x1  }
0xa1: {  	s23 =	simm.s32 $0x1B8B  }
0xa2: {  	_ =	swait.ge [sflag:s23], $0x1  }
0xa3: {  	[sflag:s23] =	ssyncset.done $0x0  }
0xa4: {  	s25 =	simm.s32 $0x1B8E;
	s24 =	sld [smem:$0x3FFE];
	[sflag:s23] =	ssyncadd.s32 $0xFFFFFFFF  }
0xa5: {  	s26 =	simm.s32 $execute0_lowered;
	[smem:$0x3FD2] =	sst s25  }
0xa6: {  	s4 =	sshll.u32 s26, $0x1;
	_ =	strace $0x8000004C;
	[dreg:$0x1] =	wrdreg $0xFFFFFFFF  }
0xa7: {  	s28 =	simm.s32 $_size_execute0_lowered;
	s2 =	sadd.s32 s2, s4;
	[dreg:$0x0] =	wrdreg $0x0  }
0xa8: {  	s4 =	sshll.u32 s28, $0x1;
	[dreg:$0x2] =	wrdreg s2  }
0xa9: {  	[dreg:$0x3] =	wrdreg s4  }
0xaa: {  	[dreg:$0x4] =	wrdreg $0xC0  }
0xab: {  	_ =	task [dreg:s6], $0x5FFFF  }
0xac: {  	[dreg:$0x1] =	wrdreg $0xFFFFFFFF  }
0xad: {  	[dreg:$0x0] =	wrdreg $0x60  }
0xae: {  	[dreg:$0x2] =	wrdreg s24  }
0xaf: {  	[dreg:$0x3] =	wrdreg $0xA8000  }
0xb0: {  	[dreg:$0x4] =	wrdreg $0x9  }
0xb1: {  	_ =	task.clear_ibuf [dreg:s6], $0x5FFFF;
	_ =	strace $0x9000004C  }
0xb2: {  	s29 =	simm.s32 $0x9;
	_ =	strace $0x8000004E  }
0xb3: {  	_ =	swait.ge [sflag:s29], $0x1  }
0xb4: {  	[sflag:s29] =	ssyncadd.s32 $0xFFFFFFFF  }
0xb5: {  	_ =	strace $0x9000004E  }
0xb6: {  	_ =	sfence  }
0xb7: {  	s30 =	sld [smem:$0x0];
	_ =	sdelay $0x2  }
0xb8: {  	s31 =	sshll.u32 s1, $0xD;
	s1 =	sshrl.u32 s1, $0x2  }
0xb9: {  	s3 =	sand.u32 $0x4000, s31;
	s1 =	sadd.s32 s1, s30  }
0xba: {  	s0 =	sor.u32 s3, s0;
	s1 =	sshll.u32 s1, $0x11  }
0xbb: {  	s0 =	sor.u32 s1, s0  }
0xbc: {  	s0 =	sadd.s32 $0x8F2B, s0  }
0xbd: {  	[sflag:s0] =	ssyncadd.remote.s32 $0x1  }
0xbe: {  	_ =	sfence.sel $0xFFFF  }
0xbf: {  	[dreg:$0x0] =	wrdreg $0xFFFFFFFF;
	(pc) =	sbr.abs _section_cstart, $3  }
0xc0: {  	[dreg:$0x1] =	wrdreg $0xFFFFFFFF  }
0xc1: {  	_ =	task.clear_ibuf [dreg:s6], $0x2FFFF;
	_ =	strace $0x9FFFFFFF  }
0xc2: {  	(tm) =	ssettm $0x7FFFFFFF  }
0xc3: {  	_ =	shalt  }
tec
execute0_lowered:
.L_overlay_start_1:
0x0: {  	(tag) =	ssettag $0x1  }
0x1: {  	s5 =	rddreg [dreg:$0x0]  }
0x2: {  	s2 =	rddreg [dreg:$0x1]  }
0x3: {  	s0 =	rddreg [dreg:$0x2];
	s3 =	simm.s32 $0x0;
	s4 =	srdreg.scid  }
0x4: {  	s1 =	stileid.u32;
	s16 =	simm.s32 $0x80;
	s17 =	simm.s32 $0x2800  }
0x5: {  	s18 =	simm.s32 $0x6800;
	s19 =	simm.s32 $0x1;
	s20 =	simm.s32 $0x2  }
0x6: {  	s21 =	simm.s32 $0x1380;
	s22 =	simm.s32 $0x2700;
	s23 =	simm.s32 $0x2780  }
0x7: {  	s24 =	simm.s32 $0x0;
	[smem:$0x7FF] =	sst s3;
	s6 =	sand.u32 $0x1, s4  }
0x8: {  	s7 =	smul.u32 $0x13C00, s1;
	s9 =	sadd.s32 $0xF400, s5;
	s10 =	sadd.s32 $0x5400, s5  }
0x9: {  	s4 =	sadd.s32 $0x19400, s5;
	s11 =	smul.u32 $0x4F000, s1;
	s29 =	sshll.u32 s1, $0x6  }
0xa: {  	s8 =	smul.u32 $0x13C000, s6;
	s12 =	sshll.u32 s6, $0x4;
	s6 =	ssub.s32 $0x2, s6  }
0xb: {  	_ =	strace $0x8000004D;
	s12 =	sor.u32 s1, s12;
	s13 =	sshrl.u32 s6, $0x1  }
0xc: {  	s11 =	sshrl.u32 s11, $0x2;
	s28 =	sshrl.u32 s7, $0x3;
	s8 =	sadd.s32 s7, s8  }
0xd: {  	s12 =	smul.u32 $0x2800, s12;
	s13 =	ssub.s32 s6, s13;
	s8 =	sshrl.u32 s8, $0x3  }
0xe: {  	s15 =	sadd.s32 s11, s2;
	s6 =	sor.u32 $0x1C03, s29;
	s14 =	sadd.s32 s8, s5  }
0xf: {  	s30 =	sshrl.u32 s12, $0x3;
	s5 =	sadd.s32 s4, s28;
	s12 =	smax.u32 s13, $0x1  }
0x10: {  	s13 =	sshrl.u32 s15, $0x3;
	s15 =	simm.s32 $0x1400;
	s31 =	sadd.s32 $0x280, s30  }
0x11: {  	s7 =	sadd.s32 s9, s30;
	s8 =	sadd.s32 s10, s30;
	s11 =	sadd.s32 $0x40C00, s14  }
0x12: {  	s14 =	simm.s32 $0x3;
	s9 =	sadd.s32 s9, s31;
	s10 =	sadd.s32 s10, s31  }
.LBB2_1:
0x13: {  	[spmem:s13], [sflag:s6] =	dma.local [hbm:s5], $0x2780  }
0x14: {  	_ =	swait.ge [sflag:s14], $0x2780  }
0x15: {  	[sflag:s14] =	ssyncset.done $0x0  }
0x16: {  	[sflag:s14] =	ssyncadd.s32 $0xFFFFD880  }
0x17: {  	[bflag:$0x0] =	sbarrier.arrive $0xFFFF  }
0x18: {  	[tilespmem:s3], [sflag:$0x3] =	stream.linear.gather [hbm4b:s7+s3], $0x1400, $0x38;
	[tilespmem:$0x1E400] =	vst v63  }
0x19: {  	_ =	swait.ge [sflag:s14], $0x1400  }
0x1a: {  	[sflag:s14] =	ssyncset.done $0x0  }
0x1b: {  	[sflag:s14] =	ssyncadd.s32 $0xFFFFEC00  }
0x1c: {  	[tilespmem:s15], [sflag:$0x3] =	stream.linear.gather [hbm4b:s8+s3], $0x1400, $0x38;
	[tilespmem:$0x1E400] =	vst v63  }
0x1d: {  	_ =	swait.ge [sflag:s14], $0x1400  }
0x1e: {  	[sflag:s14] =	ssyncset.done $0x0  }
0x1f: {  	[sflag:s14] =	ssyncadd.s32 $0xFFFFEC00  }
0x20: {  	[tilespmem:s17], [sflag:$0x1] =	stream.indirect.gather [hbm4b:s4+s16], $0x80, s3, s16, $0xb8;
	[tilespmem:$0x1E400] =	vst v63  }
0x21: {  	s25 =	simm.s32 $0x80  }
0x22: {  	[tilespmem:s18], [sflag:$0x2] =	stream.indirect.gather [hbm4b:s4+s16], $0x80, s25, s16, $0xb8;
	[tilespmem:$0x1E400] =	vst v63  }
0x23: {  	_ =	swait.ge [sflag:s19], $0x4000  }
0x24: {  	[sflag:s19] =	ssyncset.done $0x0  }
0x25: {  	s29 =	simm.s32 $0x1400;
	[sflag:s19] =	ssyncadd.s32 $0xFFFFC000  }
0x26: {  	[spmem:s2] =	stream.indirect.scatter.add.f32 [tilespmem:s17], [sflag:$0x3], $0x80, s29, s16, $0xb8;
	[tilespmem:$0x1E400] =	vst v63  }
0x27: {  	_ =	swait.ge [sflag:s14], $0x4000  }
0x28: {  	[sflag:s14] =	ssyncset.done $0x0  }
0x29: {  	s30 =	simm.s32 $0x100;
	[sflag:s14] =	ssyncadd.s32 $0xFFFFC000  }
0x2a: {  	[tilespmem:s17], [sflag:$0x1] =	stream.indirect.gather [hbm4b:s4+s16], $0x80, s30, s16, $0xb8;
	[tilespmem:$0x1E400] =	vst v63  }
0x2b: {  	_ =	swait.ge [sflag:s20], $0x4000  }
0x2c: {  	[sflag:s20] =	ssyncset.done $0x0  }
0x2d: {  	s31 =	simm.s32 $0x1480;
	[sflag:s20] =	ssyncadd.s32 $0xFFFFC000  }
0x2e: {  	[spmem:s2] =	stream.indirect.scatter.add.f32 [tilespmem:s18], [sflag:$0x3], $0x80, s31, s16, $0xb8;
	[tilespmem:$0x1E400] =	vst v63  }
0x2f: {  	_ =	swait.ge [sflag:s14], $0x4000  }
0x30: {  	s26 =	simm.s32 $0x800;
	s25 =	simm.s32 $0x100;
	[sflag:s14] =	ssyncset.done $0x0  }
.LBB2_2:
0x31: {  	s28 =	sadd.s32 $0x80, s25  }
0x32: {  	[sflag:s14] =	ssyncadd.s32 $0xFFFFC000;
	s29 =	smov.u32 s26;
	s30 =	sadd.s32 $0x400, s26  }
0x33: {  	[tilespmem:s18], [sflag:$0x2] =	stream.indirect.gather [hbm4b:s4+s16], $0x80, s28, s16, $0xb8;
	[tilespmem:$0x1E400] =	vst v63  }
0x34: {  	p0 =	sne.s32 s26, $0x4800;
	_ =	swait.ge [sflag:s19], $0x4000  }
0x35: {  	[sflag:s19] =	ssyncset.done $0x0  }
0x36: {  	s26 =	sadd.s32 $0x1400, s25;
	[sflag:s19] =	ssyncadd.s32 $0xFFFFC000  }
0x37: {  	[spmem:s2] =	stream.indirect.scatter.add.f32 [tilespmem:s17], [sflag:$0x3], $0x80, s26, s16, $0xb8;
	[tilespmem:$0x1E400] =	vst v63  }
0x38: {  	_ =	swait.ge [sflag:s14], $0x4000  }
0x39: {  	[sflag:s14] =	ssyncset.done $0x0  }
0x3a: {  	s26 =	sadd.s32 $0x100, s25;
	[sflag:s14] =	ssyncadd.s32 $0xFFFFC000  }
0x3b: {  	[tilespmem:s17], [sflag:$0x1] =	stream.indirect.gather [hbm4b:s4+s16], $0x80, s26, s16, $0xb8;
	[tilespmem:$0x1E400] =	vst v63  }
0x3c: {  	_ =	swait.ge [sflag:s20], $0x4000  }
.Ltmp0:
0x3d: {  	[sflag:s20] =	ssyncset.done $0x0;
	(pc) =	sbr.rel @p0 .LBB2_2-.Ltmp0, $4  }
0x3e: {  	s25 =	sadd.s32 $0x1480, s25;
	[sflag:s20] =	ssyncadd.s32 $0xFFFFC000  }
0x3f: {  	[spmem:s2] =	stream.indirect.scatter.add.f32 [tilespmem:s18], [sflag:$0x3], $0x80, s25, s16, $0xb8;
	[tilespmem:$0x1E400] =	vst v63  }
0x40: {  	_ =	swait.ge [sflag:s14], $0x4000  }
0x41: {  	s26 =	smov.u32 s30;
	s25 =	sshra.s32 s29, $0x2;
	[sflag:s14] =	ssyncset.done $0x0  }
0x42: {  	s26 =	sadd.s32 $0x80, s25;
	[sflag:s14] =	ssyncadd.s32 $0xFFFFC000  }
0x43: {  	[tilespmem:s18], [sflag:$0x2] =	stream.indirect.gather [hbm4b:s4+s16], $0x80, s26, s16, $0xb8;
	[tilespmem:$0x1E400] =	vst v63  }
0x44: {  	_ =	swait.ge [sflag:s19], $0x4000  }
0x45: {  	[sflag:s19] =	ssyncset.done $0x0  }
0x46: {  	s29 =	sadd.s32 $0x1400, s25;
	[sflag:s19] =	ssyncadd.s32 $0xFFFFC000  }
0x47: {  	[spmem:s2] =	stream.indirect.scatter.add.f32 [tilespmem:s17], [sflag:$0x3], $0x80, s29, s16, $0xb8;
	[tilespmem:$0x1E400] =	vst v63  }
0x48: {  	_ =	swait.ge [sflag:s14], $0x4000  }
0x49: {  	[sflag:s14] =	ssyncset.done $0x0  }
0x4a: {  	s30 =	sadd.s32 $0x100, s25;
	[sflag:s14] =	ssyncadd.s32 $0xFFFFC000  }
0x4b: {  	[tilespmem:s17], [sflag:$0x1] =	stream.indirect.gather [hbm4b:s4+s16], $0x80, s30, s16, $0xb8;
	[tilespmem:$0x1E400] =	vst v63  }
0x4c: {  	_ =	swait.ge [sflag:s20], $0x4000  }
0x4d: {  	[sflag:s20] =	ssyncset.done $0x0  }
0x4e: {  	s31 =	sadd.s32 $0x1480, s25;
	[sflag:s20] =	ssyncadd.s32 $0xFFFFC000  }
0x4f: {  	[spmem:s2] =	stream.indirect.scatter.add.f32 [tilespmem:s18], [sflag:$0x3], $0x80, s31, s16, $0xb8;
	[tilespmem:$0x1E400] =	vst v63  }
0x50: {  	_ =	swait.ge [sflag:s14], $0x4000  }
0x51: {  	[sflag:s14] =	ssyncset.done $0x0  }
0x52: {  	[sflag:s14] =	ssyncadd.s32 $0xFFFFC000  }
0x53: {  	[tilespmem:s18], [sflag:$0x2] =	stream.indirect.gather [hbm4b:s4+s16], $0x80, s21, s16, $0xb8;
	[tilespmem:$0x1E400] =	vst v63  }
0x54: {  	_ =	swait.ge [sflag:s19], $0x4000  }
0x55: {  	[sflag:s19] =	ssyncset.done $0x0  }
0x56: {  	[sflag:s19] =	ssyncadd.s32 $0xFFFFC000  }
0x57: {  	[spmem:s2] =	stream.indirect.scatter.add.f32 [tilespmem:s17], [sflag:$0x3], $0x80, s22, s16, $0xb8;
	[tilespmem:$0x1E400] =	vst v63  }
0x58: {  	_ =	swait.ge [sflag:s14], $0x4000  }
0x59: {  	[sflag:s14] =	ssyncset.done $0x0  }
0x5a: {  	[sflag:s14] =	ssyncadd.s32 $0xFFFFC000  }
0x5b: {  	_ =	swait.ge [sflag:s20], $0x4000  }
0x5c: {  	[sflag:s20] =	ssyncset.done $0x0  }
0x5d: {  	[sflag:s20] =	ssyncadd.s32 $0xFFFFC000  }
0x5e: {  	[spmem:s2] =	stream.indirect.scatter.add.f32 [tilespmem:s18], [sflag:$0x3], $0x80, s23, s16, $0xb8;
	[tilespmem:$0x1E400] =	vst v63  }
0x5f: {  	_ =	swait.ge [sflag:s14], $0x4000  }
0x60: {  	[sflag:s14] =	ssyncset.done $0x0  }
0x61: {  	s26 =	simm.s32 $0x0;
	[sflag:s14] =	ssyncadd.s32 $0xFFFFC000  }
0x62: {  	[tilespmem:s26], [sflag:$0x3] =	stream.linear.gather [hbm4b:s9+s26], $0x1400, $0x38;
	[tilespmem:$0x1E400] =	vst v63  }
0x63: {  	_ =	swait.ge [sflag:s14], $0x1400  }
0x64: {  	[sflag:s14] =	ssyncset.done $0x0  }
0x65: {  	[sflag:s14] =	ssyncadd.s32 $0xFFFFEC00  }
0x66: {  	[tilespmem:s15], [sflag:$0x3] =	stream.linear.gather [hbm4b:s10+s26], $0x1400, $0x38;
	[tilespmem:$0x1E400] =	vst v63  }
0x67: {  	_ =	swait.ge [sflag:s14], $0x1400  }
0x68: {  	[sflag:s14] =	ssyncset.done $0x0  }
0x69: {  	[sflag:s14] =	ssyncadd.s32 $0xFFFFEC00  }
0x6a: {  	[tilespmem:s17], [sflag:$0x1] =	stream.indirect.gather [hbm4b:s4+s16], $0x80, s26, s16, $0xb8;
	[tilespmem:$0x1E400] =	vst v63  }
0x6b: {  	s28 =	simm.s32 $0x80  }
0x6c: {  	[tilespmem:s18], [sflag:$0x2] =	stream.indirect.gather [hbm4b:s4+s16], $0x80, s28, s16, $0xb8;
	[tilespmem:$0x1E400] =	vst v63  }
0x6d: {  	_ =	swait.ge [sflag:s19], $0x4000  }
0x6e: {  	[sflag:s19] =	ssyncset.done $0x0  }
0x6f: {  	s29 =	simm.s32 $0x1400;
	[sflag:s19] =	ssyncadd.s32 $0xFFFFC000  }
0x70: {  	[spmem:s2] =	stream.indirect.scatter.add.f32 [tilespmem:s17], [sflag:$0x3], $0x80, s29, s16, $0xb8;
	[tilespmem:$0x1E400] =	vst v63  }
0x71: {  	_ =	swait.ge [sflag:s14], $0x4000  }
0x72: {  	[sflag:s14] =	ssyncset.done $0x0  }
0x73: {  	s30 =	simm.s32 $0x100;
	[sflag:s14] =	ssyncadd.s32 $0xFFFFC000  }
0x74: {  	[tilespmem:s17], [sflag:$0x1] =	stream.indirect.gather [hbm4b:s4+s16], $0x80, s30, s16, $0xb8;
	[tilespmem:$0x1E400] =	vst v63  }
0x75: {  	_ =	swait.ge [sflag:s20], $0x4000  }
0x76: {  	[sflag:s20] =	ssyncset.done $0x0  }
0x77: {  	s31 =	simm.s32 $0x1480;
	[sflag:s20] =	ssyncadd.s32 $0xFFFFC000  }
0x78: {  	[spmem:s2] =	stream.indirect.scatter.add.f32 [tilespmem:s18], [sflag:$0x3], $0x80, s31, s16, $0xb8;
	[tilespmem:$0x1E400] =	vst v63  }
0x79: {  	_ =	swait.ge [sflag:s14], $0x4000  }
0x7a: {  	s25 =	simm.s32 $0x100;
	s26 =	simm.s32 $0x800;
	[sflag:s14] =	ssyncset.done $0x0  }
.LBB2_4:
0x7b: {  	s28 =	sadd.s32 $0x80, s25  }
0x7c: {  	[sflag:s14] =	ssyncadd.s32 $0xFFFFC000;
	s29 =	smov.u32 s26;
	s30 =	sadd.s32 $0x400, s26  }
0x7d: {  	[tilespmem:s18], [sflag:$0x2] =	stream.indirect.gather [hbm4b:s4+s16], $0x80, s28, s16, $0xb8;
	[tilespmem:$0x1E400] =	vst v63  }
0x7e: {  	p0 =	sne.s32 s26, $0x4800;
	_ =	swait.ge [sflag:s19], $0x4000  }
0x7f: {  	[sflag:s19] =	ssyncset.done $0x0  }
0x80: {  	s26 =	sadd.s32 $0x1400, s25;
	[sflag:s19] =	ssyncadd.s32 $0xFFFFC000  }
0x81: {  	[spmem:s2] =	stream.indirect.scatter.add.f32 [tilespmem:s17], [sflag:$0x3], $0x80, s26, s16, $0xb8;
	[tilespmem:$0x1E400] =	vst v63  }
0x82: {  	_ =	swait.ge [sflag:s14], $0x4000  }
0x83: {  	[sflag:s14] =	ssyncset.done $0x0  }
0x84: {  	s26 =	sadd.s32 $0x100, s25;
	[sflag:s14] =	ssyncadd.s32 $0xFFFFC000  }
0x85: {  	[tilespmem:s17], [sflag:$0x1] =	stream.indirect.gather [hbm4b:s4+s16], $0x80, s26, s16, $0xb8;
	[tilespmem:$0x1E400] =	vst v63  }
0x86: {  	_ =	swait.ge [sflag:s20], $0x4000  }
.Ltmp1:
0x87: {  	[sflag:s20] =	ssyncset.done $0x0;
	(pc) =	sbr.rel @p0 .LBB2_4-.Ltmp1, $4  }
0x88: {  	s25 =	sadd.s32 $0x1480, s25;
	[sflag:s20] =	ssyncadd.s32 $0xFFFFC000  }
0x89: {  	[spmem:s2] =	stream.indirect.scatter.add.f32 [tilespmem:s18], [sflag:$0x3], $0x80, s25, s16, $0xb8;
	[tilespmem:$0x1E400] =	vst v63  }
0x8a: {  	_ =	swait.ge [sflag:s14], $0x4000  }
0x8b: {  	s26 =	smov.u32 s30;
	s25 =	sshra.s32 s29, $0x2;
	[sflag:s14] =	ssyncset.done $0x0  }
0x8c: {  	s26 =	sadd.s32 $0x80, s25;
	[sflag:s14] =	ssyncadd.s32 $0xFFFFC000  }
0x8d: {  	[tilespmem:s18], [sflag:$0x2] =	stream.indirect.gather [hbm4b:s4+s16], $0x80, s26, s16, $0xb8;
	[tilespmem:$0x1E400] =	vst v63  }
0x8e: {  	_ =	swait.ge [sflag:s19], $0x4000  }
0x8f: {  	[sflag:s19] =	ssyncset.done $0x0  }
0x90: {  	s29 =	sadd.s32 $0x1400, s25;
	[sflag:s19] =	ssyncadd.s32 $0xFFFFC000  }
0x91: {  	[spmem:s2] =	stream.indirect.scatter.add.f32 [tilespmem:s17], [sflag:$0x3], $0x80, s29, s16, $0xb8;
	[tilespmem:$0x1E400] =	vst v63  }
0x92: {  	_ =	swait.ge [sflag:s14], $0x4000  }
0x93: {  	[sflag:s14] =	ssyncset.done $0x0  }
0x94: {  	s30 =	sadd.s32 $0x100, s25;
	[sflag:s14] =	ssyncadd.s32 $0xFFFFC000  }
0x95: {  	[tilespmem:s17], [sflag:$0x1] =	stream.indirect.gather [hbm4b:s4+s16], $0x80, s30, s16, $0xb8;
	[tilespmem:$0x1E400] =	vst v63  }
0x96: {  	_ =	swait.ge [sflag:s20], $0x4000  }
0x97: {  	[sflag:s20] =	ssyncset.done $0x0  }
0x98: {  	s31 =	sadd.s32 $0x1480, s25;
	[sflag:s20] =	ssyncadd.s32 $0xFFFFC000  }
0x99: {  	[spmem:s2] =	stream.indirect.scatter.add.f32 [tilespmem:s18], [sflag:$0x3], $0x80, s31, s16, $0xb8;
	[tilespmem:$0x1E400] =	vst v63  }
0x9a: {  	_ =	swait.ge [sflag:s14], $0x4000  }
0x9b: {  	[sflag:s14] =	ssyncset.done $0x0  }
0x9c: {  	[sflag:s14] =	ssyncadd.s32 $0xFFFFC000  }
0x9d: {  	[tilespmem:s18], [sflag:$0x2] =	stream.indirect.gather [hbm4b:s4+s16], $0x80, s21, s16, $0xb8;
	[tilespmem:$0x1E400] =	vst v63  }
0x9e: {  	_ =	swait.ge [sflag:s19], $0x4000  }
0x9f: {  	[sflag:s19] =	ssyncset.done $0x0  }
0xa0: {  	[sflag:s19] =	ssyncadd.s32 $0xFFFFC000  }
0xa1: {  	[spmem:s2] =	stream.indirect.scatter.add.f32 [tilespmem:s17], [sflag:$0x3], $0x80, s22, s16, $0xb8;
	[tilespmem:$0x1E400] =	vst v63  }
0xa2: {  	_ =	swait.ge [sflag:s14], $0x4000  }
0xa3: {  	[sflag:s14] =	ssyncset.done $0x0  }
0xa4: {  	[sflag:s14] =	ssyncadd.s32 $0xFFFFC000  }
0xa5: {  	_ =	swait.ge [sflag:s20], $0x4000  }
0xa6: {  	[sflag:s20] =	ssyncset.done $0x0  }
0xa7: {  	[sflag:s20] =	ssyncadd.s32 $0xFFFFC000  }
0xa8: {  	[spmem:s2] =	stream.indirect.scatter.add.f32 [tilespmem:s18], [sflag:$0x3], $0x80, s23, s16, $0xb8;
	[tilespmem:$0x1E400] =	vst v63  }
0xa9: {  	_ =	swait.ge [sflag:s14], $0x4000  }
0xaa: {  	s24 =	sadd.s32 $0x1, s24;
	[sflag:s14] =	ssyncset.done $0x0  }
0xab: {  	p0 =	sne.s32 s24, s12;
	[sflag:s14] =	ssyncadd.s32 $0xFFFFC000  }
.Ltmp2:
0xac: {  	[bflag:$0x0] =	sbarrier.arrive $0xFFFF;
	(pc) =	sbr.rel @p0 .LBB2_1-.Ltmp2, $4  }
0xad: {  	[hbm:s11], [sflag:s6] =	dma.local [spmem:s13], $0x2780  }
0xae: {  	_ =	swait.ge [sflag:s14], $0x2780  }
0xaf: {  	[sflag:s14] =	ssyncset.done $0x0  }
0xb0: {  	[sflag:s14] =	ssyncadd.s32 $0xFFFFD880  }
0xb1: {  	_ =	sfence.sel $0x180000  }
0xb2: {  	[bflag:$0x0] =	sbarrier.arrive $0xFFFF  }
0xb3: {  	p0 =	sne.s32 s1, $0x0;
	_ =	strace $0x9000004D  }
0xb4: {  	s0 =	sadd.s32 @!p0 $0x100000, s0;
	[bflag:$0x2] =	sbarrier.arrive $0xFFFF  }
0xb5: {  	[sflag:s0] =	ssyncadd.tile.s32 @!p0 $0x1;
	_ =	shalt  }
.Lfunc_end2:
_tile_overlayer_lowered:
.L_overlay_start_2:
0xb6: {  	(tag) =	ssettag $0x2  }
0xb7: {  	s0 =	rddreg [dreg:$0x0];
	s2 =	stileid.u32  }
0xb8: {  	s1 =	rddreg [dreg:$0x1];
	p0 =	sne.s32 s2, $0x0  }
0xb9: {  	s3 =	rddreg [dreg:$0x2];
	[bflag:$0x3] =	sbarrier.arrive $0xFFFF;
	s2 =	simm.s32 @!p0 $0x1C03  }
0xba: {  	[timem:s3], [sflag:s2] =	dma.local @!p0 [hbm:s0], s1  }
0xbb: {  	s0 =	simm.s32 @!p0 $0x3  }
0xbc: {  	_ =	swait.ge @!p0 [sflag:s0], s1  }
0xbd: {  	s1 =	ssub.s32 @!p0 $0x0, s1;
	[sflag:s0] =	ssyncset.done @!p0 $0x0  }
0xbe: {  	[sflag:s0] =	ssyncadd.s32 @!p0 s1  }
0xbf: {  	[bflag:$0x3] =	sbarrier.arrive $0xFFFF  }
0xc0: {  	_ =	shalt  }

// kernel: kernel.21.cloned.1.call-start
scs
__scs_entry_jumppad:
0x0: {  	(pc) =	sbr.rel $0x88, $3  }
0x1: {  	(tag) =	ssettag $0x0;
	lr =	simm.s32 $0x1  }
0x2: {  	[smem:$0x3F8A] =	sst lr;
	_ =	strace $0xD0000000  }
0x3: {  	_ = 	snop  }
0x4: {  	_ = 	snop  }
0x5: {  	_ = 	snop  }
0x6: {  	_ = 	snop  }
0x7: {  	_ = 	snop  }
__scs_overlays_trampoline_lowered:
0x8: {  	[smem:$0x3F99] =	sst s0  }
0x9: {  	[smem:$0x3F9A] =	sst s1  }
0xa: {  	[smem:$0x3F9B] =	sst s2  }
0xb: {  	[smem:$0x3F9C] =	sst s3  }
0xc: {  	[smem:$0x3F9D] =	sst s4  }
0xd: {  	[smem:$0x3F9E] =	sst s5  }
0xe: {  	[smem:$0x3F9F] =	sst s6  }
0xf: {  	[smem:$0x3FA0] =	sst s7  }
0x10: {  	[smem:$0x3FA1] =	sst s8  }
0x11: {  	[smem:$0x3FA2] =	sst s9;
	s0 =	simm.s32 @!p0 $0x0  }
0x12: {  	s1 =	sld [smem:$0x3F88];
	s0 =	simm.s32 @p0 $0x1  }
0x13: {  	[smem:$0x3FA3] =	sst s0;
	s0 =	simm.s32 @!p1 $0x0  }
0x14: {  	s2 =	sld [smem:$0x3F87];
	s0 =	simm.s32 @p1 $0x1  }
0x15: {  	[smem:$0x3FA4] =	sst s0;
	s0 =	simm.s32 @!p2 $0x0  }
0x16: {  	s3 =	sld [smem:$0x3FDB];
	s0 =	simm.s32 @p2 $0x1  }
0x17: {  	s4 =	simm.s32 $0x1BF5;
	[smem:$0x3FA6] =	sst s0  }
0x18: {  	s0 =	sld [smem:$0x3F89];
	_ =	swait.ge [sflag:s4], $0x0  }
0x19: {  	s7 =	sld [smem:$0x3F8A]  }
0x1a: {  	s8 =	sadd.s32 $0xFFFFE003, lr  }
0x1b: {  	s9 =	sadd.s32 $0xFFFFFEF7, lr;
	s5 =	simm.s32 $0xFFFFFFFF;
	p2 =	slt.u32 s8, $0xFFFFF086  }
0x1c: {  	p1 =	slt.u32 s9, $0xF7A;
	s5 =	simm.s32 @!p2 $0x0  }
0x1d: {  	s5 =	simm.s32 @p1 $0x1;
	p0 =	seq.s32 s7, s2  }
0x1e: {  	s7 =	smul.u32 @!p0 $0xF7A, s2;
	p2 =	seq.s32 @!p0 s5, $0x0  }
0x1f: {  	s9 =	smul.u32 $0xF7A, s1;
	s8 =	simm.s32 @!p0 $0x1BF5;
	p2 =	por !p2, p0  }
0x20: {  	[sflag:s8] =	ssyncset.s32 @!p0 $0xFFFFF086;
	s6 =	sadd.s32 @!p0 s3, s7;
	s7 =	simm.s32 @!p0 $0x108  }
0x21: {  	s3 =	sadd.s32 s3, s9;
	s6 =	sadd.s32 @!p0 $0x88, s6;
	s7 =	simm.s32 @p2 $0x1082  }
0x22: {  	[simem:s7], [sflag:s8] =	dma.local @!p0 [hbm:s6], $0xF7A  }
0x23: {  	s9 =	sor.u32 $0xD0000000, s2;
	s6 =	simm.s32 $0x108;
	_ =	swait.ge @!p0 [sflag:s8], $0x0  }
0x24: {  	s3 =	sadd.s32 $0x88, s3;
	s6 =	simm.s32 @!p1 $0x1082;
	[sflag:s4] =	ssyncset.s32 $0xFFFFF086  }
0x25: {  	[simem:s6], [sflag:s4] =	dma.local [hbm:s3], $0xF7A  }
0x26: {  	[smem:$0x3F8A] =	sst s1;
	(tag) =	ssettag s2;
	_ =	strace s9  }
0x27: {  	s1 =	sld [smem:$0x3F9A]  }
0x28: {  	s2 =	sld [smem:$0x3F9B]  }
0x29: {  	s4 =	sld [smem:$0x3F9D]  }
0x2a: {  	p0 =	seq.s32 s5, $0x0;
	s5 =	sld [smem:$0x3F9E]  }
0x2b: {  	s6 =	sld [smem:$0x3F9F]  }
0x2c: {  	s7 =	sld [smem:$0x3FA0]  }
0x2d: {  	s3 =	simm.s32 $0x108;
	s8 =	sld [smem:$0x3FA1]  }
0x2e: {  	s3 =	simm.s32 @!p0 $0x1082;
	s9 =	sld [smem:$0x3FA2]  }
0x2f: {  	lr =	sadd.s32 s0, s3;
	s0 =	sld [smem:$0x3F99]  }
0x30: {  	s3 =	sld [smem:$0x3F9C]  }
0x31: {  	[smem:$0x3FA5] =	sst s10  }
0x32: {  	s10 =	sld [smem:$0x3FA3];
	_ =	sdelay $0x3  }
0x33: {  	p0 =	seq.s32 s10, $0x1;
	s10 =	sld [smem:$0x3FA5];
	_ =	sdelay $0x3  }
0x34: {  	[smem:$0x3FA5] =	sst s10  }
0x35: {  	s10 =	sld [smem:$0x3FA4];
	_ =	sdelay $0x3  }
0x36: {  	p1 =	seq.s32 s10, $0x1;
	s10 =	sld [smem:$0x3FA5];
	_ =	sdelay $0x3  }
0x37: {  	[smem:$0x3FA5] =	sst s10  }
0x38: {  	s10 =	sld [smem:$0x3FA6]  }
0x39: {  	_ = 	snop;
	(pc) =	sbr.ind lr, $3  }
0x3a: {  	_ = 	snop  }
0x3b: {  	_ = 	snop  }
0x3c: {  	p2 =	seq.s32 s10, $0x1;
	s10 =	sld [smem:$0x3FA5]  }
0x3d: {  	_ =	shalt  }
0x3e: {  	_ =	shalt  }
0x3f: {  	_ =	shalt  }
0x40: {  	_ =	shalt  }
0x41: {  	_ =	shalt  }
0x42: {  	_ =	shalt  }
0x43: {  	_ =	shalt  }
0x44: {  	_ =	shalt  }
0x45: {  	_ =	shalt  }
0x46: {  	_ =	shalt  }
0x47: {  	_ =	shalt  }
0x48: {  	_ =	shalt  }
0x49: {  	_ =	shalt  }
0x4a: {  	_ =	shalt  }
0x4b: {  	_ =	shalt  }
0x4c: {  	_ =	shalt  }
0x4d: {  	_ =	shalt  }
0x4e: {  	_ =	shalt  }
0x4f: {  	_ =	shalt  }
0x50: {  	_ =	shalt  }
0x51: {  	_ =	shalt  }
0x52: {  	_ =	shalt  }
0x53: {  	_ =	shalt  }
0x54: {  	_ =	shalt  }
0x55: {  	_ =	shalt  }
0x56: {  	_ =	shalt  }
0x57: {  	_ =	shalt  }
0x58: {  	_ =	shalt  }
0x59: {  	_ =	shalt  }
0x5a: {  	_ =	shalt  }
0x5b: {  	_ =	shalt  }
0x5c: {  	_ =	shalt  }
0x5d: {  	_ =	shalt  }
0x5e: {  	_ =	shalt  }
0x5f: {  	_ =	shalt  }
0x60: {  	_ =	shalt  }
0x61: {  	_ =	shalt  }
0x62: {  	_ =	shalt  }
0x63: {  	_ =	shalt  }
0x64: {  	_ =	shalt  }
0x65: {  	_ =	shalt  }
0x66: {  	_ =	shalt  }
0x67: {  	_ =	shalt  }
0x68: {  	_ =	shalt  }
0x69: {  	_ =	shalt  }
0x6a: {  	_ =	shalt  }
0x6b: {  	_ =	shalt  }
0x6c: {  	_ =	shalt  }
0x6d: {  	_ =	shalt  }
0x6e: {  	_ =	shalt  }
0x6f: {  	_ =	shalt  }
0x70: {  	_ =	shalt  }
0x71: {  	_ =	shalt  }
0x72: {  	_ =	shalt  }
0x73: {  	_ =	shalt  }
0x74: {  	_ =	shalt  }
0x75: {  	_ =	shalt  }
0x76: {  	_ =	shalt  }
0x77: {  	_ =	shalt  }
0x78: {  	_ =	shalt  }
0x79: {  	_ =	shalt  }
0x7a: {  	_ =	shalt  }
0x7b: {  	_ =	shalt  }
0x7c: {  	_ =	shalt  }
0x7d: {  	_ =	shalt  }
0x7e: {  	_ =	shalt  }
0x7f: {  	_ =	shalt  }
0x80: {  	_ =	shalt  }
0x81: {  	_ =	shalt  }
0x82: {  	_ =	shalt  }
0x83: {  	_ =	shalt  }
0x84: {  	_ =	shalt  }
0x85: {  	_ =	shalt  }
0x86: {  	_ =	shalt  }
0x87: {  	_ =	shalt  }
.Lfunc_end0:
.L_simem_size_0:
called_computation.3_lowered:
.L_overlay_start_0:
0x88: {  	s2 =	sld [smem:$0x3FD9]  }
0x89: {  	s3 =	sld [smem:$0x3FFE];
	_ =	sdelay $0x1  }
0x8a: {  	s1 =	srdreg.scid  }
0x8b: {  	s0 =	sand.u32 $0x1, s1  }
0x8c: {  	s16 =	sshll.u32 s0, $0xA;
	s2 =	sadd.s32 s3, s2  }
0x8d: {  	s2 =	sadd.s32 s2, s16  }
0x8e: {  	[smem:$0x3FB1] =	sst s2  }
0x8f: {  	_ = 	snop  }
0x90: {  	(tm) =	ssettm $0x1  }
0x91: {  	s17 =	sld [smem:$0x3FFB];
	_ =	sdelay $0x3  }
0x92: {  	_ =	strace s17  }
0x93: {  	s2 =	sld [smem:$0x3FFC];
	_ =	sdelay $0x3  }
0x94: {  	_ =	strace s2  }
0x95: {  	s2 =	sld [smem:$0x3FFD];
	_ =	sdelay $0x3  }
0x96: {  	_ =	strace s2  }
0x97: {  	_ =	strace $0x8FFFFFFF  }
0x98: {  	s18 =	sld [smem:$0x3FDB];
	_ =	sdelay $0x1  }
0x99: {  	s19 =	simm.s32 $_scs_section_size  }
0x9a: {  	s4 =	simm.s32 $_size__tile_overlayer_lowered;
	s5 =	simm.s32 $_tile_overlayer_lowered  }
0x9b: {  	s22 =	simm.s32 $0x1BFF;
	s21 =	sshll.u32 s5, $0x1;
	s2 =	sadd.s32 s19, s18  }
0x9c: {  	s6 =	simm.s32 $0x0;
	s20 =	sshll.u32 s4, $0x1;
	s4 =	sadd.s32 s21, s2  }
0x9d: {  	[timem:s6], [sflag:s22] =	dma.local [hbm:s4], s20  }
0x9e: {  	_ =	swait.ge [sflag:s22], s20  }
0x9f: {  	s3 =	ssub.s32 $0x0, s20;
	[sflag:s22] =	ssyncset.done $0x0  }
0xa0: {  	[sflag:s22] =	ssyncadd.s32 s3;
	_ =	sdelay $0x1  }
0xa1: {  	s23 =	simm.s32 $0x1B8B  }
0xa2: {  	_ =	swait.ge [sflag:s23], $0x1  }
0xa3: {  	[sflag:s23] =	ssyncset.done $0x0  }
0xa4: {  	s25 =	simm.s32 $0x1B8E;
	s24 =	sld [smem:$0x3FFE];
	[sflag:s23] =	ssyncadd.s32 $0xFFFFFFFF  }
0xa5: {  	s26 =	simm.s32 $execute0_lowered;
	[smem:$0x3FD2] =	sst s25  }
0xa6: {  	s4 =	sshll.u32 s26, $0x1;
	_ =	strace $0x8000004F;
	[dreg:$0x1] =	wrdreg $0xFFFFFFFF  }
0xa7: {  	s28 =	simm.s32 $_size_execute0_lowered;
	s2 =	sadd.s32 s2, s4;
	[dreg:$0x0] =	wrdreg $0x0  }
0xa8: {  	s4 =	sshll.u32 s28, $0x1;
	[dreg:$0x2] =	wrdreg s2  }
0xa9: {  	[dreg:$0x3] =	wrdreg s4  }
0xaa: {  	[dreg:$0x4] =	wrdreg $0xC0  }
0xab: {  	_ =	task [dreg:s6], $0x5FFFF  }
0xac: {  	[dreg:$0x1] =	wrdreg $0xFFFFFFFF  }
0xad: {  	[dreg:$0x0] =	wrdreg $0x60  }
0xae: {  	[dreg:$0x2] =	wrdreg s24  }
0xaf: {  	[dreg:$0x3] =	wrdreg $0xA8000  }
0xb0: {  	[dreg:$0x4] =	wrdreg $0x9  }
0xb1: {  	_ =	task.clear_ibuf [dreg:s6], $0x5FFFF;
	_ =	strace $0x9000004F  }
0xb2: {  	s29 =	simm.s32 $0x9;
	_ =	strace $0x80000051  }
0xb3: {  	_ =	swait.ge [sflag:s29], $0x1  }
0xb4: {  	[sflag:s29] =	ssyncadd.s32 $0xFFFFFFFF  }
0xb5: {  	_ =	strace $0x90000051  }
0xb6: {  	_ =	sfence  }
0xb7: {  	s30 =	sld [smem:$0x0];
	_ =	sdelay $0x2  }
0xb8: {  	s31 =	sshll.u32 s1, $0xD;
	s1 =	sshrl.u32 s1, $0x2  }
0xb9: {  	s3 =	sand.u32 $0x4000, s31;
	s1 =	sadd.s32 s1, s30  }
0xba: {  	s0 =	sor.u32 s3, s0;
	s1 =	sshll.u32 s1, $0x11  }
0xbb: {  	s0 =	sor.u32 s1, s0  }
0xbc: {  	s0 =	sadd.s32 $0x8F2B, s0  }
0xbd: {  	[sflag:s0] =	ssyncadd.remote.s32 $0x1  }
0xbe: {  	_ =	sfence.sel $0xFFFF  }
0xbf: {  	[dreg:$0x0] =	wrdreg $0xFFFFFFFF;
	(pc) =	sbr.abs _section_cstart, $3  }
0xc0: {  	[dreg:$0x1] =	wrdreg $0xFFFFFFFF  }
0xc1: {  	_ =	task.clear_ibuf [dreg:s6], $0x2FFFF;
	_ =	strace $0x9FFFFFFF  }
0xc2: {  	(tm) =	ssettm $0x7FFFFFFF  }
0xc3: {  	_ =	shalt  }
tec
execute0_lowered:
.L_overlay_start_1:
0x0: {  	(tag) =	ssettag $0x1  }
0x1: {  	s5 =	rddreg [dreg:$0x0]  }
0x2: {  	s2 =	rddreg [dreg:$0x1]  }
0x3: {  	s0 =	rddreg [dreg:$0x2];
	s3 =	simm.s32 $0x0;
	s4 =	srdreg.scid  }
0x4: {  	s1 =	stileid.u32;
	s16 =	simm.s32 $0x80;
	s17 =	simm.s32 $0x2800  }
0x5: {  	s18 =	simm.s32 $0x6800;
	s19 =	simm.s32 $0x1;
	s20 =	simm.s32 $0x2  }
0x6: {  	s21 =	simm.s32 $0x1380;
	s22 =	simm.s32 $0x2700;
	s23 =	simm.s32 $0x2780  }
0x7: {  	s24 =	simm.s32 $0x0;
	[smem:$0x7FF] =	sst s3;
	s6 =	sand.u32 $0x1, s4  }
0x8: {  	s7 =	smul.u32 $0x13C00, s1;
	s9 =	sadd.s32 $0xF400, s5;
	s10 =	sadd.s32 $0x5400, s5  }
0x9: {  	s4 =	sadd.s32 $0x19400, s5;
	s11 =	smul.u32 $0x4F000, s1;
	s29 =	sshll.u32 s1, $0x6  }
0xa: {  	s8 =	smul.u32 $0x13C000, s6;
	s12 =	sshll.u32 s6, $0x4;
	s6 =	ssub.s32 $0x2, s6  }
0xb: {  	_ =	strace $0x80000050;
	s12 =	sor.u32 s1, s12;
	s13 =	sshrl.u32 s6, $0x1  }
0xc: {  	s11 =	sshrl.u32 s11, $0x2;
	s28 =	sshrl.u32 s7, $0x3;
	s8 =	sadd.s32 s7, s8  }
0xd: {  	s12 =	smul.u32 $0x2800, s12;
	s13 =	ssub.s32 s6, s13;
	s8 =	sshrl.u32 s8, $0x3  }
0xe: {  	s15 =	sadd.s32 s11, s2;
	s6 =	sor.u32 $0x1C03, s29;
	s14 =	sadd.s32 s8, s5  }
0xf: {  	s30 =	sshrl.u32 s12, $0x3;
	s5 =	sadd.s32 s4, s28;
	s12 =	smax.u32 s13, $0x1  }
0x10: {  	s13 =	sshrl.u32 s15, $0x3;
	s15 =	simm.s32 $0x1400;
	s31 =	sadd.s32 $0x280, s30  }
0x11: {  	s7 =	sadd.s32 s9, s30;
	s8 =	sadd.s32 s10, s30;
	s11 =	sadd.s32 $0x40C00, s14  }
0x12: {  	s14 =	simm.s32 $0x3;
	s9 =	sadd.s32 s9, s31;
	s10 =	sadd.s32 s10, s31  }
.LBB2_1:
0x13: {  	[spmem:s13], [sflag:s6] =	dma.local [hbm:s5], $0x2780  }
0x14: {  	_ =	swait.ge [sflag:s14], $0x2780  }
0x15: {  	[sflag:s14] =	ssyncset.done $0x0  }
0x16: {  	[sflag:s14] =	ssyncadd.s32 $0xFFFFD880  }
0x17: {  	[bflag:$0x0] =	sbarrier.arrive $0xFFFF  }
0x18: {  	[tilespmem:s3], [sflag:$0x3] =	stream.linear.gather [hbm4b:s7+s3], $0x1400, $0x38;
	[tilespmem:$0x1E400] =	vst v63  }
0x19: {  	_ =	swait.ge [sflag:s14], $0x1400  }
0x1a: {  	[sflag:s14] =	ssyncset.done $0x0  }
0x1b: {  	[sflag:s14] =	ssyncadd.s32 $0xFFFFEC00  }
0x1c: {  	[tilespmem:s15], [sflag:$0x3] =	stream.linear.gather [hbm4b:s8+s3], $0x1400, $0x38;
	[tilespmem:$0x1E400] =	vst v63  }
0x1d: {  	_ =	swait.ge [sflag:s14], $0x1400  }
0x1e: {  	[sflag:s14] =	ssyncset.done $0x0  }
0x1f: {  	[sflag:s14] =	ssyncadd.s32 $0xFFFFEC00  }
0x20: {  	[tilespmem:s17], [sflag:$0x1] =	stream.indirect.gather [hbm4b:s4+s16], $0x80, s3, s16, $0xb8;
	[tilespmem:$0x1E400] =	vst v63  }
0x21: {  	s25 =	simm.s32 $0x80  }
0x22: {  	[tilespmem:s18], [sflag:$0x2] =	stream.indirect.gather [hbm4b:s4+s16], $0x80, s25, s16, $0xb8;
	[tilespmem:$0x1E400] =	vst v63  }
0x23: {  	_ =	swait.ge [sflag:s19], $0x4000  }
0x24: {  	[sflag:s19] =	ssyncset.done $0x0  }
0x25: {  	s29 =	simm.s32 $0x1400;
	[sflag:s19] =	ssyncadd.s32 $0xFFFFC000  }
0x26: {  	[spmem:s2] =	stream.indirect.scatter.add.f32 [tilespmem:s17], [sflag:$0x3], $0x80, s29, s16, $0xb8;
	[tilespmem:$0x1E400] =	vst v63  }
0x27: {  	_ =	swait.ge [sflag:s14], $0x4000  }
0x28: {  	[sflag:s14] =	ssyncset.done $0x0  }
0x29: {  	s30 =	simm.s32 $0x100;
	[sflag:s14] =	ssyncadd.s32 $0xFFFFC000  }
0x2a: {  	[tilespmem:s17], [sflag:$0x1] =	stream.indirect.gather [hbm4b:s4+s16], $0x80, s30, s16, $0xb8;
	[tilespmem:$0x1E400] =	vst v63  }
0x2b: {  	_ =	swait.ge [sflag:s20], $0x4000  }
0x2c: {  	[sflag:s20] =	ssyncset.done $0x0  }
0x2d: {  	s31 =	simm.s32 $0x1480;
	[sflag:s20] =	ssyncadd.s32 $0xFFFFC000  }
0x2e: {  	[spmem:s2] =	stream.indirect.scatter.add.f32 [tilespmem:s18], [sflag:$0x3], $0x80, s31, s16, $0xb8;
	[tilespmem:$0x1E400] =	vst v63  }
0x2f: {  	_ =	swait.ge [sflag:s14], $0x4000  }
0x30: {  	s26 =	simm.s32 $0x800;
	s25 =	simm.s32 $0x100;
	[sflag:s14] =	ssyncset.done $0x0  }
.LBB2_2:
0x31: {  	s28 =	sadd.s32 $0x80, s25  }
0x32: {  	[sflag:s14] =	ssyncadd.s32 $0xFFFFC000;
	s29 =	smov.u32 s26;
	s30 =	sadd.s32 $0x400, s26  }
0x33: {  	[tilespmem:s18], [sflag:$0x2] =	stream.indirect.gather [hbm4b:s4+s16], $0x80, s28, s16, $0xb8;
	[tilespmem:$0x1E400] =	vst v63  }
0x34: {  	p0 =	sne.s32 s26, $0x4800;
	_ =	swait.ge [sflag:s19], $0x4000  }
0x35: {  	[sflag:s19] =	ssyncset.done $0x0  }
0x36: {  	s26 =	sadd.s32 $0x1400, s25;
	[sflag:s19] =	ssyncadd.s32 $0xFFFFC000  }
0x37: {  	[spmem:s2] =	stream.indirect.scatter.add.f32 [tilespmem:s17], [sflag:$0x3], $0x80, s26, s16, $0xb8;
	[tilespmem:$0x1E400] =	vst v63  }
0x38: {  	_ =	swait.ge [sflag:s14], $0x4000  }
0x39: {  	[sflag:s14] =	ssyncset.done $0x0  }
0x3a: {  	s26 =	sadd.s32 $0x100, s25;
	[sflag:s14] =	ssyncadd.s32 $0xFFFFC000  }
0x3b: {  	[tilespmem:s17], [sflag:$0x1] =	stream.indirect.gather [hbm4b:s4+s16], $0x80, s26, s16, $0xb8;
	[tilespmem:$0x1E400] =	vst v63  }
0x3c: {  	_ =	swait.ge [sflag:s20], $0x4000  }
.Ltmp0:
0x3d: {  	[sflag:s20] =	ssyncset.done $0x0;
	(pc) =	sbr.rel @p0 .LBB2_2-.Ltmp0, $4  }
0x3e: {  	s25 =	sadd.s32 $0x1480, s25;
	[sflag:s20] =	ssyncadd.s32 $0xFFFFC000  }
0x3f: {  	[spmem:s2] =	stream.indirect.scatter.add.f32 [tilespmem:s18], [sflag:$0x3], $0x80, s25, s16, $0xb8;
	[tilespmem:$0x1E400] =	vst v63  }
0x40: {  	_ =	swait.ge [sflag:s14], $0x4000  }
0x41: {  	s26 =	smov.u32 s30;
	s25 =	sshra.s32 s29, $0x2;
	[sflag:s14] =	ssyncset.done $0x0  }
0x42: {  	s26 =	sadd.s32 $0x80, s25;
	[sflag:s14] =	ssyncadd.s32 $0xFFFFC000  }
0x43: {  	[tilespmem:s18], [sflag:$0x2] =	stream.indirect.gather [hbm4b:s4+s16], $0x80, s26, s16, $0xb8;
	[tilespmem:$0x1E400] =	vst v63  }
0x44: {  	_ =	swait.ge [sflag:s19], $0x4000  }
0x45: {  	[sflag:s19] =	ssyncset.done $0x0  }
0x46: {  	s29 =	sadd.s32 $0x1400, s25;
	[sflag:s19] =	ssyncadd.s32 $0xFFFFC000  }
0x47: {  	[spmem:s2] =	stream.indirect.scatter.add.f32 [tilespmem:s17], [sflag:$0x3], $0x80, s29, s16, $0xb8;
	[tilespmem:$0x1E400] =	vst v63  }
0x48: {  	_ =	swait.ge [sflag:s14], $0x4000  }
0x49: {  	[sflag:s14] =	ssyncset.done $0x0  }
0x4a: {  	s30 =	sadd.s32 $0x100, s25;
	[sflag:s14] =	ssyncadd.s32 $0xFFFFC000  }
0x4b: {  	[tilespmem:s17], [sflag:$0x1] =	stream.indirect.gather [hbm4b:s4+s16], $0x80, s30, s16, $0xb8;
	[tilespmem:$0x1E400] =	vst v63  }
0x4c: {  	_ =	swait.ge [sflag:s20], $0x4000  }
0x4d: {  	[sflag:s20] =	ssyncset.done $0x0  }
0x4e: {  	s31 =	sadd.s32 $0x1480, s25;
	[sflag:s20] =	ssyncadd.s32 $0xFFFFC000  }
0x4f: {  	[spmem:s2] =	stream.indirect.scatter.add.f32 [tilespmem:s18], [sflag:$0x3], $0x80, s31, s16, $0xb8;
	[tilespmem:$0x1E400] =	vst v63  }
0x50: {  	_ =	swait.ge [sflag:s14], $0x4000  }
0x51: {  	[sflag:s14] =	ssyncset.done $0x0  }
0x52: {  	[sflag:s14] =	ssyncadd.s32 $0xFFFFC000  }
0x53: {  	[tilespmem:s18], [sflag:$0x2] =	stream.indirect.gather [hbm4b:s4+s16], $0x80, s21, s16, $0xb8;
	[tilespmem:$0x1E400] =	vst v63  }
0x54: {  	_ =	swait.ge [sflag:s19], $0x4000  }
0x55: {  	[sflag:s19] =	ssyncset.done $0x0  }
0x56: {  	[sflag:s19] =	ssyncadd.s32 $0xFFFFC000  }
0x57: {  	[spmem:s2] =	stream.indirect.scatter.add.f32 [tilespmem:s17], [sflag:$0x3], $0x80, s22, s16, $0xb8;
	[tilespmem:$0x1E400] =	vst v63  }
0x58: {  	_ =	swait.ge [sflag:s14], $0x4000  }
0x59: {  	[sflag:s14] =	ssyncset.done $0x0  }
0x5a: {  	[sflag:s14] =	ssyncadd.s32 $0xFFFFC000  }
0x5b: {  	_ =	swait.ge [sflag:s20], $0x4000  }
0x5c: {  	[sflag:s20] =	ssyncset.done $0x0  }
0x5d: {  	[sflag:s20] =	ssyncadd.s32 $0xFFFFC000  }
0x5e: {  	[spmem:s2] =	stream.indirect.scatter.add.f32 [tilespmem:s18], [sflag:$0x3], $0x80, s23, s16, $0xb8;
	[tilespmem:$0x1E400] =	vst v63  }
0x5f: {  	_ =	swait.ge [sflag:s14], $0x4000  }
0x60: {  	[sflag:s14] =	ssyncset.done $0x0  }
0x61: {  	s26 =	simm.s32 $0x0;
	[sflag:s14] =	ssyncadd.s32 $0xFFFFC000  }
0x62: {  	[tilespmem:s26], [sflag:$0x3] =	stream.linear.gather [hbm4b:s9+s26], $0x1400, $0x38;
	[tilespmem:$0x1E400] =	vst v63  }
0x63: {  	_ =	swait.ge [sflag:s14], $0x1400  }
0x64: {  	[sflag:s14] =	ssyncset.done $0x0  }
0x65: {  	[sflag:s14] =	ssyncadd.s32 $0xFFFFEC00  }
0x66: {  	[tilespmem:s15], [sflag:$0x3] =	stream.linear.gather [hbm4b:s10+s26], $0x1400, $0x38;
	[tilespmem:$0x1E400] =	vst v63  }
0x67: {  	_ =	swait.ge [sflag:s14], $0x1400  }
0x68: {  	[sflag:s14] =	ssyncset.done $0x0  }
0x69: {  	[sflag:s14] =	ssyncadd.s32 $0xFFFFEC00  }
0x6a: {  	[tilespmem:s17], [sflag:$0x1] =	stream.indirect.gather [hbm4b:s4+s16], $0x80, s26, s16, $0xb8;
	[tilespmem:$0x1E400] =	vst v63  }
0x6b: {  	s28 =	simm.s32 $0x80  }
0x6c: {  	[tilespmem:s18], [sflag:$0x2] =	stream.indirect.gather [hbm4b:s4+s16], $0x80, s28, s16, $0xb8;
	[tilespmem:$0x1E400] =	vst v63  }
0x6d: {  	_ =	swait.ge [sflag:s19], $0x4000  }
0x6e: {  	[sflag:s19] =	ssyncset.done $0x0  }
0x6f: {  	s29 =	simm.s32 $0x1400;
	[sflag:s19] =	ssyncadd.s32 $0xFFFFC000  }
0x70: {  	[spmem:s2] =	stream.indirect.scatter.add.f32 [tilespmem:s17], [sflag:$0x3], $0x80, s29, s16, $0xb8;
	[tilespmem:$0x1E400] =	vst v63  }
0x71: {  	_ =	swait.ge [sflag:s14], $0x4000  }
0x72: {  	[sflag:s14] =	ssyncset.done $0x0  }
0x73: {  	s30 =	simm.s32 $0x100;
	[sflag:s14] =	ssyncadd.s32 $0xFFFFC000  }
0x74: {  	[tilespmem:s17], [sflag:$0x1] =	stream.indirect.gather [hbm4b:s4+s16], $0x80, s30, s16, $0xb8;
	[tilespmem:$0x1E400] =	vst v63  }
0x75: {  	_ =	swait.ge [sflag:s20], $0x4000  }
0x76: {  	[sflag:s20] =	ssyncset.done $0x0  }
0x77: {  	s31 =	simm.s32 $0x1480;
	[sflag:s20] =	ssyncadd.s32 $0xFFFFC000  }
0x78: {  	[spmem:s2] =	stream.indirect.scatter.add.f32 [tilespmem:s18], [sflag:$0x3], $0x80, s31, s16, $0xb8;
	[tilespmem:$0x1E400] =	vst v63  }
0x79: {  	_ =	swait.ge [sflag:s14], $0x4000  }
0x7a: {  	s25 =	simm.s32 $0x100;
	s26 =	simm.s32 $0x800;
	[sflag:s14] =	ssyncset.done $0x0  }
.LBB2_4:
0x7b: {  	s28 =	sadd.s32 $0x80, s25  }
0x7c: {  	[sflag:s14] =	ssyncadd.s32 $0xFFFFC000;
	s29 =	smov.u32 s26;
	s30 =	sadd.s32 $0x400, s26  }
0x7d: {  	[tilespmem:s18], [sflag:$0x2] =	stream.indirect.gather [hbm4b:s4+s16], $0x80, s28, s16, $0xb8;
	[tilespmem:$0x1E400] =	vst v63  }
0x7e: {  	p0 =	sne.s32 s26, $0x4800;
	_ =	swait.ge [sflag:s19], $0x4000  }
0x7f: {  	[sflag:s19] =	ssyncset.done $0x0  }
0x80: {  	s26 =	sadd.s32 $0x1400, s25;
	[sflag:s19] =	ssyncadd.s32 $0xFFFFC000  }
0x81: {  	[spmem:s2] =	stream.indirect.scatter.add.f32 [tilespmem:s17], [sflag:$0x3], $0x80, s26, s16, $0xb8;
	[tilespmem:$0x1E400] =	vst v63  }
0x82: {  	_ =	swait.ge [sflag:s14], $0x4000  }
0x83: {  	[sflag:s14] =	ssyncset.done $0x0  }
0x84: {  	s26 =	sadd.s32 $0x100, s25;
	[sflag:s14] =	ssyncadd.s32 $0xFFFFC000  }
0x85: {  	[tilespmem:s17], [sflag:$0x1] =	stream.indirect.gather [hbm4b:s4+s16], $0x80, s26, s16, $0xb8;
	[tilespmem:$0x1E400] =	vst v63  }
0x86: {  	_ =	swait.ge [sflag:s20], $0x4000  }
.Ltmp1:
0x87: {  	[sflag:s20] =	ssyncset.done $0x0;
	(pc) =	sbr.rel @p0 .LBB2_4-.Ltmp1, $4  }
0x88: {  	s25 =	sadd.s32 $0x1480, s25;
	[sflag:s20] =	ssyncadd.s32 $0xFFFFC000  }
0x89: {  	[spmem:s2] =	stream.indirect.scatter.add.f32 [tilespmem:s18], [sflag:$0x3], $0x80, s25, s16, $0xb8;
	[tilespmem:$0x1E400] =	vst v63  }
0x8a: {  	_ =	swait.ge [sflag:s14], $0x4000  }
0x8b: {  	s26 =	smov.u32 s30;
	s25 =	sshra.s32 s29, $0x2;
	[sflag:s14] =	ssyncset.done $0x0  }
0x8c: {  	s26 =	sadd.s32 $0x80, s25;
	[sflag:s14] =	ssyncadd.s32 $0xFFFFC000  }
0x8d: {  	[tilespmem:s18], [sflag:$0x2] =	stream.indirect.gather [hbm4b:s4+s16], $0x80, s26, s16, $0xb8;
	[tilespmem:$0x1E400] =	vst v63  }
0x8e: {  	_ =	swait.ge [sflag:s19], $0x4000  }
0x8f: {  	[sflag:s19] =	ssyncset.done $0x0  }
0x90: {  	s29 =	sadd.s32 $0x1400, s25;
	[sflag:s19] =	ssyncadd.s32 $0xFFFFC000  }
0x91: {  	[spmem:s2] =	stream.indirect.scatter.add.f32 [tilespmem:s17], [sflag:$0x3], $0x80, s29, s16, $0xb8;
	[tilespmem:$0x1E400] =	vst v63  }
0x92: {  	_ =	swait.ge [sflag:s14], $0x4000  }
0x93: {  	[sflag:s14] =	ssyncset.done $0x0  }
0x94: {  	s30 =	sadd.s32 $0x100, s25;
	[sflag:s14] =	ssyncadd.s32 $0xFFFFC000  }
0x95: {  	[tilespmem:s17], [sflag:$0x1] =	stream.indirect.gather [hbm4b:s4+s16], $0x80, s30, s16, $0xb8;
	[tilespmem:$0x1E400] =	vst v63  }
0x96: {  	_ =	swait.ge [sflag:s20], $0x4000  }
0x97: {  	[sflag:s20] =	ssyncset.done $0x0  }
0x98: {  	s31 =	sadd.s32 $0x1480, s25;
	[sflag:s20] =	ssyncadd.s32 $0xFFFFC000  }
0x99: {  	[spmem:s2] =	stream.indirect.scatter.add.f32 [tilespmem:s18], [sflag:$0x3], $0x80, s31, s16, $0xb8;
	[tilespmem:$0x1E400] =	vst v63  }
0x9a: {  	_ =	swait.ge [sflag:s14], $0x4000  }
0x9b: {  	[sflag:s14] =	ssyncset.done $0x0  }
0x9c: {  	[sflag:s14] =	ssyncadd.s32 $0xFFFFC000  }
0x9d: {  	[tilespmem:s18], [sflag:$0x2] =	stream.indirect.gather [hbm4b:s4+s16], $0x80, s21, s16, $0xb8;
	[tilespmem:$0x1E400] =	vst v63  }
0x9e: {  	_ =	swait.ge [sflag:s19], $0x4000  }
0x9f: {  	[sflag:s19] =	ssyncset.done $0x0  }
0xa0: {  	[sflag:s19] =	ssyncadd.s32 $0xFFFFC000  }
0xa1: {  	[spmem:s2] =	stream.indirect.scatter.add.f32 [tilespmem:s17], [sflag:$0x3], $0x80, s22, s16, $0xb8;
	[tilespmem:$0x1E400] =	vst v63  }
0xa2: {  	_ =	swait.ge [sflag:s14], $0x4000  }
0xa3: {  	[sflag:s14] =	ssyncset.done $0x0  }
0xa4: {  	[sflag:s14] =	ssyncadd.s32 $0xFFFFC000  }
0xa5: {  	_ =	swait.ge [sflag:s20], $0x4000  }
0xa6: {  	[sflag:s20] =	ssyncset.done $0x0  }
0xa7: {  	[sflag:s20] =	ssyncadd.s32 $0xFFFFC000  }
0xa8: {  	[spmem:s2] =	stream.indirect.scatter.add.f32 [tilespmem:s18], [sflag:$0x3], $0x80, s23, s16, $0xb8;
	[tilespmem:$0x1E400] =	vst v63  }
0xa9: {  	_ =	swait.ge [sflag:s14], $0x4000  }
0xaa: {  	s24 =	sadd.s32 $0x1, s24;
	[sflag:s14] =	ssyncset.done $0x0  }
0xab: {  	p0 =	sne.s32 s24, s12;
	[sflag:s14] =	ssyncadd.s32 $0xFFFFC000  }
.Ltmp2:
0xac: {  	[bflag:$0x0] =	sbarrier.arrive $0xFFFF;
	(pc) =	sbr.rel @p0 .LBB2_1-.Ltmp2, $4  }
0xad: {  	[hbm:s11], [sflag:s6] =	dma.local [spmem:s13], $0x2780  }
0xae: {  	_ =	swait.ge [sflag:s14], $0x2780  }
0xaf: {  	[sflag:s14] =	ssyncset.done $0x0  }
0xb0: {  	[sflag:s14] =	ssyncadd.s32 $0xFFFFD880  }
0xb1: {  	_ =	sfence.sel $0x180000  }
0xb2: {  	[bflag:$0x0] =	sbarrier.arrive $0xFFFF  }
0xb3: {  	p0 =	sne.s32 s1, $0x0;
	_ =	strace $0x90000050  }
0xb4: {  	s0 =	sadd.s32 @!p0 $0x100000, s0;
	[bflag:$0x2] =	sbarrier.arrive $0xFFFF  }
0xb5: {  	[sflag:s0] =	ssyncadd.tile.s32 @!p0 $0x1;
	_ =	shalt  }
.Lfunc_end2:
_tile_overlayer_lowered:
.L_overlay_start_2:
0xb6: {  	(tag) =	ssettag $0x2  }
0xb7: {  	s0 =	rddreg [dreg:$0x0];
	s2 =	stileid.u32  }
0xb8: {  	s1 =	rddreg [dreg:$0x1];
	p0 =	sne.s32 s2, $0x0  }
0xb9: {  	s3 =	rddreg [dreg:$0x2];
	[bflag:$0x3] =	sbarrier.arrive $0xFFFF;
	s2 =	simm.s32 @!p0 $0x1C03  }
0xba: {  	[timem:s3], [sflag:s2] =	dma.local @!p0 [hbm:s0], s1  }
0xbb: {  	s0 =	simm.s32 @!p0 $0x3  }
0xbc: {  	_ =	swait.ge @!p0 [sflag:s0], s1  }
0xbd: {  	s1 =	ssub.s32 @!p0 $0x0, s1;
	[sflag:s0] =	ssyncset.done @!p0 $0x0  }
0xbe: {  	[sflag:s0] =	ssyncadd.s32 @!p0 s1  }
0xbf: {  	[bflag:$0x3] =	sbarrier.arrive $0xFFFF  }
0xc0: {  	_ =	shalt  }

// kernel: kernel.24.cloned.1.call-start
scs
__scs_entry_jumppad:
0x0: {  	(pc) =	sbr.rel $0x88, $3  }
0x1: {  	(tag) =	ssettag $0x0;
	lr =	simm.s32 $0x1  }
0x2: {  	[smem:$0x3F8A] =	sst lr;
	_ =	strace $0xD0000000  }
0x3: {  	_ = 	snop  }
0x4: {  	_ = 	snop  }
0x5: {  	_ = 	snop  }
0x6: {  	_ = 	snop  }
0x7: {  	_ = 	snop  }
__scs_overlays_trampoline_lowered:
0x8: {  	[smem:$0x3F99] =	sst s0  }
0x9: {  	[smem:$0x3F9A] =	sst s1  }
0xa: {  	[smem:$0x3F9B] =	sst s2  }
0xb: {  	[smem:$0x3F9C] =	sst s3  }
0xc: {  	[smem:$0x3F9D] =	sst s4  }
0xd: {  	[smem:$0x3F9E] =	sst s5  }
0xe: {  	[smem:$0x3F9F] =	sst s6  }
0xf: {  	[smem:$0x3FA0] =	sst s7  }
0x10: {  	[smem:$0x3FA1] =	sst s8  }
0x11: {  	[smem:$0x3FA2] =	sst s9;
	s0 =	simm.s32 @!p0 $0x0  }
0x12: {  	s1 =	sld [smem:$0x3F88];
	s0 =	simm.s32 @p0 $0x1  }
0x13: {  	[smem:$0x3FA3] =	sst s0;
	s0 =	simm.s32 @!p1 $0x0  }
0x14: {  	s2 =	sld [smem:$0x3F87];
	s0 =	simm.s32 @p1 $0x1  }
0x15: {  	[smem:$0x3FA4] =	sst s0;
	s0 =	simm.s32 @!p2 $0x0  }
0x16: {  	s3 =	sld [smem:$0x3FDB];
	s0 =	simm.s32 @p2 $0x1  }
0x17: {  	s4 =	simm.s32 $0x1BF5;
	[smem:$0x3FA6] =	sst s0  }
0x18: {  	s0 =	sld [smem:$0x3F89];
	_ =	swait.ge [sflag:s4], $0x0  }
0x19: {  	s7 =	sld [smem:$0x3F8A]  }
0x1a: {  	s8 =	sadd.s32 $0xFFFFE003, lr  }
0x1b: {  	s9 =	sadd.s32 $0xFFFFFEF7, lr;
	s5 =	simm.s32 $0xFFFFFFFF;
	p2 =	slt.u32 s8, $0xFFFFF086  }
0x1c: {  	p1 =	slt.u32 s9, $0xF7A;
	s5 =	simm.s32 @!p2 $0x0  }
0x1d: {  	s5 =	simm.s32 @p1 $0x1;
	p0 =	seq.s32 s7, s2  }
0x1e: {  	s7 =	smul.u32 @!p0 $0xF7A, s2;
	p2 =	seq.s32 @!p0 s5, $0x0  }
0x1f: {  	s9 =	smul.u32 $0xF7A, s1;
	s8 =	simm.s32 @!p0 $0x1BF5;
	p2 =	por !p2, p0  }
0x20: {  	[sflag:s8] =	ssyncset.s32 @!p0 $0xFFFFF086;
	s6 =	sadd.s32 @!p0 s3, s7;
	s7 =	simm.s32 @!p0 $0x108  }
0x21: {  	s3 =	sadd.s32 s3, s9;
	s6 =	sadd.s32 @!p0 $0x88, s6;
	s7 =	simm.s32 @p2 $0x1082  }
0x22: {  	[simem:s7], [sflag:s8] =	dma.local @!p0 [hbm:s6], $0xF7A  }
0x23: {  	s9 =	sor.u32 $0xD0000000, s2;
	s6 =	simm.s32 $0x108;
	_ =	swait.ge @!p0 [sflag:s8], $0x0  }
0x24: {  	s3 =	sadd.s32 $0x88, s3;
	s6 =	simm.s32 @!p1 $0x1082;
	[sflag:s4] =	ssyncset.s32 $0xFFFFF086  }
0x25: {  	[simem:s6], [sflag:s4] =	dma.local [hbm:s3], $0xF7A  }
0x26: {  	[smem:$0x3F8A] =	sst s1;
	(tag) =	ssettag s2;
	_ =	strace s9  }
0x27: {  	s1 =	sld [smem:$0x3F9A]  }
0x28: {  	s2 =	sld [smem:$0x3F9B]  }
0x29: {  	s4 =	sld [smem:$0x3F9D]  }
0x2a: {  	p0 =	seq.s32 s5, $0x0;
	s5 =	sld [smem:$0x3F9E]  }
0x2b: {  	s6 =	sld [smem:$0x3F9F]  }
0x2c: {  	s7 =	sld [smem:$0x3FA0]  }
0x2d: {  	s3 =	simm.s32 $0x108;
	s8 =	sld [smem:$0x3FA1]  }
0x2e: {  	s3 =	simm.s32 @!p0 $0x1082;
	s9 =	sld [smem:$0x3FA2]  }
0x2f: {  	lr =	sadd.s32 s0, s3;
	s0 =	sld [smem:$0x3F99]  }
0x30: {  	s3 =	sld [smem:$0x3F9C]  }
0x31: {  	[smem:$0x3FA5] =	sst s10  }
0x32: {  	s10 =	sld [smem:$0x3FA3];
	_ =	sdelay $0x3  }
0x33: {  	p0 =	seq.s32 s10, $0x1;
	s10 =	sld [smem:$0x3FA5];
	_ =	sdelay $0x3  }
0x34: {  	[smem:$0x3FA5] =	sst s10  }
0x35: {  	s10 =	sld [smem:$0x3FA4];
	_ =	sdelay $0x3  }
0x36: {  	p1 =	seq.s32 s10, $0x1;
	s10 =	sld [smem:$0x3FA5];
	_ =	sdelay $0x3  }
0x37: {  	[smem:$0x3FA5] =	sst s10  }
0x38: {  	s10 =	sld [smem:$0x3FA6]  }
0x39: {  	_ = 	snop;
	(pc) =	sbr.ind lr, $3  }
0x3a: {  	_ = 	snop  }
0x3b: {  	_ = 	snop  }
0x3c: {  	p2 =	seq.s32 s10, $0x1;
	s10 =	sld [smem:$0x3FA5]  }
0x3d: {  	_ =	shalt  }
0x3e: {  	_ =	shalt  }
0x3f: {  	_ =	shalt  }
0x40: {  	_ =	shalt  }
0x41: {  	_ =	shalt  }
0x42: {  	_ =	shalt  }
0x43: {  	_ =	shalt  }
0x44: {  	_ =	shalt  }
0x45: {  	_ =	shalt  }
0x46: {  	_ =	shalt  }
0x47: {  	_ =	shalt  }
0x48: {  	_ =	shalt  }
0x49: {  	_ =	shalt  }
0x4a: {  	_ =	shalt  }
0x4b: {  	_ =	shalt  }
0x4c: {  	_ =	shalt  }
0x4d: {  	_ =	shalt  }
0x4e: {  	_ =	shalt  }
0x4f: {  	_ =	shalt  }
0x50: {  	_ =	shalt  }
0x51: {  	_ =	shalt  }
0x52: {  	_ =	shalt  }
0x53: {  	_ =	shalt  }
0x54: {  	_ =	shalt  }
0x55: {  	_ =	shalt  }
0x56: {  	_ =	shalt  }
0x57: {  	_ =	shalt  }
0x58: {  	_ =	shalt  }
0x59: {  	_ =	shalt  }
0x5a: {  	_ =	shalt  }
0x5b: {  	_ =	shalt  }
0x5c: {  	_ =	shalt  }
0x5d: {  	_ =	shalt  }
0x5e: {  	_ =	shalt  }
0x5f: {  	_ =	shalt  }
0x60: {  	_ =	shalt  }
0x61: {  	_ =	shalt  }
0x62: {  	_ =	shalt  }
0x63: {  	_ =	shalt  }
0x64: {  	_ =	shalt  }
0x65: {  	_ =	shalt  }
0x66: {  	_ =	shalt  }
0x67: {  	_ =	shalt  }
0x68: {  	_ =	shalt  }
0x69: {  	_ =	shalt  }
0x6a: {  	_ =	shalt  }
0x6b: {  	_ =	shalt  }
0x6c: {  	_ =	shalt  }
0x6d: {  	_ =	shalt  }
0x6e: {  	_ =	shalt  }
0x6f: {  	_ =	shalt  }
0x70: {  	_ =	shalt  }
0x71: {  	_ =	shalt  }
0x72: {  	_ =	shalt  }
0x73: {  	_ =	shalt  }
0x74: {  	_ =	shalt  }
0x75: {  	_ =	shalt  }
0x76: {  	_ =	shalt  }
0x77: {  	_ =	shalt  }
0x78: {  	_ =	shalt  }
0x79: {  	_ =	shalt  }
0x7a: {  	_ =	shalt  }
0x7b: {  	_ =	shalt  }
0x7c: {  	_ =	shalt  }
0x7d: {  	_ =	shalt  }
0x7e: {  	_ =	shalt  }
0x7f: {  	_ =	shalt  }
0x80: {  	_ =	shalt  }
0x81: {  	_ =	shalt  }
0x82: {  	_ =	shalt  }
0x83: {  	_ =	shalt  }
0x84: {  	_ =	shalt  }
0x85: {  	_ =	shalt  }
0x86: {  	_ =	shalt  }
0x87: {  	_ =	shalt  }
.Lfunc_end0:
.L_simem_size_0:
called_computation.4_lowered:
.L_overlay_start_0:
0x88: {  	s2 =	sld [smem:$0x3FD9]  }
0x89: {  	s3 =	sld [smem:$0x3FFE];
	_ =	sdelay $0x1  }
0x8a: {  	s1 =	srdreg.scid  }
0x8b: {  	s0 =	sand.u32 $0x1, s1  }
0x8c: {  	s16 =	sshll.u32 s0, $0xA;
	s2 =	sadd.s32 s3, s2  }
0x8d: {  	s2 =	sadd.s32 s2, s16  }
0x8e: {  	[smem:$0x3FB1] =	sst s2  }
0x8f: {  	_ = 	snop  }
0x90: {  	(tm) =	ssettm $0x1  }
0x91: {  	s17 =	sld [smem:$0x3FFB];
	_ =	sdelay $0x3  }
0x92: {  	_ =	strace s17  }
0x93: {  	s2 =	sld [smem:$0x3FFC];
	_ =	sdelay $0x3  }
0x94: {  	_ =	strace s2  }
0x95: {  	s2 =	sld [smem:$0x3FFD];
	_ =	sdelay $0x3  }
0x96: {  	_ =	strace s2  }
0x97: {  	_ =	strace $0x8FFFFFFF  }
0x98: {  	s18 =	sld [smem:$0x3FDB];
	_ =	sdelay $0x1  }
0x99: {  	s19 =	simm.s32 $_scs_section_size  }
0x9a: {  	s4 =	simm.s32 $_size__tile_overlayer_lowered;
	s5 =	simm.s32 $_tile_overlayer_lowered  }
0x9b: {  	s22 =	simm.s32 $0x1BFF;
	s21 =	sshll.u32 s5, $0x1;
	s2 =	sadd.s32 s19, s18  }
0x9c: {  	s6 =	simm.s32 $0x0;
	s20 =	sshll.u32 s4, $0x1;
	s4 =	sadd.s32 s21, s2  }
0x9d: {  	[timem:s6], [sflag:s22] =	dma.local [hbm:s4], s20  }
0x9e: {  	_ =	swait.ge [sflag:s22], s20  }
0x9f: {  	s3 =	ssub.s32 $0x0, s20;
	[sflag:s22] =	ssyncset.done $0x0  }
0xa0: {  	[sflag:s22] =	ssyncadd.s32 s3;
	_ =	sdelay $0x1  }
0xa1: {  	s23 =	simm.s32 $0x1B8B  }
0xa2: {  	_ =	swait.ge [sflag:s23], $0x1  }
0xa3: {  	[sflag:s23] =	ssyncset.done $0x0  }
0xa4: {  	s25 =	simm.s32 $0x1B8E;
	s24 =	sld [smem:$0x3FFE];
	[sflag:s23] =	ssyncadd.s32 $0xFFFFFFFF  }
0xa5: {  	s26 =	simm.s32 $execute0_lowered;
	[smem:$0x3FD2] =	sst s25  }
0xa6: {  	s4 =	sshll.u32 s26, $0x1;
	_ =	strace $0x80000052;
	[dreg:$0x1] =	wrdreg $0xFFFFFFFF  }
0xa7: {  	s28 =	simm.s32 $_size_execute0_lowered;
	s2 =	sadd.s32 s2, s4;
	[dreg:$0x0] =	wrdreg $0x0  }
0xa8: {  	s4 =	sshll.u32 s28, $0x1;
	[dreg:$0x2] =	wrdreg s2  }
0xa9: {  	[dreg:$0x3] =	wrdreg s4  }
0xaa: {  	[dreg:$0x4] =	wrdreg $0xC0  }
0xab: {  	_ =	task [dreg:s6], $0x5FFFF  }
0xac: {  	[dreg:$0x1] =	wrdreg $0xFFFFFFFF  }
0xad: {  	[dreg:$0x0] =	wrdreg $0x60  }
0xae: {  	[dreg:$0x2] =	wrdreg s24  }
0xaf: {  	[dreg:$0x3] =	wrdreg $0xA8000  }
0xb0: {  	[dreg:$0x4] =	wrdreg $0x9  }
0xb1: {  	_ =	task.clear_ibuf [dreg:s6], $0x5FFFF;
	_ =	strace $0x90000052  }
0xb2: {  	s29 =	simm.s32 $0x9;
	_ =	strace $0x80000054  }
0xb3: {  	_ =	swait.ge [sflag:s29], $0x1  }
0xb4: {  	[sflag:s29] =	ssyncadd.s32 $0xFFFFFFFF  }
0xb5: {  	_ =	strace $0x90000054  }
0xb6: {  	_ =	sfence  }
0xb7: {  	s30 =	sld [smem:$0x0];
	_ =	sdelay $0x2  }
0xb8: {  	s31 =	sshll.u32 s1, $0xD;
	s1 =	sshrl.u32 s1, $0x2  }
0xb9: {  	s3 =	sand.u32 $0x4000, s31;
	s1 =	sadd.s32 s1, s30  }
0xba: {  	s0 =	sor.u32 s3, s0;
	s1 =	sshll.u32 s1, $0x11  }
0xbb: {  	s0 =	sor.u32 s1, s0  }
0xbc: {  	s0 =	sadd.s32 $0x8F2B, s0  }
0xbd: {  	[sflag:s0] =	ssyncadd.remote.s32 $0x1  }
0xbe: {  	_ =	sfence.sel $0xFFFF  }
0xbf: {  	[dreg:$0x0] =	wrdreg $0xFFFFFFFF;
	(pc) =	sbr.abs _section_cstart, $3  }
0xc0: {  	[dreg:$0x1] =	wrdreg $0xFFFFFFFF  }
0xc1: {  	_ =	task.clear_ibuf [dreg:s6], $0x2FFFF;
	_ =	strace $0x9FFFFFFF  }
0xc2: {  	(tm) =	ssettm $0x7FFFFFFF  }
0xc3: {  	_ =	shalt  }
tec
execute0_lowered:
.L_overlay_start_1:
0x0: {  	(tag) =	ssettag $0x1  }
0x1: {  	s5 =	rddreg [dreg:$0x0]  }
0x2: {  	s2 =	rddreg [dreg:$0x1]  }
0x3: {  	s0 =	rddreg [dreg:$0x2];
	s3 =	simm.s32 $0x0;
	s4 =	srdreg.scid  }
0x4: {  	s1 =	stileid.u32;
	s16 =	simm.s32 $0x80;
	s17 =	simm.s32 $0x2800  }
0x5: {  	s18 =	simm.s32 $0x6800;
	s19 =	simm.s32 $0x1;
	s20 =	simm.s32 $0x2  }
0x6: {  	s21 =	simm.s32 $0x1380;
	s22 =	simm.s32 $0x2700;
	s23 =	simm.s32 $0x2780  }
0x7: {  	s24 =	simm.s32 $0x0;
	[smem:$0x7FF] =	sst s3;
	s6 =	sand.u32 $0x1, s4  }
0x8: {  	s7 =	smul.u32 $0x13C00, s1;
	s9 =	sadd.s32 $0xF400, s5;
	s10 =	sadd.s32 $0x5400, s5  }
0x9: {  	s4 =	sadd.s32 $0x19400, s5;
	s11 =	smul.u32 $0x4F000, s1;
	s29 =	sshll.u32 s1, $0x6  }
0xa: {  	s8 =	smul.u32 $0x13C000, s6;
	s12 =	sshll.u32 s6, $0x4;
	s6 =	ssub.s32 $0x2, s6  }
0xb: {  	_ =	strace $0x80000053;
	s12 =	sor.u32 s1, s12;
	s13 =	sshrl.u32 s6, $0x1  }
0xc: {  	s11 =	sshrl.u32 s11, $0x2;
	s28 =	sshrl.u32 s7, $0x3;
	s8 =	sadd.s32 s7, s8  }
0xd: {  	s12 =	smul.u32 $0x2800, s12;
	s13 =	ssub.s32 s6, s13;
	s8 =	sshrl.u32 s8, $0x3  }
0xe: {  	s15 =	sadd.s32 s11, s2;
	s6 =	sor.u32 $0x1C03, s29;
	s14 =	sadd.s32 s8, s5  }
0xf: {  	s30 =	sshrl.u32 s12, $0x3;
	s5 =	sadd.s32 s4, s28;
	s12 =	smax.u32 s13, $0x1  }
0x10: {  	s13 =	sshrl.u32 s15, $0x3;
	s15 =	simm.s32 $0x1400;
	s31 =	sadd.s32 $0x280, s30  }
0x11: {  	s7 =	sadd.s32 s9, s30;
	s8 =	sadd.s32 s10, s30;
	s11 =	sadd.s32 $0x40C00, s14  }
0x12: {  	s14 =	simm.s32 $0x3;
	s9 =	sadd.s32 s9, s31;
	s10 =	sadd.s32 s10, s31  }
.LBB2_1:
0x13: {  	[spmem:s13], [sflag:s6] =	dma.local [hbm:s5], $0x2780  }
0x14: {  	_ =	swait.ge [sflag:s14], $0x2780  }
0x15: {  	[sflag:s14] =	ssyncset.done $0x0  }
0x16: {  	[sflag:s14] =	ssyncadd.s32 $0xFFFFD880  }
0x17: {  	[bflag:$0x0] =	sbarrier.arrive $0xFFFF  }
0x18: {  	[tilespmem:s3], [sflag:$0x3] =	stream.linear.gather [hbm4b:s7+s3], $0x1400, $0x38;
	[tilespmem:$0x1E400] =	vst v63  }
0x19: {  	_ =	swait.ge [sflag:s14], $0x1400  }
0x1a: {  	[sflag:s14] =	ssyncset.done $0x0  }
0x1b: {  	[sflag:s14] =	ssyncadd.s32 $0xFFFFEC00  }
0x1c: {  	[tilespmem:s15], [sflag:$0x3] =	stream.linear.gather [hbm4b:s8+s3], $0x1400, $0x38;
	[tilespmem:$0x1E400] =	vst v63  }
0x1d: {  	_ =	swait.ge [sflag:s14], $0x1400  }
0x1e: {  	[sflag:s14] =	ssyncset.done $0x0  }
0x1f: {  	[sflag:s14] =	ssyncadd.s32 $0xFFFFEC00  }
0x20: {  	[tilespmem:s17], [sflag:$0x1] =	stream.indirect.gather [hbm4b:s4+s16], $0x80, s3, s16, $0xb8;
	[tilespmem:$0x1E400] =	vst v63  }
0x21: {  	s25 =	simm.s32 $0x80  }
0x22: {  	[tilespmem:s18], [sflag:$0x2] =	stream.indirect.gather [hbm4b:s4+s16], $0x80, s25, s16, $0xb8;
	[tilespmem:$0x1E400] =	vst v63  }
0x23: {  	_ =	swait.ge [sflag:s19], $0x4000  }
0x24: {  	[sflag:s19] =	ssyncset.done $0x0  }
0x25: {  	s29 =	simm.s32 $0x1400;
	[sflag:s19] =	ssyncadd.s32 $0xFFFFC000  }
0x26: {  	[spmem:s2] =	stream.indirect.scatter.add.f32 [tilespmem:s17], [sflag:$0x3], $0x80, s29, s16, $0xb8;
	[tilespmem:$0x1E400] =	vst v63  }
0x27: {  	_ =	swait.ge [sflag:s14], $0x4000  }
0x28: {  	[sflag:s14] =	ssyncset.done $0x0  }
0x29: {  	s30 =	simm.s32 $0x100;
	[sflag:s14] =	ssyncadd.s32 $0xFFFFC000  }
0x2a: {  	[tilespmem:s17], [sflag:$0x1] =	stream.indirect.gather [hbm4b:s4+s16], $0x80, s30, s16, $0xb8;
	[tilespmem:$0x1E400] =	vst v63  }
0x2b: {  	_ =	swait.ge [sflag:s20], $0x4000  }
0x2c: {  	[sflag:s20] =	ssyncset.done $0x0  }
0x2d: {  	s31 =	simm.s32 $0x1480;
	[sflag:s20] =	ssyncadd.s32 $0xFFFFC000  }
0x2e: {  	[spmem:s2] =	stream.indirect.scatter.add.f32 [tilespmem:s18], [sflag:$0x3], $0x80, s31, s16, $0xb8;
	[tilespmem:$0x1E400] =	vst v63  }
0x2f: {  	_ =	swait.ge [sflag:s14], $0x4000  }
0x30: {  	s26 =	simm.s32 $0x800;
	s25 =	simm.s32 $0x100;
	[sflag:s14] =	ssyncset.done $0x0  }
.LBB2_2:
0x31: {  	s28 =	sadd.s32 $0x80, s25  }
0x32: {  	[sflag:s14] =	ssyncadd.s32 $0xFFFFC000;
	s29 =	smov.u32 s26;
	s30 =	sadd.s32 $0x400, s26  }
0x33: {  	[tilespmem:s18], [sflag:$0x2] =	stream.indirect.gather [hbm4b:s4+s16], $0x80, s28, s16, $0xb8;
	[tilespmem:$0x1E400] =	vst v63  }
0x34: {  	p0 =	sne.s32 s26, $0x4800;
	_ =	swait.ge [sflag:s19], $0x4000  }
0x35: {  	[sflag:s19] =	ssyncset.done $0x0  }
0x36: {  	s26 =	sadd.s32 $0x1400, s25;
	[sflag:s19] =	ssyncadd.s32 $0xFFFFC000  }
0x37: {  	[spmem:s2] =	stream.indirect.scatter.add.f32 [tilespmem:s17], [sflag:$0x3], $0x80, s26, s16, $0xb8;
	[tilespmem:$0x1E400] =	vst v63  }
0x38: {  	_ =	swait.ge [sflag:s14], $0x4000  }
0x39: {  	[sflag:s14] =	ssyncset.done $0x0  }
0x3a: {  	s26 =	sadd.s32 $0x100, s25;
	[sflag:s14] =	ssyncadd.s32 $0xFFFFC000  }
0x3b: {  	[tilespmem:s17], [sflag:$0x1] =	stream.indirect.gather [hbm4b:s4+s16], $0x80, s26, s16, $0xb8;
	[tilespmem:$0x1E400] =	vst v63  }
0x3c: {  	_ =	swait.ge [sflag:s20], $0x4000  }
.Ltmp0:
0x3d: {  	[sflag:s20] =	ssyncset.done $0x0;
	(pc) =	sbr.rel @p0 .LBB2_2-.Ltmp0, $4  }
0x3e: {  	s25 =	sadd.s32 $0x1480, s25;
	[sflag:s20] =	ssyncadd.s32 $0xFFFFC000  }
0x3f: {  	[spmem:s2] =	stream.indirect.scatter.add.f32 [tilespmem:s18], [sflag:$0x3], $0x80, s25, s16, $0xb8;
	[tilespmem:$0x1E400] =	vst v63  }
0x40: {  	_ =	swait.ge [sflag:s14], $0x4000  }
0x41: {  	s26 =	smov.u32 s30;
	s25 =	sshra.s32 s29, $0x2;
	[sflag:s14] =	ssyncset.done $0x0  }
0x42: {  	s26 =	sadd.s32 $0x80, s25;
	[sflag:s14] =	ssyncadd.s32 $0xFFFFC000  }
0x43: {  	[tilespmem:s18], [sflag:$0x2] =	stream.indirect.gather [hbm4b:s4+s16], $0x80, s26, s16, $0xb8;
	[tilespmem:$0x1E400] =	vst v63  }
0x44: {  	_ =	swait.ge [sflag:s19], $0x4000  }
0x45: {  	[sflag:s19] =	ssyncset.done $0x0  }
0x46: {  	s29 =	sadd.s32 $0x1400, s25;
	[sflag:s19] =	ssyncadd.s32 $0xFFFFC000  }
0x47: {  	[spmem:s2] =	stream.indirect.scatter.add.f32 [tilespmem:s17], [sflag:$0x3], $0x80, s29, s16, $0xb8;
	[tilespmem:$0x1E400] =	vst v63  }
0x48: {  	_ =	swait.ge [sflag:s14], $0x4000  }
0x49: {  	[sflag:s14] =	ssyncset.done $0x0  }
0x4a: {  	s30 =	sadd.s32 $0x100, s25;
	[sflag:s14] =	ssyncadd.s32 $0xFFFFC000  }
0x4b: {  	[tilespmem:s17], [sflag:$0x1] =	stream.indirect.gather [hbm4b:s4+s16], $0x80, s30, s16, $0xb8;
	[tilespmem:$0x1E400] =	vst v63  }
0x4c: {  	_ =	swait.ge [sflag:s20], $0x4000  }
0x4d: {  	[sflag:s20] =	ssyncset.done $0x0  }
0x4e: {  	s31 =	sadd.s32 $0x1480, s25;
	[sflag:s20] =	ssyncadd.s32 $0xFFFFC000  }
0x4f: {  	[spmem:s2] =	stream.indirect.scatter.add.f32 [tilespmem:s18], [sflag:$0x3], $0x80, s31, s16, $0xb8;
	[tilespmem:$0x1E400] =	vst v63  }
0x50: {  	_ =	swait.ge [sflag:s14], $0x4000  }
0x51: {  	[sflag:s14] =	ssyncset.done $0x0  }
0x52: {  	[sflag:s14] =	ssyncadd.s32 $0xFFFFC000  }
0x53: {  	[tilespmem:s18], [sflag:$0x2] =	stream.indirect.gather [hbm4b:s4+s16], $0x80, s21, s16, $0xb8;
	[tilespmem:$0x1E400] =	vst v63  }
0x54: {  	_ =	swait.ge [sflag:s19], $0x4000  }
0x55: {  	[sflag:s19] =	ssyncset.done $0x0  }
0x56: {  	[sflag:s19] =	ssyncadd.s32 $0xFFFFC000  }
0x57: {  	[spmem:s2] =	stream.indirect.scatter.add.f32 [tilespmem:s17], [sflag:$0x3], $0x80, s22, s16, $0xb8;
	[tilespmem:$0x1E400] =	vst v63  }
0x58: {  	_ =	swait.ge [sflag:s14], $0x4000  }
0x59: {  	[sflag:s14] =	ssyncset.done $0x0  }
0x5a: {  	[sflag:s14] =	ssyncadd.s32 $0xFFFFC000  }
0x5b: {  	_ =	swait.ge [sflag:s20], $0x4000  }
0x5c: {  	[sflag:s20] =	ssyncset.done $0x0  }
0x5d: {  	[sflag:s20] =	ssyncadd.s32 $0xFFFFC000  }
0x5e: {  	[spmem:s2] =	stream.indirect.scatter.add.f32 [tilespmem:s18], [sflag:$0x3], $0x80, s23, s16, $0xb8;
	[tilespmem:$0x1E400] =	vst v63  }
0x5f: {  	_ =	swait.ge [sflag:s14], $0x4000  }
0x60: {  	[sflag:s14] =	ssyncset.done $0x0  }
0x61: {  	s26 =	simm.s32 $0x0;
	[sflag:s14] =	ssyncadd.s32 $0xFFFFC000  }
0x62: {  	[tilespmem:s26], [sflag:$0x3] =	stream.linear.gather [hbm4b:s9+s26], $0x1400, $0x38;
	[tilespmem:$0x1E400] =	vst v63  }
0x63: {  	_ =	swait.ge [sflag:s14], $0x1400  }
0x64: {  	[sflag:s14] =	ssyncset.done $0x0  }
0x65: {  	[sflag:s14] =	ssyncadd.s32 $0xFFFFEC00  }
0x66: {  	[tilespmem:s15], [sflag:$0x3] =	stream.linear.gather [hbm4b:s10+s26], $0x1400, $0x38;
	[tilespmem:$0x1E400] =	vst v63  }
0x67: {  	_ =	swait.ge [sflag:s14], $0x1400  }
0x68: {  	[sflag:s14] =	ssyncset.done $0x0  }
0x69: {  	[sflag:s14] =	ssyncadd.s32 $0xFFFFEC00  }
0x6a: {  	[tilespmem:s17], [sflag:$0x1] =	stream.indirect.gather [hbm4b:s4+s16], $0x80, s26, s16, $0xb8;
	[tilespmem:$0x1E400] =	vst v63  }
0x6b: {  	s28 =	simm.s32 $0x80  }
0x6c: {  	[tilespmem:s18], [sflag:$0x2] =	stream.indirect.gather [hbm4b:s4+s16], $0x80, s28, s16, $0xb8;
	[tilespmem:$0x1E400] =	vst v63  }
0x6d: {  	_ =	swait.ge [sflag:s19], $0x4000  }
0x6e: {  	[sflag:s19] =	ssyncset.done $0x0  }
0x6f: {  	s29 =	simm.s32 $0x1400;
	[sflag:s19] =	ssyncadd.s32 $0xFFFFC000  }
0x70: {  	[spmem:s2] =	stream.indirect.scatter.add.f32 [tilespmem:s17], [sflag:$0x3], $0x80, s29, s16, $0xb8;
	[tilespmem:$0x1E400] =	vst v63  }
0x71: {  	_ =	swait.ge [sflag:s14], $0x4000  }
0x72: {  	[sflag:s14] =	ssyncset.done $0x0  }
0x73: {  	s30 =	simm.s32 $0x100;
	[sflag:s14] =	ssyncadd.s32 $0xFFFFC000  }
0x74: {  	[tilespmem:s17], [sflag:$0x1] =	stream.indirect.gather [hbm4b:s4+s16], $0x80, s30, s16, $0xb8;
	[tilespmem:$0x1E400] =	vst v63  }
0x75: {  	_ =	swait.ge [sflag:s20], $0x4000  }
0x76: {  	[sflag:s20] =	ssyncset.done $0x0  }
0x77: {  	s31 =	simm.s32 $0x1480;
	[sflag:s20] =	ssyncadd.s32 $0xFFFFC000  }
0x78: {  	[spmem:s2] =	stream.indirect.scatter.add.f32 [tilespmem:s18], [sflag:$0x3], $0x80, s31, s16, $0xb8;
	[tilespmem:$0x1E400] =	vst v63  }
0x79: {  	_ =	swait.ge [sflag:s14], $0x4000  }
0x7a: {  	s25 =	simm.s32 $0x100;
	s26 =	simm.s32 $0x800;
	[sflag:s14] =	ssyncset.done $0x0  }
.LBB2_4:
0x7b: {  	s28 =	sadd.s32 $0x80, s25  }
0x7c: {  	[sflag:s14] =	ssyncadd.s32 $0xFFFFC000;
	s29 =	smov.u32 s26;
	s30 =	sadd.s32 $0x400, s26  }
0x7d: {  	[tilespmem:s18], [sflag:$0x2] =	stream.indirect.gather [hbm4b:s4+s16], $0x80, s28, s16, $0xb8;
	[tilespmem:$0x1E400] =	vst v63  }
0x7e: {  	p0 =	sne.s32 s26, $0x4800;
	_ =	swait.ge [sflag:s19], $0x4000  }
0x7f: {  	[sflag:s19] =	ssyncset.done $0x0  }
0x80: {  	s26 =	sadd.s32 $0x1400, s25;
	[sflag:s19] =	ssyncadd.s32 $0xFFFFC000  }
0x81: {  	[spmem:s2] =	stream.indirect.scatter.add.f32 [tilespmem:s17], [sflag:$0x3], $0x80, s26, s16, $0xb8;
	[tilespmem:$0x1E400] =	vst v63  }
0x82: {  	_ =	swait.ge [sflag:s14], $0x4000  }
0x83: {  	[sflag:s14] =	ssyncset.done $0x0  }
0x84: {  	s26 =	sadd.s32 $0x100, s25;
	[sflag:s14] =	ssyncadd.s32 $0xFFFFC000  }
0x85: {  	[tilespmem:s17], [sflag:$0x1] =	stream.indirect.gather [hbm4b:s4+s16], $0x80, s26, s16, $0xb8;
	[tilespmem:$0x1E400] =	vst v63  }
0x86: {  	_ =	swait.ge [sflag:s20], $0x4000  }
.Ltmp1:
0x87: {  	[sflag:s20] =	ssyncset.done $0x0;
	(pc) =	sbr.rel @p0 .LBB2_4-.Ltmp1, $4  }
0x88: {  	s25 =	sadd.s32 $0x1480, s25;
	[sflag:s20] =	ssyncadd.s32 $0xFFFFC000  }
0x89: {  	[spmem:s2] =	stream.indirect.scatter.add.f32 [tilespmem:s18], [sflag:$0x3], $0x80, s25, s16, $0xb8;
	[tilespmem:$0x1E400] =	vst v63  }
0x8a: {  	_ =	swait.ge [sflag:s14], $0x4000  }
0x8b: {  	s26 =	smov.u32 s30;
	s25 =	sshra.s32 s29, $0x2;
	[sflag:s14] =	ssyncset.done $0x0  }
0x8c: {  	s26 =	sadd.s32 $0x80, s25;
	[sflag:s14] =	ssyncadd.s32 $0xFFFFC000  }
0x8d: {  	[tilespmem:s18], [sflag:$0x2] =	stream.indirect.gather [hbm4b:s4+s16], $0x80, s26, s16, $0xb8;
	[tilespmem:$0x1E400] =	vst v63  }
0x8e: {  	_ =	swait.ge [sflag:s19], $0x4000  }
0x8f: {  	[sflag:s19] =	ssyncset.done $0x0  }
0x90: {  	s29 =	sadd.s32 $0x1400, s25;
	[sflag:s19] =	ssyncadd.s32 $0xFFFFC000  }
0x91: {  	[spmem:s2] =	stream.indirect.scatter.add.f32 [tilespmem:s17], [sflag:$0x3], $0x80, s29, s16, $0xb8;
	[tilespmem:$0x1E400] =	vst v63  }
0x92: {  	_ =	swait.ge [sflag:s14], $0x4000  }
0x93: {  	[sflag:s14] =	ssyncset.done $0x0  }
0x94: {  	s30 =	sadd.s32 $0x100, s25;
	[sflag:s14] =	ssyncadd.s32 $0xFFFFC000  }
0x95: {  	[tilespmem:s17], [sflag:$0x1] =	stream.indirect.gather [hbm4b:s4+s16], $0x80, s30, s16, $0xb8;
	[tilespmem:$0x1E400] =	vst v63  }
0x96: {  	_ =	swait.ge [sflag:s20], $0x4000  }
0x97: {  	[sflag:s20] =	ssyncset.done $0x0  }
0x98: {  	s31 =	sadd.s32 $0x1480, s25;
	[sflag:s20] =	ssyncadd.s32 $0xFFFFC000  }
0x99: {  	[spmem:s2] =	stream.indirect.scatter.add.f32 [tilespmem:s18], [sflag:$0x3], $0x80, s31, s16, $0xb8;
	[tilespmem:$0x1E400] =	vst v63  }
0x9a: {  	_ =	swait.ge [sflag:s14], $0x4000  }
0x9b: {  	[sflag:s14] =	ssyncset.done $0x0  }
0x9c: {  	[sflag:s14] =	ssyncadd.s32 $0xFFFFC000  }
0x9d: {  	[tilespmem:s18], [sflag:$0x2] =	stream.indirect.gather [hbm4b:s4+s16], $0x80, s21, s16, $0xb8;
	[tilespmem:$0x1E400] =	vst v63  }
0x9e: {  	_ =	swait.ge [sflag:s19], $0x4000  }
0x9f: {  	[sflag:s19] =	ssyncset.done $0x0  }
0xa0: {  	[sflag:s19] =	ssyncadd.s32 $0xFFFFC000  }
0xa1: {  	[spmem:s2] =	stream.indirect.scatter.add.f32 [tilespmem:s17], [sflag:$0x3], $0x80, s22, s16, $0xb8;
	[tilespmem:$0x1E400] =	vst v63  }
0xa2: {  	_ =	swait.ge [sflag:s14], $0x4000  }
0xa3: {  	[sflag:s14] =	ssyncset.done $0x0  }
0xa4: {  	[sflag:s14] =	ssyncadd.s32 $0xFFFFC000  }
0xa5: {  	_ =	swait.ge [sflag:s20], $0x4000  }
0xa6: {  	[sflag:s20] =	ssyncset.done $0x0  }
0xa7: {  	[sflag:s20] =	ssyncadd.s32 $0xFFFFC000  }
0xa8: {  	[spmem:s2] =	stream.indirect.scatter.add.f32 [tilespmem:s18], [sflag:$0x3], $0x80, s23, s16, $0xb8;
	[tilespmem:$0x1E400] =	vst v63  }
0xa9: {  	_ =	swait.ge [sflag:s14], $0x4000  }
0xaa: {  	s24 =	sadd.s32 $0x1, s24;
	[sflag:s14] =	ssyncset.done $0x0  }
0xab: {  	p0 =	sne.s32 s24, s12;
	[sflag:s14] =	ssyncadd.s32 $0xFFFFC000  }
.Ltmp2:
0xac: {  	[bflag:$0x0] =	sbarrier.arrive $0xFFFF;
	(pc) =	sbr.rel @p0 .LBB2_1-.Ltmp2, $4  }
0xad: {  	[hbm:s11], [sflag:s6] =	dma.local [spmem:s13], $0x2780  }
0xae: {  	_ =	swait.ge [sflag:s14], $0x2780  }
0xaf: {  	[sflag:s14] =	ssyncset.done $0x0  }
0xb0: {  	[sflag:s14] =	ssyncadd.s32 $0xFFFFD880  }
0xb1: {  	_ =	sfence.sel $0x180000  }
0xb2: {  	[bflag:$0x0] =	sbarrier.arrive $0xFFFF  }
0xb3: {  	p0 =	sne.s32 s1, $0x0;
	_ =	strace $0x90000053  }
0xb4: {  	s0 =	sadd.s32 @!p0 $0x100000, s0;
	[bflag:$0x2] =	sbarrier.arrive $0xFFFF  }
0xb5: {  	[sflag:s0] =	ssyncadd.tile.s32 @!p0 $0x1;
	_ =	shalt  }
.Lfunc_end2:
_tile_overlayer_lowered:
.L_overlay_start_2:
0xb6: {  	(tag) =	ssettag $0x2  }
0xb7: {  	s0 =	rddreg [dreg:$0x0];
	s2 =	stileid.u32  }
0xb8: {  	s1 =	rddreg [dreg:$0x1];
	p0 =	sne.s32 s2, $0x0  }
0xb9: {  	s3 =	rddreg [dreg:$0x2];
	[bflag:$0x3] =	sbarrier.arrive $0xFFFF;
	s2 =	simm.s32 @!p0 $0x1C03  }
0xba: {  	[timem:s3], [sflag:s2] =	dma.local @!p0 [hbm:s0], s1  }
0xbb: {  	s0 =	simm.s32 @!p0 $0x3  }
0xbc: {  	_ =	swait.ge @!p0 [sflag:s0], s1  }
0xbd: {  	s1 =	ssub.s32 @!p0 $0x0, s1;
	[sflag:s0] =	ssyncset.done @!p0 $0x0  }
0xbe: {  	[sflag:s0] =	ssyncadd.s32 @!p0 s1  }
0xbf: {  	[bflag:$0x3] =	sbarrier.arrive $0xFFFF  }
0xc0: {  	_ =	shalt  }

</sc_bundles>
